<compile_context>
chip_gen: v7x
topology: tpu7x:2x2x1
jax: 0.10.2.dev20260603
libtpu: 0.0.44.dev20260713+nightly
codegen_flags: <defaults>
</compile_context>

<pallas_src>
import functools

import jax
import jax.numpy as jnp
from jax import lax
from jax.experimental import pallas as pl
from jax.experimental.pallas import tpu as pltpu
from jax.experimental.pallas import tpu_sc as plsc

N = 10000
NPAD = 10240
E = 320000
NW = 32
CH = 80
NCHUNK = E // CH // NW
STRIPE = NPAD // 16
D1 = 128
D2 = 80
BLK = 2560


@functools.lru_cache(maxsize=None)
def _gs_kernel(D, tc_tiling=True):
    mesh = plsc.VectorSubcoreMesh(core_axis_name="c", subcore_axis_name="s")

    nbuf = 4
    ring = 2 * nbuf

    @functools.partial(
        pl.kernel,
        out_type=jax.ShapeDtypeStruct((2, NPAD, D), jnp.float32),
        mesh=mesh,
        compiler_params=pltpu.CompilerParams(use_tc_tiling_on_sc=tc_tiling),
        scratch_types=(
            [pltpu.VMEM((ring, CH), jnp.int32),
             pltpu.VMEM((ring, CH), jnp.int32)] +
            [pltpu.VMEM((CH, D), jnp.float32) for _ in range(nbuf)] +
            [pltpu.VMEM_SHARED((NPAD, D), jnp.float32)] +
            [pltpu.SemaphoreType.DMA for _ in range(2 * nbuf + 2)]
        ),
    )
    def gs(g_hbm, srce_hbm, dste_hbm, out_hbm, src_v, dst_v, *bufs_and_sems):
        rows = bufs_and_sems[:nbuf]
        acc = bufs_and_sems[nbuf]
        gsem = bufs_and_sems[nbuf + 1:2 * nbuf + 1]
        ssem = bufs_and_sems[2 * nbuf + 1:3 * nbuf + 1]
        isem = bufs_and_sems[3 * nbuf + 1:3 * nbuf + 3]
        c = lax.axis_index("c")
        s = lax.axis_index("s")
        wid = s * 2 + c

        def zrow(i, _):
            for k in range(D // 16):
                rows[0][i, pl.ds(k * 16, 16)] = jnp.zeros((16,), jnp.float32)
            return _
        lax.fori_loop(0, CH, zrow, 0)
        for t in range(STRIPE // CH):
            pltpu.sync_copy(rows[0], acc.at[pl.ds(s * STRIPE + t * CH, CH)])
        plsc.subcore_barrier()

        cbase = wid * NCHUNK

        def _load_idx(j, slot, sem):
            off = (cbase + j) * CH
            pltpu.async_copy(srce_hbm.at[pl.ds(off, CH)], src_v.at[slot], sem)
            pltpu.async_copy(dste_hbm.at[pl.ds(off, CH)], dst_v.at[slot], sem)

        def _wait_idx(slot, sem):
            pltpu.make_async_copy(srce_hbm.at[pl.ds(0, CH)], src_v.at[slot], sem).wait()
            pltpu.make_async_copy(dste_hbm.at[pl.ds(0, CH)], dst_v.at[slot], sem).wait()

        for b in range(nbuf):
            _load_idx(b, b, isem[b % 2])
        for b in range(nbuf):
            _wait_idx(b, isem[b % 2])
        for b in range(nbuf):
            _load_idx(nbuf + b, nbuf + b, isem[b % 2])
        for b in range(nbuf):
            pltpu.async_copy(g_hbm.at[src_v.at[b]], rows[b], gsem[b])

        def body(jj, _):
            j0 = nbuf * jj
            for b in range(nbuf):
                j = j0 + b
                slot = lax.rem(j, ring)
                slot_n = lax.rem(j + nbuf, ring)
                pltpu.make_async_copy(g_hbm.at[src_v.at[slot]], rows[b], gsem[b]).wait()
                pltpu.async_copy(rows[b], acc.at[dst_v.at[slot]], ssem[b], add=True)
                pltpu.make_async_copy(rows[b], acc.at[dst_v.at[slot]], ssem[b]).wait()

                @pl.when(j + nbuf < NCHUNK)
                def _issue():
                    _wait_idx(slot_n, isem[b % 2])
                    pltpu.async_copy(g_hbm.at[src_v.at[slot_n]], rows[b], gsem[b])

                @pl.when(j + 2 * nbuf < NCHUNK)
                def _pre():
                    _load_idx(j + 2 * nbuf, slot, isem[b % 2])
            return _
        lax.fori_loop(0, NCHUNK // nbuf, body, 0)

        for j in range(NCHUNK - NCHUNK % nbuf, NCHUNK):
            b = j % nbuf
            slot = lax.rem(jnp.int32(j), ring)
            pltpu.make_async_copy(g_hbm.at[src_v.at[slot]], rows[b], gsem[b]).wait()
            pltpu.async_copy(rows[b], acc.at[dst_v.at[slot]], ssem[b], add=True)
            pltpu.make_async_copy(rows[b], acc.at[dst_v.at[slot]], ssem[b]).wait()

        plsc.subcore_barrier()
        for t in range(STRIPE // CH):
            r0 = s * STRIPE + t * CH
            pltpu.sync_copy(acc.at[pl.ds(r0, CH)], out_hbm.at[c, pl.ds(r0, CH)])

    return gs


def _deg_call(dst_e):
    mesh = plsc.VectorSubcoreMesh(core_axis_name="c", subcore_axis_name="s")

    @functools.partial(
        pl.kernel,
        out_type=jax.ShapeDtypeStruct((2, NPAD), jnp.float32),
        mesh=mesh,
        scratch_types=[
            pltpu.VMEM((8, CH), jnp.int32),
            pltpu.VMEM((CH,), jnp.float32),
            pltpu.VMEM((STRIPE,), jnp.float32),
            pltpu.VMEM_SHARED((NPAD,), jnp.float32),
            pltpu.SemaphoreType.DMA,
        ],
    )
    def deg(dste_hbm, out_hbm, idx_v, ones_v, zb_v, acc, isem):
        c = lax.axis_index("c")
        s = lax.axis_index("s")
        wid = s * 2 + c
        for k in range(CH // 16):
            ones_v[pl.ds(k * 16, 16)] = jnp.ones((16,), jnp.float32)
        for k in range(STRIPE // 16):
            zb_v[pl.ds(k * 16, 16)] = jnp.zeros((16,), jnp.float32)
        pltpu.sync_copy(zb_v, acc.at[pl.ds(s * STRIPE, STRIPE)])
        cbase = wid * NCHUNK
        for t in range(8):
            pltpu.async_copy(dste_hbm.at[pl.ds((cbase + t) * CH, CH)],
                             idx_v.at[t], isem)
        plsc.subcore_barrier()

        def body(j, _):
            slot = lax.rem(j, 8)
            pltpu.make_async_copy(dste_hbm.at[pl.ds(0, CH)],
                                  idx_v.at[slot], isem).wait()
            pltpu.sync_copy(ones_v, acc.at[idx_v.at[slot]], add=True)

            @pl.when(j + 8 < NCHUNK)
            def _pre():
                pltpu.async_copy(dste_hbm.at[pl.ds((cbase + j + 8) * CH, CH)],
                                 idx_v.at[slot], isem)
            return _
        lax.fori_loop(0, NCHUNK, body, 0)

        plsc.subcore_barrier()
        pltpu.sync_copy(acc.at[pl.ds(s * STRIPE, STRIPE)],
                        out_hbm.at[c, pl.ds(s * STRIPE, STRIPE)])

    return deg(dst_e)


def _softplus(x):
    return jnp.maximum(x, 0.0) + jnp.log1p(jnp.exp(-jnp.abs(x)))


def _eye128():
    return (lax.broadcasted_iota(jnp.int32, (128, 128), 0) ==
            lax.broadcasted_iota(jnp.int32, (128, 128), 1)).astype(jnp.float32)


def _to_col(mat):
    r = mat.shape[0]
    dt = lax.dot_general(_eye128(), mat, (((1,), (1,)), ((), ())),
                         preferred_element_type=jnp.float32,
                         precision=lax.Precision.HIGHEST)
    return jnp.concatenate([dt[:, k:k + 1] for k in range(r)], axis=0)


def _dinv_col(degp):
    degp = degp[:, 0]
    d = lax.rsqrt(degp[0] + degp[1] + 1.0)
    return _to_col(d)


def _s1_body(x_ref, w_ref, degp_ref, g_ref):
    dinv = _dinv_col(degp_ref[...])
    g_ref[...] = jnp.dot(x_ref[...], w_ref[...],
                         preferred_element_type=jnp.float32) * dinv


def _l2_body(acc_ref, g1_ref, degp_ref, w_ref, g2_ref):
    dinv = _dinv_col(degp_ref[...])
    a = acc_ref[...]
    out1 = _softplus((a[0] + a[1] + g1_ref[...]) * dinv)
    g2_ref[...] = jnp.dot(out1, w_ref[...],
                          preferred_element_type=jnp.float32) * dinv


def _gamma(z):
    a = jnp.float32(0.99999999999980993)
    for i, ci in enumerate([
            676.5203681218851, -1259.1392167224028, 771.32342877765313,
            -176.61502916214059, 12.507343278686905, -0.13857109526572012,
            9.9843695780195716e-6, 1.5056327351493116e-7]):
        a = a + jnp.float32(ci) / (z + jnp.float32(i))
    t = z + 6.5
    return jnp.float32(2.5066282746310002) * jnp.exp(
        (z - 0.5) * jnp.log(t) - t) * a


def _fin_body(acc_ref, g2_ref, degp_ref, z_ref, lbd_ref, kap_ref):
    dinv = _dinv_col(degp_ref[...])
    a = acc_ref[...]
    h = _softplus((a[0] + a[1] + g2_ref[...]) * dinv)
    lbd = h[:, :64]
    kap = h[:, 64:65] + 0.1
    lbd_ref[...] = lbd
    kap_ref[...] = kap
    z_ref[...] = lbd * _gamma(1.0 + 1.0 / kap)


def kernel(x, edge_index, W1, W2, mask_rate):
    del mask_rate
    f32 = jnp.float32
    src_e = edge_index[0]
    dst_e = edge_index[1]
    w2_p = jnp.pad(W2, ((0, 0), (0, D2 - W2.shape[1])))

    nblk = NPAD // BLK
    r = BLK // 128
    degp = _deg_call(dst_e).reshape(2, nblk, r, 128)

    g1 = pl.pallas_call(
        _s1_body,
        grid=(nblk,),
        in_specs=[
            pl.BlockSpec((BLK, D1), lambda i: (i, 0)),
            pl.BlockSpec((D1, D1), lambda i: (0, 0)),
            pl.BlockSpec((2, 1, r, 128), lambda i: (0, i, 0, 0)),
        ],
        out_specs=pl.BlockSpec((BLK, D1), lambda i: (i, 0)),
        out_shape=jax.ShapeDtypeStruct((N, D1), f32),
    )(x, W1, degp)

    acc1 = _gs_kernel(D1)(g1, src_e, dst_e)

    g2 = pl.pallas_call(
        _l2_body,
        grid=(nblk,),
        in_specs=[
            pl.BlockSpec((2, BLK, D1), lambda i: (0, i, 0)),
            pl.BlockSpec((BLK, D1), lambda i: (i, 0)),
            pl.BlockSpec((2, 1, r, 128), lambda i: (0, i, 0, 0)),
            pl.BlockSpec((D1, D2), lambda i: (0, 0)),
        ],
        out_specs=pl.BlockSpec((BLK, D2), lambda i: (i, 0)),
        out_shape=jax.ShapeDtypeStruct((N, D2), f32),
    )(acc1, g1, degp, w2_p)

    acc2 = _gs_kernel(D2, tc_tiling=False)(g2, src_e, dst_e)

    z, lbd, kap = pl.pallas_call(
        _fin_body,
        grid=(nblk,),
        in_specs=[
            pl.BlockSpec((2, BLK, D2), lambda i: (0, i, 0)),
            pl.BlockSpec((BLK, D2), lambda i: (i, 0)),
            pl.BlockSpec((2, 1, r, 128), lambda i: (0, i, 0, 0)),
        ],
        out_specs=[
            pl.BlockSpec((BLK, 64), lambda i: (i, 0)),
            pl.BlockSpec((BLK, 64), lambda i: (i, 0)),
            pl.BlockSpec((BLK, 1), lambda i: (i, 0)),
        ],
        out_shape=[
            jax.ShapeDtypeStruct((N, 64), f32),
            jax.ShapeDtypeStruct((N, 64), f32),
            jax.ShapeDtypeStruct((N, 1), f32),
        ],
    )(acc2, g2, degp)

    return (z, lbd, kap)

# --- scband reference (transcript-rebuilt; emitter-appended) ---
"""Pipeline reference for scband-inf-net-13365938225801 (READ-ONLY COPY).

The authoritative reference and input builder live on the scoring server;
editing this copy changes nothing except your own understanding.
"""

import jax, jax.numpy as jnp
import numpy as np
from jax.scipy.special import gammaln

N_NODES = 10000
N_EDGES = 320000
IN_DIM = 128
HID1 = 128
HID2 = 65  # hid_dims[-1] + 1 = 64 + 1


def setup_inputs(seed: int = 0) -> dict:
    key = jax.random.key(seed)
    k1, k2, k3, k4 = jax.random.split(key, 4)
    x = jax.random.normal(k1, (N_NODES, IN_DIM), dtype=jnp.float32)
    edge_index = jax.random.randint(k2, (2, N_EDGES), 0, N_NODES, dtype=jnp.int32)
    # GCNConv weights (lin: F_in -> F_out, bias=False per gconv_bias=False)
    W1 = jax.random.normal(k3, (IN_DIM, HID1), dtype=jnp.float32) * 0.05
    W2 = jax.random.normal(k4, (HID1, HID2), dtype=jnp.float32) * 0.05
    return {"x": x, "edge_index": edge_index, "W1": W1, "W2": W2, "mask_rate": 0}


def _gcn_norm(edge_index, num_nodes, dtype):
    src = edge_index[0]
    dst = edge_index[1]
    loop = jnp.arange(num_nodes, dtype=src.dtype)
    src = jnp.concatenate([src, loop])
    dst = jnp.concatenate([dst, loop])
    deg = jnp.zeros((num_nodes,), dtype=dtype).at[dst].add(1.0)
    dinv = jnp.where(deg > 0, jax.lax.rsqrt(deg), 0.0)
    norm = (dinv[src] * dinv[dst])[:, None]
    return src, dst, norm


def _gcn_conv(x, src, dst, norm, W):
    h = x @ W
    msg = h[src] * norm
    out = jnp.zeros((x.shape[0], h.shape[1]), dtype=h.dtype).at[dst].add(msg)
    return out


def reference(x, edge_index, W1, W2, mask_rate=0):
    # eval mode: mask_rate=0 -> encoding_mask_node is an identity on x
    # (mask_nodes is None, dropout inactive, deterministic reparameterize)
    N = x.shape[0]
    src, dst, norm = _gcn_norm(edge_index, N, x.dtype)
    h = jax.nn.softplus(_gcn_conv(x, src, dst, norm, W1))
    h = jax.nn.softplus(_gcn_conv(h, src, dst, norm, W2))
    lbd = h[:, :-1]
    kappa = h[:, -1:] + 0.1
    # z = lbd * exp(lgamma(1 + kappa^{-1}))  (deterministic branch)
    z = lbd * jnp.exp(gammaln(1.0 + 1.0 / kappa))
    return (z, lbd, kappa)

if __name__ == "__main__":
    import jax
    _d = setup_inputs()
    print(jax.jit(kernel)(*tuple(_d.values())))

</pallas_src>

<mosaic_0001>
#map = affine_map<(d0, d1) -> (0, 0)>
#map1 = affine_map<(d0, d1) -> (0)>
#map2 = affine_map<(d0, d1) -> (0, 0, 0)>
module attributes {stable_mosaic.version = 14 : i64} {
  func.func @gs(%arg0: i32, %arg1: i32, %arg2: memref<10000x80xf32, #tpu.memory_space<hbm>>, %arg3: memref<320000xi32, #tpu.memory_space<hbm>>, %arg4: memref<320000xi32, #tpu.memory_space<hbm>>, %arg5: memref<2x10240x80xf32, #tpu.memory_space<hbm>>, %arg6: memref<8x80xi32, #tpu.memory_space<vmem>>, %arg7: memref<8x80xi32, #tpu.memory_space<vmem>>, %arg8: memref<80x80xf32, #tpu.memory_space<vmem>>, %arg9: memref<80x80xf32, #tpu.memory_space<vmem>>, %arg10: memref<80x80xf32, #tpu.memory_space<vmem>>, %arg11: memref<80x80xf32, #tpu.memory_space<vmem>>, %arg12: memref<10240x80xf32, #tpu.memory_space<vmem_shared>>, %arg13: memref<!tpu.dma_semaphore, #tpu.memory_space<semaphore_mem>>, %arg14: memref<!tpu.dma_semaphore, #tpu.memory_space<semaphore_mem>>, %arg15: memref<!tpu.dma_semaphore, #tpu.memory_space<semaphore_mem>>, %arg16: memref<!tpu.dma_semaphore, #tpu.memory_space<semaphore_mem>>, %arg17: memref<!tpu.dma_semaphore, #tpu.memory_space<semaphore_mem>>, %arg18: memref<!tpu.dma_semaphore, #tpu.memory_space<semaphore_mem>>, %arg19: memref<!tpu.dma_semaphore, #tpu.memory_space<semaphore_mem>>, %arg20: memref<!tpu.dma_semaphore, #tpu.memory_space<semaphore_mem>>, %arg21: memref<!tpu.dma_semaphore, #tpu.memory_space<semaphore_mem>>, %arg22: memref<!tpu.dma_semaphore, #tpu.memory_space<semaphore_mem>>) attributes {dimension_semantics = [#tpu.dimension_semantics<core_parallel>, #tpu.dimension_semantics<subcore_parallel>], iteration_bounds = array<i64: 2, 16>, scalar_prefetch = 0 : i64, scratch_operands = 17 : i64, tpu.core_type = #tpu.core_type<sc_vector_subcore>, window_params = [{transform_indices = #map}, {transform_indices = #map1}, {transform_indices = #map1}, {transform_indices = #map2}]} {
    %mul3A = arith.constant 2 : i32
    %mul3A_0 = arith.muli %arg1, %mul3A : i32
    %add3A = arith.addi %mul3A_0, %arg0 : i32
    %scan3A = arith.constant 0 : i32
    %scan3A_1 = arith.constant 0 : i32
    %scan3A_2 = arith.constant 80 : i32
    %scan3A_3 = arith.addi %scan3A_1, %scan3A_2 : i32
    %scan3A_4 = arith.constant 1 : i32
    scf.for %scan3A_389 = %scan3A_1 to %scan3A_3 step %scan3A_4  : i32 {
      %broadcast_in_dim3A = arith.constant 0.000000e+00 : f32
      %broadcast_in_dim3A_390 = vector.broadcast %broadcast_in_dim3A : f32 to vector<16xf32>
      %swap3A = arith.index_cast %scan3A_389 : i32 to index
      %swap3A_391 = arith.constant 0 : index
      %swap3A_392 = tpu.vector_load %arg8[%swap3A, %swap3A_391] {strides = array<i32>} : memref<80x80xf32, #tpu.memory_space<vmem>>, vector<1x16xf32>,
      %swap3A_393 = vector.shape_cast %swap3A_392 : vector<1x16xf32> to vector<16xf32>
      %swap3A_394 = vector.shape_cast %broadcast_in_dim3A_390 : vector<16xf32> to vector<1x16xf32>
      tpu.vector_store %arg8[%swap3A, %swap3A_391], %swap3A_394 {strides = array<i32>} : memref<80x80xf32, #tpu.memory_space<vmem>>, vector<1x16xf32>,
      %broadcast_in_dim3A_395 = arith.constant 0.000000e+00 : f32
      %broadcast_in_dim3A_396 = vector.broadcast %broadcast_in_dim3A_395 : f32 to vector<16xf32>
      %swap3A_397 = arith.index_cast %scan3A_389 : i32 to index
      %swap3A_398 = arith.constant 16 : index
      %swap3A_399 = tpu.vector_load %arg8[%swap3A_397, %swap3A_398] {strides = array<i32>} : memref<80x80xf32, #tpu.memory_space<vmem>>, vector<1x16xf32>,
      %swap3A_400 = vector.shape_cast %swap3A_399 : vector<1x16xf32> to vector<16xf32>
      %swap3A_401 = vector.shape_cast %broadcast_in_dim3A_396 : vector<16xf32> to vector<1x16xf32>
      tpu.vector_store %arg8[%swap3A_397, %swap3A_398], %swap3A_401 {strides = array<i32>} : memref<80x80xf32, #tpu.memory_space<vmem>>, vector<1x16xf32>,
      %broadcast_in_dim3A_402 = arith.constant 0.000000e+00 : f32
      %broadcast_in_dim3A_403 = vector.broadcast %broadcast_in_dim3A_402 : f32 to vector<16xf32>
      %swap3A_404 = arith.index_cast %scan3A_389 : i32 to index
      %swap3A_405 = arith.constant 32 : index
      %swap3A_406 = tpu.vector_load %arg8[%swap3A_404, %swap3A_405] {strides = array<i32>} : memref<80x80xf32, #tpu.memory_space<vmem>>, vector<1x16xf32>,
      %swap3A_407 = vector.shape_cast %swap3A_406 : vector<1x16xf32> to vector<16xf32>
      %swap3A_408 = vector.shape_cast %broadcast_in_dim3A_403 : vector<16xf32> to vector<1x16xf32>
      tpu.vector_store %arg8[%swap3A_404, %swap3A_405], %swap3A_408 {strides = array<i32>} : memref<80x80xf32, #tpu.memory_space<vmem>>, vector<1x16xf32>,
      %broadcast_in_dim3A_409 = arith.constant 0.000000e+00 : f32
      %broadcast_in_dim3A_410 = vector.broadcast %broadcast_in_dim3A_409 : f32 to vector<16xf32>
      %swap3A_411 = arith.index_cast %scan3A_389 : i32 to index
      %swap3A_412 = arith.constant 48 : index
      %swap3A_413 = tpu.vector_load %arg8[%swap3A_411, %swap3A_412] {strides = array<i32>} : memref<80x80xf32, #tpu.memory_space<vmem>>, vector<1x16xf32>,
      %swap3A_414 = vector.shape_cast %swap3A_413 : vector<1x16xf32> to vector<16xf32>
      %swap3A_415 = vector.shape_cast %broadcast_in_dim3A_410 : vector<16xf32> to vector<1x16xf32>
      tpu.vector_store %arg8[%swap3A_411, %swap3A_412], %swap3A_415 {strides = array<i32>} : memref<80x80xf32, #tpu.memory_space<vmem>>, vector<1x16xf32>,
      %broadcast_in_dim3A_416 = arith.constant 0.000000e+00 : f32
      %broadcast_in_dim3A_417 = vector.broadcast %broadcast_in_dim3A_416 : f32 to vector<16xf32>
      %swap3A_418 = arith.index_cast %scan3A_389 : i32 to index
      %swap3A_419 = arith.constant 64 : index
      %swap3A_420 = tpu.vector_load %arg8[%swap3A_418, %swap3A_419] {strides = array<i32>} : memref<80x80xf32, #tpu.memory_space<vmem>>, vector<1x16xf32>,
      %swap3A_421 = vector.shape_cast %swap3A_420 : vector<1x16xf32> to vector<16xf32>
      %swap3A_422 = vector.shape_cast %broadcast_in_dim3A_417 : vector<16xf32> to vector<1x16xf32>
      tpu.vector_store %arg8[%swap3A_418, %swap3A_419], %swap3A_422 {strides = array<i32>} : memref<80x80xf32, #tpu.memory_space<vmem>>, vector<1x16xf32>,
    }
    %scan3A_5 = arith.constant 80 : i32
    %mul3A_6 = arith.constant 640 : i32
    %mul3A_7 = arith.muli %arg1, %mul3A_6 : i32
    %add3A_8 = arith.constant 0 : i32
    %add3A_9 = arith.addi %mul3A_7, %add3A_8 : i32
    "tpu.region"() ({
      %run_scoped3A = tpu.sem_alloc : memref<!tpu.dma_semaphore, #tpu.memory_space<semaphore_mem>>
      %dma_start3A_389 = arith.constant 0 : i32
      %dma_start3A_390 = tpu.memref_slice %arg12[%add3A_9, %dma_start3A_389] : memref<10240x80xf32, #tpu.memory_space<vmem_shared>> -> memref<80x80xf32, #tpu.memory_space<vmem_shared>>
      %dma_start3A_391 = arith.constant 0 : i32
      %dma_start3A_392 = tpu.memref_slice %arg12[%add3A_9, %dma_start3A_391] : memref<10240x80xf32, #tpu.memory_space<vmem_shared>> -> memref<80x80xf32, #tpu.memory_space<vmem_shared>>
      tpu.enqueue_dma source(%arg8 : memref<80x80xf32, #tpu.memory_space<vmem>>) target(%dma_start3A_392 : memref<80x80xf32, #tpu.memory_space<vmem_shared>>) target_semaphore(%run_scoped3A : memref<!tpu.dma_semaphore, #tpu.memory_space<semaphore_mem>>)
      %dma_wait3A_393 = arith.constant 0 : i32
      %dma_wait3A_394 = tpu.memref_slice %arg12[%add3A_9, %dma_wait3A_393] : memref<10240x80xf32, #tpu.memory_space<vmem_shared>> -> memref<80x80xf32, #tpu.memory_space<vmem_shared>>
      %dma_wait3A_395 = arith.constant 0 : i32
      %dma_wait3A_396 = tpu.memref_slice %arg12[%add3A_9, %dma_wait3A_395] : memref<10240x80xf32, #tpu.memory_space<vmem_shared>> -> memref<80x80xf32, #tpu.memory_space<vmem_shared>>
      tpu.wait_dma2 semaphore(%run_scoped3A : memref<!tpu.dma_semaphore, #tpu.memory_space<semaphore_mem>>) src(%arg8 : memref<80x80xf32, #tpu.memory_space<vmem>>) dst(%dma_wait3A_396 : memref<80x80xf32, #tpu.memory_space<vmem_shared>>)
      tpu.yield
    }) : () -> ()
    %mul3A_10 = arith.constant 640 : i32
    %mul3A_11 = arith.muli %arg1, %mul3A_10 : i32
    %add3A_12 = arith.constant 80 : i32
    %add3A_13 = arith.addi %mul3A_11, %add3A_12 : i32
    "tpu.region"() ({
      %run_scoped3A = tpu.sem_alloc : memref<!tpu.dma_semaphore, #tpu.memory_space<semaphore_mem>>
      %dma_start3A_389 = arith.constant 0 : i32
      %dma_start3A_390 = tpu.memref_slice %arg12[%add3A_13, %dma_start3A_389] : memref<10240x80xf32, #tpu.memory_space<vmem_shared>> -> memref<80x80xf32, #tpu.memory_space<vmem_shared>>
      %dma_start3A_391 = arith.constant 0 : i32
      %dma_start3A_392 = tpu.memref_slice %arg12[%add3A_13, %dma_start3A_391] : memref<10240x80xf32, #tpu.memory_space<vmem_shared>> -> memref<80x80xf32, #tpu.memory_space<vmem_shared>>
      tpu.enqueue_dma source(%arg8 : memref<80x80xf32, #tpu.memory_space<vmem>>) target(%dma_start3A_392 : memref<80x80xf32, #tpu.memory_space<vmem_shared>>) target_semaphore(%run_scoped3A : memref<!tpu.dma_semaphore, #tpu.memory_space<semaphore_mem>>)
      %dma_wait3A_393 = arith.constant 0 : i32
      %dma_wait3A_394 = tpu.memref_slice %arg12[%add3A_13, %dma_wait3A_393] : memref<10240x80xf32, #tpu.memory_space<vmem_shared>> -> memref<80x80xf32, #tpu.memory_space<vmem_shared>>
      %dma_wait3A_395 = arith.constant 0 : i32
      %dma_wait3A_396 = tpu.memref_slice %arg12[%add3A_13, %dma_wait3A_395] : memref<10240x80xf32, #tpu.memory_space<vmem_shared>> -> memref<80x80xf32, #tpu.memory_space<vmem_shared>>
      tpu.wait_dma2 semaphore(%run_scoped3A : memref<!tpu.dma_semaphore, #tpu.memory_space<semaphore_mem>>) src(%arg8 : memref<80x80xf32, #tpu.memory_space<vmem>>) dst(%dma_wait3A_396 : memref<80x80xf32, #tpu.memory_space<vmem_shared>>)
      tpu.yield
    }) : () -> ()
    %mul3A_14 = arith.constant 640 : i32
    %mul3A_15 = arith.muli %arg1, %mul3A_14 : i32
    %add3A_16 = arith.constant 160 : i32
    %add3A_17 = arith.addi %mul3A_15, %add3A_16 : i32
    "tpu.region"() ({
      %run_scoped3A = tpu.sem_alloc : memref<!tpu.dma_semaphore, #tpu.memory_space<semaphore_mem>>
      %dma_start3A_389 = arith.constant 0 : i32
      %dma_start3A_390 = tpu.memref_slice %arg12[%add3A_17, %dma_start3A_389] : memref<10240x80xf32, #tpu.memory_space<vmem_shared>> -> memref<80x80xf32, #tpu.memory_space<vmem_shared>>
      %dma_start3A_391 = arith.constant 0 : i32
      %dma_start3A_392 = tpu.memref_slice %arg12[%add3A_17, %dma_start3A_391] : memref<10240x80xf32, #tpu.memory_space<vmem_shared>> -> memref<80x80xf32, #tpu.memory_space<vmem_shared>>
      tpu.enqueue_dma source(%arg8 : memref<80x80xf32, #tpu.memory_space<vmem>>) target(%dma_start3A_392 : memref<80x80xf32, #tpu.memory_space<vmem_shared>>) target_semaphore(%run_scoped3A : memref<!tpu.dma_semaphore, #tpu.memory_space<semaphore_mem>>)
      %dma_wait3A_393 = arith.constant 0 : i32
      %dma_wait3A_394 = tpu.memref_slice %arg12[%add3A_17, %dma_wait3A_393] : memref<10240x80xf32, #tpu.memory_space<vmem_shared>> -> memref<80x80xf32, #tpu.memory_space<vmem_shared>>
      %dma_wait3A_395 = arith.constant 0 : i32
      %dma_wait3A_396 = tpu.memref_slice %arg12[%add3A_17, %dma_wait3A_395] : memref<10240x80xf32, #tpu.memory_space<vmem_shared>> -> memref<80x80xf32, #tpu.memory_space<vmem_shared>>
      tpu.wait_dma2 semaphore(%run_scoped3A : memref<!tpu.dma_semaphore, #tpu.memory_space<semaphore_mem>>) src(%arg8 : memref<80x80xf32, #tpu.memory_space<vmem>>) dst(%dma_wait3A_396 : memref<80x80xf32, #tpu.memory_space<vmem_shared>>)
      tpu.yield
    }) : () -> ()
    %mul3A_18 = arith.constant 640 : i32
    %mul3A_19 = arith.muli %arg1, %mul3A_18 : i32
    %add3A_20 = arith.constant 240 : i32
    %add3A_21 = arith.addi %mul3A_19, %add3A_20 : i32
    "tpu.region"() ({
      %run_scoped3A = tpu.sem_alloc : memref<!tpu.dma_semaphore, #tpu.memory_space<semaphore_mem>>
      %dma_start3A_389 = arith.constant 0 : i32
      %dma_start3A_390 = tpu.memref_slice %arg12[%add3A_21, %dma_start3A_389] : memref<10240x80xf32, #tpu.memory_space<vmem_shared>> -> memref<80x80xf32, #tpu.memory_space<vmem_shared>>
      %dma_start3A_391 = arith.constant 0 : i32
      %dma_start3A_392 = tpu.memref_slice %arg12[%add3A_21, %dma_start3A_391] : memref<10240x80xf32, #tpu.memory_space<vmem_shared>> -> memref<80x80xf32, #tpu.memory_space<vmem_shared>>
      tpu.enqueue_dma source(%arg8 : memref<80x80xf32, #tpu.memory_space<vmem>>) target(%dma_start3A_392 : memref<80x80xf32, #tpu.memory_space<vmem_shared>>) target_semaphore(%run_scoped3A : memref<!tpu.dma_semaphore, #tpu.memory_space<semaphore_mem>>)
      %dma_wait3A_393 = arith.constant 0 : i32
      %dma_wait3A_394 = tpu.memref_slice %arg12[%add3A_21, %dma_wait3A_393] : memref<10240x80xf32, #tpu.memory_space<vmem_shared>> -> memref<80x80xf32, #tpu.memory_space<vmem_shared>>
      %dma_wait3A_395 = arith.constant 0 : i32
      %dma_wait3A_396 = tpu.memref_slice %arg12[%add3A_21, %dma_wait3A_395] : memref<10240x80xf32, #tpu.memory_space<vmem_shared>> -> memref<80x80xf32, #tpu.memory_space<vmem_shared>>
      tpu.wait_dma2 semaphore(%run_scoped3A : memref<!tpu.dma_semaphore, #tpu.memory_space<semaphore_mem>>) src(%arg8 : memref<80x80xf32, #tpu.memory_space<vmem>>) dst(%dma_wait3A_396 : memref<80x80xf32, #tpu.memory_space<vmem_shared>>)
      tpu.yield
    }) : () -> ()
    %mul3A_22 = arith.constant 640 : i32
    %mul3A_23 = arith.muli %arg1, %mul3A_22 : i32
    %add3A_24 = arith.constant 320 : i32
    %add3A_25 = arith.addi %mul3A_23, %add3A_24 : i32
    "tpu.region"() ({
      %run_scoped3A = tpu.sem_alloc : memref<!tpu.dma_semaphore, #tpu.memory_space<semaphore_mem>>
      %dma_start3A_389 = arith.constant 0 : i32
      %dma_start3A_390 = tpu.memref_slice %arg12[%add3A_25, %dma_start3A_389] : memref<10240x80xf32, #tpu.memory_space<vmem_shared>> -> memref<80x80xf32, #tpu.memory_space<vmem_shared>>
      %dma_start3A_391 = arith.constant 0 : i32
      %dma_start3A_392 = tpu.memref_slice %arg12[%add3A_25, %dma_start3A_391] : memref<10240x80xf32, #tpu.memory_space<vmem_shared>> -> memref<80x80xf32, #tpu.memory_space<vmem_shared>>
      tpu.enqueue_dma source(%arg8 : memref<80x80xf32, #tpu.memory_space<vmem>>) target(%dma_start3A_392 : memref<80x80xf32, #tpu.memory_space<vmem_shared>>) target_semaphore(%run_scoped3A : memref<!tpu.dma_semaphore, #tpu.memory_space<semaphore_mem>>)
      %dma_wait3A_393 = arith.constant 0 : i32
      %dma_wait3A_394 = tpu.memref_slice %arg12[%add3A_25, %dma_wait3A_393] : memref<10240x80xf32, #tpu.memory_space<vmem_shared>> -> memref<80x80xf32, #tpu.memory_space<vmem_shared>>
      %dma_wait3A_395 = arith.constant 0 : i32
      %dma_wait3A_396 = tpu.memref_slice %arg12[%add3A_25, %dma_wait3A_395] : memref<10240x80xf32, #tpu.memory_space<vmem_shared>> -> memref<80x80xf32, #tpu.memory_space<vmem_shared>>
      tpu.wait_dma2 semaphore(%run_scoped3A : memref<!tpu.dma_semaphore, #tpu.memory_space<semaphore_mem>>) src(%arg8 : memref<80x80xf32, #tpu.memory_space<vmem>>) dst(%dma_wait3A_396 : memref<80x80xf32, #tpu.memory_space<vmem_shared>>)
      tpu.yield
    }) : () -> ()
    %mul3A_26 = arith.constant 640 : i32
    %mul3A_27 = arith.muli %arg1, %mul3A_26 : i32
    %add3A_28 = arith.constant 400 : i32
    %add3A_29 = arith.addi %mul3A_27, %add3A_28 : i32
    "tpu.region"() ({
      %run_scoped3A = tpu.sem_alloc : memref<!tpu.dma_semaphore, #tpu.memory_space<semaphore_mem>>
      %dma_start3A_389 = arith.constant 0 : i32
      %dma_start3A_390 = tpu.memref_slice %arg12[%add3A_29, %dma_start3A_389] : memref<10240x80xf32, #tpu.memory_space<vmem_shared>> -> memref<80x80xf32, #tpu.memory_space<vmem_shared>>
      %dma_start3A_391 = arith.constant 0 : i32
      %dma_start3A_392 = tpu.memref_slice %arg12[%add3A_29, %dma_start3A_391] : memref<10240x80xf32, #tpu.memory_space<vmem_shared>> -> memref<80x80xf32, #tpu.memory_space<vmem_shared>>
      tpu.enqueue_dma source(%arg8 : memref<80x80xf32, #tpu.memory_space<vmem>>) target(%dma_start3A_392 : memref<80x80xf32, #tpu.memory_space<vmem_shared>>) target_semaphore(%run_scoped3A : memref<!tpu.dma_semaphore, #tpu.memory_space<semaphore_mem>>)
      %dma_wait3A_393 = arith.constant 0 : i32
      %dma_wait3A_394 = tpu.memref_slice %arg12[%add3A_29, %dma_wait3A_393] : memref<10240x80xf32, #tpu.memory_space<vmem_shared>> -> memref<80x80xf32, #tpu.memory_space<vmem_shared>>
      %dma_wait3A_395 = arith.constant 0 : i32
      %dma_wait3A_396 = tpu.memref_slice %arg12[%add3A_29, %dma_wait3A_395] : memref<10240x80xf32, #tpu.memory_space<vmem_shared>> -> memref<80x80xf32, #tpu.memory_space<vmem_shared>>
      tpu.wait_dma2 semaphore(%run_scoped3A : memref<!tpu.dma_semaphore, #tpu.memory_space<semaphore_mem>>) src(%arg8 : memref<80x80xf32, #tpu.memory_space<vmem>>) dst(%dma_wait3A_396 : memref<80x80xf32, #tpu.memory_space<vmem_shared>>)
      tpu.yield
    }) : () -> ()
    %mul3A_30 = arith.constant 640 : i32
    %mul3A_31 = arith.muli %arg1, %mul3A_30 : i32
    %add3A_32 = arith.constant 480 : i32
    %add3A_33 = arith.addi %mul3A_31, %add3A_32 : i32
    "tpu.region"() ({
      %run_scoped3A = tpu.sem_alloc : memref<!tpu.dma_semaphore, #tpu.memory_space<semaphore_mem>>
      %dma_start3A_389 = arith.constant 0 : i32
      %dma_start3A_390 = tpu.memref_slice %arg12[%add3A_33, %dma_start3A_389] : memref<10240x80xf32, #tpu.memory_space<vmem_shared>> -> memref<80x80xf32, #tpu.memory_space<vmem_shared>>
      %dma_start3A_391 = arith.constant 0 : i32
      %dma_start3A_392 = tpu.memref_slice %arg12[%add3A_33, %dma_start3A_391] : memref<10240x80xf32, #tpu.memory_space<vmem_shared>> -> memref<80x80xf32, #tpu.memory_space<vmem_shared>>
      tpu.enqueue_dma source(%arg8 : memref<80x80xf32, #tpu.memory_space<vmem>>) target(%dma_start3A_392 : memref<80x80xf32, #tpu.memory_space<vmem_shared>>) target_semaphore(%run_scoped3A : memref<!tpu.dma_semaphore, #tpu.memory_space<semaphore_mem>>)
      %dma_wait3A_393 = arith.constant 0 : i32
      %dma_wait3A_394 = tpu.memref_slice %arg12[%add3A_33, %dma_wait3A_393] : memref<10240x80xf32, #tpu.memory_space<vmem_shared>> -> memref<80x80xf32, #tpu.memory_space<vmem_shared>>
      %dma_wait3A_395 = arith.constant 0 : i32
      %dma_wait3A_396 = tpu.memref_slice %arg12[%add3A_33, %dma_wait3A_395] : memref<10240x80xf32, #tpu.memory_space<vmem_shared>> -> memref<80x80xf32, #tpu.memory_space<vmem_shared>>
      tpu.wait_dma2 semaphore(%run_scoped3A : memref<!tpu.dma_semaphore, #tpu.memory_space<semaphore_mem>>) src(%arg8 : memref<80x80xf32, #tpu.memory_space<vmem>>) dst(%dma_wait3A_396 : memref<80x80xf32, #tpu.memory_space<vmem_shared>>)
      tpu.yield
    }) : () -> ()
    %mul3A_34 = arith.constant 640 : i32
    %mul3A_35 = arith.muli %arg1, %mul3A_34 : i32
    %add3A_36 = arith.constant 560 : i32
    %add3A_37 = arith.addi %mul3A_35, %add3A_36 : i32
    "tpu.region"() ({
      %run_scoped3A = tpu.sem_alloc : memref<!tpu.dma_semaphore, #tpu.memory_space<semaphore_mem>>
      %dma_start3A_389 = arith.constant 0 : i32
      %dma_start3A_390 = tpu.memref_slice %arg12[%add3A_37, %dma_start3A_389] : memref<10240x80xf32, #tpu.memory_space<vmem_shared>> -> memref<80x80xf32, #tpu.memory_space<vmem_shared>>
      %dma_start3A_391 = arith.constant 0 : i32
      %dma_start3A_392 = tpu.memref_slice %arg12[%add3A_37, %dma_start3A_391] : memref<10240x80xf32, #tpu.memory_space<vmem_shared>> -> memref<80x80xf32, #tpu.memory_space<vmem_shared>>
      tpu.enqueue_dma source(%arg8 : memref<80x80xf32, #tpu.memory_space<vmem>>) target(%dma_start3A_392 : memref<80x80xf32, #tpu.memory_space<vmem_shared>>) target_semaphore(%run_scoped3A : memref<!tpu.dma_semaphore, #tpu.memory_space<semaphore_mem>>)
      %dma_wait3A_393 = arith.constant 0 : i32
      %dma_wait3A_394 = tpu.memref_slice %arg12[%add3A_37, %dma_wait3A_393] : memref<10240x80xf32, #tpu.memory_space<vmem_shared>> -> memref<80x80xf32, #tpu.memory_space<vmem_shared>>
      %dma_wait3A_395 = arith.constant 0 : i32
      %dma_wait3A_396 = tpu.memref_slice %arg12[%add3A_37, %dma_wait3A_395] : memref<10240x80xf32, #tpu.memory_space<vmem_shared>> -> memref<80x80xf32, #tpu.memory_space<vmem_shared>>
      tpu.wait_dma2 semaphore(%run_scoped3A : memref<!tpu.dma_semaphore, #tpu.memory_space<semaphore_mem>>) src(%arg8 : memref<80x80xf32, #tpu.memory_space<vmem>>) dst(%dma_wait3A_396 : memref<80x80xf32, #tpu.memory_space<vmem_shared>>)
      tpu.yield
    }) : () -> ()
    %barrier3A = arith.constant 0 : index
    tpu.barrier barrier_id(%barrier3A)
    %mul3A_38 = arith.constant 125 : i32
    %mul3A_39 = arith.muli %add3A, %mul3A_38 : i32
    %add3A_40 = arith.constant 0 : i32
    %add3A_41 = arith.addi %mul3A_39, %add3A_40 : i32
    %mul3A_42 = arith.constant 80 : i32
    %mul3A_43 = arith.muli %add3A_41, %mul3A_42 : i32
    %dma_start3A = arith.constant 0 : i32
    %dma_start3A_44 = arith.constant 0 : i32
    %dma_start3A_45 = tpu.memref_slice %arg6[%dma_start3A, %dma_start3A_44] : memref<8x80xi32, #tpu.memory_space<vmem>> -> memref<1x80xi32, #tpu.memory_space<vmem>>
    %dma_start3A_46 = tpu.memref_squeeze %dma_start3A_45 : memref<1x80xi32, #tpu.memory_space<vmem>> -> memref<80xi32, #tpu.memory_space<vmem>>
    %dma_start3A_47 = tpu.memref_slice %arg3[%mul3A_43] : memref<320000xi32, #tpu.memory_space<hbm>> -> memref<80xi32, #tpu.memory_space<hbm>>
    %dma_start3A_48 = arith.constant 0 : i32
    %dma_start3A_49 = tpu.memref_slice %arg6[%dma_start3A, %dma_start3A_48] : memref<8x80xi32, #tpu.memory_space<vmem>> -> memref<1x80xi32, #tpu.memory_space<vmem>>
    %dma_start3A_50 = tpu.memref_squeeze %dma_start3A_49 : memref<1x80xi32, #tpu.memory_space<vmem>> -> memref<80xi32, #tpu.memory_space<vmem>>
    %dma_start3A_51 = tpu.memref_slice %arg3[%mul3A_43] : memref<320000xi32, #tpu.memory_space<hbm>> -> memref<80xi32, #tpu.memory_space<hbm>>
    tpu.enqueue_dma source(%dma_start3A_51 : memref<80xi32, #tpu.memory_space<hbm>>) target(%dma_start3A_50 : memref<80xi32, #tpu.memory_space<vmem>>) target_semaphore(%arg21 : memref<!tpu.dma_semaphore, #tpu.memory_space<semaphore_mem>>)
    %dma_start3A_52 = arith.constant 0 : i32
    %dma_start3A_53 = arith.constant 0 : i32
    %dma_start3A_54 = tpu.memref_slice %arg7[%dma_start3A_52, %dma_start3A_53] : memref<8x80xi32, #tpu.memory_space<vmem>> -> memref<1x80xi32, #tpu.memory_space<vmem>>
    %dma_start3A_55 = tpu.memref_squeeze %dma_start3A_54 : memref<1x80xi32, #tpu.memory_space<vmem>> -> memref<80xi32, #tpu.memory_space<vmem>>
    %dma_start3A_56 = tpu.memref_slice %arg4[%mul3A_43] : memref<320000xi32, #tpu.memory_space<hbm>> -> memref<80xi32, #tpu.memory_space<hbm>>
    %dma_start3A_57 = arith.constant 0 : i32
    %dma_start3A_58 = tpu.memref_slice %arg7[%dma_start3A_52, %dma_start3A_57] : memref<8x80xi32, #tpu.memory_space<vmem>> -> memref<1x80xi32, #tpu.memory_space<vmem>>
    %dma_start3A_59 = tpu.memref_squeeze %dma_start3A_58 : memref<1x80xi32, #tpu.memory_space<vmem>> -> memref<80xi32, #tpu.memory_space<vmem>>
    %dma_start3A_60 = tpu.memref_slice %arg4[%mul3A_43] : memref<320000xi32, #tpu.memory_space<hbm>> -> memref<80xi32, #tpu.memory_space<hbm>>
    tpu.enqueue_dma source(%dma_start3A_60 : memref<80xi32, #tpu.memory_space<hbm>>) target(%dma_start3A_59 : memref<80xi32, #tpu.memory_space<vmem>>) target_semaphore(%arg21 : memref<!tpu.dma_semaphore, #tpu.memory_space<semaphore_mem>>)
    %add3A_61 = arith.constant 1 : i32
    %add3A_62 = arith.addi %mul3A_39, %add3A_61 : i32
    %mul3A_63 = arith.constant 80 : i32
    %mul3A_64 = arith.muli %add3A_62, %mul3A_63 : i32
    %dma_start3A_65 = arith.constant 1 : i32
    %dma_start3A_66 = arith.constant 0 : i32
    %dma_start3A_67 = tpu.memref_slice %arg6[%dma_start3A_65, %dma_start3A_66] : memref<8x80xi32, #tpu.memory_space<vmem>> -> memref<1x80xi32, #tpu.memory_space<vmem>>
    %dma_start3A_68 = tpu.memref_squeeze %dma_start3A_67 : memref<1x80xi32, #tpu.memory_space<vmem>> -> memref<80xi32, #tpu.memory_space<vmem>>
    %dma_start3A_69 = tpu.memref_slice %arg3[%mul3A_64] : memref<320000xi32, #tpu.memory_space<hbm>> -> memref<80xi32, #tpu.memory_space<hbm>>
    %dma_start3A_70 = arith.constant 0 : i32
    %dma_start3A_71 = tpu.memref_slice %arg6[%dma_start3A_65, %dma_start3A_70] : memref<8x80xi32, #tpu.memory_space<vmem>> -> memref<1x80xi32, #tpu.memory_space<vmem>>
    %dma_start3A_72 = tpu.memref_squeeze %dma_start3A_71 : memref<1x80xi32, #tpu.memory_space<vmem>> -> memref<80xi32, #tpu.memory_space<vmem>>
    %dma_start3A_73 = tpu.memref_slice %arg3[%mul3A_64] : memref<320000xi32, #tpu.memory_space<hbm>> -> memref<80xi32, #tpu.memory_space<hbm>>
    tpu.enqueue_dma source(%dma_start3A_73 : memref<80xi32, #tpu.memory_space<hbm>>) target(%dma_start3A_72 : memref<80xi32, #tpu.memory_space<vmem>>) target_semaphore(%arg22 : memref<!tpu.dma_semaphore, #tpu.memory_space<semaphore_mem>>)
    %dma_start3A_74 = arith.constant 1 : i32
    %dma_start3A_75 = arith.constant 0 : i32
    %dma_start3A_76 = tpu.memref_slice %arg7[%dma_start3A_74, %dma_start3A_75] : memref<8x80xi32, #tpu.memory_space<vmem>> -> memref<1x80xi32, #tpu.memory_space<vmem>>
    %dma_start3A_77 = tpu.memref_squeeze %dma_start3A_76 : memref<1x80xi32, #tpu.memory_space<vmem>> -> memref<80xi32, #tpu.memory_space<vmem>>
    %dma_start3A_78 = tpu.memref_slice %arg4[%mul3A_64] : memref<320000xi32, #tpu.memory_space<hbm>> -> memref<80xi32, #tpu.memory_space<hbm>>
    %dma_start3A_79 = arith.constant 0 : i32
    %dma_start3A_80 = tpu.memref_slice %arg7[%dma_start3A_74, %dma_start3A_79] : memref<8x80xi32, #tpu.memory_space<vmem>> -> memref<1x80xi32, #tpu.memory_space<vmem>>
    %dma_start3A_81 = tpu.memref_squeeze %dma_start3A_80 : memref<1x80xi32, #tpu.memory_space<vmem>> -> memref<80xi32, #tpu.memory_space<vmem>>
    %dma_start3A_82 = tpu.memref_slice %arg4[%mul3A_64] : memref<320000xi32, #tpu.memory_space<hbm>> -> memref<80xi32, #tpu.memory_space<hbm>>
    tpu.enqueue_dma source(%dma_start3A_82 : memref<80xi32, #tpu.memory_space<hbm>>) target(%dma_start3A_81 : memref<80xi32, #tpu.memory_space<vmem>>) target_semaphore(%arg22 : memref<!tpu.dma_semaphore, #tpu.memory_space<semaphore_mem>>)
    %add3A_83 = arith.constant 2 : i32
    %add3A_84 = arith.addi %mul3A_39, %add3A_83 : i32
    %mul3A_85 = arith.constant 80 : i32
    %mul3A_86 = arith.muli %add3A_84, %mul3A_85 : i32
    %dma_start3A_87 = arith.constant 2 : i32
    %dma_start3A_88 = arith.constant 0 : i32
    %dma_start3A_89 = tpu.memref_slice %arg6[%dma_start3A_87, %dma_start3A_88] : memref<8x80xi32, #tpu.memory_space<vmem>> -> memref<1x80xi32, #tpu.memory_space<vmem>>
    %dma_start3A_90 = tpu.memref_squeeze %dma_start3A_89 : memref<1x80xi32, #tpu.memory_space<vmem>> -> memref<80xi32, #tpu.memory_space<vmem>>
    %dma_start3A_91 = tpu.memref_slice %arg3[%mul3A_86] : memref<320000xi32, #tpu.memory_space<hbm>> -> memref<80xi32, #tpu.memory_space<hbm>>
    %dma_start3A_92 = arith.constant 0 : i32
    %dma_start3A_93 = tpu.memref_slice %arg6[%dma_start3A_87, %dma_start3A_92] : memref<8x80xi32, #tpu.memory_space<vmem>> -> memref<1x80xi32, #tpu.memory_space<vmem>>
    %dma_start3A_94 = tpu.memref_squeeze %dma_start3A_93 : memref<1x80xi32, #tpu.memory_space<vmem>> -> memref<80xi32, #tpu.memory_space<vmem>>
    %dma_start3A_95 = tpu.memref_slice %arg3[%mul3A_86] : memref<320000xi32, #tpu.memory_space<hbm>> -> memref<80xi32, #tpu.memory_space<hbm>>
    tpu.enqueue_dma source(%dma_start3A_95 : memref<80xi32, #tpu.memory_space<hbm>>) target(%dma_start3A_94 : memref<80xi32, #tpu.memory_space<vmem>>) target_semaphore(%arg21 : memref<!tpu.dma_semaphore, #tpu.memory_space<semaphore_mem>>)
    %dma_start3A_96 = arith.constant 2 : i32
    %dma_start3A_97 = arith.constant 0 : i32
    %dma_start3A_98 = tpu.memref_slice %arg7[%dma_start3A_96, %dma_start3A_97] : memref<8x80xi32, #tpu.memory_space<vmem>> -> memref<1x80xi32, #tpu.memory_space<vmem>>
    %dma_start3A_99 = tpu.memref_squeeze %dma_start3A_98 : memref<1x80xi32, #tpu.memory_space<vmem>> -> memref<80xi32, #tpu.memory_space<vmem>>
    %dma_start3A_100 = tpu.memref_slice %arg4[%mul3A_86] : memref<320000xi32, #tpu.memory_space<hbm>> -> memref<80xi32, #tpu.memory_space<hbm>>
    %dma_start3A_101 = arith.constant 0 : i32
    %dma_start3A_102 = tpu.memref_slice %arg7[%dma_start3A_96, %dma_start3A_101] : memref<8x80xi32, #tpu.memory_space<vmem>> -> memref<1x80xi32, #tpu.memory_space<vmem>>
    %dma_start3A_103 = tpu.memref_squeeze %dma_start3A_102 : memref<1x80xi32, #tpu.memory_space<vmem>> -> memref<80xi32, #tpu.memory_space<vmem>>
    %dma_start3A_104 = tpu.memref_slice %arg4[%mul3A_86] : memref<320000xi32, #tpu.memory_space<hbm>> -> memref<80xi32, #tpu.memory_space<hbm>>
    tpu.enqueue_dma source(%dma_start3A_104 : memref<80xi32, #tpu.memory_space<hbm>>) target(%dma_start3A_103 : memref<80xi32, #tpu.memory_space<vmem>>) target_semaphore(%arg21 : memref<!tpu.dma_semaphore, #tpu.memory_space<semaphore_mem>>)
    %add3A_105 = arith.constant 3 : i32
    %add3A_106 = arith.addi %mul3A_39, %add3A_105 : i32
    %mul3A_107 = arith.constant 80 : i32
    %mul3A_108 = arith.muli %add3A_106, %mul3A_107 : i32
    %dma_start3A_109 = arith.constant 3 : i32
    %dma_start3A_110 = arith.constant 0 : i32
    %dma_start3A_111 = tpu.memref_slice %arg6[%dma_start3A_109, %dma_start3A_110] : memref<8x80xi32, #tpu.memory_space<vmem>> -> memref<1x80xi32, #tpu.memory_space<vmem>>
    %dma_start3A_112 = tpu.memref_squeeze %dma_start3A_111 : memref<1x80xi32, #tpu.memory_space<vmem>> -> memref<80xi32, #tpu.memory_space<vmem>>
    %dma_start3A_113 = tpu.memref_slice %arg3[%mul3A_108] : memref<320000xi32, #tpu.memory_space<hbm>> -> memref<80xi32, #tpu.memory_space<hbm>>
    %dma_start3A_114 = arith.constant 0 : i32
    %dma_start3A_115 = tpu.memref_slice %arg6[%dma_start3A_109, %dma_start3A_114] : memref<8x80xi32, #tpu.memory_space<vmem>> -> memref<1x80xi32, #tpu.memory_space<vmem>>
    %dma_start3A_116 = tpu.memref_squeeze %dma_start3A_115 : memref<1x80xi32, #tpu.memory_space<vmem>> -> memref<80xi32, #tpu.memory_space<vmem>>
    %dma_start3A_117 = tpu.memref_slice %arg3[%mul3A_108] : memref<320000xi32, #tpu.memory_space<hbm>> -> memref<80xi32, #tpu.memory_space<hbm>>
    tpu.enqueue_dma source(%dma_start3A_117 : memref<80xi32, #tpu.memory_space<hbm>>) target(%dma_start3A_116 : memref<80xi32, #tpu.memory_space<vmem>>) target_semaphore(%arg22 : memref<!tpu.dma_semaphore, #tpu.memory_space<semaphore_mem>>)
    %dma_start3A_118 = arith.constant 3 : i32
    %dma_start3A_119 = arith.constant 0 : i32
    %dma_start3A_120 = tpu.memref_slice %arg7[%dma_start3A_118, %dma_start3A_119] : memref<8x80xi32, #tpu.memory_space<vmem>> -> memref<1x80xi32, #tpu.memory_space<vmem>>
    %dma_start3A_121 = tpu.memref_squeeze %dma_start3A_120 : memref<1x80xi32, #tpu.memory_space<vmem>> -> memref<80xi32, #tpu.memory_space<vmem>>
    %dma_start3A_122 = tpu.memref_slice %arg4[%mul3A_108] : memref<320000xi32, #tpu.memory_space<hbm>> -> memref<80xi32, #tpu.memory_space<hbm>>
    %dma_start3A_123 = arith.constant 0 : i32
    %dma_start3A_124 = tpu.memref_slice %arg7[%dma_start3A_118, %dma_start3A_123] : memref<8x80xi32, #tpu.memory_space<vmem>> -> memref<1x80xi32, #tpu.memory_space<vmem>>
    %dma_start3A_125 = tpu.memref_squeeze %dma_start3A_124 : memref<1x80xi32, #tpu.memory_space<vmem>> -> memref<80xi32, #tpu.memory_space<vmem>>
    %dma_start3A_126 = tpu.memref_slice %arg4[%mul3A_108] : memref<320000xi32, #tpu.memory_space<hbm>> -> memref<80xi32, #tpu.memory_space<hbm>>
    tpu.enqueue_dma source(%dma_start3A_126 : memref<80xi32, #tpu.memory_space<hbm>>) target(%dma_start3A_125 : memref<80xi32, #tpu.memory_space<vmem>>) target_semaphore(%arg22 : memref<!tpu.dma_semaphore, #tpu.memory_space<semaphore_mem>>)
    %dma_wait3A = arith.constant 0 : i32
    %dma_wait3A_127 = arith.constant 0 : i32
    %dma_wait3A_128 = tpu.memref_slice %arg6[%dma_wait3A, %dma_wait3A_127] : memref<8x80xi32, #tpu.memory_space<vmem>> -> memref<1x80xi32, #tpu.memory_space<vmem>>
    %dma_wait3A_129 = tpu.memref_squeeze %dma_wait3A_128 : memref<1x80xi32, #tpu.memory_space<vmem>> -> memref<80xi32, #tpu.memory_space<vmem>>
    %dma_wait3A_130 = arith.constant 0 : i32
    %dma_wait3A_131 = tpu.memref_slice %arg3[%dma_wait3A_130] : memref<320000xi32, #tpu.memory_space<hbm>> -> memref<80xi32, #tpu.memory_space<hbm>>
    %dma_wait3A_132 = arith.constant 0 : i32
    %dma_wait3A_133 = tpu.memref_slice %arg6[%dma_wait3A, %dma_wait3A_132] : memref<8x80xi32, #tpu.memory_space<vmem>> -> memref<1x80xi32, #tpu.memory_space<vmem>>
    %dma_wait3A_134 = tpu.memref_squeeze %dma_wait3A_133 : memref<1x80xi32, #tpu.memory_space<vmem>> -> memref<80xi32, #tpu.memory_space<vmem>>
    %dma_wait3A_135 = arith.constant 0 : i32
    %dma_wait3A_136 = tpu.memref_slice %arg3[%dma_wait3A_135] : memref<320000xi32, #tpu.memory_space<hbm>> -> memref<80xi32, #tpu.memory_space<hbm>>
    tpu.wait_dma2 semaphore(%arg21 : memref<!tpu.dma_semaphore, #tpu.memory_space<semaphore_mem>>) src(%dma_wait3A_136 : memref<80xi32, #tpu.memory_space<hbm>>) dst(%dma_wait3A_134 : memref<80xi32, #tpu.memory_space<vmem>>)
    %dma_wait3A_137 = arith.constant 0 : i32
    %dma_wait3A_138 = arith.constant 0 : i32
    %dma_wait3A_139 = tpu.memref_slice %arg7[%dma_wait3A_137, %dma_wait3A_138] : memref<8x80xi32, #tpu.memory_space<vmem>> -> memref<1x80xi32, #tpu.memory_space<vmem>>
    %dma_wait3A_140 = tpu.memref_squeeze %dma_wait3A_139 : memref<1x80xi32, #tpu.memory_space<vmem>> -> memref<80xi32, #tpu.memory_space<vmem>>
    %dma_wait3A_141 = arith.constant 0 : i32
    %dma_wait3A_142 = tpu.memref_slice %arg4[%dma_wait3A_141] : memref<320000xi32, #tpu.memory_space<hbm>> -> memref<80xi32, #tpu.memory_space<hbm>>
    %dma_wait3A_143 = arith.constant 0 : i32
    %dma_wait3A_144 = tpu.memref_slice %arg7[%dma_wait3A_137, %dma_wait3A_143] : memref<8x80xi32, #tpu.memory_space<vmem>> -> memref<1x80xi32, #tpu.memory_space<vmem>>
    %dma_wait3A_145 = tpu.memref_squeeze %dma_wait3A_144 : memref<1x80xi32, #tpu.memory_space<vmem>> -> memref<80xi32, #tpu.memory_space<vmem>>
    %dma_wait3A_146 = arith.constant 0 : i32
    %dma_wait3A_147 = tpu.memref_slice %arg4[%dma_wait3A_146] : memref<320000xi32, #tpu.memory_space<hbm>> -> memref<80xi32, #tpu.memory_space<hbm>>
    tpu.wait_dma2 semaphore(%arg21 : memref<!tpu.dma_semaphore, #tpu.memory_space<semaphore_mem>>) src(%dma_wait3A_147 : memref<80xi32, #tpu.memory_space<hbm>>) dst(%dma_wait3A_145 : memref<80xi32, #tpu.memory_space<vmem>>)
    %dma_wait3A_148 = arith.constant 1 : i32
    %dma_wait3A_149 = arith.constant 0 : i32
    %dma_wait3A_150 = tpu.memref_slice %arg6[%dma_wait3A_148, %dma_wait3A_149] : memref<8x80xi32, #tpu.memory_space<vmem>> -> memref<1x80xi32, #tpu.memory_space<vmem>>
    %dma_wait3A_151 = tpu.memref_squeeze %dma_wait3A_150 : memref<1x80xi32, #tpu.memory_space<vmem>> -> memref<80xi32, #tpu.memory_space<vmem>>
    %dma_wait3A_152 = arith.constant 0 : i32
    %dma_wait3A_153 = tpu.memref_slice %arg3[%dma_wait3A_152] : memref<320000xi32, #tpu.memory_space<hbm>> -> memref<80xi32, #tpu.memory_space<hbm>>
    %dma_wait3A_154 = arith.constant 0 : i32
    %dma_wait3A_155 = tpu.memref_slice %arg6[%dma_wait3A_148, %dma_wait3A_154] : memref<8x80xi32, #tpu.memory_space<vmem>> -> memref<1x80xi32, #tpu.memory_space<vmem>>
    %dma_wait3A_156 = tpu.memref_squeeze %dma_wait3A_155 : memref<1x80xi32, #tpu.memory_space<vmem>> -> memref<80xi32, #tpu.memory_space<vmem>>
    %dma_wait3A_157 = arith.constant 0 : i32
    %dma_wait3A_158 = tpu.memref_slice %arg3[%dma_wait3A_157] : memref<320000xi32, #tpu.memory_space<hbm>> -> memref<80xi32, #tpu.memory_space<hbm>>
    tpu.wait_dma2 semaphore(%arg22 : memref<!tpu.dma_semaphore, #tpu.memory_space<semaphore_mem>>) src(%dma_wait3A_158 : memref<80xi32, #tpu.memory_space<hbm>>) dst(%dma_wait3A_156 : memref<80xi32, #tpu.memory_space<vmem>>)
    %dma_wait3A_159 = arith.constant 1 : i32
    %dma_wait3A_160 = arith.constant 0 : i32
    %dma_wait3A_161 = tpu.memref_slice %arg7[%dma_wait3A_159, %dma_wait3A_160] : memref<8x80xi32, #tpu.memory_space<vmem>> -> memref<1x80xi32, #tpu.memory_space<vmem>>
    %dma_wait3A_162 = tpu.memref_squeeze %dma_wait3A_161 : memref<1x80xi32, #tpu.memory_space<vmem>> -> memref<80xi32, #tpu.memory_space<vmem>>
    %dma_wait3A_163 = arith.constant 0 : i32
    %dma_wait3A_164 = tpu.memref_slice %arg4[%dma_wait3A_163] : memref<320000xi32, #tpu.memory_space<hbm>> -> memref<80xi32, #tpu.memory_space<hbm>>
    %dma_wait3A_165 = arith.constant 0 : i32
    %dma_wait3A_166 = tpu.memref_slice %arg7[%dma_wait3A_159, %dma_wait3A_165] : memref<8x80xi32, #tpu.memory_space<vmem>> -> memref<1x80xi32, #tpu.memory_space<vmem>>
    %dma_wait3A_167 = tpu.memref_squeeze %dma_wait3A_166 : memref<1x80xi32, #tpu.memory_space<vmem>> -> memref<80xi32, #tpu.memory_space<vmem>>
    %dma_wait3A_168 = arith.constant 0 : i32
    %dma_wait3A_169 = tpu.memref_slice %arg4[%dma_wait3A_168] : memref<320000xi32, #tpu.memory_space<hbm>> -> memref<80xi32, #tpu.memory_space<hbm>>
    tpu.wait_dma2 semaphore(%arg22 : memref<!tpu.dma_semaphore, #tpu.memory_space<semaphore_mem>>) src(%dma_wait3A_169 : memref<80xi32, #tpu.memory_space<hbm>>) dst(%dma_wait3A_167 : memref<80xi32, #tpu.memory_space<vmem>>)
    %dma_wait3A_170 = arith.constant 2 : i32
    %dma_wait3A_171 = arith.constant 0 : i32
    %dma_wait3A_172 = tpu.memref_slice %arg6[%dma_wait3A_170, %dma_wait3A_171] : memref<8x80xi32, #tpu.memory_space<vmem>> -> memref<1x80xi32, #tpu.memory_space<vmem>>
    %dma_wait3A_173 = tpu.memref_squeeze %dma_wait3A_172 : memref<1x80xi32, #tpu.memory_space<vmem>> -> memref<80xi32, #tpu.memory_space<vmem>>
    %dma_wait3A_174 = arith.constant 0 : i32
    %dma_wait3A_175 = tpu.memref_slice %arg3[%dma_wait3A_174] : memref<320000xi32, #tpu.memory_space<hbm>> -> memref<80xi32, #tpu.memory_space<hbm>>
    %dma_wait3A_176 = arith.constant 0 : i32
    %dma_wait3A_177 = tpu.memref_slice %arg6[%dma_wait3A_170, %dma_wait3A_176] : memref<8x80xi32, #tpu.memory_space<vmem>> -> memref<1x80xi32, #tpu.memory_space<vmem>>
    %dma_wait3A_178 = tpu.memref_squeeze %dma_wait3A_177 : memref<1x80xi32, #tpu.memory_space<vmem>> -> memref<80xi32, #tpu.memory_space<vmem>>
    %dma_wait3A_179 = arith.constant 0 : i32
    %dma_wait3A_180 = tpu.memref_slice %arg3[%dma_wait3A_179] : memref<320000xi32, #tpu.memory_space<hbm>> -> memref<80xi32, #tpu.memory_space<hbm>>
    tpu.wait_dma2 semaphore(%arg21 : memref<!tpu.dma_semaphore, #tpu.memory_space<semaphore_mem>>) src(%dma_wait3A_180 : memref<80xi32, #tpu.memory_space<hbm>>) dst(%dma_wait3A_178 : memref<80xi32, #tpu.memory_space<vmem>>)
    %dma_wait3A_181 = arith.constant 2 : i32
    %dma_wait3A_182 = arith.constant 0 : i32
    %dma_wait3A_183 = tpu.memref_slice %arg7[%dma_wait3A_181, %dma_wait3A_182] : memref<8x80xi32, #tpu.memory_space<vmem>> -> memref<1x80xi32, #tpu.memory_space<vmem>>
    %dma_wait3A_184 = tpu.memref_squeeze %dma_wait3A_183 : memref<1x80xi32, #tpu.memory_space<vmem>> -> memref<80xi32, #tpu.memory_space<vmem>>
    %dma_wait3A_185 = arith.constant 0 : i32
    %dma_wait3A_186 = tpu.memref_slice %arg4[%dma_wait3A_185] : memref<320000xi32, #tpu.memory_space<hbm>> -> memref<80xi32, #tpu.memory_space<hbm>>
    %dma_wait3A_187 = arith.constant 0 : i32
    %dma_wait3A_188 = tpu.memref_slice %arg7[%dma_wait3A_181, %dma_wait3A_187] : memref<8x80xi32, #tpu.memory_space<vmem>> -> memref<1x80xi32, #tpu.memory_space<vmem>>
    %dma_wait3A_189 = tpu.memref_squeeze %dma_wait3A_188 : memref<1x80xi32, #tpu.memory_space<vmem>> -> memref<80xi32, #tpu.memory_space<vmem>>
    %dma_wait3A_190 = arith.constant 0 : i32
    %dma_wait3A_191 = tpu.memref_slice %arg4[%dma_wait3A_190] : memref<320000xi32, #tpu.memory_space<hbm>> -> memref<80xi32, #tpu.memory_space<hbm>>
    tpu.wait_dma2 semaphore(%arg21 : memref<!tpu.dma_semaphore, #tpu.memory_space<semaphore_mem>>) src(%dma_wait3A_191 : memref<80xi32, #tpu.memory_space<hbm>>) dst(%dma_wait3A_189 : memref<80xi32, #tpu.memory_space<vmem>>)
    %dma_wait3A_192 = arith.constant 3 : i32
    %dma_wait3A_193 = arith.constant 0 : i32
    %dma_wait3A_194 = tpu.memref_slice %arg6[%dma_wait3A_192, %dma_wait3A_193] : memref<8x80xi32, #tpu.memory_space<vmem>> -> memref<1x80xi32, #tpu.memory_space<vmem>>
    %dma_wait3A_195 = tpu.memref_squeeze %dma_wait3A_194 : memref<1x80xi32, #tpu.memory_space<vmem>> -> memref<80xi32, #tpu.memory_space<vmem>>
    %dma_wait3A_196 = arith.constant 0 : i32
    %dma_wait3A_197 = tpu.memref_slice %arg3[%dma_wait3A_196] : memref<320000xi32, #tpu.memory_space<hbm>> -> memref<80xi32, #tpu.memory_space<hbm>>
    %dma_wait3A_198 = arith.constant 0 : i32
    %dma_wait3A_199 = tpu.memref_slice %arg6[%dma_wait3A_192, %dma_wait3A_198] : memref<8x80xi32, #tpu.memory_space<vmem>> -> memref<1x80xi32, #tpu.memory_space<vmem>>
    %dma_wait3A_200 = tpu.memref_squeeze %dma_wait3A_199 : memref<1x80xi32, #tpu.memory_space<vmem>> -> memref<80xi32, #tpu.memory_space<vmem>>
    %dma_wait3A_201 = arith.constant 0 : i32
    %dma_wait3A_202 = tpu.memref_slice %arg3[%dma_wait3A_201] : memref<320000xi32, #tpu.memory_space<hbm>> -> memref<80xi32, #tpu.memory_space<hbm>>
    tpu.wait_dma2 semaphore(%arg22 : memref<!tpu.dma_semaphore, #tpu.memory_space<semaphore_mem>>) src(%dma_wait3A_202 : memref<80xi32, #tpu.memory_space<hbm>>) dst(%dma_wait3A_200 : memref<80xi32, #tpu.memory_space<vmem>>)
    %dma_wait3A_203 = arith.constant 3 : i32
    %dma_wait3A_204 = arith.constant 0 : i32
    %dma_wait3A_205 = tpu.memref_slice %arg7[%dma_wait3A_203, %dma_wait3A_204] : memref<8x80xi32, #tpu.memory_space<vmem>> -> memref<1x80xi32, #tpu.memory_space<vmem>>
    %dma_wait3A_206 = tpu.memref_squeeze %dma_wait3A_205 : memref<1x80xi32, #tpu.memory_space<vmem>> -> memref<80xi32, #tpu.memory_space<vmem>>
    %dma_wait3A_207 = arith.constant 0 : i32
    %dma_wait3A_208 = tpu.memref_slice %arg4[%dma_wait3A_207] : memref<320000xi32, #tpu.memory_space<hbm>> -> memref<80xi32, #tpu.memory_space<hbm>>
    %dma_wait3A_209 = arith.constant 0 : i32
    %dma_wait3A_210 = tpu.memref_slice %arg7[%dma_wait3A_203, %dma_wait3A_209] : memref<8x80xi32, #tpu.memory_space<vmem>> -> memref<1x80xi32, #tpu.memory_space<vmem>>
    %dma_wait3A_211 = tpu.memref_squeeze %dma_wait3A_210 : memref<1x80xi32, #tpu.memory_space<vmem>> -> memref<80xi32, #tpu.memory_space<vmem>>
    %dma_wait3A_212 = arith.constant 0 : i32
    %dma_wait3A_213 = tpu.memref_slice %arg4[%dma_wait3A_212] : memref<320000xi32, #tpu.memory_space<hbm>> -> memref<80xi32, #tpu.memory_space<hbm>>
    tpu.wait_dma2 semaphore(%arg22 : memref<!tpu.dma_semaphore, #tpu.memory_space<semaphore_mem>>) src(%dma_wait3A_213 : memref<80xi32, #tpu.memory_space<hbm>>) dst(%dma_wait3A_211 : memref<80xi32, #tpu.memory_space<vmem>>)
    %add3A_214 = arith.constant 4 : i32
    %add3A_215 = arith.addi %mul3A_39, %add3A_214 : i32
    %mul3A_216 = arith.constant 80 : i32
    %mul3A_217 = arith.muli %add3A_215, %mul3A_216 : i32
    %dma_start3A_218 = arith.constant 4 : i32
    %dma_start3A_219 = arith.constant 0 : i32
    %dma_start3A_220 = tpu.memref_slice %arg6[%dma_start3A_218, %dma_start3A_219] : memref<8x80xi32, #tpu.memory_space<vmem>> -> memref<1x80xi32, #tpu.memory_space<vmem>>
    %dma_start3A_221 = tpu.memref_squeeze %dma_start3A_220 : memref<1x80xi32, #tpu.memory_space<vmem>> -> memref<80xi32, #tpu.memory_space<vmem>>
    %dma_start3A_222 = tpu.memref_slice %arg3[%mul3A_217] : memref<320000xi32, #tpu.memory_space<hbm>> -> memref<80xi32, #tpu.memory_space<hbm>>
    %dma_start3A_223 = arith.constant 0 : i32
    %dma_start3A_224 = tpu.memref_slice %arg6[%dma_start3A_218, %dma_start3A_223] : memref<8x80xi32, #tpu.memory_space<vmem>> -> memref<1x80xi32, #tpu.memory_space<vmem>>
    %dma_start3A_225 = tpu.memref_squeeze %dma_start3A_224 : memref<1x80xi32, #tpu.memory_space<vmem>> -> memref<80xi32, #tpu.memory_space<vmem>>
    %dma_start3A_226 = tpu.memref_slice %arg3[%mul3A_217] : memref<320000xi32, #tpu.memory_space<hbm>> -> memref<80xi32, #tpu.memory_space<hbm>>
    tpu.enqueue_dma source(%dma_start3A_226 : memref<80xi32, #tpu.memory_space<hbm>>) target(%dma_start3A_225 : memref<80xi32, #tpu.memory_space<vmem>>) target_semaphore(%arg21 : memref<!tpu.dma_semaphore, #tpu.memory_space<semaphore_mem>>)
    %dma_start3A_227 = arith.constant 4 : i32
    %dma_start3A_228 = arith.constant 0 : i32
    %dma_start3A_229 = tpu.memref_slice %arg7[%dma_start3A_227, %dma_start3A_228] : memref<8x80xi32, #tpu.memory_space<vmem>> -> memref<1x80xi32, #tpu.memory_space<vmem>>
    %dma_start3A_230 = tpu.memref_squeeze %dma_start3A_229 : memref<1x80xi32, #tpu.memory_space<vmem>> -> memref<80xi32, #tpu.memory_space<vmem>>
    %dma_start3A_231 = tpu.memref_slice %arg4[%mul3A_217] : memref<320000xi32, #tpu.memory_space<hbm>> -> memref<80xi32, #tpu.memory_space<hbm>>
    %dma_start3A_232 = arith.constant 0 : i32
    %dma_start3A_233 = tpu.memref_slice %arg7[%dma_start3A_227, %dma_start3A_232] : memref<8x80xi32, #tpu.memory_space<vmem>> -> memref<1x80xi32, #tpu.memory_space<vmem>>
    %dma_start3A_234 = tpu.memref_squeeze %dma_start3A_233 : memref<1x80xi32, #tpu.memory_space<vmem>> -> memref<80xi32, #tpu.memory_space<vmem>>
    %dma_start3A_235 = tpu.memref_slice %arg4[%mul3A_217] : memref<320000xi32, #tpu.memory_space<hbm>> -> memref<80xi32, #tpu.memory_space<hbm>>
    tpu.enqueue_dma source(%dma_start3A_235 : memref<80xi32, #tpu.memory_space<hbm>>) target(%dma_start3A_234 : memref<80xi32, #tpu.memory_space<vmem>>) target_semaphore(%arg21 : memref<!tpu.dma_semaphore, #tpu.memory_space<semaphore_mem>>)
    %add3A_236 = arith.constant 5 : i32
    %add3A_237 = arith.addi %mul3A_39, %add3A_236 : i32
    %mul3A_238 = arith.constant 80 : i32
    %mul3A_239 = arith.muli %add3A_237, %mul3A_238 : i32
    %dma_start3A_240 = arith.constant 5 : i32
    %dma_start3A_241 = arith.constant 0 : i32
    %dma_start3A_242 = tpu.memref_slice %arg6[%dma_start3A_240, %dma_start3A_241] : memref<8x80xi32, #tpu.memory_space<vmem>> -> memref<1x80xi32, #tpu.memory_space<vmem>>
    %dma_start3A_243 = tpu.memref_squeeze %dma_start3A_242 : memref<1x80xi32, #tpu.memory_space<vmem>> -> memref<80xi32, #tpu.memory_space<vmem>>
    %dma_start3A_244 = tpu.memref_slice %arg3[%mul3A_239] : memref<320000xi32, #tpu.memory_space<hbm>> -> memref<80xi32, #tpu.memory_space<hbm>>
    %dma_start3A_245 = arith.constant 0 : i32
    %dma_start3A_246 = tpu.memref_slice %arg6[%dma_start3A_240, %dma_start3A_245] : memref<8x80xi32, #tpu.memory_space<vmem>> -> memref<1x80xi32, #tpu.memory_space<vmem>>
    %dma_start3A_247 = tpu.memref_squeeze %dma_start3A_246 : memref<1x80xi32, #tpu.memory_space<vmem>> -> memref<80xi32, #tpu.memory_space<vmem>>
    %dma_start3A_248 = tpu.memref_slice %arg3[%mul3A_239] : memref<320000xi32, #tpu.memory_space<hbm>> -> memref<80xi32, #tpu.memory_space<hbm>>
    tpu.enqueue_dma source(%dma_start3A_248 : memref<80xi32, #tpu.memory_space<hbm>>) target(%dma_start3A_247 : memref<80xi32, #tpu.memory_space<vmem>>) target_semaphore(%arg22 : memref<!tpu.dma_semaphore, #tpu.memory_space<semaphore_mem>>)
    %dma_start3A_249 = arith.constant 5 : i32
    %dma_start3A_250 = arith.constant 0 : i32
    %dma_start3A_251 = tpu.memref_slice %arg7[%dma_start3A_249, %dma_start3A_250] : memref<8x80xi32, #tpu.memory_space<vmem>> -> memref<1x80xi32, #tpu.memory_space<vmem>>
    %dma_start3A_252 = tpu.memref_squeeze %dma_start3A_251 : memref<1x80xi32, #tpu.memory_space<vmem>> -> memref<80xi32, #tpu.memory_space<vmem>>
    %dma_start3A_253 = tpu.memref_slice %arg4[%mul3A_239] : memref<320000xi32, #tpu.memory_space<hbm>> -> memref<80xi32, #tpu.memory_space<hbm>>
    %dma_start3A_254 = arith.constant 0 : i32
    %dma_start3A_255 = tpu.memref_slice %arg7[%dma_start3A_249, %dma_start3A_254] : memref<8x80xi32, #tpu.memory_space<vmem>> -> memref<1x80xi32, #tpu.memory_space<vmem>>
    %dma_start3A_256 = tpu.memref_squeeze %dma_start3A_255 : memref<1x80xi32, #tpu.memory_space<vmem>> -> memref<80xi32, #tpu.memory_space<vmem>>
    %dma_start3A_257 = tpu.memref_slice %arg4[%mul3A_239] : memref<320000xi32, #tpu.memory_space<hbm>> -> memref<80xi32, #tpu.memory_space<hbm>>
    tpu.enqueue_dma source(%dma_start3A_257 : memref<80xi32, #tpu.memory_space<hbm>>) target(%dma_start3A_256 : memref<80xi32, #tpu.memory_space<vmem>>) target_semaphore(%arg22 : memref<!tpu.dma_semaphore, #tpu.memory_space<semaphore_mem>>)
    %add3A_258 = arith.constant 6 : i32
    %add3A_259 = arith.addi %mul3A_39, %add3A_258 : i32
    %mul3A_260 = arith.constant 80 : i32
    %mul3A_261 = arith.muli %add3A_259, %mul3A_260 : i32
    %dma_start3A_262 = arith.constant 6 : i32
    %dma_start3A_263 = arith.constant 0 : i32
    %dma_start3A_264 = tpu.memref_slice %arg6[%dma_start3A_262, %dma_start3A_263] : memref<8x80xi32, #tpu.memory_space<vmem>> -> memref<1x80xi32, #tpu.memory_space<vmem>>
    %dma_start3A_265 = tpu.memref_squeeze %dma_start3A_264 : memref<1x80xi32, #tpu.memory_space<vmem>> -> memref<80xi32, #tpu.memory_space<vmem>>
    %dma_start3A_266 = tpu.memref_slice %arg3[%mul3A_261] : memref<320000xi32, #tpu.memory_space<hbm>> -> memref<80xi32, #tpu.memory_space<hbm>>
    %dma_start3A_267 = arith.constant 0 : i32
    %dma_start3A_268 = tpu.memref_slice %arg6[%dma_start3A_262, %dma_start3A_267] : memref<8x80xi32, #tpu.memory_space<vmem>> -> memref<1x80xi32, #tpu.memory_space<vmem>>
    %dma_start3A_269 = tpu.memref_squeeze %dma_start3A_268 : memref<1x80xi32, #tpu.memory_space<vmem>> -> memref<80xi32, #tpu.memory_space<vmem>>
    %dma_start3A_270 = tpu.memref_slice %arg3[%mul3A_261] : memref<320000xi32, #tpu.memory_space<hbm>> -> memref<80xi32, #tpu.memory_space<hbm>>
    tpu.enqueue_dma source(%dma_start3A_270 : memref<80xi32, #tpu.memory_space<hbm>>) target(%dma_start3A_269 : memref<80xi32, #tpu.memory_space<vmem>>) target_semaphore(%arg21 : memref<!tpu.dma_semaphore, #tpu.memory_space<semaphore_mem>>)
    %dma_start3A_271 = arith.constant 6 : i32
    %dma_start3A_272 = arith.constant 0 : i32
    %dma_start3A_273 = tpu.memref_slice %arg7[%dma_start3A_271, %dma_start3A_272] : memref<8x80xi32, #tpu.memory_space<vmem>> -> memref<1x80xi32, #tpu.memory_space<vmem>>
    %dma_start3A_274 = tpu.memref_squeeze %dma_start3A_273 : memref<1x80xi32, #tpu.memory_space<vmem>> -> memref<80xi32, #tpu.memory_space<vmem>>
    %dma_start3A_275 = tpu.memref_slice %arg4[%mul3A_261] : memref<320000xi32, #tpu.memory_space<hbm>> -> memref<80xi32, #tpu.memory_space<hbm>>
    %dma_start3A_276 = arith.constant 0 : i32
    %dma_start3A_277 = tpu.memref_slice %arg7[%dma_start3A_271, %dma_start3A_276] : memref<8x80xi32, #tpu.memory_space<vmem>> -> memref<1x80xi32, #tpu.memory_space<vmem>>
    %dma_start3A_278 = tpu.memref_squeeze %dma_start3A_277 : memref<1x80xi32, #tpu.memory_space<vmem>> -> memref<80xi32, #tpu.memory_space<vmem>>
    %dma_start3A_279 = tpu.memref_slice %arg4[%mul3A_261] : memref<320000xi32, #tpu.memory_space<hbm>> -> memref<80xi32, #tpu.memory_space<hbm>>
    tpu.enqueue_dma source(%dma_start3A_279 : memref<80xi32, #tpu.memory_space<hbm>>) target(%dma_start3A_278 : memref<80xi32, #tpu.memory_space<vmem>>) target_semaphore(%arg21 : memref<!tpu.dma_semaphore, #tpu.memory_space<semaphore_mem>>)
    %add3A_280 = arith.constant 7 : i32
    %add3A_281 = arith.addi %mul3A_39, %add3A_280 : i32
    %mul3A_282 = arith.constant 80 : i32
    %mul3A_283 = arith.muli %add3A_281, %mul3A_282 : i32
    %dma_start3A_284 = arith.constant 7 : i32
    %dma_start3A_285 = arith.constant 0 : i32
    %dma_start3A_286 = tpu.memref_slice %arg6[%dma_start3A_284, %dma_start3A_285] : memref<8x80xi32, #tpu.memory_space<vmem>> -> memref<1x80xi32, #tpu.memory_space<vmem>>
    %dma_start3A_287 = tpu.memref_squeeze %dma_start3A_286 : memref<1x80xi32, #tpu.memory_space<vmem>> -> memref<80xi32, #tpu.memory_space<vmem>>
    %dma_start3A_288 = tpu.memref_slice %arg3[%mul3A_283] : memref<320000xi32, #tpu.memory_space<hbm>> -> memref<80xi32, #tpu.memory_space<hbm>>
    %dma_start3A_289 = arith.constant 0 : i32
    %dma_start3A_290 = tpu.memref_slice %arg6[%dma_start3A_284, %dma_start3A_289] : memref<8x80xi32, #tpu.memory_space<vmem>> -> memref<1x80xi32, #tpu.memory_space<vmem>>
    %dma_start3A_291 = tpu.memref_squeeze %dma_start3A_290 : memref<1x80xi32, #tpu.memory_space<vmem>> -> memref<80xi32, #tpu.memory_space<vmem>>
    %dma_start3A_292 = tpu.memref_slice %arg3[%mul3A_283] : memref<320000xi32, #tpu.memory_space<hbm>> -> memref<80xi32, #tpu.memory_space<hbm>>
    tpu.enqueue_dma source(%dma_start3A_292 : memref<80xi32, #tpu.memory_space<hbm>>) target(%dma_start3A_291 : memref<80xi32, #tpu.memory_space<vmem>>) target_semaphore(%arg22 : memref<!tpu.dma_semaphore, #tpu.memory_space<semaphore_mem>>)
    %dma_start3A_293 = arith.constant 7 : i32
    %dma_start3A_294 = arith.constant 0 : i32
    %dma_start3A_295 = tpu.memref_slice %arg7[%dma_start3A_293, %dma_start3A_294] : memref<8x80xi32, #tpu.memory_space<vmem>> -> memref<1x80xi32, #tpu.memory_space<vmem>>
    %dma_start3A_296 = tpu.memref_squeeze %dma_start3A_295 : memref<1x80xi32, #tpu.memory_space<vmem>> -> memref<80xi32, #tpu.memory_space<vmem>>
    %dma_start3A_297 = tpu.memref_slice %arg4[%mul3A_283] : memref<320000xi32, #tpu.memory_space<hbm>> -> memref<80xi32, #tpu.memory_space<hbm>>
    %dma_start3A_298 = arith.constant 0 : i32
    %dma_start3A_299 = tpu.memref_slice %arg7[%dma_start3A_293, %dma_start3A_298] : memref<8x80xi32, #tpu.memory_space<vmem>> -> memref<1x80xi32, #tpu.memory_space<vmem>>
    %dma_start3A_300 = tpu.memref_squeeze %dma_start3A_299 : memref<1x80xi32, #tpu.memory_space<vmem>> -> memref<80xi32, #tpu.memory_space<vmem>>
    %dma_start3A_301 = tpu.memref_slice %arg4[%mul3A_283] : memref<320000xi32, #tpu.memory_space<hbm>> -> memref<80xi32, #tpu.memory_space<hbm>>
    tpu.enqueue_dma source(%dma_start3A_301 : memref<80xi32, #tpu.memory_space<hbm>>) target(%dma_start3A_300 : memref<80xi32, #tpu.memory_space<vmem>>) target_semaphore(%arg22 : memref<!tpu.dma_semaphore, #tpu.memory_space<semaphore_mem>>)
    %dma_start3A_302 = arith.constant 0 : i32
    %dma_start3A_303 = arith.constant 0 : i32
    %dma_start3A_304 = tpu.memref_slice %arg6[%dma_start3A_302, %dma_start3A_303] : memref<8x80xi32, #tpu.memory_space<vmem>> -> memref<1x80xi32, #tpu.memory_space<vmem>>
    %dma_start3A_305 = tpu.memref_squeeze %dma_start3A_304 : memref<1x80xi32, #tpu.memory_space<vmem>> -> memref<80xi32, #tpu.memory_space<vmem>>
    %dma_start3A_306 = arith.constant 0 : i32
    %dma_start3A_307 = arith.constant 0 : i32
    %dma_start3A_308 = tpu.memref_slice %arg2[%dma_start3A_306, %dma_start3A_307] : memref<10000x80xf32, #tpu.memory_space<hbm>> -> memref<10000x80xf32, #tpu.memory_space<hbm>>
    tpu.enqueue_indirect_dma source(%dma_start3A_308 : memref<10000x80xf32, #tpu.memory_space<hbm>>) target(%arg8 : memref<80x80xf32, #tpu.memory_space<vmem>>) offsets(%dma_start3A_305 : memref<80xi32, #tpu.memory_space<vmem>>) semaphore(%arg13 : memref<!tpu.dma_semaphore, #tpu.memory_space<semaphore_mem>>)
    %dma_start3A_309 = arith.constant 1 : i32
    %dma_start3A_310 = arith.constant 0 : i32
    %dma_start3A_311 = tpu.memref_slice %arg6[%dma_start3A_309, %dma_start3A_310] : memref<8x80xi32, #tpu.memory_space<vmem>> -> memref<1x80xi32, #tpu.memory_space<vmem>>
    %dma_start3A_312 = tpu.memref_squeeze %dma_start3A_311 : memref<1x80xi32, #tpu.memory_space<vmem>> -> memref<80xi32, #tpu.memory_space<vmem>>
    %dma_start3A_313 = arith.constant 0 : i32
    %dma_start3A_314 = arith.constant 0 : i32
    %dma_start3A_315 = tpu.memref_slice %arg2[%dma_start3A_313, %dma_start3A_314] : memref<10000x80xf32, #tpu.memory_space<hbm>> -> memref<10000x80xf32, #tpu.memory_space<hbm>>
    tpu.enqueue_indirect_dma source(%dma_start3A_315 : memref<10000x80xf32, #tpu.memory_space<hbm>>) target(%arg9 : memref<80x80xf32, #tpu.memory_space<vmem>>) offsets(%dma_start3A_312 : memref<80xi32, #tpu.memory_space<vmem>>) semaphore(%arg14 : memref<!tpu.dma_semaphore, #tpu.memory_space<semaphore_mem>>)
    %dma_start3A_316 = arith.constant 2 : i32
    %dma_start3A_317 = arith.constant 0 : i32
    %dma_start3A_318 = tpu.memref_slice %arg6[%dma_start3A_316, %dma_start3A_317] : memref<8x80xi32, #tpu.memory_space<vmem>> -> memref<1x80xi32, #tpu.memory_space<vmem>>
    %dma_start3A_319 = tpu.memref_squeeze %dma_start3A_318 : memref<1x80xi32, #tpu.memory_space<vmem>> -> memref<80xi32, #tpu.memory_space<vmem>>
    %dma_start3A_320 = arith.constant 0 : i32
    %dma_start3A_321 = arith.constant 0 : i32
    %dma_start3A_322 = tpu.memref_slice %arg2[%dma_start3A_320, %dma_start3A_321] : memref<10000x80xf32, #tpu.memory_space<hbm>> -> memref<10000x80xf32, #tpu.memory_space<hbm>>
    tpu.enqueue_indirect_dma source(%dma_start3A_322 : memref<10000x80xf32, #tpu.memory_space<hbm>>) target(%arg10 : memref<80x80xf32, #tpu.memory_space<vmem>>) offsets(%dma_start3A_319 : memref<80xi32, #tpu.memory_space<vmem>>) semaphore(%arg15 : memref<!tpu.dma_semaphore, #tpu.memory_space<semaphore_mem>>)
    %dma_start3A_323 = arith.constant 3 : i32
    %dma_start3A_324 = arith.constant 0 : i32
    %dma_start3A_325 = tpu.memref_slice %arg6[%dma_start3A_323, %dma_start3A_324] : memref<8x80xi32, #tpu.memory_space<vmem>> -> memref<1x80xi32, #tpu.memory_space<vmem>>
    %dma_start3A_326 = tpu.memref_squeeze %dma_start3A_325 : memref<1x80xi32, #tpu.memory_space<vmem>> -> memref<80xi32, #tpu.memory_space<vmem>>
    %dma_start3A_327 = arith.constant 0 : i32
    %dma_start3A_328 = arith.constant 0 : i32
    %dma_start3A_329 = tpu.memref_slice %arg2[%dma_start3A_327, %dma_start3A_328] : memref<10000x80xf32, #tpu.memory_space<hbm>> -> memref<10000x80xf32, #tpu.memory_space<hbm>>
    tpu.enqueue_indirect_dma source(%dma_start3A_329 : memref<10000x80xf32, #tpu.memory_space<hbm>>) target(%arg11 : memref<80x80xf32, #tpu.memory_space<vmem>>) offsets(%dma_start3A_326 : memref<80xi32, #tpu.memory_space<vmem>>) semaphore(%arg16 : memref<!tpu.dma_semaphore, #tpu.memory_space<semaphore_mem>>)
    %scan3A_330 = arith.constant 0 : i32
    %scan3A_331 = arith.constant 0 : i32
    %scan3A_332 = arith.constant 31 : i32
    %scan3A_333 = arith.addi %scan3A_331, %scan3A_332 : i32
    %scan3A_334 = arith.constant 1 : i32
    scf.for %scan3A_389 = %scan3A_331 to %scan3A_333 step %scan3A_334  : i32 {
      %mul3A_390 = arith.constant 4 : i32
      %mul3A_391 = arith.muli %mul3A_390, %scan3A_389 : i32
      %add3A_392 = arith.constant 0 : i32
      %add3A_393 = arith.addi %mul3A_391, %add3A_392 : i32
      %rem3A_394 = arith.constant 8 : i32
      %rem3A_395 = arith.remsi %add3A_393, %rem3A_394 : i32
      %add3A_396 = arith.constant 4 : i32
      %add3A_397 = arith.addi %add3A_393, %add3A_396 : i32
      %rem3A_398 = arith.constant 8 : i32
      %rem3A_399 = arith.remsi %add3A_397, %rem3A_398 : i32
      %dma_wait3A_400 = arith.constant 0 : i32
      %dma_wait3A_401 = tpu.memref_slice %arg6[%rem3A_395, %dma_wait3A_400] : memref<8x80xi32, #tpu.memory_space<vmem>> -> memref<1x80xi32, #tpu.memory_space<vmem>>
      %dma_wait3A_402 = tpu.memref_squeeze %dma_wait3A_401 : memref<1x80xi32, #tpu.memory_space<vmem>> -> memref<80xi32, #tpu.memory_space<vmem>>
      %dma_wait3A_403 = arith.constant 0 : i32
      %dma_wait3A_404 = arith.constant 0 : i32
      %dma_wait3A_405 = tpu.memref_slice %arg2[%dma_wait3A_403, %dma_wait3A_404] : memref<10000x80xf32, #tpu.memory_space<hbm>> -> memref<10000x80xf32, #tpu.memory_space<hbm>>
      tpu.wait_indirect_dma semaphore(%arg13 : memref<!tpu.dma_semaphore, #tpu.memory_space<semaphore_mem>>) src(%dma_wait3A_405 : memref<10000x80xf32, #tpu.memory_space<hbm>>) dst(%arg8 : memref<80x80xf32, #tpu.memory_space<vmem>>)
      %dma_start3A_406 = arith.constant 0 : i32
      %dma_start3A_407 = tpu.memref_slice %arg7[%rem3A_395, %dma_start3A_406] : memref<8x80xi32, #tpu.memory_space<vmem>> -> memref<1x80xi32, #tpu.memory_space<vmem>>
      %dma_start3A_408 = tpu.memref_squeeze %dma_start3A_407 : memref<1x80xi32, #tpu.memory_space<vmem>> -> memref<80xi32, #tpu.memory_space<vmem>>
      %dma_start3A_409 = arith.constant 0 : i32
      %dma_start3A_410 = arith.constant 0 : i32
      %dma_start3A_411 = tpu.memref_slice %arg12[%dma_start3A_409, %dma_start3A_410] : memref<10240x80xf32, #tpu.memory_space<vmem_shared>> -> memref<10240x80xf32, #tpu.memory_space<vmem_shared>>
      tpu.enqueue_indirect_dma source(%arg8 : memref<80x80xf32, #tpu.memory_space<vmem>>) target(%dma_start3A_411 : memref<10240x80xf32, #tpu.memory_space<vmem_shared>>) offsets(%dma_start3A_408 : memref<80xi32, #tpu.memory_space<vmem>>) semaphore(%arg17 : memref<!tpu.dma_semaphore, #tpu.memory_space<semaphore_mem>>) {add = true}
      %dma_wait3A_412 = arith.constant 0 : i32
      %dma_wait3A_413 = tpu.memref_slice %arg7[%rem3A_395, %dma_wait3A_412] : memref<8x80xi32, #tpu.memory_space<vmem>> -> memref<1x80xi32, #tpu.memory_space<vmem>>
      %dma_wait3A_414 = tpu.memref_squeeze %dma_wait3A_413 : memref<1x80xi32, #tpu.memory_space<vmem>> -> memref<80xi32, #tpu.memory_space<vmem>>
      %dma_wait3A_415 = arith.constant 0 : i32
      %dma_wait3A_416 = arith.constant 0 : i32
      %dma_wait3A_417 = tpu.memref_slice %arg12[%dma_wait3A_415, %dma_wait3A_416] : memref<10240x80xf32, #tpu.memory_space<vmem_shared>> -> memref<10240x80xf32, #tpu.memory_space<vmem_shared>>
      tpu.wait_indirect_dma semaphore(%arg17 : memref<!tpu.dma_semaphore, #tpu.memory_space<semaphore_mem>>) src(%arg8 : memref<80x80xf32, #tpu.memory_space<vmem>>) dst(%dma_wait3A_417 : memref<10240x80xf32, #tpu.memory_space<vmem_shared>>)
      %add3A_418 = arith.constant 4 : i32
      %add3A_419 = arith.addi %add3A_393, %add3A_418 : i32
      %lt3A = arith.constant 125 : i32
      %lt3A_420 = arith.cmpi slt, %add3A_419, %lt3A : i32
      %convert_element_type3A = arith.extui %lt3A_420 : i1 to i32
      %cond3A = arith.constant 0 : i32
      %cond3A_421 = arith.cmpi ne, %convert_element_type3A, %cond3A : i32
      scf.if %cond3A_421 {
        %dma_wait3A_549 = arith.constant 0 : i32
        %dma_wait3A_550 = tpu.memref_slice %arg6[%rem3A_399, %dma_wait3A_549] : memref<8x80xi32, #tpu.memory_space<vmem>> -> memref<1x80xi32, #tpu.memory_space<vmem>>
        %dma_wait3A_551 = tpu.memref_squeeze %dma_wait3A_550 : memref<1x80xi32, #tpu.memory_space<vmem>> -> memref<80xi32, #tpu.memory_space<vmem>>
        %dma_wait3A_552 = arith.constant 0 : i32
        %dma_wait3A_553 = tpu.memref_slice %arg3[%dma_wait3A_552] : memref<320000xi32, #tpu.memory_space<hbm>> -> memref<80xi32, #tpu.memory_space<hbm>>
        %dma_wait3A_554 = arith.constant 0 : i32
        %dma_wait3A_555 = tpu.memref_slice %arg6[%rem3A_399, %dma_wait3A_554] : memref<8x80xi32, #tpu.memory_space<vmem>> -> memref<1x80xi32, #tpu.memory_space<vmem>>
        %dma_wait3A_556 = tpu.memref_squeeze %dma_wait3A_555 : memref<1x80xi32, #tpu.memory_space<vmem>> -> memref<80xi32, #tpu.memory_space<vmem>>
        %dma_wait3A_557 = arith.constant 0 : i32
        %dma_wait3A_558 = tpu.memref_slice %arg3[%dma_wait3A_557] : memref<320000xi32, #tpu.memory_space<hbm>> -> memref<80xi32, #tpu.memory_space<hbm>>
        tpu.wait_dma2 semaphore(%arg21 : memref<!tpu.dma_semaphore, #tpu.memory_space<semaphore_mem>>) src(%dma_wait3A_558 : memref<80xi32, #tpu.memory_space<hbm>>) dst(%dma_wait3A_556 : memref<80xi32, #tpu.memory_space<vmem>>)
        %dma_wait3A_559 = arith.constant 0 : i32
        %dma_wait3A_560 = tpu.memref_slice %arg7[%rem3A_399, %dma_wait3A_559] : memref<8x80xi32, #tpu.memory_space<vmem>> -> memref<1x80xi32, #tpu.memory_space<vmem>>
        %dma_wait3A_561 = tpu.memref_squeeze %dma_wait3A_560 : memref<1x80xi32, #tpu.memory_space<vmem>> -> memref<80xi32, #tpu.memory_space<vmem>>
        %dma_wait3A_562 = arith.constant 0 : i32
        %dma_wait3A_563 = tpu.memref_slice %arg4[%dma_wait3A_562] : memref<320000xi32, #tpu.memory_space<hbm>> -> memref<80xi32, #tpu.memory_space<hbm>>
        %dma_wait3A_564 = arith.constant 0 : i32
        %dma_wait3A_565 = tpu.memref_slice %arg7[%rem3A_399, %dma_wait3A_564] : memref<8x80xi32, #tpu.memory_space<vmem>> -> memref<1x80xi32, #tpu.memory_space<vmem>>
        %dma_wait3A_566 = tpu.memref_squeeze %dma_wait3A_565 : memref<1x80xi32, #tpu.memory_space<vmem>> -> memref<80xi32, #tpu.memory_space<vmem>>
        %dma_wait3A_567 = arith.constant 0 : i32
        %dma_wait3A_568 = tpu.memref_slice %arg4[%dma_wait3A_567] : memref<320000xi32, #tpu.memory_space<hbm>> -> memref<80xi32, #tpu.memory_space<hbm>>
        tpu.wait_dma2 semaphore(%arg21 : memref<!tpu.dma_semaphore, #tpu.memory_space<semaphore_mem>>) src(%dma_wait3A_568 : memref<80xi32, #tpu.memory_space<hbm>>) dst(%dma_wait3A_566 : memref<80xi32, #tpu.memory_space<vmem>>)
        %dma_start3A_569 = arith.constant 0 : i32
        %dma_start3A_570 = tpu.memref_slice %arg6[%rem3A_399, %dma_start3A_569] : memref<8x80xi32, #tpu.memory_space<vmem>> -> memref<1x80xi32, #tpu.memory_space<vmem>>
        %dma_start3A_571 = tpu.memref_squeeze %dma_start3A_570 : memref<1x80xi32, #tpu.memory_space<vmem>> -> memref<80xi32, #tpu.memory_space<vmem>>
        %dma_start3A_572 = arith.constant 0 : i32
        %dma_start3A_573 = arith.constant 0 : i32
        %dma_start3A_574 = tpu.memref_slice %arg2[%dma_start3A_572, %dma_start3A_573] : memref<10000x80xf32, #tpu.memory_space<hbm>> -> memref<10000x80xf32, #tpu.memory_space<hbm>>
        tpu.enqueue_indirect_dma source(%dma_start3A_574 : memref<10000x80xf32, #tpu.memory_space<hbm>>) target(%arg8 : memref<80x80xf32, #tpu.memory_space<vmem>>) offsets(%dma_start3A_571 : memref<80xi32, #tpu.memory_space<vmem>>) semaphore(%arg13 : memref<!tpu.dma_semaphore, #tpu.memory_space<semaphore_mem>>)
      } else {
      }
      %add3A_422 = arith.constant 8 : i32
      %add3A_423 = arith.addi %add3A_393, %add3A_422 : i32
      %lt3A_424 = arith.constant 125 : i32
      %lt3A_425 = arith.cmpi slt, %add3A_423, %lt3A_424 : i32
      %convert_element_type3A_426 = arith.extui %lt3A_425 : i1 to i32
      %cond3A_427 = arith.constant 0 : i32
      %cond3A_428 = arith.cmpi ne, %convert_element_type3A_426, %cond3A_427 : i32
      scf.if %cond3A_428 {
        %add3A_549 = arith.constant 8 : i32
        %add3A_550 = arith.addi %add3A_393, %add3A_549 : i32
        %add3A_551 = arith.addi %mul3A_39, %add3A_550 : i32
        %mul3A_552 = arith.constant 80 : i32
        %mul3A_553 = arith.muli %add3A_551, %mul3A_552 : i32
        %dma_start3A_554 = arith.constant 0 : i32
        %dma_start3A_555 = tpu.memref_slice %arg6[%rem3A_395, %dma_start3A_554] : memref<8x80xi32, #tpu.memory_space<vmem>> -> memref<1x80xi32, #tpu.memory_space<vmem>>
        %dma_start3A_556 = tpu.memref_squeeze %dma_start3A_555 : memref<1x80xi32, #tpu.memory_space<vmem>> -> memref<80xi32, #tpu.memory_space<vmem>>
        %dma_start3A_557 = tpu.memref_slice %arg3[%mul3A_553] : memref<320000xi32, #tpu.memory_space<hbm>> -> memref<80xi32, #tpu.memory_space<hbm>>
        %dma_start3A_558 = arith.constant 0 : i32
        %dma_start3A_559 = tpu.memref_slice %arg6[%rem3A_395, %dma_start3A_558] : memref<8x80xi32, #tpu.memory_space<vmem>> -> memref<1x80xi32, #tpu.memory_space<vmem>>
        %dma_start3A_560 = tpu.memref_squeeze %dma_start3A_559 : memref<1x80xi32, #tpu.memory_space<vmem>> -> memref<80xi32, #tpu.memory_space<vmem>>
        %dma_start3A_561 = tpu.memref_slice %arg3[%mul3A_553] : memref<320000xi32, #tpu.memory_space<hbm>> -> memref<80xi32, #tpu.memory_space<hbm>>
        tpu.enqueue_dma source(%dma_start3A_561 : memref<80xi32, #tpu.memory_space<hbm>>) target(%dma_start3A_560 : memref<80xi32, #tpu.memory_space<vmem>>) target_semaphore(%arg21 : memref<!tpu.dma_semaphore, #tpu.memory_space<semaphore_mem>>)
        %dma_start3A_562 = arith.constant 0 : i32
        %dma_start3A_563 = tpu.memref_slice %arg7[%rem3A_395, %dma_start3A_562] : memref<8x80xi32, #tpu.memory_space<vmem>> -> memref<1x80xi32, #tpu.memory_space<vmem>>
        %dma_start3A_564 = tpu.memref_squeeze %dma_start3A_563 : memref<1x80xi32, #tpu.memory_space<vmem>> -> memref<80xi32, #tpu.memory_space<vmem>>
        %dma_start3A_565 = tpu.memref_slice %arg4[%mul3A_553] : memref<320000xi32, #tpu.memory_space<hbm>> -> memref<80xi32, #tpu.memory_space<hbm>>
        %dma_start3A_566 = arith.constant 0 : i32
        %dma_start3A_567 = tpu.memref_slice %arg7[%rem3A_395, %dma_start3A_566] : memref<8x80xi32, #tpu.memory_space<vmem>> -> memref<1x80xi32, #tpu.memory_space<vmem>>
        %dma_start3A_568 = tpu.memref_squeeze %dma_start3A_567 : memref<1x80xi32, #tpu.memory_space<vmem>> -> memref<80xi32, #tpu.memory_space<vmem>>
        %dma_start3A_569 = tpu.memref_slice %arg4[%mul3A_553] : memref<320000xi32, #tpu.memory_space<hbm>> -> memref<80xi32, #tpu.memory_space<hbm>>
        tpu.enqueue_dma source(%dma_start3A_569 : memref<80xi32, #tpu.memory_space<hbm>>) target(%dma_start3A_568 : memref<80xi32, #tpu.memory_space<vmem>>) target_semaphore(%arg21 : memref<!tpu.dma_semaphore, #tpu.memory_space<semaphore_mem>>)
      } else {
      }
      %add3A_429 = arith.constant 1 : i32
      %add3A_430 = arith.addi %mul3A_391, %add3A_429 : i32
      %rem3A_431 = arith.constant 8 : i32
      %rem3A_432 = arith.remsi %add3A_430, %rem3A_431 : i32
      %add3A_433 = arith.constant 4 : i32
      %add3A_434 = arith.addi %add3A_430, %add3A_433 : i32
      %rem3A_435 = arith.constant 8 : i32
      %rem3A_436 = arith.remsi %add3A_434, %rem3A_435 : i32
      %dma_wait3A_437 = arith.constant 0 : i32
      %dma_wait3A_438 = tpu.memref_slice %arg6[%rem3A_432, %dma_wait3A_437] : memref<8x80xi32, #tpu.memory_space<vmem>> -> memref<1x80xi32, #tpu.memory_space<vmem>>
      %dma_wait3A_439 = tpu.memref_squeeze %dma_wait3A_438 : memref<1x80xi32, #tpu.memory_space<vmem>> -> memref<80xi32, #tpu.memory_space<vmem>>
      %dma_wait3A_440 = arith.constant 0 : i32
      %dma_wait3A_441 = arith.constant 0 : i32
      %dma_wait3A_442 = tpu.memref_slice %arg2[%dma_wait3A_440, %dma_wait3A_441] : memref<10000x80xf32, #tpu.memory_space<hbm>> -> memref<10000x80xf32, #tpu.memory_space<hbm>>
      tpu.wait_indirect_dma semaphore(%arg14 : memref<!tpu.dma_semaphore, #tpu.memory_space<semaphore_mem>>) src(%dma_wait3A_442 : memref<10000x80xf32, #tpu.memory_space<hbm>>) dst(%arg9 : memref<80x80xf32, #tpu.memory_space<vmem>>)
      %dma_start3A_443 = arith.constant 0 : i32
      %dma_start3A_444 = tpu.memref_slice %arg7[%rem3A_432, %dma_start3A_443] : memref<8x80xi32, #tpu.memory_space<vmem>> -> memref<1x80xi32, #tpu.memory_space<vmem>>
      %dma_start3A_445 = tpu.memref_squeeze %dma_start3A_444 : memref<1x80xi32, #tpu.memory_space<vmem>> -> memref<80xi32, #tpu.memory_space<vmem>>
      %dma_start3A_446 = arith.constant 0 : i32
      %dma_start3A_447 = arith.constant 0 : i32
      %dma_start3A_448 = tpu.memref_slice %arg12[%dma_start3A_446, %dma_start3A_447] : memref<10240x80xf32, #tpu.memory_space<vmem_shared>> -> memref<10240x80xf32, #tpu.memory_space<vmem_shared>>
      tpu.enqueue_indirect_dma source(%arg9 : memref<80x80xf32, #tpu.memory_space<vmem>>) target(%dma_start3A_448 : memref<10240x80xf32, #tpu.memory_space<vmem_shared>>) offsets(%dma_start3A_445 : memref<80xi32, #tpu.memory_space<vmem>>) semaphore(%arg18 : memref<!tpu.dma_semaphore, #tpu.memory_space<semaphore_mem>>) {add = true}
      %dma_wait3A_449 = arith.constant 0 : i32
      %dma_wait3A_450 = tpu.memref_slice %arg7[%rem3A_432, %dma_wait3A_449] : memref<8x80xi32, #tpu.memory_space<vmem>> -> memref<1x80xi32, #tpu.memory_space<vmem>>
      %dma_wait3A_451 = tpu.memref_squeeze %dma_wait3A_450 : memref<1x80xi32, #tpu.memory_space<vmem>> -> memref<80xi32, #tpu.memory_space<vmem>>
      %dma_wait3A_452 = arith.constant 0 : i32
      %dma_wait3A_453 = arith.constant 0 : i32
      %dma_wait3A_454 = tpu.memref_slice %arg12[%dma_wait3A_452, %dma_wait3A_453] : memref<10240x80xf32, #tpu.memory_space<vmem_shared>> -> memref<10240x80xf32, #tpu.memory_space<vmem_shared>>
      tpu.wait_indirect_dma semaphore(%arg18 : memref<!tpu.dma_semaphore, #tpu.memory_space<semaphore_mem>>) src(%arg9 : memref<80x80xf32, #tpu.memory_space<vmem>>) dst(%dma_wait3A_454 : memref<10240x80xf32, #tpu.memory_space<vmem_shared>>)
      %add3A_455 = arith.constant 4 : i32
      %add3A_456 = arith.addi %add3A_430, %add3A_455 : i32
      %lt3A_457 = arith.constant 125 : i32
      %lt3A_458 = arith.cmpi slt, %add3A_456, %lt3A_457 : i32
      %convert_element_type3A_459 = arith.extui %lt3A_458 : i1 to i32
      %cond3A_460 = arith.constant 0 : i32
      %cond3A_461 = arith.cmpi ne, %convert_element_type3A_459, %cond3A_460 : i32
      scf.if %cond3A_461 {
        %dma_wait3A_549 = arith.constant 0 : i32
        %dma_wait3A_550 = tpu.memref_slice %arg6[%rem3A_436, %dma_wait3A_549] : memref<8x80xi32, #tpu.memory_space<vmem>> -> memref<1x80xi32, #tpu.memory_space<vmem>>
        %dma_wait3A_551 = tpu.memref_squeeze %dma_wait3A_550 : memref<1x80xi32, #tpu.memory_space<vmem>> -> memref<80xi32, #tpu.memory_space<vmem>>
        %dma_wait3A_552 = arith.constant 0 : i32
        %dma_wait3A_553 = tpu.memref_slice %arg3[%dma_wait3A_552] : memref<320000xi32, #tpu.memory_space<hbm>> -> memref<80xi32, #tpu.memory_space<hbm>>
        %dma_wait3A_554 = arith.constant 0 : i32
        %dma_wait3A_555 = tpu.memref_slice %arg6[%rem3A_436, %dma_wait3A_554] : memref<8x80xi32, #tpu.memory_space<vmem>> -> memref<1x80xi32, #tpu.memory_space<vmem>>
        %dma_wait3A_556 = tpu.memref_squeeze %dma_wait3A_555 : memref<1x80xi32, #tpu.memory_space<vmem>> -> memref<80xi32, #tpu.memory_space<vmem>>
        %dma_wait3A_557 = arith.constant 0 : i32
        %dma_wait3A_558 = tpu.memref_slice %arg3[%dma_wait3A_557] : memref<320000xi32, #tpu.memory_space<hbm>> -> memref<80xi32, #tpu.memory_space<hbm>>
        tpu.wait_dma2 semaphore(%arg22 : memref<!tpu.dma_semaphore, #tpu.memory_space<semaphore_mem>>) src(%dma_wait3A_558 : memref<80xi32, #tpu.memory_space<hbm>>) dst(%dma_wait3A_556 : memref<80xi32, #tpu.memory_space<vmem>>)
        %dma_wait3A_559 = arith.constant 0 : i32
        %dma_wait3A_560 = tpu.memref_slice %arg7[%rem3A_436, %dma_wait3A_559] : memref<8x80xi32, #tpu.memory_space<vmem>> -> memref<1x80xi32, #tpu.memory_space<vmem>>
        %dma_wait3A_561 = tpu.memref_squeeze %dma_wait3A_560 : memref<1x80xi32, #tpu.memory_space<vmem>> -> memref<80xi32, #tpu.memory_space<vmem>>
        %dma_wait3A_562 = arith.constant 0 : i32
        %dma_wait3A_563 = tpu.memref_slice %arg4[%dma_wait3A_562] : memref<320000xi32, #tpu.memory_space<hbm>> -> memref<80xi32, #tpu.memory_space<hbm>>
        %dma_wait3A_564 = arith.constant 0 : i32
        %dma_wait3A_565 = tpu.memref_slice %arg7[%rem3A_436, %dma_wait3A_564] : memref<8x80xi32, #tpu.memory_space<vmem>> -> memref<1x80xi32, #tpu.memory_space<vmem>>
        %dma_wait3A_566 = tpu.memref_squeeze %dma_wait3A_565 : memref<1x80xi32, #tpu.memory_space<vmem>> -> memref<80xi32, #tpu.memory_space<vmem>>
        %dma_wait3A_567 = arith.constant 0 : i32
        %dma_wait3A_568 = tpu.memref_slice %arg4[%dma_wait3A_567] : memref<320000xi32, #tpu.memory_space<hbm>> -> memref<80xi32, #tpu.memory_space<hbm>>
        tpu.wait_dma2 semaphore(%arg22 : memref<!tpu.dma_semaphore, #tpu.memory_space<semaphore_mem>>) src(%dma_wait3A_568 : memref<80xi32, #tpu.memory_space<hbm>>) dst(%dma_wait3A_566 : memref<80xi32, #tpu.memory_space<vmem>>)
        %dma_start3A_569 = arith.constant 0 : i32
        %dma_start3A_570 = tpu.memref_slice %arg6[%rem3A_436, %dma_start3A_569] : memref<8x80xi32, #tpu.memory_space<vmem>> -> memref<1x80xi32, #tpu.memory_space<vmem>>
        %dma_start3A_571 = tpu.memref_squeeze %dma_start3A_570 : memref<1x80xi32, #tpu.memory_space<vmem>> -> memref<80xi32, #tpu.memory_space<vmem>>
        %dma_start3A_572 = arith.constant 0 : i32
        %dma_start3A_573 = arith.constant 0 : i32
        %dma_start3A_574 = tpu.memref_slice %arg2[%dma_start3A_572, %dma_start3A_573] : memref<10000x80xf32, #tpu.memory_space<hbm>> -> memref<10000x80xf32, #tpu.memory_space<hbm>>
        tpu.enqueue_indirect_dma source(%dma_start3A_574 : memref<10000x80xf32, #tpu.memory_space<hbm>>) target(%arg9 : memref<80x80xf32, #tpu.memory_space<vmem>>) offsets(%dma_start3A_571 : memref<80xi32, #tpu.memory_space<vmem>>) semaphore(%arg14 : memref<!tpu.dma_semaphore, #tpu.memory_space<semaphore_mem>>)
      } else {
      }
      %add3A_462 = arith.constant 8 : i32
      %add3A_463 = arith.addi %add3A_430, %add3A_462 : i32
      %lt3A_464 = arith.constant 125 : i32
      %lt3A_465 = arith.cmpi slt, %add3A_463, %lt3A_464 : i32
      %convert_element_type3A_466 = arith.extui %lt3A_465 : i1 to i32
      %cond3A_467 = arith.constant 0 : i32
      %cond3A_468 = arith.cmpi ne, %convert_element_type3A_466, %cond3A_467 : i32
      scf.if %cond3A_468 {
        %add3A_549 = arith.constant 8 : i32
        %add3A_550 = arith.addi %add3A_430, %add3A_549 : i32
        %add3A_551 = arith.addi %mul3A_39, %add3A_550 : i32
        %mul3A_552 = arith.constant 80 : i32
        %mul3A_553 = arith.muli %add3A_551, %mul3A_552 : i32
        %dma_start3A_554 = arith.constant 0 : i32
        %dma_start3A_555 = tpu.memref_slice %arg6[%rem3A_432, %dma_start3A_554] : memref<8x80xi32, #tpu.memory_space<vmem>> -> memref<1x80xi32, #tpu.memory_space<vmem>>
        %dma_start3A_556 = tpu.memref_squeeze %dma_start3A_555 : memref<1x80xi32, #tpu.memory_space<vmem>> -> memref<80xi32, #tpu.memory_space<vmem>>
        %dma_start3A_557 = tpu.memref_slice %arg3[%mul3A_553] : memref<320000xi32, #tpu.memory_space<hbm>> -> memref<80xi32, #tpu.memory_space<hbm>>
        %dma_start3A_558 = arith.constant 0 : i32
        %dma_start3A_559 = tpu.memref_slice %arg6[%rem3A_432, %dma_start3A_558] : memref<8x80xi32, #tpu.memory_space<vmem>> -> memref<1x80xi32, #tpu.memory_space<vmem>>
        %dma_start3A_560 = tpu.memref_squeeze %dma_start3A_559 : memref<1x80xi32, #tpu.memory_space<vmem>> -> memref<80xi32, #tpu.memory_space<vmem>>
        %dma_start3A_561 = tpu.memref_slice %arg3[%mul3A_553] : memref<320000xi32, #tpu.memory_space<hbm>> -> memref<80xi32, #tpu.memory_space<hbm>>
        tpu.enqueue_dma source(%dma_start3A_561 : memref<80xi32, #tpu.memory_space<hbm>>) target(%dma_start3A_560 : memref<80xi32, #tpu.memory_space<vmem>>) target_semaphore(%arg22 : memref<!tpu.dma_semaphore, #tpu.memory_space<semaphore_mem>>)
        %dma_start3A_562 = arith.constant 0 : i32
        %dma_start3A_563 = tpu.memref_slice %arg7[%rem3A_432, %dma_start3A_562] : memref<8x80xi32, #tpu.memory_space<vmem>> -> memref<1x80xi32, #tpu.memory_space<vmem>>
        %dma_start3A_564 = tpu.memref_squeeze %dma_start3A_563 : memref<1x80xi32, #tpu.memory_space<vmem>> -> memref<80xi32, #tpu.memory_space<vmem>>
        %dma_start3A_565 = tpu.memref_slice %arg4[%mul3A_553] : memref<320000xi32, #tpu.memory_space<hbm>> -> memref<80xi32, #tpu.memory_space<hbm>>
        %dma_start3A_566 = arith.constant 0 : i32
        %dma_start3A_567 = tpu.memref_slice %arg7[%rem3A_432, %dma_start3A_566] : memref<8x80xi32, #tpu.memory_space<vmem>> -> memref<1x80xi32, #tpu.memory_space<vmem>>
        %dma_start3A_568 = tpu.memref_squeeze %dma_start3A_567 : memref<1x80xi32, #tpu.memory_space<vmem>> -> memref<80xi32, #tpu.memory_space<vmem>>
        %dma_start3A_569 = tpu.memref_slice %arg4[%mul3A_553] : memref<320000xi32, #tpu.memory_space<hbm>> -> memref<80xi32, #tpu.memory_space<hbm>>
        tpu.enqueue_dma source(%dma_start3A_569 : memref<80xi32, #tpu.memory_space<hbm>>) target(%dma_start3A_568 : memref<80xi32, #tpu.memory_space<vmem>>) target_semaphore(%arg22 : memref<!tpu.dma_semaphore, #tpu.memory_space<semaphore_mem>>)
      } else {
      }
      %add3A_469 = arith.constant 2 : i32
      %add3A_470 = arith.addi %mul3A_391, %add3A_469 : i32
      %rem3A_471 = arith.constant 8 : i32
      %rem3A_472 = arith.remsi %add3A_470, %rem3A_471 : i32
      %add3A_473 = arith.constant 4 : i32
      %add3A_474 = arith.addi %add3A_470, %add3A_473 : i32
      %rem3A_475 = arith.constant 8 : i32
      %rem3A_476 = arith.remsi %add3A_474, %rem3A_475 : i32
      %dma_wait3A_477 = arith.constant 0 : i32
      %dma_wait3A_478 = tpu.memref_slice %arg6[%rem3A_472, %dma_wait3A_477] : memref<8x80xi32, #tpu.memory_space<vmem>> -> memref<1x80xi32, #tpu.memory_space<vmem>>
      %dma_wait3A_479 = tpu.memref_squeeze %dma_wait3A_478 : memref<1x80xi32, #tpu.memory_space<vmem>> -> memref<80xi32, #tpu.memory_space<vmem>>
      %dma_wait3A_480 = arith.constant 0 : i32
      %dma_wait3A_481 = arith.constant 0 : i32
      %dma_wait3A_482 = tpu.memref_slice %arg2[%dma_wait3A_480, %dma_wait3A_481] : memref<10000x80xf32, #tpu.memory_space<hbm>> -> memref<10000x80xf32, #tpu.memory_space<hbm>>
      tpu.wait_indirect_dma semaphore(%arg15 : memref<!tpu.dma_semaphore, #tpu.memory_space<semaphore_mem>>) src(%dma_wait3A_482 : memref<10000x80xf32, #tpu.memory_space<hbm>>) dst(%arg10 : memref<80x80xf32, #tpu.memory_space<vmem>>)
      %dma_start3A_483 = arith.constant 0 : i32
      %dma_start3A_484 = tpu.memref_slice %arg7[%rem3A_472, %dma_start3A_483] : memref<8x80xi32, #tpu.memory_space<vmem>> -> memref<1x80xi32, #tpu.memory_space<vmem>>
      %dma_start3A_485 = tpu.memref_squeeze %dma_start3A_484 : memref<1x80xi32, #tpu.memory_space<vmem>> -> memref<80xi32, #tpu.memory_space<vmem>>
      %dma_start3A_486 = arith.constant 0 : i32
      %dma_start3A_487 = arith.constant 0 : i32
      %dma_start3A_488 = tpu.memref_slice %arg12[%dma_start3A_486, %dma_start3A_487] : memref<10240x80xf32, #tpu.memory_space<vmem_shared>> -> memref<10240x80xf32, #tpu.memory_space<vmem_shared>>
      tpu.enqueue_indirect_dma source(%arg10 : memref<80x80xf32, #tpu.memory_space<vmem>>) target(%dma_start3A_488 : memref<10240x80xf32, #tpu.memory_space<vmem_shared>>) offsets(%dma_start3A_485 : memref<80xi32, #tpu.memory_space<vmem>>) semaphore(%arg19 : memref<!tpu.dma_semaphore, #tpu.memory_space<semaphore_mem>>) {add = true}
      %dma_wait3A_489 = arith.constant 0 : i32
      %dma_wait3A_490 = tpu.memref_slice %arg7[%rem3A_472, %dma_wait3A_489] : memref<8x80xi32, #tpu.memory_space<vmem>> -> memref<1x80xi32, #tpu.memory_space<vmem>>
      %dma_wait3A_491 = tpu.memref_squeeze %dma_wait3A_490 : memref<1x80xi32, #tpu.memory_space<vmem>> -> memref<80xi32, #tpu.memory_space<vmem>>
      %dma_wait3A_492 = arith.constant 0 : i32
      %dma_wait3A_493 = arith.constant 0 : i32
      %dma_wait3A_494 = tpu.memref_slice %arg12[%dma_wait3A_492, %dma_wait3A_493] : memref<10240x80xf32, #tpu.memory_space<vmem_shared>> -> memref<10240x80xf32, #tpu.memory_space<vmem_shared>>
      tpu.wait_indirect_dma semaphore(%arg19 : memref<!tpu.dma_semaphore, #tpu.memory_space<semaphore_mem>>) src(%arg10 : memref<80x80xf32, #tpu.memory_space<vmem>>) dst(%dma_wait3A_494 : memref<10240x80xf32, #tpu.memory_space<vmem_shared>>)
      %add3A_495 = arith.constant 4 : i32
      %add3A_496 = arith.addi %add3A_470, %add3A_495 : i32
      %lt3A_497 = arith.constant 125 : i32
      %lt3A_498 = arith.cmpi slt, %add3A_496, %lt3A_497 : i32
      %convert_element_type3A_499 = arith.extui %lt3A_498 : i1 to i32
      %cond3A_500 = arith.constant 0 : i32
      %cond3A_501 = arith.cmpi ne, %convert_element_type3A_499, %cond3A_500 : i32
      scf.if %cond3A_501 {
        %dma_wait3A_549 = arith.constant 0 : i32
        %dma_wait3A_550 = tpu.memref_slice %arg6[%rem3A_476, %dma_wait3A_549] : memref<8x80xi32, #tpu.memory_space<vmem>> -> memref<1x80xi32, #tpu.memory_space<vmem>>
        %dma_wait3A_551 = tpu.memref_squeeze %dma_wait3A_550 : memref<1x80xi32, #tpu.memory_space<vmem>> -> memref<80xi32, #tpu.memory_space<vmem>>
        %dma_wait3A_552 = arith.constant 0 : i32
        %dma_wait3A_553 = tpu.memref_slice %arg3[%dma_wait3A_552] : memref<320000xi32, #tpu.memory_space<hbm>> -> memref<80xi32, #tpu.memory_space<hbm>>
        %dma_wait3A_554 = arith.constant 0 : i32
        %dma_wait3A_555 = tpu.memref_slice %arg6[%rem3A_476, %dma_wait3A_554] : memref<8x80xi32, #tpu.memory_space<vmem>> -> memref<1x80xi32, #tpu.memory_space<vmem>>
        %dma_wait3A_556 = tpu.memref_squeeze %dma_wait3A_555 : memref<1x80xi32, #tpu.memory_space<vmem>> -> memref<80xi32, #tpu.memory_space<vmem>>
        %dma_wait3A_557 = arith.constant 0 : i32
        %dma_wait3A_558 = tpu.memref_slice %arg3[%dma_wait3A_557] : memref<320000xi32, #tpu.memory_space<hbm>> -> memref<80xi32, #tpu.memory_space<hbm>>
        tpu.wait_dma2 semaphore(%arg21 : memref<!tpu.dma_semaphore, #tpu.memory_space<semaphore_mem>>) src(%dma_wait3A_558 : memref<80xi32, #tpu.memory_space<hbm>>) dst(%dma_wait3A_556 : memref<80xi32, #tpu.memory_space<vmem>>)
        %dma_wait3A_559 = arith.constant 0 : i32
        %dma_wait3A_560 = tpu.memref_slice %arg7[%rem3A_476, %dma_wait3A_559] : memref<8x80xi32, #tpu.memory_space<vmem>> -> memref<1x80xi32, #tpu.memory_space<vmem>>
        %dma_wait3A_561 = tpu.memref_squeeze %dma_wait3A_560 : memref<1x80xi32, #tpu.memory_space<vmem>> -> memref<80xi32, #tpu.memory_space<vmem>>
        %dma_wait3A_562 = arith.constant 0 : i32
        %dma_wait3A_563 = tpu.memref_slice %arg4[%dma_wait3A_562] : memref<320000xi32, #tpu.memory_space<hbm>> -> memref<80xi32, #tpu.memory_space<hbm>>
        %dma_wait3A_564 = arith.constant 0 : i32
        %dma_wait3A_565 = tpu.memref_slice %arg7[%rem3A_476, %dma_wait3A_564] : memref<8x80xi32, #tpu.memory_space<vmem>> -> memref<1x80xi32, #tpu.memory_space<vmem>>
        %dma_wait3A_566 = tpu.memref_squeeze %dma_wait3A_565 : memref<1x80xi32, #tpu.memory_space<vmem>> -> memref<80xi32, #tpu.memory_space<vmem>>
        %dma_wait3A_567 = arith.constant 0 : i32
        %dma_wait3A_568 = tpu.memref_slice %arg4[%dma_wait3A_567] : memref<320000xi32, #tpu.memory_space<hbm>> -> memref<80xi32, #tpu.memory_space<hbm>>
        tpu.wait_dma2 semaphore(%arg21 : memref<!tpu.dma_semaphore, #tpu.memory_space<semaphore_mem>>) src(%dma_wait3A_568 : memref<80xi32, #tpu.memory_space<hbm>>) dst(%dma_wait3A_566 : memref<80xi32, #tpu.memory_space<vmem>>)
        %dma_start3A_569 = arith.constant 0 : i32
        %dma_start3A_570 = tpu.memref_slice %arg6[%rem3A_476, %dma_start3A_569] : memref<8x80xi32, #tpu.memory_space<vmem>> -> memref<1x80xi32, #tpu.memory_space<vmem>>
        %dma_start3A_571 = tpu.memref_squeeze %dma_start3A_570 : memref<1x80xi32, #tpu.memory_space<vmem>> -> memref<80xi32, #tpu.memory_space<vmem>>
        %dma_start3A_572 = arith.constant 0 : i32
        %dma_start3A_573 = arith.constant 0 : i32
        %dma_start3A_574 = tpu.memref_slice %arg2[%dma_start3A_572, %dma_start3A_573] : memref<10000x80xf32, #tpu.memory_space<hbm>> -> memref<10000x80xf32, #tpu.memory_space<hbm>>
        tpu.enqueue_indirect_dma source(%dma_start3A_574 : memref<10000x80xf32, #tpu.memory_space<hbm>>) target(%arg10 : memref<80x80xf32, #tpu.memory_space<vmem>>) offsets(%dma_start3A_571 : memref<80xi32, #tpu.memory_space<vmem>>) semaphore(%arg15 : memref<!tpu.dma_semaphore, #tpu.memory_space<semaphore_mem>>)
      } else {
      }
      %add3A_502 = arith.constant 8 : i32
      %add3A_503 = arith.addi %add3A_470, %add3A_502 : i32
      %lt3A_504 = arith.constant 125 : i32
      %lt3A_505 = arith.cmpi slt, %add3A_503, %lt3A_504 : i32
      %convert_element_type3A_506 = arith.extui %lt3A_505 : i1 to i32
      %cond3A_507 = arith.constant 0 : i32
      %cond3A_508 = arith.cmpi ne, %convert_element_type3A_506, %cond3A_507 : i32
      scf.if %cond3A_508 {
        %add3A_549 = arith.constant 8 : i32
        %add3A_550 = arith.addi %add3A_470, %add3A_549 : i32
        %add3A_551 = arith.addi %mul3A_39, %add3A_550 : i32
        %mul3A_552 = arith.constant 80 : i32
        %mul3A_553 = arith.muli %add3A_551, %mul3A_552 : i32
        %dma_start3A_554 = arith.constant 0 : i32
        %dma_start3A_555 = tpu.memref_slice %arg6[%rem3A_472, %dma_start3A_554] : memref<8x80xi32, #tpu.memory_space<vmem>> -> memref<1x80xi32, #tpu.memory_space<vmem>>
        %dma_start3A_556 = tpu.memref_squeeze %dma_start3A_555 : memref<1x80xi32, #tpu.memory_space<vmem>> -> memref<80xi32, #tpu.memory_space<vmem>>
        %dma_start3A_557 = tpu.memref_slice %arg3[%mul3A_553] : memref<320000xi32, #tpu.memory_space<hbm>> -> memref<80xi32, #tpu.memory_space<hbm>>
        %dma_start3A_558 = arith.constant 0 : i32
        %dma_start3A_559 = tpu.memref_slice %arg6[%rem3A_472, %dma_start3A_558] : memref<8x80xi32, #tpu.memory_space<vmem>> -> memref<1x80xi32, #tpu.memory_space<vmem>>
        %dma_start3A_560 = tpu.memref_squeeze %dma_start3A_559 : memref<1x80xi32, #tpu.memory_space<vmem>> -> memref<80xi32, #tpu.memory_space<vmem>>
        %dma_start3A_561 = tpu.memref_slice %arg3[%mul3A_553] : memref<320000xi32, #tpu.memory_space<hbm>> -> memref<80xi32, #tpu.memory_space<hbm>>
        tpu.enqueue_dma source(%dma_start3A_561 : memref<80xi32, #tpu.memory_space<hbm>>) target(%dma_start3A_560 : memref<80xi32, #tpu.memory_space<vmem>>) target_semaphore(%arg21 : memref<!tpu.dma_semaphore, #tpu.memory_space<semaphore_mem>>)
        %dma_start3A_562 = arith.constant 0 : i32
        %dma_start3A_563 = tpu.memref_slice %arg7[%rem3A_472, %dma_start3A_562] : memref<8x80xi32, #tpu.memory_space<vmem>> -> memref<1x80xi32, #tpu.memory_space<vmem>>
        %dma_start3A_564 = tpu.memref_squeeze %dma_start3A_563 : memref<1x80xi32, #tpu.memory_space<vmem>> -> memref<80xi32, #tpu.memory_space<vmem>>
        %dma_start3A_565 = tpu.memref_slice %arg4[%mul3A_553] : memref<320000xi32, #tpu.memory_space<hbm>> -> memref<80xi32, #tpu.memory_space<hbm>>
        %dma_start3A_566 = arith.constant 0 : i32
        %dma_start3A_567 = tpu.memref_slice %arg7[%rem3A_472, %dma_start3A_566] : memref<8x80xi32, #tpu.memory_space<vmem>> -> memref<1x80xi32, #tpu.memory_space<vmem>>
        %dma_start3A_568 = tpu.memref_squeeze %dma_start3A_567 : memref<1x80xi32, #tpu.memory_space<vmem>> -> memref<80xi32, #tpu.memory_space<vmem>>
        %dma_start3A_569 = tpu.memref_slice %arg4[%mul3A_553] : memref<320000xi32, #tpu.memory_space<hbm>> -> memref<80xi32, #tpu.memory_space<hbm>>
        tpu.enqueue_dma source(%dma_start3A_569 : memref<80xi32, #tpu.memory_space<hbm>>) target(%dma_start3A_568 : memref<80xi32, #tpu.memory_space<vmem>>) target_semaphore(%arg21 : memref<!tpu.dma_semaphore, #tpu.memory_space<semaphore_mem>>)
      } else {
      }
      %add3A_509 = arith.constant 3 : i32
      %add3A_510 = arith.addi %mul3A_391, %add3A_509 : i32
      %rem3A_511 = arith.constant 8 : i32
      %rem3A_512 = arith.remsi %add3A_510, %rem3A_511 : i32
      %add3A_513 = arith.constant 4 : i32
      %add3A_514 = arith.addi %add3A_510, %add3A_513 : i32
      %rem3A_515 = arith.constant 8 : i32
      %rem3A_516 = arith.remsi %add3A_514, %rem3A_515 : i32
      %dma_wait3A_517 = arith.constant 0 : i32
      %dma_wait3A_518 = tpu.memref_slice %arg6[%rem3A_512, %dma_wait3A_517] : memref<8x80xi32, #tpu.memory_space<vmem>> -> memref<1x80xi32, #tpu.memory_space<vmem>>
      %dma_wait3A_519 = tpu.memref_squeeze %dma_wait3A_518 : memref<1x80xi32, #tpu.memory_space<vmem>> -> memref<80xi32, #tpu.memory_space<vmem>>
      %dma_wait3A_520 = arith.constant 0 : i32
      %dma_wait3A_521 = arith.constant 0 : i32
      %dma_wait3A_522 = tpu.memref_slice %arg2[%dma_wait3A_520, %dma_wait3A_521] : memref<10000x80xf32, #tpu.memory_space<hbm>> -> memref<10000x80xf32, #tpu.memory_space<hbm>>
      tpu.wait_indirect_dma semaphore(%arg16 : memref<!tpu.dma_semaphore, #tpu.memory_space<semaphore_mem>>) src(%dma_wait3A_522 : memref<10000x80xf32, #tpu.memory_space<hbm>>) dst(%arg11 : memref<80x80xf32, #tpu.memory_space<vmem>>)
      %dma_start3A_523 = arith.constant 0 : i32
      %dma_start3A_524 = tpu.memref_slice %arg7[%rem3A_512, %dma_start3A_523] : memref<8x80xi32, #tpu.memory_space<vmem>> -> memref<1x80xi32, #tpu.memory_space<vmem>>
      %dma_start3A_525 = tpu.memref_squeeze %dma_start3A_524 : memref<1x80xi32, #tpu.memory_space<vmem>> -> memref<80xi32, #tpu.memory_space<vmem>>
      %dma_start3A_526 = arith.constant 0 : i32
      %dma_start3A_527 = arith.constant 0 : i32
      %dma_start3A_528 = tpu.memref_slice %arg12[%dma_start3A_526, %dma_start3A_527] : memref<10240x80xf32, #tpu.memory_space<vmem_shared>> -> memref<10240x80xf32, #tpu.memory_space<vmem_shared>>
      tpu.enqueue_indirect_dma source(%arg11 : memref<80x80xf32, #tpu.memory_space<vmem>>) target(%dma_start3A_528 : memref<10240x80xf32, #tpu.memory_space<vmem_shared>>) offsets(%dma_start3A_525 : memref<80xi32, #tpu.memory_space<vmem>>) semaphore(%arg20 : memref<!tpu.dma_semaphore, #tpu.memory_space<semaphore_mem>>) {add = true}
      %dma_wait3A_529 = arith.constant 0 : i32
      %dma_wait3A_530 = tpu.memref_slice %arg7[%rem3A_512, %dma_wait3A_529] : memref<8x80xi32, #tpu.memory_space<vmem>> -> memref<1x80xi32, #tpu.memory_space<vmem>>
      %dma_wait3A_531 = tpu.memref_squeeze %dma_wait3A_530 : memref<1x80xi32, #tpu.memory_space<vmem>> -> memref<80xi32, #tpu.memory_space<vmem>>
      %dma_wait3A_532 = arith.constant 0 : i32
      %dma_wait3A_533 = arith.constant 0 : i32
      %dma_wait3A_534 = tpu.memref_slice %arg12[%dma_wait3A_532, %dma_wait3A_533] : memref<10240x80xf32, #tpu.memory_space<vmem_shared>> -> memref<10240x80xf32, #tpu.memory_space<vmem_shared>>
      tpu.wait_indirect_dma semaphore(%arg20 : memref<!tpu.dma_semaphore, #tpu.memory_space<semaphore_mem>>) src(%arg11 : memref<80x80xf32, #tpu.memory_space<vmem>>) dst(%dma_wait3A_534 : memref<10240x80xf32, #tpu.memory_space<vmem_shared>>)
      %add3A_535 = arith.constant 4 : i32
      %add3A_536 = arith.addi %add3A_510, %add3A_535 : i32
      %lt3A_537 = arith.constant 125 : i32
      %lt3A_538 = arith.cmpi slt, %add3A_536, %lt3A_537 : i32
      %convert_element_type3A_539 = arith.extui %lt3A_538 : i1 to i32
      %cond3A_540 = arith.constant 0 : i32
      %cond3A_541 = arith.cmpi ne, %convert_element_type3A_539, %cond3A_540 : i32
      scf.if %cond3A_541 {
        %dma_wait3A_549 = arith.constant 0 : i32
        %dma_wait3A_550 = tpu.memref_slice %arg6[%rem3A_516, %dma_wait3A_549] : memref<8x80xi32, #tpu.memory_space<vmem>> -> memref<1x80xi32, #tpu.memory_space<vmem>>
        %dma_wait3A_551 = tpu.memref_squeeze %dma_wait3A_550 : memref<1x80xi32, #tpu.memory_space<vmem>> -> memref<80xi32, #tpu.memory_space<vmem>>
        %dma_wait3A_552 = arith.constant 0 : i32
        %dma_wait3A_553 = tpu.memref_slice %arg3[%dma_wait3A_552] : memref<320000xi32, #tpu.memory_space<hbm>> -> memref<80xi32, #tpu.memory_space<hbm>>
        %dma_wait3A_554 = arith.constant 0 : i32
        %dma_wait3A_555 = tpu.memref_slice %arg6[%rem3A_516, %dma_wait3A_554] : memref<8x80xi32, #tpu.memory_space<vmem>> -> memref<1x80xi32, #tpu.memory_space<vmem>>
        %dma_wait3A_556 = tpu.memref_squeeze %dma_wait3A_555 : memref<1x80xi32, #tpu.memory_space<vmem>> -> memref<80xi32, #tpu.memory_space<vmem>>
        %dma_wait3A_557 = arith.constant 0 : i32
        %dma_wait3A_558 = tpu.memref_slice %arg3[%dma_wait3A_557] : memref<320000xi32, #tpu.memory_space<hbm>> -> memref<80xi32, #tpu.memory_space<hbm>>
        tpu.wait_dma2 semaphore(%arg22 : memref<!tpu.dma_semaphore, #tpu.memory_space<semaphore_mem>>) src(%dma_wait3A_558 : memref<80xi32, #tpu.memory_space<hbm>>) dst(%dma_wait3A_556 : memref<80xi32, #tpu.memory_space<vmem>>)
        %dma_wait3A_559 = arith.constant 0 : i32
        %dma_wait3A_560 = tpu.memref_slice %arg7[%rem3A_516, %dma_wait3A_559] : memref<8x80xi32, #tpu.memory_space<vmem>> -> memref<1x80xi32, #tpu.memory_space<vmem>>
        %dma_wait3A_561 = tpu.memref_squeeze %dma_wait3A_560 : memref<1x80xi32, #tpu.memory_space<vmem>> -> memref<80xi32, #tpu.memory_space<vmem>>
        %dma_wait3A_562 = arith.constant 0 : i32
        %dma_wait3A_563 = tpu.memref_slice %arg4[%dma_wait3A_562] : memref<320000xi32, #tpu.memory_space<hbm>> -> memref<80xi32, #tpu.memory_space<hbm>>
        %dma_wait3A_564 = arith.constant 0 : i32
        %dma_wait3A_565 = tpu.memref_slice %arg7[%rem3A_516, %dma_wait3A_564] : memref<8x80xi32, #tpu.memory_space<vmem>> -> memref<1x80xi32, #tpu.memory_space<vmem>>
        %dma_wait3A_566 = tpu.memref_squeeze %dma_wait3A_565 : memref<1x80xi32, #tpu.memory_space<vmem>> -> memref<80xi32, #tpu.memory_space<vmem>>
        %dma_wait3A_567 = arith.constant 0 : i32
        %dma_wait3A_568 = tpu.memref_slice %arg4[%dma_wait3A_567] : memref<320000xi32, #tpu.memory_space<hbm>> -> memref<80xi32, #tpu.memory_space<hbm>>
        tpu.wait_dma2 semaphore(%arg22 : memref<!tpu.dma_semaphore, #tpu.memory_space<semaphore_mem>>) src(%dma_wait3A_568 : memref<80xi32, #tpu.memory_space<hbm>>) dst(%dma_wait3A_566 : memref<80xi32, #tpu.memory_space<vmem>>)
        %dma_start3A_569 = arith.constant 0 : i32
        %dma_start3A_570 = tpu.memref_slice %arg6[%rem3A_516, %dma_start3A_569] : memref<8x80xi32, #tpu.memory_space<vmem>> -> memref<1x80xi32, #tpu.memory_space<vmem>>
        %dma_start3A_571 = tpu.memref_squeeze %dma_start3A_570 : memref<1x80xi32, #tpu.memory_space<vmem>> -> memref<80xi32, #tpu.memory_space<vmem>>
        %dma_start3A_572 = arith.constant 0 : i32
        %dma_start3A_573 = arith.constant 0 : i32
        %dma_start3A_574 = tpu.memref_slice %arg2[%dma_start3A_572, %dma_start3A_573] : memref<10000x80xf32, #tpu.memory_space<hbm>> -> memref<10000x80xf32, #tpu.memory_space<hbm>>
        tpu.enqueue_indirect_dma source(%dma_start3A_574 : memref<10000x80xf32, #tpu.memory_space<hbm>>) target(%arg11 : memref<80x80xf32, #tpu.memory_space<vmem>>) offsets(%dma_start3A_571 : memref<80xi32, #tpu.memory_space<vmem>>) semaphore(%arg16 : memref<!tpu.dma_semaphore, #tpu.memory_space<semaphore_mem>>)
      } else {
      }
      %add3A_542 = arith.constant 8 : i32
      %add3A_543 = arith.addi %add3A_510, %add3A_542 : i32
      %lt3A_544 = arith.constant 125 : i32
      %lt3A_545 = arith.cmpi slt, %add3A_543, %lt3A_544 : i32
      %convert_element_type3A_546 = arith.extui %lt3A_545 : i1 to i32
      %cond3A_547 = arith.constant 0 : i32
      %cond3A_548 = arith.cmpi ne, %convert_element_type3A_546, %cond3A_547 : i32
      scf.if %cond3A_548 {
        %add3A_549 = arith.constant 8 : i32
        %add3A_550 = arith.addi %add3A_510, %add3A_549 : i32
        %add3A_551 = arith.addi %mul3A_39, %add3A_550 : i32
        %mul3A_552 = arith.constant 80 : i32
        %mul3A_553 = arith.muli %add3A_551, %mul3A_552 : i32
        %dma_start3A_554 = arith.constant 0 : i32
        %dma_start3A_555 = tpu.memref_slice %arg6[%rem3A_512, %dma_start3A_554] : memref<8x80xi32, #tpu.memory_space<vmem>> -> memref<1x80xi32, #tpu.memory_space<vmem>>
        %dma_start3A_556 = tpu.memref_squeeze %dma_start3A_555 : memref<1x80xi32, #tpu.memory_space<vmem>> -> memref<80xi32, #tpu.memory_space<vmem>>
        %dma_start3A_557 = tpu.memref_slice %arg3[%mul3A_553] : memref<320000xi32, #tpu.memory_space<hbm>> -> memref<80xi32, #tpu.memory_space<hbm>>
        %dma_start3A_558 = arith.constant 0 : i32
        %dma_start3A_559 = tpu.memref_slice %arg6[%rem3A_512, %dma_start3A_558] : memref<8x80xi32, #tpu.memory_space<vmem>> -> memref<1x80xi32, #tpu.memory_space<vmem>>
        %dma_start3A_560 = tpu.memref_squeeze %dma_start3A_559 : memref<1x80xi32, #tpu.memory_space<vmem>> -> memref<80xi32, #tpu.memory_space<vmem>>
        %dma_start3A_561 = tpu.memref_slice %arg3[%mul3A_553] : memref<320000xi32, #tpu.memory_space<hbm>> -> memref<80xi32, #tpu.memory_space<hbm>>
        tpu.enqueue_dma source(%dma_start3A_561 : memref<80xi32, #tpu.memory_space<hbm>>) target(%dma_start3A_560 : memref<80xi32, #tpu.memory_space<vmem>>) target_semaphore(%arg22 : memref<!tpu.dma_semaphore, #tpu.memory_space<semaphore_mem>>)
        %dma_start3A_562 = arith.constant 0 : i32
        %dma_start3A_563 = tpu.memref_slice %arg7[%rem3A_512, %dma_start3A_562] : memref<8x80xi32, #tpu.memory_space<vmem>> -> memref<1x80xi32, #tpu.memory_space<vmem>>
        %dma_start3A_564 = tpu.memref_squeeze %dma_start3A_563 : memref<1x80xi32, #tpu.memory_space<vmem>> -> memref<80xi32, #tpu.memory_space<vmem>>
        %dma_start3A_565 = tpu.memref_slice %arg4[%mul3A_553] : memref<320000xi32, #tpu.memory_space<hbm>> -> memref<80xi32, #tpu.memory_space<hbm>>
        %dma_start3A_566 = arith.constant 0 : i32
        %dma_start3A_567 = tpu.memref_slice %arg7[%rem3A_512, %dma_start3A_566] : memref<8x80xi32, #tpu.memory_space<vmem>> -> memref<1x80xi32, #tpu.memory_space<vmem>>
        %dma_start3A_568 = tpu.memref_squeeze %dma_start3A_567 : memref<1x80xi32, #tpu.memory_space<vmem>> -> memref<80xi32, #tpu.memory_space<vmem>>
        %dma_start3A_569 = tpu.memref_slice %arg4[%mul3A_553] : memref<320000xi32, #tpu.memory_space<hbm>> -> memref<80xi32, #tpu.memory_space<hbm>>
        tpu.enqueue_dma source(%dma_start3A_569 : memref<80xi32, #tpu.memory_space<hbm>>) target(%dma_start3A_568 : memref<80xi32, #tpu.memory_space<vmem>>) target_semaphore(%arg22 : memref<!tpu.dma_semaphore, #tpu.memory_space<semaphore_mem>>)
      } else {
      }
    }
    %scan3A_335 = arith.constant 31 : i32
    %rem3A = arith.constant 124 : i32
    %rem3A_336 = arith.constant 8 : i32
    %rem3A_337 = arith.remsi %rem3A, %rem3A_336 : i32
    %dma_wait3A_338 = arith.constant 0 : i32
    %dma_wait3A_339 = tpu.memref_slice %arg6[%rem3A_337, %dma_wait3A_338] : memref<8x80xi32, #tpu.memory_space<vmem>> -> memref<1x80xi32, #tpu.memory_space<vmem>>
    %dma_wait3A_340 = tpu.memref_squeeze %dma_wait3A_339 : memref<1x80xi32, #tpu.memory_space<vmem>> -> memref<80xi32, #tpu.memory_space<vmem>>
    %dma_wait3A_341 = arith.constant 0 : i32
    %dma_wait3A_342 = arith.constant 0 : i32
    %dma_wait3A_343 = tpu.memref_slice %arg2[%dma_wait3A_341, %dma_wait3A_342] : memref<10000x80xf32, #tpu.memory_space<hbm>> -> memref<10000x80xf32, #tpu.memory_space<hbm>>
    tpu.wait_indirect_dma semaphore(%arg13 : memref<!tpu.dma_semaphore, #tpu.memory_space<semaphore_mem>>) src(%dma_wait3A_343 : memref<10000x80xf32, #tpu.memory_space<hbm>>) dst(%arg8 : memref<80x80xf32, #tpu.memory_space<vmem>>)
    %dma_start3A_344 = arith.constant 0 : i32
    %dma_start3A_345 = tpu.memref_slice %arg7[%rem3A_337, %dma_start3A_344] : memref<8x80xi32, #tpu.memory_space<vmem>> -> memref<1x80xi32, #tpu.memory_space<vmem>>
    %dma_start3A_346 = tpu.memref_squeeze %dma_start3A_345 : memref<1x80xi32, #tpu.memory_space<vmem>> -> memref<80xi32, #tpu.memory_space<vmem>>
    %dma_start3A_347 = arith.constant 0 : i32
    %dma_start3A_348 = arith.constant 0 : i32
    %dma_start3A_349 = tpu.memref_slice %arg12[%dma_start3A_347, %dma_start3A_348] : memref<10240x80xf32, #tpu.memory_space<vmem_shared>> -> memref<10240x80xf32, #tpu.memory_space<vmem_shared>>
    tpu.enqueue_indirect_dma source(%arg8 : memref<80x80xf32, #tpu.memory_space<vmem>>) target(%dma_start3A_349 : memref<10240x80xf32, #tpu.memory_space<vmem_shared>>) offsets(%dma_start3A_346 : memref<80xi32, #tpu.memory_space<vmem>>) semaphore(%arg17 : memref<!tpu.dma_semaphore, #tpu.memory_space<semaphore_mem>>) {add = true}
    %dma_wait3A_350 = arith.constant 0 : i32
    %dma_wait3A_351 = tpu.memref_slice %arg7[%rem3A_337, %dma_wait3A_350] : memref<8x80xi32, #tpu.memory_space<vmem>> -> memref<1x80xi32, #tpu.memory_space<vmem>>
    %dma_wait3A_352 = tpu.memref_squeeze %dma_wait3A_351 : memref<1x80xi32, #tpu.memory_space<vmem>> -> memref<80xi32, #tpu.memory_space<vmem>>
    %dma_wait3A_353 = arith.constant 0 : i32
    %dma_wait3A_354 = arith.constant 0 : i32
    %dma_wait3A_355 = tpu.memref_slice %arg12[%dma_wait3A_353, %dma_wait3A_354] : memref<10240x80xf32, #tpu.memory_space<vmem_shared>> -> memref<10240x80xf32, #tpu.memory_space<vmem_shared>>
    tpu.wait_indirect_dma semaphore(%arg17 : memref<!tpu.dma_semaphore, #tpu.memory_space<semaphore_mem>>) src(%arg8 : memref<80x80xf32, #tpu.memory_space<vmem>>) dst(%dma_wait3A_355 : memref<10240x80xf32, #tpu.memory_space<vmem_shared>>)
    %barrier3A_356 = arith.constant 0 : index
    tpu.barrier barrier_id(%barrier3A_356)
    %mul3A_357 = arith.constant 640 : i32
    %mul3A_358 = arith.muli %arg1, %mul3A_357 : i32
    %add3A_359 = arith.constant 0 : i32
    %add3A_360 = arith.addi %mul3A_358, %add3A_359 : i32
    "tpu.region"() ({
      %run_scoped3A = tpu.sem_alloc : memref<!tpu.dma_semaphore, #tpu.memory_space<semaphore_mem>>
      %dma_start3A_389 = arith.constant 0 : i32
      %dma_start3A_390 = tpu.memref_slice %arg5[%arg0, %add3A_360, %dma_start3A_389] : memref<2x10240x80xf32, #tpu.memory_space<hbm>> -> memref<1x80x80xf32, #tpu.memory_space<hbm>>
      %dma_start3A_391 = tpu.memref_squeeze %dma_start3A_390 : memref<1x80x80xf32, #tpu.memory_space<hbm>> -> memref<80x80xf32, #tpu.memory_space<hbm>>
      %dma_start3A_392 = arith.constant 0 : i32
      %dma_start3A_393 = tpu.memref_slice %arg12[%add3A_360, %dma_start3A_392] : memref<10240x80xf32, #tpu.memory_space<vmem_shared>> -> memref<80x80xf32, #tpu.memory_space<vmem_shared>>
      tpu.enqueue_dma source(%dma_start3A_393 : memref<80x80xf32, #tpu.memory_space<vmem_shared>>) target(%dma_start3A_391 : memref<80x80xf32, #tpu.memory_space<hbm>>) target_semaphore(%run_scoped3A : memref<!tpu.dma_semaphore, #tpu.memory_space<semaphore_mem>>)
      %dma_wait3A_394 = arith.constant 0 : i32
      %dma_wait3A_395 = tpu.memref_slice %arg5[%arg0, %add3A_360, %dma_wait3A_394] : memref<2x10240x80xf32, #tpu.memory_space<hbm>> -> memref<1x80x80xf32, #tpu.memory_space<hbm>>
      %dma_wait3A_396 = tpu.memref_squeeze %dma_wait3A_395 : memref<1x80x80xf32, #tpu.memory_space<hbm>> -> memref<80x80xf32, #tpu.memory_space<hbm>>
      %dma_wait3A_397 = arith.constant 0 : i32
      %dma_wait3A_398 = tpu.memref_slice %arg12[%add3A_360, %dma_wait3A_397] : memref<10240x80xf32, #tpu.memory_space<vmem_shared>> -> memref<80x80xf32, #tpu.memory_space<vmem_shared>>
      tpu.wait_dma2 semaphore(%run_scoped3A : memref<!tpu.dma_semaphore, #tpu.memory_space<semaphore_mem>>) src(%dma_wait3A_398 : memref<80x80xf32, #tpu.memory_space<vmem_shared>>) dst(%dma_wait3A_396 : memref<80x80xf32, #tpu.memory_space<hbm>>)
      tpu.yield
    }) : () -> ()
    %mul3A_361 = arith.constant 640 : i32
    %mul3A_362 = arith.muli %arg1, %mul3A_361 : i32
    %add3A_363 = arith.constant 80 : i32
    %add3A_364 = arith.addi %mul3A_362, %add3A_363 : i32
    "tpu.region"() ({
      %run_scoped3A = tpu.sem_alloc : memref<!tpu.dma_semaphore, #tpu.memory_space<semaphore_mem>>
      %dma_start3A_389 = arith.constant 0 : i32
      %dma_start3A_390 = tpu.memref_slice %arg5[%arg0, %add3A_364, %dma_start3A_389] : memref<2x10240x80xf32, #tpu.memory_space<hbm>> -> memref<1x80x80xf32, #tpu.memory_space<hbm>>
      %dma_start3A_391 = tpu.memref_squeeze %dma_start3A_390 : memref<1x80x80xf32, #tpu.memory_space<hbm>> -> memref<80x80xf32, #tpu.memory_space<hbm>>
      %dma_start3A_392 = arith.constant 0 : i32
      %dma_start3A_393 = tpu.memref_slice %arg12[%add3A_364, %dma_start3A_392] : memref<10240x80xf32, #tpu.memory_space<vmem_shared>> -> memref<80x80xf32, #tpu.memory_space<vmem_shared>>
      tpu.enqueue_dma source(%dma_start3A_393 : memref<80x80xf32, #tpu.memory_space<vmem_shared>>) target(%dma_start3A_391 : memref<80x80xf32, #tpu.memory_space<hbm>>) target_semaphore(%run_scoped3A : memref<!tpu.dma_semaphore, #tpu.memory_space<semaphore_mem>>)
      %dma_wait3A_394 = arith.constant 0 : i32
      %dma_wait3A_395 = tpu.memref_slice %arg5[%arg0, %add3A_364, %dma_wait3A_394] : memref<2x10240x80xf32, #tpu.memory_space<hbm>> -> memref<1x80x80xf32, #tpu.memory_space<hbm>>
      %dma_wait3A_396 = tpu.memref_squeeze %dma_wait3A_395 : memref<1x80x80xf32, #tpu.memory_space<hbm>> -> memref<80x80xf32, #tpu.memory_space<hbm>>
      %dma_wait3A_397 = arith.constant 0 : i32
      %dma_wait3A_398 = tpu.memref_slice %arg12[%add3A_364, %dma_wait3A_397] : memref<10240x80xf32, #tpu.memory_space<vmem_shared>> -> memref<80x80xf32, #tpu.memory_space<vmem_shared>>
      tpu.wait_dma2 semaphore(%run_scoped3A : memref<!tpu.dma_semaphore, #tpu.memory_space<semaphore_mem>>) src(%dma_wait3A_398 : memref<80x80xf32, #tpu.memory_space<vmem_shared>>) dst(%dma_wait3A_396 : memref<80x80xf32, #tpu.memory_space<hbm>>)
      tpu.yield
    }) : () -> ()
    %mul3A_365 = arith.constant 640 : i32
    %mul3A_366 = arith.muli %arg1, %mul3A_365 : i32
    %add3A_367 = arith.constant 160 : i32
    %add3A_368 = arith.addi %mul3A_366, %add3A_367 : i32
    "tpu.region"() ({
      %run_scoped3A = tpu.sem_alloc : memref<!tpu.dma_semaphore, #tpu.memory_space<semaphore_mem>>
      %dma_start3A_389 = arith.constant 0 : i32
      %dma_start3A_390 = tpu.memref_slice %arg5[%arg0, %add3A_368, %dma_start3A_389] : memref<2x10240x80xf32, #tpu.memory_space<hbm>> -> memref<1x80x80xf32, #tpu.memory_space<hbm>>
      %dma_start3A_391 = tpu.memref_squeeze %dma_start3A_390 : memref<1x80x80xf32, #tpu.memory_space<hbm>> -> memref<80x80xf32, #tpu.memory_space<hbm>>
      %dma_start3A_392 = arith.constant 0 : i32
      %dma_start3A_393 = tpu.memref_slice %arg12[%add3A_368, %dma_start3A_392] : memref<10240x80xf32, #tpu.memory_space<vmem_shared>> -> memref<80x80xf32, #tpu.memory_space<vmem_shared>>
      tpu.enqueue_dma source(%dma_start3A_393 : memref<80x80xf32, #tpu.memory_space<vmem_shared>>) target(%dma_start3A_391 : memref<80x80xf32, #tpu.memory_space<hbm>>) target_semaphore(%run_scoped3A : memref<!tpu.dma_semaphore, #tpu.memory_space<semaphore_mem>>)
      %dma_wait3A_394 = arith.constant 0 : i32
      %dma_wait3A_395 = tpu.memref_slice %arg5[%arg0, %add3A_368, %dma_wait3A_394] : memref<2x10240x80xf32, #tpu.memory_space<hbm>> -> memref<1x80x80xf32, #tpu.memory_space<hbm>>
      %dma_wait3A_396 = tpu.memref_squeeze %dma_wait3A_395 : memref<1x80x80xf32, #tpu.memory_space<hbm>> -> memref<80x80xf32, #tpu.memory_space<hbm>>
      %dma_wait3A_397 = arith.constant 0 : i32
      %dma_wait3A_398 = tpu.memref_slice %arg12[%add3A_368, %dma_wait3A_397] : memref<10240x80xf32, #tpu.memory_space<vmem_shared>> -> memref<80x80xf32, #tpu.memory_space<vmem_shared>>
      tpu.wait_dma2 semaphore(%run_scoped3A : memref<!tpu.dma_semaphore, #tpu.memory_space<semaphore_mem>>) src(%dma_wait3A_398 : memref<80x80xf32, #tpu.memory_space<vmem_shared>>) dst(%dma_wait3A_396 : memref<80x80xf32, #tpu.memory_space<hbm>>)
      tpu.yield
    }) : () -> ()
    %mul3A_369 = arith.constant 640 : i32
    %mul3A_370 = arith.muli %arg1, %mul3A_369 : i32
    %add3A_371 = arith.constant 240 : i32
    %add3A_372 = arith.addi %mul3A_370, %add3A_371 : i32
    "tpu.region"() ({
      %run_scoped3A = tpu.sem_alloc : memref<!tpu.dma_semaphore, #tpu.memory_space<semaphore_mem>>
      %dma_start3A_389 = arith.constant 0 : i32
      %dma_start3A_390 = tpu.memref_slice %arg5[%arg0, %add3A_372, %dma_start3A_389] : memref<2x10240x80xf32, #tpu.memory_space<hbm>> -> memref<1x80x80xf32, #tpu.memory_space<hbm>>
      %dma_start3A_391 = tpu.memref_squeeze %dma_start3A_390 : memref<1x80x80xf32, #tpu.memory_space<hbm>> -> memref<80x80xf32, #tpu.memory_space<hbm>>
      %dma_start3A_392 = arith.constant 0 : i32
      %dma_start3A_393 = tpu.memref_slice %arg12[%add3A_372, %dma_start3A_392] : memref<10240x80xf32, #tpu.memory_space<vmem_shared>> -> memref<80x80xf32, #tpu.memory_space<vmem_shared>>
      tpu.enqueue_dma source(%dma_start3A_393 : memref<80x80xf32, #tpu.memory_space<vmem_shared>>) target(%dma_start3A_391 : memref<80x80xf32, #tpu.memory_space<hbm>>) target_semaphore(%run_scoped3A : memref<!tpu.dma_semaphore, #tpu.memory_space<semaphore_mem>>)
      %dma_wait3A_394 = arith.constant 0 : i32
      %dma_wait3A_395 = tpu.memref_slice %arg5[%arg0, %add3A_372, %dma_wait3A_394] : memref<2x10240x80xf32, #tpu.memory_space<hbm>> -> memref<1x80x80xf32, #tpu.memory_space<hbm>>
      %dma_wait3A_396 = tpu.memref_squeeze %dma_wait3A_395 : memref<1x80x80xf32, #tpu.memory_space<hbm>> -> memref<80x80xf32, #tpu.memory_space<hbm>>
      %dma_wait3A_397 = arith.constant 0 : i32
      %dma_wait3A_398 = tpu.memref_slice %arg12[%add3A_372, %dma_wait3A_397] : memref<10240x80xf32, #tpu.memory_space<vmem_shared>> -> memref<80x80xf32, #tpu.memory_space<vmem_shared>>
      tpu.wait_dma2 semaphore(%run_scoped3A : memref<!tpu.dma_semaphore, #tpu.memory_space<semaphore_mem>>) src(%dma_wait3A_398 : memref<80x80xf32, #tpu.memory_space<vmem_shared>>) dst(%dma_wait3A_396 : memref<80x80xf32, #tpu.memory_space<hbm>>)
      tpu.yield
    }) : () -> ()
    %mul3A_373 = arith.constant 640 : i32
    %mul3A_374 = arith.muli %arg1, %mul3A_373 : i32
    %add3A_375 = arith.constant 320 : i32
    %add3A_376 = arith.addi %mul3A_374, %add3A_375 : i32
    "tpu.region"() ({
      %run_scoped3A = tpu.sem_alloc : memref<!tpu.dma_semaphore, #tpu.memory_space<semaphore_mem>>
      %dma_start3A_389 = arith.constant 0 : i32
      %dma_start3A_390 = tpu.memref_slice %arg5[%arg0, %add3A_376, %dma_start3A_389] : memref<2x10240x80xf32, #tpu.memory_space<hbm>> -> memref<1x80x80xf32, #tpu.memory_space<hbm>>
      %dma_start3A_391 = tpu.memref_squeeze %dma_start3A_390 : memref<1x80x80xf32, #tpu.memory_space<hbm>> -> memref<80x80xf32, #tpu.memory_space<hbm>>
      %dma_start3A_392 = arith.constant 0 : i32
      %dma_start3A_393 = tpu.memref_slice %arg12[%add3A_376, %dma_start3A_392] : memref<10240x80xf32, #tpu.memory_space<vmem_shared>> -> memref<80x80xf32, #tpu.memory_space<vmem_shared>>
      tpu.enqueue_dma source(%dma_start3A_393 : memref<80x80xf32, #tpu.memory_space<vmem_shared>>) target(%dma_start3A_391 : memref<80x80xf32, #tpu.memory_space<hbm>>) target_semaphore(%run_scoped3A : memref<!tpu.dma_semaphore, #tpu.memory_space<semaphore_mem>>)
      %dma_wait3A_394 = arith.constant 0 : i32
      %dma_wait3A_395 = tpu.memref_slice %arg5[%arg0, %add3A_376, %dma_wait3A_394] : memref<2x10240x80xf32, #tpu.memory_space<hbm>> -> memref<1x80x80xf32, #tpu.memory_space<hbm>>
      %dma_wait3A_396 = tpu.memref_squeeze %dma_wait3A_395 : memref<1x80x80xf32, #tpu.memory_space<hbm>> -> memref<80x80xf32, #tpu.memory_space<hbm>>
      %dma_wait3A_397 = arith.constant 0 : i32
      %dma_wait3A_398 = tpu.memref_slice %arg12[%add3A_376, %dma_wait3A_397] : memref<10240x80xf32, #tpu.memory_space<vmem_shared>> -> memref<80x80xf32, #tpu.memory_space<vmem_shared>>
      tpu.wait_dma2 semaphore(%run_scoped3A : memref<!tpu.dma_semaphore, #tpu.memory_space<semaphore_mem>>) src(%dma_wait3A_398 : memref<80x80xf32, #tpu.memory_space<vmem_shared>>) dst(%dma_wait3A_396 : memref<80x80xf32, #tpu.memory_space<hbm>>)
      tpu.yield
    }) : () -> ()
    %mul3A_377 = arith.constant 640 : i32
    %mul3A_378 = arith.muli %arg1, %mul3A_377 : i32
    %add3A_379 = arith.constant 400 : i32
    %add3A_380 = arith.addi %mul3A_378, %add3A_379 : i32
    "tpu.region"() ({
      %run_scoped3A = tpu.sem_alloc : memref<!tpu.dma_semaphore, #tpu.memory_space<semaphore_mem>>
      %dma_start3A_389 = arith.constant 0 : i32
      %dma_start3A_390 = tpu.memref_slice %arg5[%arg0, %add3A_380, %dma_start3A_389] : memref<2x10240x80xf32, #tpu.memory_space<hbm>> -> memref<1x80x80xf32, #tpu.memory_space<hbm>>
      %dma_start3A_391 = tpu.memref_squeeze %dma_start3A_390 : memref<1x80x80xf32, #tpu.memory_space<hbm>> -> memref<80x80xf32, #tpu.memory_space<hbm>>
      %dma_start3A_392 = arith.constant 0 : i32
      %dma_start3A_393 = tpu.memref_slice %arg12[%add3A_380, %dma_start3A_392] : memref<10240x80xf32, #tpu.memory_space<vmem_shared>> -> memref<80x80xf32, #tpu.memory_space<vmem_shared>>
      tpu.enqueue_dma source(%dma_start3A_393 : memref<80x80xf32, #tpu.memory_space<vmem_shared>>) target(%dma_start3A_391 : memref<80x80xf32, #tpu.memory_space<hbm>>) target_semaphore(%run_scoped3A : memref<!tpu.dma_semaphore, #tpu.memory_space<semaphore_mem>>)
      %dma_wait3A_394 = arith.constant 0 : i32
      %dma_wait3A_395 = tpu.memref_slice %arg5[%arg0, %add3A_380, %dma_wait3A_394] : memref<2x10240x80xf32, #tpu.memory_space<hbm>> -> memref<1x80x80xf32, #tpu.memory_space<hbm>>
      %dma_wait3A_396 = tpu.memref_squeeze %dma_wait3A_395 : memref<1x80x80xf32, #tpu.memory_space<hbm>> -> memref<80x80xf32, #tpu.memory_space<hbm>>
      %dma_wait3A_397 = arith.constant 0 : i32
      %dma_wait3A_398 = tpu.memref_slice %arg12[%add3A_380, %dma_wait3A_397] : memref<10240x80xf32, #tpu.memory_space<vmem_shared>> -> memref<80x80xf32, #tpu.memory_space<vmem_shared>>
      tpu.wait_dma2 semaphore(%run_scoped3A : memref<!tpu.dma_semaphore, #tpu.memory_space<semaphore_mem>>) src(%dma_wait3A_398 : memref<80x80xf32, #tpu.memory_space<vmem_shared>>) dst(%dma_wait3A_396 : memref<80x80xf32, #tpu.memory_space<hbm>>)
      tpu.yield
    }) : () -> ()
    %mul3A_381 = arith.constant 640 : i32
    %mul3A_382 = arith.muli %arg1, %mul3A_381 : i32
    %add3A_383 = arith.constant 480 : i32
    %add3A_384 = arith.addi %mul3A_382, %add3A_383 : i32
    "tpu.region"() ({
      %run_scoped3A = tpu.sem_alloc : memref<!tpu.dma_semaphore, #tpu.memory_space<semaphore_mem>>
      %dma_start3A_389 = arith.constant 0 : i32
      %dma_start3A_390 = tpu.memref_slice %arg5[%arg0, %add3A_384, %dma_start3A_389] : memref<2x10240x80xf32, #tpu.memory_space<hbm>> -> memref<1x80x80xf32, #tpu.memory_space<hbm>>
      %dma_start3A_391 = tpu.memref_squeeze %dma_start3A_390 : memref<1x80x80xf32, #tpu.memory_space<hbm>> -> memref<80x80xf32, #tpu.memory_space<hbm>>
      %dma_start3A_392 = arith.constant 0 : i32
      %dma_start3A_393 = tpu.memref_slice %arg12[%add3A_384, %dma_start3A_392] : memref<10240x80xf32, #tpu.memory_space<vmem_shared>> -> memref<80x80xf32, #tpu.memory_space<vmem_shared>>
      tpu.enqueue_dma source(%dma_start3A_393 : memref<80x80xf32, #tpu.memory_space<vmem_shared>>) target(%dma_start3A_391 : memref<80x80xf32, #tpu.memory_space<hbm>>) target_semaphore(%run_scoped3A : memref<!tpu.dma_semaphore, #tpu.memory_space<semaphore_mem>>)
      %dma_wait3A_394 = arith.constant 0 : i32
      %dma_wait3A_395 = tpu.memref_slice %arg5[%arg0, %add3A_384, %dma_wait3A_394] : memref<2x10240x80xf32, #tpu.memory_space<hbm>> -> memref<1x80x80xf32, #tpu.memory_space<hbm>>
      %dma_wait3A_396 = tpu.memref_squeeze %dma_wait3A_395 : memref<1x80x80xf32, #tpu.memory_space<hbm>> -> memref<80x80xf32, #tpu.memory_space<hbm>>
      %dma_wait3A_397 = arith.constant 0 : i32
      %dma_wait3A_398 = tpu.memref_slice %arg12[%add3A_384, %dma_wait3A_397] : memref<10240x80xf32, #tpu.memory_space<vmem_shared>> -> memref<80x80xf32, #tpu.memory_space<vmem_shared>>
      tpu.wait_dma2 semaphore(%run_scoped3A : memref<!tpu.dma_semaphore, #tpu.memory_space<semaphore_mem>>) src(%dma_wait3A_398 : memref<80x80xf32, #tpu.memory_space<vmem_shared>>) dst(%dma_wait3A_396 : memref<80x80xf32, #tpu.memory_space<hbm>>)
      tpu.yield
    }) : () -> ()
    %mul3A_385 = arith.constant 640 : i32
    %mul3A_386 = arith.muli %arg1, %mul3A_385 : i32
    %add3A_387 = arith.constant 560 : i32
    %add3A_388 = arith.addi %mul3A_386, %add3A_387 : i32
    "tpu.region"() ({
      %run_scoped3A = tpu.sem_alloc : memref<!tpu.dma_semaphore, #tpu.memory_space<semaphore_mem>>
      %dma_start3A_389 = arith.constant 0 : i32
      %dma_start3A_390 = tpu.memref_slice %arg5[%arg0, %add3A_388, %dma_start3A_389] : memref<2x10240x80xf32, #tpu.memory_space<hbm>> -> memref<1x80x80xf32, #tpu.memory_space<hbm>>
      %dma_start3A_391 = tpu.memref_squeeze %dma_start3A_390 : memref<1x80x80xf32, #tpu.memory_space<hbm>> -> memref<80x80xf32, #tpu.memory_space<hbm>>
      %dma_start3A_392 = arith.constant 0 : i32
      %dma_start3A_393 = tpu.memref_slice %arg12[%add3A_388, %dma_start3A_392] : memref<10240x80xf32, #tpu.memory_space<vmem_shared>> -> memref<80x80xf32, #tpu.memory_space<vmem_shared>>
      tpu.enqueue_dma source(%dma_start3A_393 : memref<80x80xf32, #tpu.memory_space<vmem_shared>>) target(%dma_start3A_391 : memref<80x80xf32, #tpu.memory_space<hbm>>) target_semaphore(%run_scoped3A : memref<!tpu.dma_semaphore, #tpu.memory_space<semaphore_mem>>)
      %dma_wait3A_394 = arith.constant 0 : i32
      %dma_wait3A_395 = tpu.memref_slice %arg5[%arg0, %add3A_388, %dma_wait3A_394] : memref<2x10240x80xf32, #tpu.memory_space<hbm>> -> memref<1x80x80xf32, #tpu.memory_space<hbm>>
      %dma_wait3A_396 = tpu.memref_squeeze %dma_wait3A_395 : memref<1x80x80xf32, #tpu.memory_space<hbm>> -> memref<80x80xf32, #tpu.memory_space<hbm>>
      %dma_wait3A_397 = arith.constant 0 : i32
      %dma_wait3A_398 = tpu.memref_slice %arg12[%add3A_388, %dma_wait3A_397] : memref<10240x80xf32, #tpu.memory_space<vmem_shared>> -> memref<80x80xf32, #tpu.memory_space<vmem_shared>>
      tpu.wait_dma2 semaphore(%run_scoped3A : memref<!tpu.dma_semaphore, #tpu.memory_space<semaphore_mem>>) src(%dma_wait3A_398 : memref<80x80xf32, #tpu.memory_space<vmem_shared>>) dst(%dma_wait3A_396 : memref<80x80xf32, #tpu.memory_space<hbm>>)
      tpu.yield
    }) : () -> ()
    return
  }
}

#map = affine_map<(d0, d1) -> (0, 0)>
#map1 = affine_map<(d0, d1) -> (0)>
#map2 = affine_map<(d0, d1) -> (0, 0, 0)>
module attributes {stable_mosaic.version = 14 : i64} {
  func.func @gs(%arg0: i32, %arg1: i32, %arg2: memref<10000x128xf32, #tpu.memory_space<hbm>>, %arg3: memref<320000xi32, #tpu.memory_space<hbm>>, %arg4: memref<320000xi32, #tpu.memory_space<hbm>>, %arg5: memref<2x10240x128xf32, #tpu.memory_space<hbm>>, %arg6: memref<8x80xi32, #tpu.memory_space<vmem>>, %arg7: memref<8x80xi32, #tpu.memory_space<vmem>>, %arg8: memref<80x128xf32, #tpu.memory_space<vmem>>, %arg9: memref<80x128xf32, #tpu.memory_space<vmem>>, %arg10: memref<80x128xf32, #tpu.memory_space<vmem>>, %arg11: memref<80x128xf32, #tpu.memory_space<vmem>>, %arg12: memref<10240x128xf32, #tpu.memory_space<vmem_shared>>, %arg13: memref<!tpu.dma_semaphore, #tpu.memory_space<semaphore_mem>>, %arg14: memref<!tpu.dma_semaphore, #tpu.memory_space<semaphore_mem>>, %arg15: memref<!tpu.dma_semaphore, #tpu.memory_space<semaphore_mem>>, %arg16: memref<!tpu.dma_semaphore, #tpu.memory_space<semaphore_mem>>, %arg17: memref<!tpu.dma_semaphore, #tpu.memory_space<semaphore_mem>>, %arg18: memref<!tpu.dma_semaphore, #tpu.memory_space<semaphore_mem>>, %arg19: memref<!tpu.dma_semaphore, #tpu.memory_space<semaphore_mem>>, %arg20: memref<!tpu.dma_semaphore, #tpu.memory_space<semaphore_mem>>, %arg21: memref<!tpu.dma_semaphore, #tpu.memory_space<semaphore_mem>>, %arg22: memref<!tpu.dma_semaphore, #tpu.memory_space<semaphore_mem>>) attributes {dimension_semantics = [#tpu.dimension_semantics<core_parallel>, #tpu.dimension_semantics<subcore_parallel>], iteration_bounds = array<i64: 2, 16>, scalar_prefetch = 0 : i64, scratch_operands = 17 : i64, tpu.core_type = #tpu.core_type<sc_vector_subcore>, window_params = [{transform_indices = #map}, {transform_indices = #map1}, {transform_indices = #map1}, {transform_indices = #map2}]} {
    %mul3A = arith.constant 2 : i32
    %mul3A_0 = arith.muli %arg1, %mul3A : i32
    %add3A = arith.addi %mul3A_0, %arg0 : i32
    %scan3A = arith.constant 0 : i32
    %scan3A_1 = arith.constant 0 : i32
    %scan3A_2 = arith.constant 80 : i32
    %scan3A_3 = arith.addi %scan3A_1, %scan3A_2 : i32
    %scan3A_4 = arith.constant 1 : i32
    scf.for %scan3A_389 = %scan3A_1 to %scan3A_3 step %scan3A_4  : i32 {
      %broadcast_in_dim3A = arith.constant 0.000000e+00 : f32
      %broadcast_in_dim3A_390 = vector.broadcast %broadcast_in_dim3A : f32 to vector<16xf32>
      %swap3A = arith.index_cast %scan3A_389 : i32 to index
      %swap3A_391 = arith.constant 0 : index
      %swap3A_392 = tpu.vector_load %arg8[%swap3A, %swap3A_391] {strides = array<i32>} : memref<80x128xf32, #tpu.memory_space<vmem>>, vector<1x16xf32>,
      %swap3A_393 = vector.shape_cast %swap3A_392 : vector<1x16xf32> to vector<16xf32>
      %swap3A_394 = vector.shape_cast %broadcast_in_dim3A_390 : vector<16xf32> to vector<1x16xf32>
      tpu.vector_store %arg8[%swap3A, %swap3A_391], %swap3A_394 {strides = array<i32>} : memref<80x128xf32, #tpu.memory_space<vmem>>, vector<1x16xf32>,
      %broadcast_in_dim3A_395 = arith.constant 0.000000e+00 : f32
      %broadcast_in_dim3A_396 = vector.broadcast %broadcast_in_dim3A_395 : f32 to vector<16xf32>
      %swap3A_397 = arith.index_cast %scan3A_389 : i32 to index
      %swap3A_398 = arith.constant 16 : index
      %swap3A_399 = tpu.vector_load %arg8[%swap3A_397, %swap3A_398] {strides = array<i32>} : memref<80x128xf32, #tpu.memory_space<vmem>>, vector<1x16xf32>,
      %swap3A_400 = vector.shape_cast %swap3A_399 : vector<1x16xf32> to vector<16xf32>
      %swap3A_401 = vector.shape_cast %broadcast_in_dim3A_396 : vector<16xf32> to vector<1x16xf32>
      tpu.vector_store %arg8[%swap3A_397, %swap3A_398], %swap3A_401 {strides = array<i32>} : memref<80x128xf32, #tpu.memory_space<vmem>>, vector<1x16xf32>,
      %broadcast_in_dim3A_402 = arith.constant 0.000000e+00 : f32
      %broadcast_in_dim3A_403 = vector.broadcast %broadcast_in_dim3A_402 : f32 to vector<16xf32>
      %swap3A_404 = arith.index_cast %scan3A_389 : i32 to index
      %swap3A_405 = arith.constant 32 : index
      %swap3A_406 = tpu.vector_load %arg8[%swap3A_404, %swap3A_405] {strides = array<i32>} : memref<80x128xf32, #tpu.memory_space<vmem>>, vector<1x16xf32>,
      %swap3A_407 = vector.shape_cast %swap3A_406 : vector<1x16xf32> to vector<16xf32>
      %swap3A_408 = vector.shape_cast %broadcast_in_dim3A_403 : vector<16xf32> to vector<1x16xf32>
      tpu.vector_store %arg8[%swap3A_404, %swap3A_405], %swap3A_408 {strides = array<i32>} : memref<80x128xf32, #tpu.memory_space<vmem>>, vector<1x16xf32>,
      %broadcast_in_dim3A_409 = arith.constant 0.000000e+00 : f32
      %broadcast_in_dim3A_410 = vector.broadcast %broadcast_in_dim3A_409 : f32 to vector<16xf32>
      %swap3A_411 = arith.index_cast %scan3A_389 : i32 to index
      %swap3A_412 = arith.constant 48 : index
      %swap3A_413 = tpu.vector_load %arg8[%swap3A_411, %swap3A_412] {strides = array<i32>} : memref<80x128xf32, #tpu.memory_space<vmem>>, vector<1x16xf32>,
      %swap3A_414 = vector.shape_cast %swap3A_413 : vector<1x16xf32> to vector<16xf32>
      %swap3A_415 = vector.shape_cast %broadcast_in_dim3A_410 : vector<16xf32> to vector<1x16xf32>
      tpu.vector_store %arg8[%swap3A_411, %swap3A_412], %swap3A_415 {strides = array<i32>} : memref<80x128xf32, #tpu.memory_space<vmem>>, vector<1x16xf32>,
      %broadcast_in_dim3A_416 = arith.constant 0.000000e+00 : f32
      %broadcast_in_dim3A_417 = vector.broadcast %broadcast_in_dim3A_416 : f32 to vector<16xf32>
      %swap3A_418 = arith.index_cast %scan3A_389 : i32 to index
      %swap3A_419 = arith.constant 64 : index
      %swap3A_420 = tpu.vector_load %arg8[%swap3A_418, %swap3A_419] {strides = array<i32>} : memref<80x128xf32, #tpu.memory_space<vmem>>, vector<1x16xf32>,
      %swap3A_421 = vector.shape_cast %swap3A_420 : vector<1x16xf32> to vector<16xf32>
      %swap3A_422 = vector.shape_cast %broadcast_in_dim3A_417 : vector<16xf32> to vector<1x16xf32>
      tpu.vector_store %arg8[%swap3A_418, %swap3A_419], %swap3A_422 {strides = array<i32>} : memref<80x128xf32, #tpu.memory_space<vmem>>, vector<1x16xf32>,
      %broadcast_in_dim3A_423 = arith.constant 0.000000e+00 : f32
      %broadcast_in_dim3A_424 = vector.broadcast %broadcast_in_dim3A_423 : f32 to vector<16xf32>
      %swap3A_425 = arith.index_cast %scan3A_389 : i32 to index
      %swap3A_426 = arith.constant 80 : index
      %swap3A_427 = tpu.vector_load %arg8[%swap3A_425, %swap3A_426] {strides = array<i32>} : memref<80x128xf32, #tpu.memory_space<vmem>>, vector<1x16xf32>,
      %swap3A_428 = vector.shape_cast %swap3A_427 : vector<1x16xf32> to vector<16xf32>
      %swap3A_429 = vector.shape_cast %broadcast_in_dim3A_424 : vector<16xf32> to vector<1x16xf32>
      tpu.vector_store %arg8[%swap3A_425, %swap3A_426], %swap3A_429 {strides = array<i32>} : memref<80x128xf32, #tpu.memory_space<vmem>>, vector<1x16xf32>,
      %broadcast_in_dim3A_430 = arith.constant 0.000000e+00 : f32
      %broadcast_in_dim3A_431 = vector.broadcast %broadcast_in_dim3A_430 : f32 to vector<16xf32>
      %swap3A_432 = arith.index_cast %scan3A_389 : i32 to index
      %swap3A_433 = arith.constant 96 : index
      %swap3A_434 = tpu.vector_load %arg8[%swap3A_432, %swap3A_433] {strides = array<i32>} : memref<80x128xf32, #tpu.memory_space<vmem>>, vector<1x16xf32>,
      %swap3A_435 = vector.shape_cast %swap3A_434 : vector<1x16xf32> to vector<16xf32>
      %swap3A_436 = vector.shape_cast %broadcast_in_dim3A_431 : vector<16xf32> to vector<1x16xf32>
      tpu.vector_store %arg8[%swap3A_432, %swap3A_433], %swap3A_436 {strides = array<i32>} : memref<80x128xf32, #tpu.memory_space<vmem>>, vector<1x16xf32>,
      %broadcast_in_dim3A_437 = arith.constant 0.000000e+00 : f32
      %broadcast_in_dim3A_438 = vector.broadcast %broadcast_in_dim3A_437 : f32 to vector<16xf32>
      %swap3A_439 = arith.index_cast %scan3A_389 : i32 to index
      %swap3A_440 = arith.constant 112 : index
      %swap3A_441 = tpu.vector_load %arg8[%swap3A_439, %swap3A_440] {strides = array<i32>} : memref<80x128xf32, #tpu.memory_space<vmem>>, vector<1x16xf32>,
      %swap3A_442 = vector.shape_cast %swap3A_441 : vector<1x16xf32> to vector<16xf32>
      %swap3A_443 = vector.shape_cast %broadcast_in_dim3A_438 : vector<16xf32> to vector<1x16xf32>
      tpu.vector_store %arg8[%swap3A_439, %swap3A_440], %swap3A_443 {strides = array<i32>} : memref<80x128xf32, #tpu.memory_space<vmem>>, vector<1x16xf32>,
    }
    %scan3A_5 = arith.constant 80 : i32
    %mul3A_6 = arith.constant 640 : i32
    %mul3A_7 = arith.muli %arg1, %mul3A_6 : i32
    %add3A_8 = arith.constant 0 : i32
    %add3A_9 = arith.addi %mul3A_7, %add3A_8 : i32
    "tpu.region"() ({
      %run_scoped3A = tpu.sem_alloc : memref<!tpu.dma_semaphore, #tpu.memory_space<semaphore_mem>>
      %dma_start3A_389 = arith.constant 0 : i32
      %dma_start3A_390 = tpu.memref_slice %arg12[%add3A_9, %dma_start3A_389] : memref<10240x128xf32, #tpu.memory_space<vmem_shared>> -> memref<80x128xf32, #tpu.memory_space<vmem_shared>>
      %dma_start3A_391 = arith.constant 0 : i32
      %dma_start3A_392 = tpu.memref_slice %arg12[%add3A_9, %dma_start3A_391] : memref<10240x128xf32, #tpu.memory_space<vmem_shared>> -> memref<80x128xf32, #tpu.memory_space<vmem_shared>>
      tpu.enqueue_dma source(%arg8 : memref<80x128xf32, #tpu.memory_space<vmem>>) target(%dma_start3A_392 : memref<80x128xf32, #tpu.memory_space<vmem_shared>>) target_semaphore(%run_scoped3A : memref<!tpu.dma_semaphore, #tpu.memory_space<semaphore_mem>>)
      %dma_wait3A_393 = arith.constant 0 : i32
      %dma_wait3A_394 = tpu.memref_slice %arg12[%add3A_9, %dma_wait3A_393] : memref<10240x128xf32, #tpu.memory_space<vmem_shared>> -> memref<80x128xf32, #tpu.memory_space<vmem_shared>>
      %dma_wait3A_395 = arith.constant 0 : i32
      %dma_wait3A_396 = tpu.memref_slice %arg12[%add3A_9, %dma_wait3A_395] : memref<10240x128xf32, #tpu.memory_space<vmem_shared>> -> memref<80x128xf32, #tpu.memory_space<vmem_shared>>
      tpu.wait_dma2 semaphore(%run_scoped3A : memref<!tpu.dma_semaphore, #tpu.memory_space<semaphore_mem>>) src(%arg8 : memref<80x128xf32, #tpu.memory_space<vmem>>) dst(%dma_wait3A_396 : memref<80x128xf32, #tpu.memory_space<vmem_shared>>)
      tpu.yield
    }) : () -> ()
    %mul3A_10 = arith.constant 640 : i32
    %mul3A_11 = arith.muli %arg1, %mul3A_10 : i32
    %add3A_12 = arith.constant 80 : i32
    %add3A_13 = arith.addi %mul3A_11, %add3A_12 : i32
    "tpu.region"() ({
      %run_scoped3A = tpu.sem_alloc : memref<!tpu.dma_semaphore, #tpu.memory_space<semaphore_mem>>
      %dma_start3A_389 = arith.constant 0 : i32
      %dma_start3A_390 = tpu.memref_slice %arg12[%add3A_13, %dma_start3A_389] : memref<10240x128xf32, #tpu.memory_space<vmem_shared>> -> memref<80x128xf32, #tpu.memory_space<vmem_shared>>
      %dma_start3A_391 = arith.constant 0 : i32
      %dma_start3A_392 = tpu.memref_slice %arg12[%add3A_13, %dma_start3A_391] : memref<10240x128xf32, #tpu.memory_space<vmem_shared>> -> memref<80x128xf32, #tpu.memory_space<vmem_shared>>
      tpu.enqueue_dma source(%arg8 : memref<80x128xf32, #tpu.memory_space<vmem>>) target(%dma_start3A_392 : memref<80x128xf32, #tpu.memory_space<vmem_shared>>) target_semaphore(%run_scoped3A : memref<!tpu.dma_semaphore, #tpu.memory_space<semaphore_mem>>)
      %dma_wait3A_393 = arith.constant 0 : i32
      %dma_wait3A_394 = tpu.memref_slice %arg12[%add3A_13, %dma_wait3A_393] : memref<10240x128xf32, #tpu.memory_space<vmem_shared>> -> memref<80x128xf32, #tpu.memory_space<vmem_shared>>
      %dma_wait3A_395 = arith.constant 0 : i32
      %dma_wait3A_396 = tpu.memref_slice %arg12[%add3A_13, %dma_wait3A_395] : memref<10240x128xf32, #tpu.memory_space<vmem_shared>> -> memref<80x128xf32, #tpu.memory_space<vmem_shared>>
      tpu.wait_dma2 semaphore(%run_scoped3A : memref<!tpu.dma_semaphore, #tpu.memory_space<semaphore_mem>>) src(%arg8 : memref<80x128xf32, #tpu.memory_space<vmem>>) dst(%dma_wait3A_396 : memref<80x128xf32, #tpu.memory_space<vmem_shared>>)
      tpu.yield
    }) : () -> ()
    %mul3A_14 = arith.constant 640 : i32
    %mul3A_15 = arith.muli %arg1, %mul3A_14 : i32
    %add3A_16 = arith.constant 160 : i32
    %add3A_17 = arith.addi %mul3A_15, %add3A_16 : i32
    "tpu.region"() ({
      %run_scoped3A = tpu.sem_alloc : memref<!tpu.dma_semaphore, #tpu.memory_space<semaphore_mem>>
      %dma_start3A_389 = arith.constant 0 : i32
      %dma_start3A_390 = tpu.memref_slice %arg12[%add3A_17, %dma_start3A_389] : memref<10240x128xf32, #tpu.memory_space<vmem_shared>> -> memref<80x128xf32, #tpu.memory_space<vmem_shared>>
      %dma_start3A_391 = arith.constant 0 : i32
      %dma_start3A_392 = tpu.memref_slice %arg12[%add3A_17, %dma_start3A_391] : memref<10240x128xf32, #tpu.memory_space<vmem_shared>> -> memref<80x128xf32, #tpu.memory_space<vmem_shared>>
      tpu.enqueue_dma source(%arg8 : memref<80x128xf32, #tpu.memory_space<vmem>>) target(%dma_start3A_392 : memref<80x128xf32, #tpu.memory_space<vmem_shared>>) target_semaphore(%run_scoped3A : memref<!tpu.dma_semaphore, #tpu.memory_space<semaphore_mem>>)
      %dma_wait3A_393 = arith.constant 0 : i32
      %dma_wait3A_394 = tpu.memref_slice %arg12[%add3A_17, %dma_wait3A_393] : memref<10240x128xf32, #tpu.memory_space<vmem_shared>> -> memref<80x128xf32, #tpu.memory_space<vmem_shared>>
      %dma_wait3A_395 = arith.constant 0 : i32
      %dma_wait3A_396 = tpu.memref_slice %arg12[%add3A_17, %dma_wait3A_395] : memref<10240x128xf32, #tpu.memory_space<vmem_shared>> -> memref<80x128xf32, #tpu.memory_space<vmem_shared>>
      tpu.wait_dma2 semaphore(%run_scoped3A : memref<!tpu.dma_semaphore, #tpu.memory_space<semaphore_mem>>) src(%arg8 : memref<80x128xf32, #tpu.memory_space<vmem>>) dst(%dma_wait3A_396 : memref<80x128xf32, #tpu.memory_space<vmem_shared>>)
      tpu.yield
    }) : () -> ()
    %mul3A_18 = arith.constant 640 : i32
    %mul3A_19 = arith.muli %arg1, %mul3A_18 : i32
    %add3A_20 = arith.constant 240 : i32
    %add3A_21 = arith.addi %mul3A_19, %add3A_20 : i32
    "tpu.region"() ({
      %run_scoped3A = tpu.sem_alloc : memref<!tpu.dma_semaphore, #tpu.memory_space<semaphore_mem>>
      %dma_start3A_389 = arith.constant 0 : i32
      %dma_start3A_390 = tpu.memref_slice %arg12[%add3A_21, %dma_start3A_389] : memref<10240x128xf32, #tpu.memory_space<vmem_shared>> -> memref<80x128xf32, #tpu.memory_space<vmem_shared>>
      %dma_start3A_391 = arith.constant 0 : i32
      %dma_start3A_392 = tpu.memref_slice %arg12[%add3A_21, %dma_start3A_391] : memref<10240x128xf32, #tpu.memory_space<vmem_shared>> -> memref<80x128xf32, #tpu.memory_space<vmem_shared>>
      tpu.enqueue_dma source(%arg8 : memref<80x128xf32, #tpu.memory_space<vmem>>) target(%dma_start3A_392 : memref<80x128xf32, #tpu.memory_space<vmem_shared>>) target_semaphore(%run_scoped3A : memref<!tpu.dma_semaphore, #tpu.memory_space<semaphore_mem>>)
      %dma_wait3A_393 = arith.constant 0 : i32
      %dma_wait3A_394 = tpu.memref_slice %arg12[%add3A_21, %dma_wait3A_393] : memref<10240x128xf32, #tpu.memory_space<vmem_shared>> -> memref<80x128xf32, #tpu.memory_space<vmem_shared>>
      %dma_wait3A_395 = arith.constant 0 : i32
      %dma_wait3A_396 = tpu.memref_slice %arg12[%add3A_21, %dma_wait3A_395] : memref<10240x128xf32, #tpu.memory_space<vmem_shared>> -> memref<80x128xf32, #tpu.memory_space<vmem_shared>>
      tpu.wait_dma2 semaphore(%run_scoped3A : memref<!tpu.dma_semaphore, #tpu.memory_space<semaphore_mem>>) src(%arg8 : memref<80x128xf32, #tpu.memory_space<vmem>>) dst(%dma_wait3A_396 : memref<80x128xf32, #tpu.memory_space<vmem_shared>>)
      tpu.yield
    }) : () -> ()
    %mul3A_22 = arith.constant 640 : i32
    %mul3A_23 = arith.muli %arg1, %mul3A_22 : i32
    %add3A_24 = arith.constant 320 : i32
    %add3A_25 = arith.addi %mul3A_23, %add3A_24 : i32
    "tpu.region"() ({
      %run_scoped3A = tpu.sem_alloc : memref<!tpu.dma_semaphore, #tpu.memory_space<semaphore_mem>>
      %dma_start3A_389 = arith.constant 0 : i32
      %dma_start3A_390 = tpu.memref_slice %arg12[%add3A_25, %dma_start3A_389] : memref<10240x128xf32, #tpu.memory_space<vmem_shared>> -> memref<80x128xf32, #tpu.memory_space<vmem_shared>>
      %dma_start3A_391 = arith.constant 0 : i32
      %dma_start3A_392 = tpu.memref_slice %arg12[%add3A_25, %dma_start3A_391] : memref<10240x128xf32, #tpu.memory_space<vmem_shared>> -> memref<80x128xf32, #tpu.memory_space<vmem_shared>>
      tpu.enqueue_dma source(%arg8 : memref<80x128xf32, #tpu.memory_space<vmem>>) target(%dma_start3A_392 : memref<80x128xf32, #tpu.memory_space<vmem_shared>>) target_semaphore(%run_scoped3A : memref<!tpu.dma_semaphore, #tpu.memory_space<semaphore_mem>>)
      %dma_wait3A_393 = arith.constant 0 : i32
      %dma_wait3A_394 = tpu.memref_slice %arg12[%add3A_25, %dma_wait3A_393] : memref<10240x128xf32, #tpu.memory_space<vmem_shared>> -> memref<80x128xf32, #tpu.memory_space<vmem_shared>>
      %dma_wait3A_395 = arith.constant 0 : i32
      %dma_wait3A_396 = tpu.memref_slice %arg12[%add3A_25, %dma_wait3A_395] : memref<10240x128xf32, #tpu.memory_space<vmem_shared>> -> memref<80x128xf32, #tpu.memory_space<vmem_shared>>
      tpu.wait_dma2 semaphore(%run_scoped3A : memref<!tpu.dma_semaphore, #tpu.memory_space<semaphore_mem>>) src(%arg8 : memref<80x128xf32, #tpu.memory_space<vmem>>) dst(%dma_wait3A_396 : memref<80x128xf32, #tpu.memory_space<vmem_shared>>)
      tpu.yield
    }) : () -> ()
    %mul3A_26 = arith.constant 640 : i32
    %mul3A_27 = arith.muli %arg1, %mul3A_26 : i32
    %add3A_28 = arith.constant 400 : i32
    %add3A_29 = arith.addi %mul3A_27, %add3A_28 : i32
    "tpu.region"() ({
      %run_scoped3A = tpu.sem_alloc : memref<!tpu.dma_semaphore, #tpu.memory_space<semaphore_mem>>
      %dma_start3A_389 = arith.constant 0 : i32
      %dma_start3A_390 = tpu.memref_slice %arg12[%add3A_29, %dma_start3A_389] : memref<10240x128xf32, #tpu.memory_space<vmem_shared>> -> memref<80x128xf32, #tpu.memory_space<vmem_shared>>
      %dma_start3A_391 = arith.constant 0 : i32
      %dma_start3A_392 = tpu.memref_slice %arg12[%add3A_29, %dma_start3A_391] : memref<10240x128xf32, #tpu.memory_space<vmem_shared>> -> memref<80x128xf32, #tpu.memory_space<vmem_shared>>
      tpu.enqueue_dma source(%arg8 : memref<80x128xf32, #tpu.memory_space<vmem>>) target(%dma_start3A_392 : memref<80x128xf32, #tpu.memory_space<vmem_shared>>) target_semaphore(%run_scoped3A : memref<!tpu.dma_semaphore, #tpu.memory_space<semaphore_mem>>)
      %dma_wait3A_393 = arith.constant 0 : i32
      %dma_wait3A_394 = tpu.memref_slice %arg12[%add3A_29, %dma_wait3A_393] : memref<10240x128xf32, #tpu.memory_space<vmem_shared>> -> memref<80x128xf32, #tpu.memory_space<vmem_shared>>
      %dma_wait3A_395 = arith.constant 0 : i32
      %dma_wait3A_396 = tpu.memref_slice %arg12[%add3A_29, %dma_wait3A_395] : memref<10240x128xf32, #tpu.memory_space<vmem_shared>> -> memref<80x128xf32, #tpu.memory_space<vmem_shared>>
      tpu.wait_dma2 semaphore(%run_scoped3A : memref<!tpu.dma_semaphore, #tpu.memory_space<semaphore_mem>>) src(%arg8 : memref<80x128xf32, #tpu.memory_space<vmem>>) dst(%dma_wait3A_396 : memref<80x128xf32, #tpu.memory_space<vmem_shared>>)
      tpu.yield
    }) : () -> ()
    %mul3A_30 = arith.constant 640 : i32
    %mul3A_31 = arith.muli %arg1, %mul3A_30 : i32
    %add3A_32 = arith.constant 480 : i32
    %add3A_33 = arith.addi %mul3A_31, %add3A_32 : i32
    "tpu.region"() ({
      %run_scoped3A = tpu.sem_alloc : memref<!tpu.dma_semaphore, #tpu.memory_space<semaphore_mem>>
      %dma_start3A_389 = arith.constant 0 : i32
      %dma_start3A_390 = tpu.memref_slice %arg12[%add3A_33, %dma_start3A_389] : memref<10240x128xf32, #tpu.memory_space<vmem_shared>> -> memref<80x128xf32, #tpu.memory_space<vmem_shared>>
      %dma_start3A_391 = arith.constant 0 : i32
      %dma_start3A_392 = tpu.memref_slice %arg12[%add3A_33, %dma_start3A_391] : memref<10240x128xf32, #tpu.memory_space<vmem_shared>> -> memref<80x128xf32, #tpu.memory_space<vmem_shared>>
      tpu.enqueue_dma source(%arg8 : memref<80x128xf32, #tpu.memory_space<vmem>>) target(%dma_start3A_392 : memref<80x128xf32, #tpu.memory_space<vmem_shared>>) target_semaphore(%run_scoped3A : memref<!tpu.dma_semaphore, #tpu.memory_space<semaphore_mem>>)
      %dma_wait3A_393 = arith.constant 0 : i32
      %dma_wait3A_394 = tpu.memref_slice %arg12[%add3A_33, %dma_wait3A_393] : memref<10240x128xf32, #tpu.memory_space<vmem_shared>> -> memref<80x128xf32, #tpu.memory_space<vmem_shared>>
      %dma_wait3A_395 = arith.constant 0 : i32
      %dma_wait3A_396 = tpu.memref_slice %arg12[%add3A_33, %dma_wait3A_395] : memref<10240x128xf32, #tpu.memory_space<vmem_shared>> -> memref<80x128xf32, #tpu.memory_space<vmem_shared>>
      tpu.wait_dma2 semaphore(%run_scoped3A : memref<!tpu.dma_semaphore, #tpu.memory_space<semaphore_mem>>) src(%arg8 : memref<80x128xf32, #tpu.memory_space<vmem>>) dst(%dma_wait3A_396 : memref<80x128xf32, #tpu.memory_space<vmem_shared>>)
      tpu.yield
    }) : () -> ()
    %mul3A_34 = arith.constant 640 : i32
    %mul3A_35 = arith.muli %arg1, %mul3A_34 : i32
    %add3A_36 = arith.constant 560 : i32
    %add3A_37 = arith.addi %mul3A_35, %add3A_36 : i32
    "tpu.region"() ({
      %run_scoped3A = tpu.sem_alloc : memref<!tpu.dma_semaphore, #tpu.memory_space<semaphore_mem>>
      %dma_start3A_389 = arith.constant 0 : i32
      %dma_start3A_390 = tpu.memref_slice %arg12[%add3A_37, %dma_start3A_389] : memref<10240x128xf32, #tpu.memory_space<vmem_shared>> -> memref<80x128xf32, #tpu.memory_space<vmem_shared>>
      %dma_start3A_391 = arith.constant 0 : i32
      %dma_start3A_392 = tpu.memref_slice %arg12[%add3A_37, %dma_start3A_391] : memref<10240x128xf32, #tpu.memory_space<vmem_shared>> -> memref<80x128xf32, #tpu.memory_space<vmem_shared>>
      tpu.enqueue_dma source(%arg8 : memref<80x128xf32, #tpu.memory_space<vmem>>) target(%dma_start3A_392 : memref<80x128xf32, #tpu.memory_space<vmem_shared>>) target_semaphore(%run_scoped3A : memref<!tpu.dma_semaphore, #tpu.memory_space<semaphore_mem>>)
      %dma_wait3A_393 = arith.constant 0 : i32
      %dma_wait3A_394 = tpu.memref_slice %arg12[%add3A_37, %dma_wait3A_393] : memref<10240x128xf32, #tpu.memory_space<vmem_shared>> -> memref<80x128xf32, #tpu.memory_space<vmem_shared>>
      %dma_wait3A_395 = arith.constant 0 : i32
      %dma_wait3A_396 = tpu.memref_slice %arg12[%add3A_37, %dma_wait3A_395] : memref<10240x128xf32, #tpu.memory_space<vmem_shared>> -> memref<80x128xf32, #tpu.memory_space<vmem_shared>>
      tpu.wait_dma2 semaphore(%run_scoped3A : memref<!tpu.dma_semaphore, #tpu.memory_space<semaphore_mem>>) src(%arg8 : memref<80x128xf32, #tpu.memory_space<vmem>>) dst(%dma_wait3A_396 : memref<80x128xf32, #tpu.memory_space<vmem_shared>>)
      tpu.yield
    }) : () -> ()
    %barrier3A = arith.constant 0 : index
    tpu.barrier barrier_id(%barrier3A)
    %mul3A_38 = arith.constant 125 : i32
    %mul3A_39 = arith.muli %add3A, %mul3A_38 : i32
    %add3A_40 = arith.constant 0 : i32
    %add3A_41 = arith.addi %mul3A_39, %add3A_40 : i32
    %mul3A_42 = arith.constant 80 : i32
    %mul3A_43 = arith.muli %add3A_41, %mul3A_42 : i32
    %dma_start3A = arith.constant 0 : i32
    %dma_start3A_44 = arith.constant 0 : i32
    %dma_start3A_45 = tpu.memref_slice %arg6[%dma_start3A, %dma_start3A_44] : memref<8x80xi32, #tpu.memory_space<vmem>> -> memref<1x80xi32, #tpu.memory_space<vmem>>
    %dma_start3A_46 = tpu.memref_squeeze %dma_start3A_45 : memref<1x80xi32, #tpu.memory_space<vmem>> -> memref<80xi32, #tpu.memory_space<vmem>>
    %dma_start3A_47 = tpu.memref_slice %arg3[%mul3A_43] : memref<320000xi32, #tpu.memory_space<hbm>> -> memref<80xi32, #tpu.memory_space<hbm>>
    %dma_start3A_48 = arith.constant 0 : i32
    %dma_start3A_49 = tpu.memref_slice %arg6[%dma_start3A, %dma_start3A_48] : memref<8x80xi32, #tpu.memory_space<vmem>> -> memref<1x80xi32, #tpu.memory_space<vmem>>
    %dma_start3A_50 = tpu.memref_squeeze %dma_start3A_49 : memref<1x80xi32, #tpu.memory_space<vmem>> -> memref<80xi32, #tpu.memory_space<vmem>>
    %dma_start3A_51 = tpu.memref_slice %arg3[%mul3A_43] : memref<320000xi32, #tpu.memory_space<hbm>> -> memref<80xi32, #tpu.memory_space<hbm>>
    tpu.enqueue_dma source(%dma_start3A_51 : memref<80xi32, #tpu.memory_space<hbm>>) target(%dma_start3A_50 : memref<80xi32, #tpu.memory_space<vmem>>) target_semaphore(%arg21 : memref<!tpu.dma_semaphore, #tpu.memory_space<semaphore_mem>>)
    %dma_start3A_52 = arith.constant 0 : i32
    %dma_start3A_53 = arith.constant 0 : i32
    %dma_start3A_54 = tpu.memref_slice %arg7[%dma_start3A_52, %dma_start3A_53] : memref<8x80xi32, #tpu.memory_space<vmem>> -> memref<1x80xi32, #tpu.memory_space<vmem>>
    %dma_start3A_55 = tpu.memref_squeeze %dma_start3A_54 : memref<1x80xi32, #tpu.memory_space<vmem>> -> memref<80xi32, #tpu.memory_space<vmem>>
    %dma_start3A_56 = tpu.memref_slice %arg4[%mul3A_43] : memref<320000xi32, #tpu.memory_space<hbm>> -> memref<80xi32, #tpu.memory_space<hbm>>
    %dma_start3A_57 = arith.constant 0 : i32
    %dma_start3A_58 = tpu.memref_slice %arg7[%dma_start3A_52, %dma_start3A_57] : memref<8x80xi32, #tpu.memory_space<vmem>> -> memref<1x80xi32, #tpu.memory_space<vmem>>
    %dma_start3A_59 = tpu.memref_squeeze %dma_start3A_58 : memref<1x80xi32, #tpu.memory_space<vmem>> -> memref<80xi32, #tpu.memory_space<vmem>>
    %dma_start3A_60 = tpu.memref_slice %arg4[%mul3A_43] : memref<320000xi32, #tpu.memory_space<hbm>> -> memref<80xi32, #tpu.memory_space<hbm>>
    tpu.enqueue_dma source(%dma_start3A_60 : memref<80xi32, #tpu.memory_space<hbm>>) target(%dma_start3A_59 : memref<80xi32, #tpu.memory_space<vmem>>) target_semaphore(%arg21 : memref<!tpu.dma_semaphore, #tpu.memory_space<semaphore_mem>>)
    %add3A_61 = arith.constant 1 : i32
    %add3A_62 = arith.addi %mul3A_39, %add3A_61 : i32
    %mul3A_63 = arith.constant 80 : i32
    %mul3A_64 = arith.muli %add3A_62, %mul3A_63 : i32
    %dma_start3A_65 = arith.constant 1 : i32
    %dma_start3A_66 = arith.constant 0 : i32
    %dma_start3A_67 = tpu.memref_slice %arg6[%dma_start3A_65, %dma_start3A_66] : memref<8x80xi32, #tpu.memory_space<vmem>> -> memref<1x80xi32, #tpu.memory_space<vmem>>
    %dma_start3A_68 = tpu.memref_squeeze %dma_start3A_67 : memref<1x80xi32, #tpu.memory_space<vmem>> -> memref<80xi32, #tpu.memory_space<vmem>>
    %dma_start3A_69 = tpu.memref_slice %arg3[%mul3A_64] : memref<320000xi32, #tpu.memory_space<hbm>> -> memref<80xi32, #tpu.memory_space<hbm>>
    %dma_start3A_70 = arith.constant 0 : i32
    %dma_start3A_71 = tpu.memref_slice %arg6[%dma_start3A_65, %dma_start3A_70] : memref<8x80xi32, #tpu.memory_space<vmem>> -> memref<1x80xi32, #tpu.memory_space<vmem>>
    %dma_start3A_72 = tpu.memref_squeeze %dma_start3A_71 : memref<1x80xi32, #tpu.memory_space<vmem>> -> memref<80xi32, #tpu.memory_space<vmem>>
    %dma_start3A_73 = tpu.memref_slice %arg3[%mul3A_64] : memref<320000xi32, #tpu.memory_space<hbm>> -> memref<80xi32, #tpu.memory_space<hbm>>
    tpu.enqueue_dma source(%dma_start3A_73 : memref<80xi32, #tpu.memory_space<hbm>>) target(%dma_start3A_72 : memref<80xi32, #tpu.memory_space<vmem>>) target_semaphore(%arg22 : memref<!tpu.dma_semaphore, #tpu.memory_space<semaphore_mem>>)
    %dma_start3A_74 = arith.constant 1 : i32
    %dma_start3A_75 = arith.constant 0 : i32
    %dma_start3A_76 = tpu.memref_slice %arg7[%dma_start3A_74, %dma_start3A_75] : memref<8x80xi32, #tpu.memory_space<vmem>> -> memref<1x80xi32, #tpu.memory_space<vmem>>
    %dma_start3A_77 = tpu.memref_squeeze %dma_start3A_76 : memref<1x80xi32, #tpu.memory_space<vmem>> -> memref<80xi32, #tpu.memory_space<vmem>>
    %dma_start3A_78 = tpu.memref_slice %arg4[%mul3A_64] : memref<320000xi32, #tpu.memory_space<hbm>> -> memref<80xi32, #tpu.memory_space<hbm>>
    %dma_start3A_79 = arith.constant 0 : i32
    %dma_start3A_80 = tpu.memref_slice %arg7[%dma_start3A_74, %dma_start3A_79] : memref<8x80xi32, #tpu.memory_space<vmem>> -> memref<1x80xi32, #tpu.memory_space<vmem>>
    %dma_start3A_81 = tpu.memref_squeeze %dma_start3A_80 : memref<1x80xi32, #tpu.memory_space<vmem>> -> memref<80xi32, #tpu.memory_space<vmem>>
    %dma_start3A_82 = tpu.memref_slice %arg4[%mul3A_64] : memref<320000xi32, #tpu.memory_space<hbm>> -> memref<80xi32, #tpu.memory_space<hbm>>
    tpu.enqueue_dma source(%dma_start3A_82 : memref<80xi32, #tpu.memory_space<hbm>>) target(%dma_start3A_81 : memref<80xi32, #tpu.memory_space<vmem>>) target_semaphore(%arg22 : memref<!tpu.dma_semaphore, #tpu.memory_space<semaphore_mem>>)
    %add3A_83 = arith.constant 2 : i32
    %add3A_84 = arith.addi %mul3A_39, %add3A_83 : i32
    %mul3A_85 = arith.constant 80 : i32
    %mul3A_86 = arith.muli %add3A_84, %mul3A_85 : i32
    %dma_start3A_87 = arith.constant 2 : i32
    %dma_start3A_88 = arith.constant 0 : i32
    %dma_start3A_89 = tpu.memref_slice %arg6[%dma_start3A_87, %dma_start3A_88] : memref<8x80xi32, #tpu.memory_space<vmem>> -> memref<1x80xi32, #tpu.memory_space<vmem>>
    %dma_start3A_90 = tpu.memref_squeeze %dma_start3A_89 : memref<1x80xi32, #tpu.memory_space<vmem>> -> memref<80xi32, #tpu.memory_space<vmem>>
    %dma_start3A_91 = tpu.memref_slice %arg3[%mul3A_86] : memref<320000xi32, #tpu.memory_space<hbm>> -> memref<80xi32, #tpu.memory_space<hbm>>
    %dma_start3A_92 = arith.constant 0 : i32
    %dma_start3A_93 = tpu.memref_slice %arg6[%dma_start3A_87, %dma_start3A_92] : memref<8x80xi32, #tpu.memory_space<vmem>> -> memref<1x80xi32, #tpu.memory_space<vmem>>
    %dma_start3A_94 = tpu.memref_squeeze %dma_start3A_93 : memref<1x80xi32, #tpu.memory_space<vmem>> -> memref<80xi32, #tpu.memory_space<vmem>>
    %dma_start3A_95 = tpu.memref_slice %arg3[%mul3A_86] : memref<320000xi32, #tpu.memory_space<hbm>> -> memref<80xi32, #tpu.memory_space<hbm>>
    tpu.enqueue_dma source(%dma_start3A_95 : memref<80xi32, #tpu.memory_space<hbm>>) target(%dma_start3A_94 : memref<80xi32, #tpu.memory_space<vmem>>) target_semaphore(%arg21 : memref<!tpu.dma_semaphore, #tpu.memory_space<semaphore_mem>>)
    %dma_start3A_96 = arith.constant 2 : i32
    %dma_start3A_97 = arith.constant 0 : i32
    %dma_start3A_98 = tpu.memref_slice %arg7[%dma_start3A_96, %dma_start3A_97] : memref<8x80xi32, #tpu.memory_space<vmem>> -> memref<1x80xi32, #tpu.memory_space<vmem>>
    %dma_start3A_99 = tpu.memref_squeeze %dma_start3A_98 : memref<1x80xi32, #tpu.memory_space<vmem>> -> memref<80xi32, #tpu.memory_space<vmem>>
    %dma_start3A_100 = tpu.memref_slice %arg4[%mul3A_86] : memref<320000xi32, #tpu.memory_space<hbm>> -> memref<80xi32, #tpu.memory_space<hbm>>
    %dma_start3A_101 = arith.constant 0 : i32
    %dma_start3A_102 = tpu.memref_slice %arg7[%dma_start3A_96, %dma_start3A_101] : memref<8x80xi32, #tpu.memory_space<vmem>> -> memref<1x80xi32, #tpu.memory_space<vmem>>
    %dma_start3A_103 = tpu.memref_squeeze %dma_start3A_102 : memref<1x80xi32, #tpu.memory_space<vmem>> -> memref<80xi32, #tpu.memory_space<vmem>>
    %dma_start3A_104 = tpu.memref_slice %arg4[%mul3A_86] : memref<320000xi32, #tpu.memory_space<hbm>> -> memref<80xi32, #tpu.memory_space<hbm>>
    tpu.enqueue_dma source(%dma_start3A_104 : memref<80xi32, #tpu.memory_space<hbm>>) target(%dma_start3A_103 : memref<80xi32, #tpu.memory_space<vmem>>) target_semaphore(%arg21 : memref<!tpu.dma_semaphore, #tpu.memory_space<semaphore_mem>>)
    %add3A_105 = arith.constant 3 : i32
    %add3A_106 = arith.addi %mul3A_39, %add3A_105 : i32
    %mul3A_107 = arith.constant 80 : i32
    %mul3A_108 = arith.muli %add3A_106, %mul3A_107 : i32
    %dma_start3A_109 = arith.constant 3 : i32
    %dma_start3A_110 = arith.constant 0 : i32
    %dma_start3A_111 = tpu.memref_slice %arg6[%dma_start3A_109, %dma_start3A_110] : memref<8x80xi32, #tpu.memory_space<vmem>> -> memref<1x80xi32, #tpu.memory_space<vmem>>
    %dma_start3A_112 = tpu.memref_squeeze %dma_start3A_111 : memref<1x80xi32, #tpu.memory_space<vmem>> -> memref<80xi32, #tpu.memory_space<vmem>>
    %dma_start3A_113 = tpu.memref_slice %arg3[%mul3A_108] : memref<320000xi32, #tpu.memory_space<hbm>> -> memref<80xi32, #tpu.memory_space<hbm>>
    %dma_start3A_114 = arith.constant 0 : i32
    %dma_start3A_115 = tpu.memref_slice %arg6[%dma_start3A_109, %dma_start3A_114] : memref<8x80xi32, #tpu.memory_space<vmem>> -> memref<1x80xi32, #tpu.memory_space<vmem>>
    %dma_start3A_116 = tpu.memref_squeeze %dma_start3A_115 : memref<1x80xi32, #tpu.memory_space<vmem>> -> memref<80xi32, #tpu.memory_space<vmem>>
    %dma_start3A_117 = tpu.memref_slice %arg3[%mul3A_108] : memref<320000xi32, #tpu.memory_space<hbm>> -> memref<80xi32, #tpu.memory_space<hbm>>
    tpu.enqueue_dma source(%dma_start3A_117 : memref<80xi32, #tpu.memory_space<hbm>>) target(%dma_start3A_116 : memref<80xi32, #tpu.memory_space<vmem>>) target_semaphore(%arg22 : memref<!tpu.dma_semaphore, #tpu.memory_space<semaphore_mem>>)
    %dma_start3A_118 = arith.constant 3 : i32
    %dma_start3A_119 = arith.constant 0 : i32
    %dma_start3A_120 = tpu.memref_slice %arg7[%dma_start3A_118, %dma_start3A_119] : memref<8x80xi32, #tpu.memory_space<vmem>> -> memref<1x80xi32, #tpu.memory_space<vmem>>
    %dma_start3A_121 = tpu.memref_squeeze %dma_start3A_120 : memref<1x80xi32, #tpu.memory_space<vmem>> -> memref<80xi32, #tpu.memory_space<vmem>>
    %dma_start3A_122 = tpu.memref_slice %arg4[%mul3A_108] : memref<320000xi32, #tpu.memory_space<hbm>> -> memref<80xi32, #tpu.memory_space<hbm>>
    %dma_start3A_123 = arith.constant 0 : i32
    %dma_start3A_124 = tpu.memref_slice %arg7[%dma_start3A_118, %dma_start3A_123] : memref<8x80xi32, #tpu.memory_space<vmem>> -> memref<1x80xi32, #tpu.memory_space<vmem>>
    %dma_start3A_125 = tpu.memref_squeeze %dma_start3A_124 : memref<1x80xi32, #tpu.memory_space<vmem>> -> memref<80xi32, #tpu.memory_space<vmem>>
    %dma_start3A_126 = tpu.memref_slice %arg4[%mul3A_108] : memref<320000xi32, #tpu.memory_space<hbm>> -> memref<80xi32, #tpu.memory_space<hbm>>
    tpu.enqueue_dma source(%dma_start3A_126 : memref<80xi32, #tpu.memory_space<hbm>>) target(%dma_start3A_125 : memref<80xi32, #tpu.memory_space<vmem>>) target_semaphore(%arg22 : memref<!tpu.dma_semaphore, #tpu.memory_space<semaphore_mem>>)
    %dma_wait3A = arith.constant 0 : i32
    %dma_wait3A_127 = arith.constant 0 : i32
    %dma_wait3A_128 = tpu.memref_slice %arg6[%dma_wait3A, %dma_wait3A_127] : memref<8x80xi32, #tpu.memory_space<vmem>> -> memref<1x80xi32, #tpu.memory_space<vmem>>
    %dma_wait3A_129 = tpu.memref_squeeze %dma_wait3A_128 : memref<1x80xi32, #tpu.memory_space<vmem>> -> memref<80xi32, #tpu.memory_space<vmem>>
    %dma_wait3A_130 = arith.constant 0 : i32
    %dma_wait3A_131 = tpu.memref_slice %arg3[%dma_wait3A_130] : memref<320000xi32, #tpu.memory_space<hbm>> -> memref<80xi32, #tpu.memory_space<hbm>>
    %dma_wait3A_132 = arith.constant 0 : i32
    %dma_wait3A_133 = tpu.memref_slice %arg6[%dma_wait3A, %dma_wait3A_132] : memref<8x80xi32, #tpu.memory_space<vmem>> -> memref<1x80xi32, #tpu.memory_space<vmem>>
    %dma_wait3A_134 = tpu.memref_squeeze %dma_wait3A_133 : memref<1x80xi32, #tpu.memory_space<vmem>> -> memref<80xi32, #tpu.memory_space<vmem>>
    %dma_wait3A_135 = arith.constant 0 : i32
    %dma_wait3A_136 = tpu.memref_slice %arg3[%dma_wait3A_135] : memref<320000xi32, #tpu.memory_space<hbm>> -> memref<80xi32, #tpu.memory_space<hbm>>
    tpu.wait_dma2 semaphore(%arg21 : memref<!tpu.dma_semaphore, #tpu.memory_space<semaphore_mem>>) src(%dma_wait3A_136 : memref<80xi32, #tpu.memory_space<hbm>>) dst(%dma_wait3A_134 : memref<80xi32, #tpu.memory_space<vmem>>)
    %dma_wait3A_137 = arith.constant 0 : i32
    %dma_wait3A_138 = arith.constant 0 : i32
    %dma_wait3A_139 = tpu.memref_slice %arg7[%dma_wait3A_137, %dma_wait3A_138] : memref<8x80xi32, #tpu.memory_space<vmem>> -> memref<1x80xi32, #tpu.memory_space<vmem>>
    %dma_wait3A_140 = tpu.memref_squeeze %dma_wait3A_139 : memref<1x80xi32, #tpu.memory_space<vmem>> -> memref<80xi32, #tpu.memory_space<vmem>>
    %dma_wait3A_141 = arith.constant 0 : i32
    %dma_wait3A_142 = tpu.memref_slice %arg4[%dma_wait3A_141] : memref<320000xi32, #tpu.memory_space<hbm>> -> memref<80xi32, #tpu.memory_space<hbm>>
    %dma_wait3A_143 = arith.constant 0 : i32
    %dma_wait3A_144 = tpu.memref_slice %arg7[%dma_wait3A_137, %dma_wait3A_143] : memref<8x80xi32, #tpu.memory_space<vmem>> -> memref<1x80xi32, #tpu.memory_space<vmem>>
    %dma_wait3A_145 = tpu.memref_squeeze %dma_wait3A_144 : memref<1x80xi32, #tpu.memory_space<vmem>> -> memref<80xi32, #tpu.memory_space<vmem>>
    %dma_wait3A_146 = arith.constant 0 : i32
    %dma_wait3A_147 = tpu.memref_slice %arg4[%dma_wait3A_146] : memref<320000xi32, #tpu.memory_space<hbm>> -> memref<80xi32, #tpu.memory_space<hbm>>
    tpu.wait_dma2 semaphore(%arg21 : memref<!tpu.dma_semaphore, #tpu.memory_space<semaphore_mem>>) src(%dma_wait3A_147 : memref<80xi32, #tpu.memory_space<hbm>>) dst(%dma_wait3A_145 : memref<80xi32, #tpu.memory_space<vmem>>)
    %dma_wait3A_148 = arith.constant 1 : i32
    %dma_wait3A_149 = arith.constant 0 : i32
    %dma_wait3A_150 = tpu.memref_slice %arg6[%dma_wait3A_148, %dma_wait3A_149] : memref<8x80xi32, #tpu.memory_space<vmem>> -> memref<1x80xi32, #tpu.memory_space<vmem>>
    %dma_wait3A_151 = tpu.memref_squeeze %dma_wait3A_150 : memref<1x80xi32, #tpu.memory_space<vmem>> -> memref<80xi32, #tpu.memory_space<vmem>>
    %dma_wait3A_152 = arith.constant 0 : i32
    %dma_wait3A_153 = tpu.memref_slice %arg3[%dma_wait3A_152] : memref<320000xi32, #tpu.memory_space<hbm>> -> memref<80xi32, #tpu.memory_space<hbm>>
    %dma_wait3A_154 = arith.constant 0 : i32
    %dma_wait3A_155 = tpu.memref_slice %arg6[%dma_wait3A_148, %dma_wait3A_154] : memref<8x80xi32, #tpu.memory_space<vmem>> -> memref<1x80xi32, #tpu.memory_space<vmem>>
    %dma_wait3A_156 = tpu.memref_squeeze %dma_wait3A_155 : memref<1x80xi32, #tpu.memory_space<vmem>> -> memref<80xi32, #tpu.memory_space<vmem>>
    %dma_wait3A_157 = arith.constant 0 : i32
    %dma_wait3A_158 = tpu.memref_slice %arg3[%dma_wait3A_157] : memref<320000xi32, #tpu.memory_space<hbm>> -> memref<80xi32, #tpu.memory_space<hbm>>
    tpu.wait_dma2 semaphore(%arg22 : memref<!tpu.dma_semaphore, #tpu.memory_space<semaphore_mem>>) src(%dma_wait3A_158 : memref<80xi32, #tpu.memory_space<hbm>>) dst(%dma_wait3A_156 : memref<80xi32, #tpu.memory_space<vmem>>)
    %dma_wait3A_159 = arith.constant 1 : i32
    %dma_wait3A_160 = arith.constant 0 : i32
    %dma_wait3A_161 = tpu.memref_slice %arg7[%dma_wait3A_159, %dma_wait3A_160] : memref<8x80xi32, #tpu.memory_space<vmem>> -> memref<1x80xi32, #tpu.memory_space<vmem>>
    %dma_wait3A_162 = tpu.memref_squeeze %dma_wait3A_161 : memref<1x80xi32, #tpu.memory_space<vmem>> -> memref<80xi32, #tpu.memory_space<vmem>>
    %dma_wait3A_163 = arith.constant 0 : i32
    %dma_wait3A_164 = tpu.memref_slice %arg4[%dma_wait3A_163] : memref<320000xi32, #tpu.memory_space<hbm>> -> memref<80xi32, #tpu.memory_space<hbm>>
    %dma_wait3A_165 = arith.constant 0 : i32
    %dma_wait3A_166 = tpu.memref_slice %arg7[%dma_wait3A_159, %dma_wait3A_165] : memref<8x80xi32, #tpu.memory_space<vmem>> -> memref<1x80xi32, #tpu.memory_space<vmem>>
    %dma_wait3A_167 = tpu.memref_squeeze %dma_wait3A_166 : memref<1x80xi32, #tpu.memory_space<vmem>> -> memref<80xi32, #tpu.memory_space<vmem>>
    %dma_wait3A_168 = arith.constant 0 : i32
    %dma_wait3A_169 = tpu.memref_slice %arg4[%dma_wait3A_168] : memref<320000xi32, #tpu.memory_space<hbm>> -> memref<80xi32, #tpu.memory_space<hbm>>
    tpu.wait_dma2 semaphore(%arg22 : memref<!tpu.dma_semaphore, #tpu.memory_space<semaphore_mem>>) src(%dma_wait3A_169 : memref<80xi32, #tpu.memory_space<hbm>>) dst(%dma_wait3A_167 : memref<80xi32, #tpu.memory_space<vmem>>)
    %dma_wait3A_170 = arith.constant 2 : i32
    %dma_wait3A_171 = arith.constant 0 : i32
    %dma_wait3A_172 = tpu.memref_slice %arg6[%dma_wait3A_170, %dma_wait3A_171] : memref<8x80xi32, #tpu.memory_space<vmem>> -> memref<1x80xi32, #tpu.memory_space<vmem>>
    %dma_wait3A_173 = tpu.memref_squeeze %dma_wait3A_172 : memref<1x80xi32, #tpu.memory_space<vmem>> -> memref<80xi32, #tpu.memory_space<vmem>>
    %dma_wait3A_174 = arith.constant 0 : i32
    %dma_wait3A_175 = tpu.memref_slice %arg3[%dma_wait3A_174] : memref<320000xi32, #tpu.memory_space<hbm>> -> memref<80xi32, #tpu.memory_space<hbm>>
    %dma_wait3A_176 = arith.constant 0 : i32
    %dma_wait3A_177 = tpu.memref_slice %arg6[%dma_wait3A_170, %dma_wait3A_176] : memref<8x80xi32, #tpu.memory_space<vmem>> -> memref<1x80xi32, #tpu.memory_space<vmem>>
    %dma_wait3A_178 = tpu.memref_squeeze %dma_wait3A_177 : memref<1x80xi32, #tpu.memory_space<vmem>> -> memref<80xi32, #tpu.memory_space<vmem>>
    %dma_wait3A_179 = arith.constant 0 : i32
    %dma_wait3A_180 = tpu.memref_slice %arg3[%dma_wait3A_179] : memref<320000xi32, #tpu.memory_space<hbm>> -> memref<80xi32, #tpu.memory_space<hbm>>
    tpu.wait_dma2 semaphore(%arg21 : memref<!tpu.dma_semaphore, #tpu.memory_space<semaphore_mem>>) src(%dma_wait3A_180 : memref<80xi32, #tpu.memory_space<hbm>>) dst(%dma_wait3A_178 : memref<80xi32, #tpu.memory_space<vmem>>)
    %dma_wait3A_181 = arith.constant 2 : i32
    %dma_wait3A_182 = arith.constant 0 : i32
    %dma_wait3A_183 = tpu.memref_slice %arg7[%dma_wait3A_181, %dma_wait3A_182] : memref<8x80xi32, #tpu.memory_space<vmem>> -> memref<1x80xi32, #tpu.memory_space<vmem>>
    %dma_wait3A_184 = tpu.memref_squeeze %dma_wait3A_183 : memref<1x80xi32, #tpu.memory_space<vmem>> -> memref<80xi32, #tpu.memory_space<vmem>>
    %dma_wait3A_185 = arith.constant 0 : i32
    %dma_wait3A_186 = tpu.memref_slice %arg4[%dma_wait3A_185] : memref<320000xi32, #tpu.memory_space<hbm>> -> memref<80xi32, #tpu.memory_space<hbm>>
    %dma_wait3A_187 = arith.constant 0 : i32
    %dma_wait3A_188 = tpu.memref_slice %arg7[%dma_wait3A_181, %dma_wait3A_187] : memref<8x80xi32, #tpu.memory_space<vmem>> -> memref<1x80xi32, #tpu.memory_space<vmem>>
    %dma_wait3A_189 = tpu.memref_squeeze %dma_wait3A_188 : memref<1x80xi32, #tpu.memory_space<vmem>> -> memref<80xi32, #tpu.memory_space<vmem>>
    %dma_wait3A_190 = arith.constant 0 : i32
    %dma_wait3A_191 = tpu.memref_slice %arg4[%dma_wait3A_190] : memref<320000xi32, #tpu.memory_space<hbm>> -> memref<80xi32, #tpu.memory_space<hbm>>
    tpu.wait_dma2 semaphore(%arg21 : memref<!tpu.dma_semaphore, #tpu.memory_space<semaphore_mem>>) src(%dma_wait3A_191 : memref<80xi32, #tpu.memory_space<hbm>>) dst(%dma_wait3A_189 : memref<80xi32, #tpu.memory_space<vmem>>)
    %dma_wait3A_192 = arith.constant 3 : i32
    %dma_wait3A_193 = arith.constant 0 : i32
    %dma_wait3A_194 = tpu.memref_slice %arg6[%dma_wait3A_192, %dma_wait3A_193] : memref<8x80xi32, #tpu.memory_space<vmem>> -> memref<1x80xi32, #tpu.memory_space<vmem>>
    %dma_wait3A_195 = tpu.memref_squeeze %dma_wait3A_194 : memref<1x80xi32, #tpu.memory_space<vmem>> -> memref<80xi32, #tpu.memory_space<vmem>>
    %dma_wait3A_196 = arith.constant 0 : i32
    %dma_wait3A_197 = tpu.memref_slice %arg3[%dma_wait3A_196] : memref<320000xi32, #tpu.memory_space<hbm>> -> memref<80xi32, #tpu.memory_space<hbm>>
    %dma_wait3A_198 = arith.constant 0 : i32
    %dma_wait3A_199 = tpu.memref_slice %arg6[%dma_wait3A_192, %dma_wait3A_198] : memref<8x80xi32, #tpu.memory_space<vmem>> -> memref<1x80xi32, #tpu.memory_space<vmem>>
    %dma_wait3A_200 = tpu.memref_squeeze %dma_wait3A_199 : memref<1x80xi32, #tpu.memory_space<vmem>> -> memref<80xi32, #tpu.memory_space<vmem>>
    %dma_wait3A_201 = arith.constant 0 : i32
    %dma_wait3A_202 = tpu.memref_slice %arg3[%dma_wait3A_201] : memref<320000xi32, #tpu.memory_space<hbm>> -> memref<80xi32, #tpu.memory_space<hbm>>
    tpu.wait_dma2 semaphore(%arg22 : memref<!tpu.dma_semaphore, #tpu.memory_space<semaphore_mem>>) src(%dma_wait3A_202 : memref<80xi32, #tpu.memory_space<hbm>>) dst(%dma_wait3A_200 : memref<80xi32, #tpu.memory_space<vmem>>)
    %dma_wait3A_203 = arith.constant 3 : i32
    %dma_wait3A_204 = arith.constant 0 : i32
    %dma_wait3A_205 = tpu.memref_slice %arg7[%dma_wait3A_203, %dma_wait3A_204] : memref<8x80xi32, #tpu.memory_space<vmem>> -> memref<1x80xi32, #tpu.memory_space<vmem>>
    %dma_wait3A_206 = tpu.memref_squeeze %dma_wait3A_205 : memref<1x80xi32, #tpu.memory_space<vmem>> -> memref<80xi32, #tpu.memory_space<vmem>>
    %dma_wait3A_207 = arith.constant 0 : i32
    %dma_wait3A_208 = tpu.memref_slice %arg4[%dma_wait3A_207] : memref<320000xi32, #tpu.memory_space<hbm>> -> memref<80xi32, #tpu.memory_space<hbm>>
    %dma_wait3A_209 = arith.constant 0 : i32
    %dma_wait3A_210 = tpu.memref_slice %arg7[%dma_wait3A_203, %dma_wait3A_209] : memref<8x80xi32, #tpu.memory_space<vmem>> -> memref<1x80xi32, #tpu.memory_space<vmem>>
    %dma_wait3A_211 = tpu.memref_squeeze %dma_wait3A_210 : memref<1x80xi32, #tpu.memory_space<vmem>> -> memref<80xi32, #tpu.memory_space<vmem>>
    %dma_wait3A_212 = arith.constant 0 : i32
    %dma_wait3A_213 = tpu.memref_slice %arg4[%dma_wait3A_212] : memref<320000xi32, #tpu.memory_space<hbm>> -> memref<80xi32, #tpu.memory_space<hbm>>
    tpu.wait_dma2 semaphore(%arg22 : memref<!tpu.dma_semaphore, #tpu.memory_space<semaphore_mem>>) src(%dma_wait3A_213 : memref<80xi32, #tpu.memory_space<hbm>>) dst(%dma_wait3A_211 : memref<80xi32, #tpu.memory_space<vmem>>)
    %add3A_214 = arith.constant 4 : i32
    %add3A_215 = arith.addi %mul3A_39, %add3A_214 : i32
    %mul3A_216 = arith.constant 80 : i32
    %mul3A_217 = arith.muli %add3A_215, %mul3A_216 : i32
    %dma_start3A_218 = arith.constant 4 : i32
    %dma_start3A_219 = arith.constant 0 : i32
    %dma_start3A_220 = tpu.memref_slice %arg6[%dma_start3A_218, %dma_start3A_219] : memref<8x80xi32, #tpu.memory_space<vmem>> -> memref<1x80xi32, #tpu.memory_space<vmem>>
    %dma_start3A_221 = tpu.memref_squeeze %dma_start3A_220 : memref<1x80xi32, #tpu.memory_space<vmem>> -> memref<80xi32, #tpu.memory_space<vmem>>
    %dma_start3A_222 = tpu.memref_slice %arg3[%mul3A_217] : memref<320000xi32, #tpu.memory_space<hbm>> -> memref<80xi32, #tpu.memory_space<hbm>>
    %dma_start3A_223 = arith.constant 0 : i32
    %dma_start3A_224 = tpu.memref_slice %arg6[%dma_start3A_218, %dma_start3A_223] : memref<8x80xi32, #tpu.memory_space<vmem>> -> memref<1x80xi32, #tpu.memory_space<vmem>>
    %dma_start3A_225 = tpu.memref_squeeze %dma_start3A_224 : memref<1x80xi32, #tpu.memory_space<vmem>> -> memref<80xi32, #tpu.memory_space<vmem>>
    %dma_start3A_226 = tpu.memref_slice %arg3[%mul3A_217] : memref<320000xi32, #tpu.memory_space<hbm>> -> memref<80xi32, #tpu.memory_space<hbm>>
    tpu.enqueue_dma source(%dma_start3A_226 : memref<80xi32, #tpu.memory_space<hbm>>) target(%dma_start3A_225 : memref<80xi32, #tpu.memory_space<vmem>>) target_semaphore(%arg21 : memref<!tpu.dma_semaphore, #tpu.memory_space<semaphore_mem>>)
    %dma_start3A_227 = arith.constant 4 : i32
    %dma_start3A_228 = arith.constant 0 : i32
    %dma_start3A_229 = tpu.memref_slice %arg7[%dma_start3A_227, %dma_start3A_228] : memref<8x80xi32, #tpu.memory_space<vmem>> -> memref<1x80xi32, #tpu.memory_space<vmem>>
    %dma_start3A_230 = tpu.memref_squeeze %dma_start3A_229 : memref<1x80xi32, #tpu.memory_space<vmem>> -> memref<80xi32, #tpu.memory_space<vmem>>
    %dma_start3A_231 = tpu.memref_slice %arg4[%mul3A_217] : memref<320000xi32, #tpu.memory_space<hbm>> -> memref<80xi32, #tpu.memory_space<hbm>>
    %dma_start3A_232 = arith.constant 0 : i32
    %dma_start3A_233 = tpu.memref_slice %arg7[%dma_start3A_227, %dma_start3A_232] : memref<8x80xi32, #tpu.memory_space<vmem>> -> memref<1x80xi32, #tpu.memory_space<vmem>>
    %dma_start3A_234 = tpu.memref_squeeze %dma_start3A_233 : memref<1x80xi32, #tpu.memory_space<vmem>> -> memref<80xi32, #tpu.memory_space<vmem>>
    %dma_start3A_235 = tpu.memref_slice %arg4[%mul3A_217] : memref<320000xi32, #tpu.memory_space<hbm>> -> memref<80xi32, #tpu.memory_space<hbm>>
    tpu.enqueue_dma source(%dma_start3A_235 : memref<80xi32, #tpu.memory_space<hbm>>) target(%dma_start3A_234 : memref<80xi32, #tpu.memory_space<vmem>>) target_semaphore(%arg21 : memref<!tpu.dma_semaphore, #tpu.memory_space<semaphore_mem>>)
    %add3A_236 = arith.constant 5 : i32
    %add3A_237 = arith.addi %mul3A_39, %add3A_236 : i32
    %mul3A_238 = arith.constant 80 : i32
    %mul3A_239 = arith.muli %add3A_237, %mul3A_238 : i32
    %dma_start3A_240 = arith.constant 5 : i32
    %dma_start3A_241 = arith.constant 0 : i32
    %dma_start3A_242 = tpu.memref_slice %arg6[%dma_start3A_240, %dma_start3A_241] : memref<8x80xi32, #tpu.memory_space<vmem>> -> memref<1x80xi32, #tpu.memory_space<vmem>>
    %dma_start3A_243 = tpu.memref_squeeze %dma_start3A_242 : memref<1x80xi32, #tpu.memory_space<vmem>> -> memref<80xi32, #tpu.memory_space<vmem>>
    %dma_start3A_244 = tpu.memref_slice %arg3[%mul3A_239] : memref<320000xi32, #tpu.memory_space<hbm>> -> memref<80xi32, #tpu.memory_space<hbm>>
    %dma_start3A_245 = arith.constant 0 : i32
    %dma_start3A_246 = tpu.memref_slice %arg6[%dma_start3A_240, %dma_start3A_245] : memref<8x80xi32, #tpu.memory_space<vmem>> -> memref<1x80xi32, #tpu.memory_space<vmem>>
    %dma_start3A_247 = tpu.memref_squeeze %dma_start3A_246 : memref<1x80xi32, #tpu.memory_space<vmem>> -> memref<80xi32, #tpu.memory_space<vmem>>
    %dma_start3A_248 = tpu.memref_slice %arg3[%mul3A_239] : memref<320000xi32, #tpu.memory_space<hbm>> -> memref<80xi32, #tpu.memory_space<hbm>>
    tpu.enqueue_dma source(%dma_start3A_248 : memref<80xi32, #tpu.memory_space<hbm>>) target(%dma_start3A_247 : memref<80xi32, #tpu.memory_space<vmem>>) target_semaphore(%arg22 : memref<!tpu.dma_semaphore, #tpu.memory_space<semaphore_mem>>)
    %dma_start3A_249 = arith.constant 5 : i32
    %dma_start3A_250 = arith.constant 0 : i32
    %dma_start3A_251 = tpu.memref_slice %arg7[%dma_start3A_249, %dma_start3A_250] : memref<8x80xi32, #tpu.memory_space<vmem>> -> memref<1x80xi32, #tpu.memory_space<vmem>>
    %dma_start3A_252 = tpu.memref_squeeze %dma_start3A_251 : memref<1x80xi32, #tpu.memory_space<vmem>> -> memref<80xi32, #tpu.memory_space<vmem>>
    %dma_start3A_253 = tpu.memref_slice %arg4[%mul3A_239] : memref<320000xi32, #tpu.memory_space<hbm>> -> memref<80xi32, #tpu.memory_space<hbm>>
    %dma_start3A_254 = arith.constant 0 : i32
    %dma_start3A_255 = tpu.memref_slice %arg7[%dma_start3A_249, %dma_start3A_254] : memref<8x80xi32, #tpu.memory_space<vmem>> -> memref<1x80xi32, #tpu.memory_space<vmem>>
    %dma_start3A_256 = tpu.memref_squeeze %dma_start3A_255 : memref<1x80xi32, #tpu.memory_space<vmem>> -> memref<80xi32, #tpu.memory_space<vmem>>
    %dma_start3A_257 = tpu.memref_slice %arg4[%mul3A_239] : memref<320000xi32, #tpu.memory_space<hbm>> -> memref<80xi32, #tpu.memory_space<hbm>>
    tpu.enqueue_dma source(%dma_start3A_257 : memref<80xi32, #tpu.memory_space<hbm>>) target(%dma_start3A_256 : memref<80xi32, #tpu.memory_space<vmem>>) target_semaphore(%arg22 : memref<!tpu.dma_semaphore, #tpu.memory_space<semaphore_mem>>)
    %add3A_258 = arith.constant 6 : i32
    %add3A_259 = arith.addi %mul3A_39, %add3A_258 : i32
    %mul3A_260 = arith.constant 80 : i32
    %mul3A_261 = arith.muli %add3A_259, %mul3A_260 : i32
    %dma_start3A_262 = arith.constant 6 : i32
    %dma_start3A_263 = arith.constant 0 : i32
    %dma_start3A_264 = tpu.memref_slice %arg6[%dma_start3A_262, %dma_start3A_263] : memref<8x80xi32, #tpu.memory_space<vmem>> -> memref<1x80xi32, #tpu.memory_space<vmem>>
    %dma_start3A_265 = tpu.memref_squeeze %dma_start3A_264 : memref<1x80xi32, #tpu.memory_space<vmem>> -> memref<80xi32, #tpu.memory_space<vmem>>
    %dma_start3A_266 = tpu.memref_slice %arg3[%mul3A_261] : memref<320000xi32, #tpu.memory_space<hbm>> -> memref<80xi32, #tpu.memory_space<hbm>>
    %dma_start3A_267 = arith.constant 0 : i32
    %dma_start3A_268 = tpu.memref_slice %arg6[%dma_start3A_262, %dma_start3A_267] : memref<8x80xi32, #tpu.memory_space<vmem>> -> memref<1x80xi32, #tpu.memory_space<vmem>>
    %dma_start3A_269 = tpu.memref_squeeze %dma_start3A_268 : memref<1x80xi32, #tpu.memory_space<vmem>> -> memref<80xi32, #tpu.memory_space<vmem>>
    %dma_start3A_270 = tpu.memref_slice %arg3[%mul3A_261] : memref<320000xi32, #tpu.memory_space<hbm>> -> memref<80xi32, #tpu.memory_space<hbm>>
    tpu.enqueue_dma source(%dma_start3A_270 : memref<80xi32, #tpu.memory_space<hbm>>) target(%dma_start3A_269 : memref<80xi32, #tpu.memory_space<vmem>>) target_semaphore(%arg21 : memref<!tpu.dma_semaphore, #tpu.memory_space<semaphore_mem>>)
    %dma_start3A_271 = arith.constant 6 : i32
    %dma_start3A_272 = arith.constant 0 : i32
    %dma_start3A_273 = tpu.memref_slice %arg7[%dma_start3A_271, %dma_start3A_272] : memref<8x80xi32, #tpu.memory_space<vmem>> -> memref<1x80xi32, #tpu.memory_space<vmem>>
    %dma_start3A_274 = tpu.memref_squeeze %dma_start3A_273 : memref<1x80xi32, #tpu.memory_space<vmem>> -> memref<80xi32, #tpu.memory_space<vmem>>
    %dma_start3A_275 = tpu.memref_slice %arg4[%mul3A_261] : memref<320000xi32, #tpu.memory_space<hbm>> -> memref<80xi32, #tpu.memory_space<hbm>>
    %dma_start3A_276 = arith.constant 0 : i32
    %dma_start3A_277 = tpu.memref_slice %arg7[%dma_start3A_271, %dma_start3A_276] : memref<8x80xi32, #tpu.memory_space<vmem>> -> memref<1x80xi32, #tpu.memory_space<vmem>>
    %dma_start3A_278 = tpu.memref_squeeze %dma_start3A_277 : memref<1x80xi32, #tpu.memory_space<vmem>> -> memref<80xi32, #tpu.memory_space<vmem>>
    %dma_start3A_279 = tpu.memref_slice %arg4[%mul3A_261] : memref<320000xi32, #tpu.memory_space<hbm>> -> memref<80xi32, #tpu.memory_space<hbm>>
    tpu.enqueue_dma source(%dma_start3A_279 : memref<80xi32, #tpu.memory_space<hbm>>) target(%dma_start3A_278 : memref<80xi32, #tpu.memory_space<vmem>>) target_semaphore(%arg21 : memref<!tpu.dma_semaphore, #tpu.memory_space<semaphore_mem>>)
    %add3A_280 = arith.constant 7 : i32
    %add3A_281 = arith.addi %mul3A_39, %add3A_280 : i32
    %mul3A_282 = arith.constant 80 : i32
    %mul3A_283 = arith.muli %add3A_281, %mul3A_282 : i32
    %dma_start3A_284 = arith.constant 7 : i32
    %dma_start3A_285 = arith.constant 0 : i32
    %dma_start3A_286 = tpu.memref_slice %arg6[%dma_start3A_284, %dma_start3A_285] : memref<8x80xi32, #tpu.memory_space<vmem>> -> memref<1x80xi32, #tpu.memory_space<vmem>>
    %dma_start3A_287 = tpu.memref_squeeze %dma_start3A_286 : memref<1x80xi32, #tpu.memory_space<vmem>> -> memref<80xi32, #tpu.memory_space<vmem>>
    %dma_start3A_288 = tpu.memref_slice %arg3[%mul3A_283] : memref<320000xi32, #tpu.memory_space<hbm>> -> memref<80xi32, #tpu.memory_space<hbm>>
    %dma_start3A_289 = arith.constant 0 : i32
    %dma_start3A_290 = tpu.memref_slice %arg6[%dma_start3A_284, %dma_start3A_289] : memref<8x80xi32, #tpu.memory_space<vmem>> -> memref<1x80xi32, #tpu.memory_space<vmem>>
    %dma_start3A_291 = tpu.memref_squeeze %dma_start3A_290 : memref<1x80xi32, #tpu.memory_space<vmem>> -> memref<80xi32, #tpu.memory_space<vmem>>
    %dma_start3A_292 = tpu.memref_slice %arg3[%mul3A_283] : memref<320000xi32, #tpu.memory_space<hbm>> -> memref<80xi32, #tpu.memory_space<hbm>>
    tpu.enqueue_dma source(%dma_start3A_292 : memref<80xi32, #tpu.memory_space<hbm>>) target(%dma_start3A_291 : memref<80xi32, #tpu.memory_space<vmem>>) target_semaphore(%arg22 : memref<!tpu.dma_semaphore, #tpu.memory_space<semaphore_mem>>)
    %dma_start3A_293 = arith.constant 7 : i32
    %dma_start3A_294 = arith.constant 0 : i32
    %dma_start3A_295 = tpu.memref_slice %arg7[%dma_start3A_293, %dma_start3A_294] : memref<8x80xi32, #tpu.memory_space<vmem>> -> memref<1x80xi32, #tpu.memory_space<vmem>>
    %dma_start3A_296 = tpu.memref_squeeze %dma_start3A_295 : memref<1x80xi32, #tpu.memory_space<vmem>> -> memref<80xi32, #tpu.memory_space<vmem>>
    %dma_start3A_297 = tpu.memref_slice %arg4[%mul3A_283] : memref<320000xi32, #tpu.memory_space<hbm>> -> memref<80xi32, #tpu.memory_space<hbm>>
    %dma_start3A_298 = arith.constant 0 : i32
    %dma_start3A_299 = tpu.memref_slice %arg7[%dma_start3A_293, %dma_start3A_298] : memref<8x80xi32, #tpu.memory_space<vmem>> -> memref<1x80xi32, #tpu.memory_space<vmem>>
    %dma_start3A_300 = tpu.memref_squeeze %dma_start3A_299 : memref<1x80xi32, #tpu.memory_space<vmem>> -> memref<80xi32, #tpu.memory_space<vmem>>
    %dma_start3A_301 = tpu.memref_slice %arg4[%mul3A_283] : memref<320000xi32, #tpu.memory_space<hbm>> -> memref<80xi32, #tpu.memory_space<hbm>>
    tpu.enqueue_dma source(%dma_start3A_301 : memref<80xi32, #tpu.memory_space<hbm>>) target(%dma_start3A_300 : memref<80xi32, #tpu.memory_space<vmem>>) target_semaphore(%arg22 : memref<!tpu.dma_semaphore, #tpu.memory_space<semaphore_mem>>)
    %dma_start3A_302 = arith.constant 0 : i32
    %dma_start3A_303 = arith.constant 0 : i32
    %dma_start3A_304 = tpu.memref_slice %arg6[%dma_start3A_302, %dma_start3A_303] : memref<8x80xi32, #tpu.memory_space<vmem>> -> memref<1x80xi32, #tpu.memory_space<vmem>>
    %dma_start3A_305 = tpu.memref_squeeze %dma_start3A_304 : memref<1x80xi32, #tpu.memory_space<vmem>> -> memref<80xi32, #tpu.memory_space<vmem>>
    %dma_start3A_306 = arith.constant 0 : i32
    %dma_start3A_307 = arith.constant 0 : i32
    %dma_start3A_308 = tpu.memref_slice %arg2[%dma_start3A_306, %dma_start3A_307] : memref<10000x128xf32, #tpu.memory_space<hbm>> -> memref<10000x128xf32, #tpu.memory_space<hbm>>
    tpu.enqueue_indirect_dma source(%dma_start3A_308 : memref<10000x128xf32, #tpu.memory_space<hbm>>) target(%arg8 : memref<80x128xf32, #tpu.memory_space<vmem>>) offsets(%dma_start3A_305 : memref<80xi32, #tpu.memory_space<vmem>>) semaphore(%arg13 : memref<!tpu.dma_semaphore, #tpu.memory_space<semaphore_mem>>)
    %dma_start3A_309 = arith.constant 1 : i32
    %dma_start3A_310 = arith.constant 0 : i32
    %dma_start3A_311 = tpu.memref_slice %arg6[%dma_start3A_309, %dma_start3A_310] : memref<8x80xi32, #tpu.memory_space<vmem>> -> memref<1x80xi32, #tpu.memory_space<vmem>>
    %dma_start3A_312 = tpu.memref_squeeze %dma_start3A_311 : memref<1x80xi32, #tpu.memory_space<vmem>> -> memref<80xi32, #tpu.memory_space<vmem>>
    %dma_start3A_313 = arith.constant 0 : i32
    %dma_start3A_314 = arith.constant 0 : i32
    %dma_start3A_315 = tpu.memref_slice %arg2[%dma_start3A_313, %dma_start3A_314] : memref<10000x128xf32, #tpu.memory_space<hbm>> -> memref<10000x128xf32, #tpu.memory_space<hbm>>
    tpu.enqueue_indirect_dma source(%dma_start3A_315 : memref<10000x128xf32, #tpu.memory_space<hbm>>) target(%arg9 : memref<80x128xf32, #tpu.memory_space<vmem>>) offsets(%dma_start3A_312 : memref<80xi32, #tpu.memory_space<vmem>>) semaphore(%arg14 : memref<!tpu.dma_semaphore, #tpu.memory_space<semaphore_mem>>)
    %dma_start3A_316 = arith.constant 2 : i32
    %dma_start3A_317 = arith.constant 0 : i32
    %dma_start3A_318 = tpu.memref_slice %arg6[%dma_start3A_316, %dma_start3A_317] : memref<8x80xi32, #tpu.memory_space<vmem>> -> memref<1x80xi32, #tpu.memory_space<vmem>>
    %dma_start3A_319 = tpu.memref_squeeze %dma_start3A_318 : memref<1x80xi32, #tpu.memory_space<vmem>> -> memref<80xi32, #tpu.memory_space<vmem>>
    %dma_start3A_320 = arith.constant 0 : i32
    %dma_start3A_321 = arith.constant 0 : i32
    %dma_start3A_322 = tpu.memref_slice %arg2[%dma_start3A_320, %dma_start3A_321] : memref<10000x128xf32, #tpu.memory_space<hbm>> -> memref<10000x128xf32, #tpu.memory_space<hbm>>
    tpu.enqueue_indirect_dma source(%dma_start3A_322 : memref<10000x128xf32, #tpu.memory_space<hbm>>) target(%arg10 : memref<80x128xf32, #tpu.memory_space<vmem>>) offsets(%dma_start3A_319 : memref<80xi32, #tpu.memory_space<vmem>>) semaphore(%arg15 : memref<!tpu.dma_semaphore, #tpu.memory_space<semaphore_mem>>)
    %dma_start3A_323 = arith.constant 3 : i32
    %dma_start3A_324 = arith.constant 0 : i32
    %dma_start3A_325 = tpu.memref_slice %arg6[%dma_start3A_323, %dma_start3A_324] : memref<8x80xi32, #tpu.memory_space<vmem>> -> memref<1x80xi32, #tpu.memory_space<vmem>>
    %dma_start3A_326 = tpu.memref_squeeze %dma_start3A_325 : memref<1x80xi32, #tpu.memory_space<vmem>> -> memref<80xi32, #tpu.memory_space<vmem>>
    %dma_start3A_327 = arith.constant 0 : i32
    %dma_start3A_328 = arith.constant 0 : i32
    %dma_start3A_329 = tpu.memref_slice %arg2[%dma_start3A_327, %dma_start3A_328] : memref<10000x128xf32, #tpu.memory_space<hbm>> -> memref<10000x128xf32, #tpu.memory_space<hbm>>
    tpu.enqueue_indirect_dma source(%dma_start3A_329 : memref<10000x128xf32, #tpu.memory_space<hbm>>) target(%arg11 : memref<80x128xf32, #tpu.memory_space<vmem>>) offsets(%dma_start3A_326 : memref<80xi32, #tpu.memory_space<vmem>>) semaphore(%arg16 : memref<!tpu.dma_semaphore, #tpu.memory_space<semaphore_mem>>)
    %scan3A_330 = arith.constant 0 : i32
    %scan3A_331 = arith.constant 0 : i32
    %scan3A_332 = arith.constant 31 : i32
    %scan3A_333 = arith.addi %scan3A_331, %scan3A_332 : i32
    %scan3A_334 = arith.constant 1 : i32
    scf.for %scan3A_389 = %scan3A_331 to %scan3A_333 step %scan3A_334  : i32 {
      %mul3A_390 = arith.constant 4 : i32
      %mul3A_391 = arith.muli %mul3A_390, %scan3A_389 : i32
      %add3A_392 = arith.constant 0 : i32
      %add3A_393 = arith.addi %mul3A_391, %add3A_392 : i32
      %rem3A_394 = arith.constant 8 : i32
      %rem3A_395 = arith.remsi %add3A_393, %rem3A_394 : i32
      %add3A_396 = arith.constant 4 : i32
      %add3A_397 = arith.addi %add3A_393, %add3A_396 : i32
      %rem3A_398 = arith.constant 8 : i32
      %rem3A_399 = arith.remsi %add3A_397, %rem3A_398 : i32
      %dma_wait3A_400 = arith.constant 0 : i32
      %dma_wait3A_401 = tpu.memref_slice %arg6[%rem3A_395, %dma_wait3A_400] : memref<8x80xi32, #tpu.memory_space<vmem>> -> memref<1x80xi32, #tpu.memory_space<vmem>>
      %dma_wait3A_402 = tpu.memref_squeeze %dma_wait3A_401 : memref<1x80xi32, #tpu.memory_space<vmem>> -> memref<80xi32, #tpu.memory_space<vmem>>
      %dma_wait3A_403 = arith.constant 0 : i32
      %dma_wait3A_404 = arith.constant 0 : i32
      %dma_wait3A_405 = tpu.memref_slice %arg2[%dma_wait3A_403, %dma_wait3A_404] : memref<10000x128xf32, #tpu.memory_space<hbm>> -> memref<10000x128xf32, #tpu.memory_space<hbm>>
      tpu.wait_indirect_dma semaphore(%arg13 : memref<!tpu.dma_semaphore, #tpu.memory_space<semaphore_mem>>) src(%dma_wait3A_405 : memref<10000x128xf32, #tpu.memory_space<hbm>>) dst(%arg8 : memref<80x128xf32, #tpu.memory_space<vmem>>)
      %dma_start3A_406 = arith.constant 0 : i32
      %dma_start3A_407 = tpu.memref_slice %arg7[%rem3A_395, %dma_start3A_406] : memref<8x80xi32, #tpu.memory_space<vmem>> -> memref<1x80xi32, #tpu.memory_space<vmem>>
      %dma_start3A_408 = tpu.memref_squeeze %dma_start3A_407 : memref<1x80xi32, #tpu.memory_space<vmem>> -> memref<80xi32, #tpu.memory_space<vmem>>
      %dma_start3A_409 = arith.constant 0 : i32
      %dma_start3A_410 = arith.constant 0 : i32
      %dma_start3A_411 = tpu.memref_slice %arg12[%dma_start3A_409, %dma_start3A_410] : memref<10240x128xf32, #tpu.memory_space<vmem_shared>> -> memref<10240x128xf32, #tpu.memory_space<vmem_shared>>
      tpu.enqueue_indirect_dma source(%arg8 : memref<80x128xf32, #tpu.memory_space<vmem>>) target(%dma_start3A_411 : memref<10240x128xf32, #tpu.memory_space<vmem_shared>>) offsets(%dma_start3A_408 : memref<80xi32, #tpu.memory_space<vmem>>) semaphore(%arg17 : memref<!tpu.dma_semaphore, #tpu.memory_space<semaphore_mem>>) {add = true}
      %dma_wait3A_412 = arith.constant 0 : i32
      %dma_wait3A_413 = tpu.memref_slice %arg7[%rem3A_395, %dma_wait3A_412] : memref<8x80xi32, #tpu.memory_space<vmem>> -> memref<1x80xi32, #tpu.memory_space<vmem>>
      %dma_wait3A_414 = tpu.memref_squeeze %dma_wait3A_413 : memref<1x80xi32, #tpu.memory_space<vmem>> -> memref<80xi32, #tpu.memory_space<vmem>>
      %dma_wait3A_415 = arith.constant 0 : i32
      %dma_wait3A_416 = arith.constant 0 : i32
      %dma_wait3A_417 = tpu.memref_slice %arg12[%dma_wait3A_415, %dma_wait3A_416] : memref<10240x128xf32, #tpu.memory_space<vmem_shared>> -> memref<10240x128xf32, #tpu.memory_space<vmem_shared>>
      tpu.wait_indirect_dma semaphore(%arg17 : memref<!tpu.dma_semaphore, #tpu.memory_space<semaphore_mem>>) src(%arg8 : memref<80x128xf32, #tpu.memory_space<vmem>>) dst(%dma_wait3A_417 : memref<10240x128xf32, #tpu.memory_space<vmem_shared>>)
      %add3A_418 = arith.constant 4 : i32
      %add3A_419 = arith.addi %add3A_393, %add3A_418 : i32
      %lt3A = arith.constant 125 : i32
      %lt3A_420 = arith.cmpi slt, %add3A_419, %lt3A : i32
      %convert_element_type3A = arith.extui %lt3A_420 : i1 to i32
      %cond3A = arith.constant 0 : i32
      %cond3A_421 = arith.cmpi ne, %convert_element_type3A, %cond3A : i32
      scf.if %cond3A_421 {
        %dma_wait3A_549 = arith.constant 0 : i32
        %dma_wait3A_550 = tpu.memref_slice %arg6[%rem3A_399, %dma_wait3A_549] : memref<8x80xi32, #tpu.memory_space<vmem>> -> memref<1x80xi32, #tpu.memory_space<vmem>>
        %dma_wait3A_551 = tpu.memref_squeeze %dma_wait3A_550 : memref<1x80xi32, #tpu.memory_space<vmem>> -> memref<80xi32, #tpu.memory_space<vmem>>
        %dma_wait3A_552 = arith.constant 0 : i32
        %dma_wait3A_553 = tpu.memref_slice %arg3[%dma_wait3A_552] : memref<320000xi32, #tpu.memory_space<hbm>> -> memref<80xi32, #tpu.memory_space<hbm>>
        %dma_wait3A_554 = arith.constant 0 : i32
        %dma_wait3A_555 = tpu.memref_slice %arg6[%rem3A_399, %dma_wait3A_554] : memref<8x80xi32, #tpu.memory_space<vmem>> -> memref<1x80xi32, #tpu.memory_space<vmem>>
        %dma_wait3A_556 = tpu.memref_squeeze %dma_wait3A_555 : memref<1x80xi32, #tpu.memory_space<vmem>> -> memref<80xi32, #tpu.memory_space<vmem>>
        %dma_wait3A_557 = arith.constant 0 : i32
        %dma_wait3A_558 = tpu.memref_slice %arg3[%dma_wait3A_557] : memref<320000xi32, #tpu.memory_space<hbm>> -> memref<80xi32, #tpu.memory_space<hbm>>
        tpu.wait_dma2 semaphore(%arg21 : memref<!tpu.dma_semaphore, #tpu.memory_space<semaphore_mem>>) src(%dma_wait3A_558 : memref<80xi32, #tpu.memory_space<hbm>>) dst(%dma_wait3A_556 : memref<80xi32, #tpu.memory_space<vmem>>)
        %dma_wait3A_559 = arith.constant 0 : i32
        %dma_wait3A_560 = tpu.memref_slice %arg7[%rem3A_399, %dma_wait3A_559] : memref<8x80xi32, #tpu.memory_space<vmem>> -> memref<1x80xi32, #tpu.memory_space<vmem>>
        %dma_wait3A_561 = tpu.memref_squeeze %dma_wait3A_560 : memref<1x80xi32, #tpu.memory_space<vmem>> -> memref<80xi32, #tpu.memory_space<vmem>>
        %dma_wait3A_562 = arith.constant 0 : i32
        %dma_wait3A_563 = tpu.memref_slice %arg4[%dma_wait3A_562] : memref<320000xi32, #tpu.memory_space<hbm>> -> memref<80xi32, #tpu.memory_space<hbm>>
        %dma_wait3A_564 = arith.constant 0 : i32
        %dma_wait3A_565 = tpu.memref_slice %arg7[%rem3A_399, %dma_wait3A_564] : memref<8x80xi32, #tpu.memory_space<vmem>> -> memref<1x80xi32, #tpu.memory_space<vmem>>
        %dma_wait3A_566 = tpu.memref_squeeze %dma_wait3A_565 : memref<1x80xi32, #tpu.memory_space<vmem>> -> memref<80xi32, #tpu.memory_space<vmem>>
        %dma_wait3A_567 = arith.constant 0 : i32
        %dma_wait3A_568 = tpu.memref_slice %arg4[%dma_wait3A_567] : memref<320000xi32, #tpu.memory_space<hbm>> -> memref<80xi32, #tpu.memory_space<hbm>>
        tpu.wait_dma2 semaphore(%arg21 : memref<!tpu.dma_semaphore, #tpu.memory_space<semaphore_mem>>) src(%dma_wait3A_568 : memref<80xi32, #tpu.memory_space<hbm>>) dst(%dma_wait3A_566 : memref<80xi32, #tpu.memory_space<vmem>>)
        %dma_start3A_569 = arith.constant 0 : i32
        %dma_start3A_570 = tpu.memref_slice %arg6[%rem3A_399, %dma_start3A_569] : memref<8x80xi32, #tpu.memory_space<vmem>> -> memref<1x80xi32, #tpu.memory_space<vmem>>
        %dma_start3A_571 = tpu.memref_squeeze %dma_start3A_570 : memref<1x80xi32, #tpu.memory_space<vmem>> -> memref<80xi32, #tpu.memory_space<vmem>>
        %dma_start3A_572 = arith.constant 0 : i32
        %dma_start3A_573 = arith.constant 0 : i32
        %dma_start3A_574 = tpu.memref_slice %arg2[%dma_start3A_572, %dma_start3A_573] : memref<10000x128xf32, #tpu.memory_space<hbm>> -> memref<10000x128xf32, #tpu.memory_space<hbm>>
        tpu.enqueue_indirect_dma source(%dma_start3A_574 : memref<10000x128xf32, #tpu.memory_space<hbm>>) target(%arg8 : memref<80x128xf32, #tpu.memory_space<vmem>>) offsets(%dma_start3A_571 : memref<80xi32, #tpu.memory_space<vmem>>) semaphore(%arg13 : memref<!tpu.dma_semaphore, #tpu.memory_space<semaphore_mem>>)
      } else {
      }
      %add3A_422 = arith.constant 8 : i32
      %add3A_423 = arith.addi %add3A_393, %add3A_422 : i32
      %lt3A_424 = arith.constant 125 : i32
      %lt3A_425 = arith.cmpi slt, %add3A_423, %lt3A_424 : i32
      %convert_element_type3A_426 = arith.extui %lt3A_425 : i1 to i32
      %cond3A_427 = arith.constant 0 : i32
      %cond3A_428 = arith.cmpi ne, %convert_element_type3A_426, %cond3A_427 : i32
      scf.if %cond3A_428 {
        %add3A_549 = arith.constant 8 : i32
        %add3A_550 = arith.addi %add3A_393, %add3A_549 : i32
        %add3A_551 = arith.addi %mul3A_39, %add3A_550 : i32
        %mul3A_552 = arith.constant 80 : i32
        %mul3A_553 = arith.muli %add3A_551, %mul3A_552 : i32
        %dma_start3A_554 = arith.constant 0 : i32
        %dma_start3A_555 = tpu.memref_slice %arg6[%rem3A_395, %dma_start3A_554] : memref<8x80xi32, #tpu.memory_space<vmem>> -> memref<1x80xi32, #tpu.memory_space<vmem>>
        %dma_start3A_556 = tpu.memref_squeeze %dma_start3A_555 : memref<1x80xi32, #tpu.memory_space<vmem>> -> memref<80xi32, #tpu.memory_space<vmem>>
        %dma_start3A_557 = tpu.memref_slice %arg3[%mul3A_553] : memref<320000xi32, #tpu.memory_space<hbm>> -> memref<80xi32, #tpu.memory_space<hbm>>
        %dma_start3A_558 = arith.constant 0 : i32
        %dma_start3A_559 = tpu.memref_slice %arg6[%rem3A_395, %dma_start3A_558] : memref<8x80xi32, #tpu.memory_space<vmem>> -> memref<1x80xi32, #tpu.memory_space<vmem>>
        %dma_start3A_560 = tpu.memref_squeeze %dma_start3A_559 : memref<1x80xi32, #tpu.memory_space<vmem>> -> memref<80xi32, #tpu.memory_space<vmem>>
        %dma_start3A_561 = tpu.memref_slice %arg3[%mul3A_553] : memref<320000xi32, #tpu.memory_space<hbm>> -> memref<80xi32, #tpu.memory_space<hbm>>
        tpu.enqueue_dma source(%dma_start3A_561 : memref<80xi32, #tpu.memory_space<hbm>>) target(%dma_start3A_560 : memref<80xi32, #tpu.memory_space<vmem>>) target_semaphore(%arg21 : memref<!tpu.dma_semaphore, #tpu.memory_space<semaphore_mem>>)
        %dma_start3A_562 = arith.constant 0 : i32
        %dma_start3A_563 = tpu.memref_slice %arg7[%rem3A_395, %dma_start3A_562] : memref<8x80xi32, #tpu.memory_space<vmem>> -> memref<1x80xi32, #tpu.memory_space<vmem>>
        %dma_start3A_564 = tpu.memref_squeeze %dma_start3A_563 : memref<1x80xi32, #tpu.memory_space<vmem>> -> memref<80xi32, #tpu.memory_space<vmem>>
        %dma_start3A_565 = tpu.memref_slice %arg4[%mul3A_553] : memref<320000xi32, #tpu.memory_space<hbm>> -> memref<80xi32, #tpu.memory_space<hbm>>
        %dma_start3A_566 = arith.constant 0 : i32
        %dma_start3A_567 = tpu.memref_slice %arg7[%rem3A_395, %dma_start3A_566] : memref<8x80xi32, #tpu.memory_space<vmem>> -> memref<1x80xi32, #tpu.memory_space<vmem>>
        %dma_start3A_568 = tpu.memref_squeeze %dma_start3A_567 : memref<1x80xi32, #tpu.memory_space<vmem>> -> memref<80xi32, #tpu.memory_space<vmem>>
        %dma_start3A_569 = tpu.memref_slice %arg4[%mul3A_553] : memref<320000xi32, #tpu.memory_space<hbm>> -> memref<80xi32, #tpu.memory_space<hbm>>
        tpu.enqueue_dma source(%dma_start3A_569 : memref<80xi32, #tpu.memory_space<hbm>>) target(%dma_start3A_568 : memref<80xi32, #tpu.memory_space<vmem>>) target_semaphore(%arg21 : memref<!tpu.dma_semaphore, #tpu.memory_space<semaphore_mem>>)
      } else {
      }
      %add3A_429 = arith.constant 1 : i32
      %add3A_430 = arith.addi %mul3A_391, %add3A_429 : i32
      %rem3A_431 = arith.constant 8 : i32
      %rem3A_432 = arith.remsi %add3A_430, %rem3A_431 : i32
      %add3A_433 = arith.constant 4 : i32
      %add3A_434 = arith.addi %add3A_430, %add3A_433 : i32
      %rem3A_435 = arith.constant 8 : i32
      %rem3A_436 = arith.remsi %add3A_434, %rem3A_435 : i32
      %dma_wait3A_437 = arith.constant 0 : i32
      %dma_wait3A_438 = tpu.memref_slice %arg6[%rem3A_432, %dma_wait3A_437] : memref<8x80xi32, #tpu.memory_space<vmem>> -> memref<1x80xi32, #tpu.memory_space<vmem>>
      %dma_wait3A_439 = tpu.memref_squeeze %dma_wait3A_438 : memref<1x80xi32, #tpu.memory_space<vmem>> -> memref<80xi32, #tpu.memory_space<vmem>>
      %dma_wait3A_440 = arith.constant 0 : i32
      %dma_wait3A_441 = arith.constant 0 : i32
      %dma_wait3A_442 = tpu.memref_slice %arg2[%dma_wait3A_440, %dma_wait3A_441] : memref<10000x128xf32, #tpu.memory_space<hbm>> -> memref<10000x128xf32, #tpu.memory_space<hbm>>
      tpu.wait_indirect_dma semaphore(%arg14 : memref<!tpu.dma_semaphore, #tpu.memory_space<semaphore_mem>>) src(%dma_wait3A_442 : memref<10000x128xf32, #tpu.memory_space<hbm>>) dst(%arg9 : memref<80x128xf32, #tpu.memory_space<vmem>>)
      %dma_start3A_443 = arith.constant 0 : i32
      %dma_start3A_444 = tpu.memref_slice %arg7[%rem3A_432, %dma_start3A_443] : memref<8x80xi32, #tpu.memory_space<vmem>> -> memref<1x80xi32, #tpu.memory_space<vmem>>
      %dma_start3A_445 = tpu.memref_squeeze %dma_start3A_444 : memref<1x80xi32, #tpu.memory_space<vmem>> -> memref<80xi32, #tpu.memory_space<vmem>>
      %dma_start3A_446 = arith.constant 0 : i32
      %dma_start3A_447 = arith.constant 0 : i32
      %dma_start3A_448 = tpu.memref_slice %arg12[%dma_start3A_446, %dma_start3A_447] : memref<10240x128xf32, #tpu.memory_space<vmem_shared>> -> memref<10240x128xf32, #tpu.memory_space<vmem_shared>>
      tpu.enqueue_indirect_dma source(%arg9 : memref<80x128xf32, #tpu.memory_space<vmem>>) target(%dma_start3A_448 : memref<10240x128xf32, #tpu.memory_space<vmem_shared>>) offsets(%dma_start3A_445 : memref<80xi32, #tpu.memory_space<vmem>>) semaphore(%arg18 : memref<!tpu.dma_semaphore, #tpu.memory_space<semaphore_mem>>) {add = true}
      %dma_wait3A_449 = arith.constant 0 : i32
      %dma_wait3A_450 = tpu.memref_slice %arg7[%rem3A_432, %dma_wait3A_449] : memref<8x80xi32, #tpu.memory_space<vmem>> -> memref<1x80xi32, #tpu.memory_space<vmem>>
      %dma_wait3A_451 = tpu.memref_squeeze %dma_wait3A_450 : memref<1x80xi32, #tpu.memory_space<vmem>> -> memref<80xi32, #tpu.memory_space<vmem>>
      %dma_wait3A_452 = arith.constant 0 : i32
      %dma_wait3A_453 = arith.constant 0 : i32
      %dma_wait3A_454 = tpu.memref_slice %arg12[%dma_wait3A_452, %dma_wait3A_453] : memref<10240x128xf32, #tpu.memory_space<vmem_shared>> -> memref<10240x128xf32, #tpu.memory_space<vmem_shared>>
      tpu.wait_indirect_dma semaphore(%arg18 : memref<!tpu.dma_semaphore, #tpu.memory_space<semaphore_mem>>) src(%arg9 : memref<80x128xf32, #tpu.memory_space<vmem>>) dst(%dma_wait3A_454 : memref<10240x128xf32, #tpu.memory_space<vmem_shared>>)
      %add3A_455 = arith.constant 4 : i32
      %add3A_456 = arith.addi %add3A_430, %add3A_455 : i32
      %lt3A_457 = arith.constant 125 : i32
      %lt3A_458 = arith.cmpi slt, %add3A_456, %lt3A_457 : i32
      %convert_element_type3A_459 = arith.extui %lt3A_458 : i1 to i32
      %cond3A_460 = arith.constant 0 : i32
      %cond3A_461 = arith.cmpi ne, %convert_element_type3A_459, %cond3A_460 : i32
      scf.if %cond3A_461 {
        %dma_wait3A_549 = arith.constant 0 : i32
        %dma_wait3A_550 = tpu.memref_slice %arg6[%rem3A_436, %dma_wait3A_549] : memref<8x80xi32, #tpu.memory_space<vmem>> -> memref<1x80xi32, #tpu.memory_space<vmem>>
        %dma_wait3A_551 = tpu.memref_squeeze %dma_wait3A_550 : memref<1x80xi32, #tpu.memory_space<vmem>> -> memref<80xi32, #tpu.memory_space<vmem>>
        %dma_wait3A_552 = arith.constant 0 : i32
        %dma_wait3A_553 = tpu.memref_slice %arg3[%dma_wait3A_552] : memref<320000xi32, #tpu.memory_space<hbm>> -> memref<80xi32, #tpu.memory_space<hbm>>
        %dma_wait3A_554 = arith.constant 0 : i32
        %dma_wait3A_555 = tpu.memref_slice %arg6[%rem3A_436, %dma_wait3A_554] : memref<8x80xi32, #tpu.memory_space<vmem>> -> memref<1x80xi32, #tpu.memory_space<vmem>>
        %dma_wait3A_556 = tpu.memref_squeeze %dma_wait3A_555 : memref<1x80xi32, #tpu.memory_space<vmem>> -> memref<80xi32, #tpu.memory_space<vmem>>
        %dma_wait3A_557 = arith.constant 0 : i32
        %dma_wait3A_558 = tpu.memref_slice %arg3[%dma_wait3A_557] : memref<320000xi32, #tpu.memory_space<hbm>> -> memref<80xi32, #tpu.memory_space<hbm>>
        tpu.wait_dma2 semaphore(%arg22 : memref<!tpu.dma_semaphore, #tpu.memory_space<semaphore_mem>>) src(%dma_wait3A_558 : memref<80xi32, #tpu.memory_space<hbm>>) dst(%dma_wait3A_556 : memref<80xi32, #tpu.memory_space<vmem>>)
        %dma_wait3A_559 = arith.constant 0 : i32
        %dma_wait3A_560 = tpu.memref_slice %arg7[%rem3A_436, %dma_wait3A_559] : memref<8x80xi32, #tpu.memory_space<vmem>> -> memref<1x80xi32, #tpu.memory_space<vmem>>
        %dma_wait3A_561 = tpu.memref_squeeze %dma_wait3A_560 : memref<1x80xi32, #tpu.memory_space<vmem>> -> memref<80xi32, #tpu.memory_space<vmem>>
        %dma_wait3A_562 = arith.constant 0 : i32
        %dma_wait3A_563 = tpu.memref_slice %arg4[%dma_wait3A_562] : memref<320000xi32, #tpu.memory_space<hbm>> -> memref<80xi32, #tpu.memory_space<hbm>>
        %dma_wait3A_564 = arith.constant 0 : i32
        %dma_wait3A_565 = tpu.memref_slice %arg7[%rem3A_436, %dma_wait3A_564] : memref<8x80xi32, #tpu.memory_space<vmem>> -> memref<1x80xi32, #tpu.memory_space<vmem>>
        %dma_wait3A_566 = tpu.memref_squeeze %dma_wait3A_565 : memref<1x80xi32, #tpu.memory_space<vmem>> -> memref<80xi32, #tpu.memory_space<vmem>>
        %dma_wait3A_567 = arith.constant 0 : i32
        %dma_wait3A_568 = tpu.memref_slice %arg4[%dma_wait3A_567] : memref<320000xi32, #tpu.memory_space<hbm>> -> memref<80xi32, #tpu.memory_space<hbm>>
        tpu.wait_dma2 semaphore(%arg22 : memref<!tpu.dma_semaphore, #tpu.memory_space<semaphore_mem>>) src(%dma_wait3A_568 : memref<80xi32, #tpu.memory_space<hbm>>) dst(%dma_wait3A_566 : memref<80xi32, #tpu.memory_space<vmem>>)
        %dma_start3A_569 = arith.constant 0 : i32
        %dma_start3A_570 = tpu.memref_slice %arg6[%rem3A_436, %dma_start3A_569] : memref<8x80xi32, #tpu.memory_space<vmem>> -> memref<1x80xi32, #tpu.memory_space<vmem>>
        %dma_start3A_571 = tpu.memref_squeeze %dma_start3A_570 : memref<1x80xi32, #tpu.memory_space<vmem>> -> memref<80xi32, #tpu.memory_space<vmem>>
        %dma_start3A_572 = arith.constant 0 : i32
        %dma_start3A_573 = arith.constant 0 : i32
        %dma_start3A_574 = tpu.memref_slice %arg2[%dma_start3A_572, %dma_start3A_573] : memref<10000x128xf32, #tpu.memory_space<hbm>> -> memref<10000x128xf32, #tpu.memory_space<hbm>>
        tpu.enqueue_indirect_dma source(%dma_start3A_574 : memref<10000x128xf32, #tpu.memory_space<hbm>>) target(%arg9 : memref<80x128xf32, #tpu.memory_space<vmem>>) offsets(%dma_start3A_571 : memref<80xi32, #tpu.memory_space<vmem>>) semaphore(%arg14 : memref<!tpu.dma_semaphore, #tpu.memory_space<semaphore_mem>>)
      } else {
      }
      %add3A_462 = arith.constant 8 : i32
      %add3A_463 = arith.addi %add3A_430, %add3A_462 : i32
      %lt3A_464 = arith.constant 125 : i32
      %lt3A_465 = arith.cmpi slt, %add3A_463, %lt3A_464 : i32
      %convert_element_type3A_466 = arith.extui %lt3A_465 : i1 to i32
      %cond3A_467 = arith.constant 0 : i32
      %cond3A_468 = arith.cmpi ne, %convert_element_type3A_466, %cond3A_467 : i32
      scf.if %cond3A_468 {
        %add3A_549 = arith.constant 8 : i32
        %add3A_550 = arith.addi %add3A_430, %add3A_549 : i32
        %add3A_551 = arith.addi %mul3A_39, %add3A_550 : i32
        %mul3A_552 = arith.constant 80 : i32
        %mul3A_553 = arith.muli %add3A_551, %mul3A_552 : i32
        %dma_start3A_554 = arith.constant 0 : i32
        %dma_start3A_555 = tpu.memref_slice %arg6[%rem3A_432, %dma_start3A_554] : memref<8x80xi32, #tpu.memory_space<vmem>> -> memref<1x80xi32, #tpu.memory_space<vmem>>
        %dma_start3A_556 = tpu.memref_squeeze %dma_start3A_555 : memref<1x80xi32, #tpu.memory_space<vmem>> -> memref<80xi32, #tpu.memory_space<vmem>>
        %dma_start3A_557 = tpu.memref_slice %arg3[%mul3A_553] : memref<320000xi32, #tpu.memory_space<hbm>> -> memref<80xi32, #tpu.memory_space<hbm>>
        %dma_start3A_558 = arith.constant 0 : i32
        %dma_start3A_559 = tpu.memref_slice %arg6[%rem3A_432, %dma_start3A_558] : memref<8x80xi32, #tpu.memory_space<vmem>> -> memref<1x80xi32, #tpu.memory_space<vmem>>
        %dma_start3A_560 = tpu.memref_squeeze %dma_start3A_559 : memref<1x80xi32, #tpu.memory_space<vmem>> -> memref<80xi32, #tpu.memory_space<vmem>>
        %dma_start3A_561 = tpu.memref_slice %arg3[%mul3A_553] : memref<320000xi32, #tpu.memory_space<hbm>> -> memref<80xi32, #tpu.memory_space<hbm>>
        tpu.enqueue_dma source(%dma_start3A_561 : memref<80xi32, #tpu.memory_space<hbm>>) target(%dma_start3A_560 : memref<80xi32, #tpu.memory_space<vmem>>) target_semaphore(%arg22 : memref<!tpu.dma_semaphore, #tpu.memory_space<semaphore_mem>>)
        %dma_start3A_562 = arith.constant 0 : i32
        %dma_start3A_563 = tpu.memref_slice %arg7[%rem3A_432, %dma_start3A_562] : memref<8x80xi32, #tpu.memory_space<vmem>> -> memref<1x80xi32, #tpu.memory_space<vmem>>
        %dma_start3A_564 = tpu.memref_squeeze %dma_start3A_563 : memref<1x80xi32, #tpu.memory_space<vmem>> -> memref<80xi32, #tpu.memory_space<vmem>>
        %dma_start3A_565 = tpu.memref_slice %arg4[%mul3A_553] : memref<320000xi32, #tpu.memory_space<hbm>> -> memref<80xi32, #tpu.memory_space<hbm>>
        %dma_start3A_566 = arith.constant 0 : i32
        %dma_start3A_567 = tpu.memref_slice %arg7[%rem3A_432, %dma_start3A_566] : memref<8x80xi32, #tpu.memory_space<vmem>> -> memref<1x80xi32, #tpu.memory_space<vmem>>
        %dma_start3A_568 = tpu.memref_squeeze %dma_start3A_567 : memref<1x80xi32, #tpu.memory_space<vmem>> -> memref<80xi32, #tpu.memory_space<vmem>>
        %dma_start3A_569 = tpu.memref_slice %arg4[%mul3A_553] : memref<320000xi32, #tpu.memory_space<hbm>> -> memref<80xi32, #tpu.memory_space<hbm>>
        tpu.enqueue_dma source(%dma_start3A_569 : memref<80xi32, #tpu.memory_space<hbm>>) target(%dma_start3A_568 : memref<80xi32, #tpu.memory_space<vmem>>) target_semaphore(%arg22 : memref<!tpu.dma_semaphore, #tpu.memory_space<semaphore_mem>>)
      } else {
      }
      %add3A_469 = arith.constant 2 : i32
      %add3A_470 = arith.addi %mul3A_391, %add3A_469 : i32
      %rem3A_471 = arith.constant 8 : i32
      %rem3A_472 = arith.remsi %add3A_470, %rem3A_471 : i32
      %add3A_473 = arith.constant 4 : i32
      %add3A_474 = arith.addi %add3A_470, %add3A_473 : i32
      %rem3A_475 = arith.constant 8 : i32
      %rem3A_476 = arith.remsi %add3A_474, %rem3A_475 : i32
      %dma_wait3A_477 = arith.constant 0 : i32
      %dma_wait3A_478 = tpu.memref_slice %arg6[%rem3A_472, %dma_wait3A_477] : memref<8x80xi32, #tpu.memory_space<vmem>> -> memref<1x80xi32, #tpu.memory_space<vmem>>
      %dma_wait3A_479 = tpu.memref_squeeze %dma_wait3A_478 : memref<1x80xi32, #tpu.memory_space<vmem>> -> memref<80xi32, #tpu.memory_space<vmem>>
      %dma_wait3A_480 = arith.constant 0 : i32
      %dma_wait3A_481 = arith.constant 0 : i32
      %dma_wait3A_482 = tpu.memref_slice %arg2[%dma_wait3A_480, %dma_wait3A_481] : memref<10000x128xf32, #tpu.memory_space<hbm>> -> memref<10000x128xf32, #tpu.memory_space<hbm>>
      tpu.wait_indirect_dma semaphore(%arg15 : memref<!tpu.dma_semaphore, #tpu.memory_space<semaphore_mem>>) src(%dma_wait3A_482 : memref<10000x128xf32, #tpu.memory_space<hbm>>) dst(%arg10 : memref<80x128xf32, #tpu.memory_space<vmem>>)
      %dma_start3A_483 = arith.constant 0 : i32
      %dma_start3A_484 = tpu.memref_slice %arg7[%rem3A_472, %dma_start3A_483] : memref<8x80xi32, #tpu.memory_space<vmem>> -> memref<1x80xi32, #tpu.memory_space<vmem>>
      %dma_start3A_485 = tpu.memref_squeeze %dma_start3A_484 : memref<1x80xi32, #tpu.memory_space<vmem>> -> memref<80xi32, #tpu.memory_space<vmem>>
      %dma_start3A_486 = arith.constant 0 : i32
      %dma_start3A_487 = arith.constant 0 : i32
      %dma_start3A_488 = tpu.memref_slice %arg12[%dma_start3A_486, %dma_start3A_487] : memref<10240x128xf32, #tpu.memory_space<vmem_shared>> -> memref<10240x128xf32, #tpu.memory_space<vmem_shared>>
      tpu.enqueue_indirect_dma source(%arg10 : memref<80x128xf32, #tpu.memory_space<vmem>>) target(%dma_start3A_488 : memref<10240x128xf32, #tpu.memory_space<vmem_shared>>) offsets(%dma_start3A_485 : memref<80xi32, #tpu.memory_space<vmem>>) semaphore(%arg19 : memref<!tpu.dma_semaphore, #tpu.memory_space<semaphore_mem>>) {add = true}
      %dma_wait3A_489 = arith.constant 0 : i32
      %dma_wait3A_490 = tpu.memref_slice %arg7[%rem3A_472, %dma_wait3A_489] : memref<8x80xi32, #tpu.memory_space<vmem>> -> memref<1x80xi32, #tpu.memory_space<vmem>>
      %dma_wait3A_491 = tpu.memref_squeeze %dma_wait3A_490 : memref<1x80xi32, #tpu.memory_space<vmem>> -> memref<80xi32, #tpu.memory_space<vmem>>
      %dma_wait3A_492 = arith.constant 0 : i32
      %dma_wait3A_493 = arith.constant 0 : i32
      %dma_wait3A_494 = tpu.memref_slice %arg12[%dma_wait3A_492, %dma_wait3A_493] : memref<10240x128xf32, #tpu.memory_space<vmem_shared>> -> memref<10240x128xf32, #tpu.memory_space<vmem_shared>>
      tpu.wait_indirect_dma semaphore(%arg19 : memref<!tpu.dma_semaphore, #tpu.memory_space<semaphore_mem>>) src(%arg10 : memref<80x128xf32, #tpu.memory_space<vmem>>) dst(%dma_wait3A_494 : memref<10240x128xf32, #tpu.memory_space<vmem_shared>>)
      %add3A_495 = arith.constant 4 : i32
      %add3A_496 = arith.addi %add3A_470, %add3A_495 : i32
      %lt3A_497 = arith.constant 125 : i32
      %lt3A_498 = arith.cmpi slt, %add3A_496, %lt3A_497 : i32
      %convert_element_type3A_499 = arith.extui %lt3A_498 : i1 to i32
      %cond3A_500 = arith.constant 0 : i32
      %cond3A_501 = arith.cmpi ne, %convert_element_type3A_499, %cond3A_500 : i32
      scf.if %cond3A_501 {
        %dma_wait3A_549 = arith.constant 0 : i32
        %dma_wait3A_550 = tpu.memref_slice %arg6[%rem3A_476, %dma_wait3A_549] : memref<8x80xi32, #tpu.memory_space<vmem>> -> memref<1x80xi32, #tpu.memory_space<vmem>>
        %dma_wait3A_551 = tpu.memref_squeeze %dma_wait3A_550 : memref<1x80xi32, #tpu.memory_space<vmem>> -> memref<80xi32, #tpu.memory_space<vmem>>
        %dma_wait3A_552 = arith.constant 0 : i32
        %dma_wait3A_553 = tpu.memref_slice %arg3[%dma_wait3A_552] : memref<320000xi32, #tpu.memory_space<hbm>> -> memref<80xi32, #tpu.memory_space<hbm>>
        %dma_wait3A_554 = arith.constant 0 : i32
        %dma_wait3A_555 = tpu.memref_slice %arg6[%rem3A_476, %dma_wait3A_554] : memref<8x80xi32, #tpu.memory_space<vmem>> -> memref<1x80xi32, #tpu.memory_space<vmem>>
        %dma_wait3A_556 = tpu.memref_squeeze %dma_wait3A_555 : memref<1x80xi32, #tpu.memory_space<vmem>> -> memref<80xi32, #tpu.memory_space<vmem>>
        %dma_wait3A_557 = arith.constant 0 : i32
        %dma_wait3A_558 = tpu.memref_slice %arg3[%dma_wait3A_557] : memref<320000xi32, #tpu.memory_space<hbm>> -> memref<80xi32, #tpu.memory_space<hbm>>
        tpu.wait_dma2 semaphore(%arg21 : memref<!tpu.dma_semaphore, #tpu.memory_space<semaphore_mem>>) src(%dma_wait3A_558 : memref<80xi32, #tpu.memory_space<hbm>>) dst(%dma_wait3A_556 : memref<80xi32, #tpu.memory_space<vmem>>)
        %dma_wait3A_559 = arith.constant 0 : i32
        %dma_wait3A_560 = tpu.memref_slice %arg7[%rem3A_476, %dma_wait3A_559] : memref<8x80xi32, #tpu.memory_space<vmem>> -> memref<1x80xi32, #tpu.memory_space<vmem>>
        %dma_wait3A_561 = tpu.memref_squeeze %dma_wait3A_560 : memref<1x80xi32, #tpu.memory_space<vmem>> -> memref<80xi32, #tpu.memory_space<vmem>>
        %dma_wait3A_562 = arith.constant 0 : i32
        %dma_wait3A_563 = tpu.memref_slice %arg4[%dma_wait3A_562] : memref<320000xi32, #tpu.memory_space<hbm>> -> memref<80xi32, #tpu.memory_space<hbm>>
        %dma_wait3A_564 = arith.constant 0 : i32
        %dma_wait3A_565 = tpu.memref_slice %arg7[%rem3A_476, %dma_wait3A_564] : memref<8x80xi32, #tpu.memory_space<vmem>> -> memref<1x80xi32, #tpu.memory_space<vmem>>
        %dma_wait3A_566 = tpu.memref_squeeze %dma_wait3A_565 : memref<1x80xi32, #tpu.memory_space<vmem>> -> memref<80xi32, #tpu.memory_space<vmem>>
        %dma_wait3A_567 = arith.constant 0 : i32
        %dma_wait3A_568 = tpu.memref_slice %arg4[%dma_wait3A_567] : memref<320000xi32, #tpu.memory_space<hbm>> -> memref<80xi32, #tpu.memory_space<hbm>>
        tpu.wait_dma2 semaphore(%arg21 : memref<!tpu.dma_semaphore, #tpu.memory_space<semaphore_mem>>) src(%dma_wait3A_568 : memref<80xi32, #tpu.memory_space<hbm>>) dst(%dma_wait3A_566 : memref<80xi32, #tpu.memory_space<vmem>>)
        %dma_start3A_569 = arith.constant 0 : i32
        %dma_start3A_570 = tpu.memref_slice %arg6[%rem3A_476, %dma_start3A_569] : memref<8x80xi32, #tpu.memory_space<vmem>> -> memref<1x80xi32, #tpu.memory_space<vmem>>
        %dma_start3A_571 = tpu.memref_squeeze %dma_start3A_570 : memref<1x80xi32, #tpu.memory_space<vmem>> -> memref<80xi32, #tpu.memory_space<vmem>>
        %dma_start3A_572 = arith.constant 0 : i32
        %dma_start3A_573 = arith.constant 0 : i32
        %dma_start3A_574 = tpu.memref_slice %arg2[%dma_start3A_572, %dma_start3A_573] : memref<10000x128xf32, #tpu.memory_space<hbm>> -> memref<10000x128xf32, #tpu.memory_space<hbm>>
        tpu.enqueue_indirect_dma source(%dma_start3A_574 : memref<10000x128xf32, #tpu.memory_space<hbm>>) target(%arg10 : memref<80x128xf32, #tpu.memory_space<vmem>>) offsets(%dma_start3A_571 : memref<80xi32, #tpu.memory_space<vmem>>) semaphore(%arg15 : memref<!tpu.dma_semaphore, #tpu.memory_space<semaphore_mem>>)
      } else {
      }
      %add3A_502 = arith.constant 8 : i32
      %add3A_503 = arith.addi %add3A_470, %add3A_502 : i32
      %lt3A_504 = arith.constant 125 : i32
      %lt3A_505 = arith.cmpi slt, %add3A_503, %lt3A_504 : i32
      %convert_element_type3A_506 = arith.extui %lt3A_505 : i1 to i32
      %cond3A_507 = arith.constant 0 : i32
      %cond3A_508 = arith.cmpi ne, %convert_element_type3A_506, %cond3A_507 : i32
      scf.if %cond3A_508 {
        %add3A_549 = arith.constant 8 : i32
        %add3A_550 = arith.addi %add3A_470, %add3A_549 : i32
        %add3A_551 = arith.addi %mul3A_39, %add3A_550 : i32
        %mul3A_552 = arith.constant 80 : i32
        %mul3A_553 = arith.muli %add3A_551, %mul3A_552 : i32
        %dma_start3A_554 = arith.constant 0 : i32
        %dma_start3A_555 = tpu.memref_slice %arg6[%rem3A_472, %dma_start3A_554] : memref<8x80xi32, #tpu.memory_space<vmem>> -> memref<1x80xi32, #tpu.memory_space<vmem>>
        %dma_start3A_556 = tpu.memref_squeeze %dma_start3A_555 : memref<1x80xi32, #tpu.memory_space<vmem>> -> memref<80xi32, #tpu.memory_space<vmem>>
        %dma_start3A_557 = tpu.memref_slice %arg3[%mul3A_553] : memref<320000xi32, #tpu.memory_space<hbm>> -> memref<80xi32, #tpu.memory_space<hbm>>
        %dma_start3A_558 = arith.constant 0 : i32
        %dma_start3A_559 = tpu.memref_slice %arg6[%rem3A_472, %dma_start3A_558] : memref<8x80xi32, #tpu.memory_space<vmem>> -> memref<1x80xi32, #tpu.memory_space<vmem>>
        %dma_start3A_560 = tpu.memref_squeeze %dma_start3A_559 : memref<1x80xi32, #tpu.memory_space<vmem>> -> memref<80xi32, #tpu.memory_space<vmem>>
        %dma_start3A_561 = tpu.memref_slice %arg3[%mul3A_553] : memref<320000xi32, #tpu.memory_space<hbm>> -> memref<80xi32, #tpu.memory_space<hbm>>
        tpu.enqueue_dma source(%dma_start3A_561 : memref<80xi32, #tpu.memory_space<hbm>>) target(%dma_start3A_560 : memref<80xi32, #tpu.memory_space<vmem>>) target_semaphore(%arg21 : memref<!tpu.dma_semaphore, #tpu.memory_space<semaphore_mem>>)
        %dma_start3A_562 = arith.constant 0 : i32
        %dma_start3A_563 = tpu.memref_slice %arg7[%rem3A_472, %dma_start3A_562] : memref<8x80xi32, #tpu.memory_space<vmem>> -> memref<1x80xi32, #tpu.memory_space<vmem>>
        %dma_start3A_564 = tpu.memref_squeeze %dma_start3A_563 : memref<1x80xi32, #tpu.memory_space<vmem>> -> memref<80xi32, #tpu.memory_space<vmem>>
        %dma_start3A_565 = tpu.memref_slice %arg4[%mul3A_553] : memref<320000xi32, #tpu.memory_space<hbm>> -> memref<80xi32, #tpu.memory_space<hbm>>
        %dma_start3A_566 = arith.constant 0 : i32
        %dma_start3A_567 = tpu.memref_slice %arg7[%rem3A_472, %dma_start3A_566] : memref<8x80xi32, #tpu.memory_space<vmem>> -> memref<1x80xi32, #tpu.memory_space<vmem>>
        %dma_start3A_568 = tpu.memref_squeeze %dma_start3A_567 : memref<1x80xi32, #tpu.memory_space<vmem>> -> memref<80xi32, #tpu.memory_space<vmem>>
        %dma_start3A_569 = tpu.memref_slice %arg4[%mul3A_553] : memref<320000xi32, #tpu.memory_space<hbm>> -> memref<80xi32, #tpu.memory_space<hbm>>
        tpu.enqueue_dma source(%dma_start3A_569 : memref<80xi32, #tpu.memory_space<hbm>>) target(%dma_start3A_568 : memref<80xi32, #tpu.memory_space<vmem>>) target_semaphore(%arg21 : memref<!tpu.dma_semaphore, #tpu.memory_space<semaphore_mem>>)
      } else {
      }
      %add3A_509 = arith.constant 3 : i32
      %add3A_510 = arith.addi %mul3A_391, %add3A_509 : i32
      %rem3A_511 = arith.constant 8 : i32
      %rem3A_512 = arith.remsi %add3A_510, %rem3A_511 : i32
      %add3A_513 = arith.constant 4 : i32
      %add3A_514 = arith.addi %add3A_510, %add3A_513 : i32
      %rem3A_515 = arith.constant 8 : i32
      %rem3A_516 = arith.remsi %add3A_514, %rem3A_515 : i32
      %dma_wait3A_517 = arith.constant 0 : i32
      %dma_wait3A_518 = tpu.memref_slice %arg6[%rem3A_512, %dma_wait3A_517] : memref<8x80xi32, #tpu.memory_space<vmem>> -> memref<1x80xi32, #tpu.memory_space<vmem>>
      %dma_wait3A_519 = tpu.memref_squeeze %dma_wait3A_518 : memref<1x80xi32, #tpu.memory_space<vmem>> -> memref<80xi32, #tpu.memory_space<vmem>>
      %dma_wait3A_520 = arith.constant 0 : i32
      %dma_wait3A_521 = arith.constant 0 : i32
      %dma_wait3A_522 = tpu.memref_slice %arg2[%dma_wait3A_520, %dma_wait3A_521] : memref<10000x128xf32, #tpu.memory_space<hbm>> -> memref<10000x128xf32, #tpu.memory_space<hbm>>
      tpu.wait_indirect_dma semaphore(%arg16 : memref<!tpu.dma_semaphore, #tpu.memory_space<semaphore_mem>>) src(%dma_wait3A_522 : memref<10000x128xf32, #tpu.memory_space<hbm>>) dst(%arg11 : memref<80x128xf32, #tpu.memory_space<vmem>>)
      %dma_start3A_523 = arith.constant 0 : i32
      %dma_start3A_524 = tpu.memref_slice %arg7[%rem3A_512, %dma_start3A_523] : memref<8x80xi32, #tpu.memory_space<vmem>> -> memref<1x80xi32, #tpu.memory_space<vmem>>
      %dma_start3A_525 = tpu.memref_squeeze %dma_start3A_524 : memref<1x80xi32, #tpu.memory_space<vmem>> -> memref<80xi32, #tpu.memory_space<vmem>>
      %dma_start3A_526 = arith.constant 0 : i32
      %dma_start3A_527 = arith.constant 0 : i32
      %dma_start3A_528 = tpu.memref_slice %arg12[%dma_start3A_526, %dma_start3A_527] : memref<10240x128xf32, #tpu.memory_space<vmem_shared>> -> memref<10240x128xf32, #tpu.memory_space<vmem_shared>>
      tpu.enqueue_indirect_dma source(%arg11 : memref<80x128xf32, #tpu.memory_space<vmem>>) target(%dma_start3A_528 : memref<10240x128xf32, #tpu.memory_space<vmem_shared>>) offsets(%dma_start3A_525 : memref<80xi32, #tpu.memory_space<vmem>>) semaphore(%arg20 : memref<!tpu.dma_semaphore, #tpu.memory_space<semaphore_mem>>) {add = true}
      %dma_wait3A_529 = arith.constant 0 : i32
      %dma_wait3A_530 = tpu.memref_slice %arg7[%rem3A_512, %dma_wait3A_529] : memref<8x80xi32, #tpu.memory_space<vmem>> -> memref<1x80xi32, #tpu.memory_space<vmem>>
      %dma_wait3A_531 = tpu.memref_squeeze %dma_wait3A_530 : memref<1x80xi32, #tpu.memory_space<vmem>> -> memref<80xi32, #tpu.memory_space<vmem>>
      %dma_wait3A_532 = arith.constant 0 : i32
      %dma_wait3A_533 = arith.constant 0 : i32
      %dma_wait3A_534 = tpu.memref_slice %arg12[%dma_wait3A_532, %dma_wait3A_533] : memref<10240x128xf32, #tpu.memory_space<vmem_shared>> -> memref<10240x128xf32, #tpu.memory_space<vmem_shared>>
      tpu.wait_indirect_dma semaphore(%arg20 : memref<!tpu.dma_semaphore, #tpu.memory_space<semaphore_mem>>) src(%arg11 : memref<80x128xf32, #tpu.memory_space<vmem>>) dst(%dma_wait3A_534 : memref<10240x128xf32, #tpu.memory_space<vmem_shared>>)
      %add3A_535 = arith.constant 4 : i32
      %add3A_536 = arith.addi %add3A_510, %add3A_535 : i32
      %lt3A_537 = arith.constant 125 : i32
      %lt3A_538 = arith.cmpi slt, %add3A_536, %lt3A_537 : i32
      %convert_element_type3A_539 = arith.extui %lt3A_538 : i1 to i32
      %cond3A_540 = arith.constant 0 : i32
      %cond3A_541 = arith.cmpi ne, %convert_element_type3A_539, %cond3A_540 : i32
      scf.if %cond3A_541 {
        %dma_wait3A_549 = arith.constant 0 : i32
        %dma_wait3A_550 = tpu.memref_slice %arg6[%rem3A_516, %dma_wait3A_549] : memref<8x80xi32, #tpu.memory_space<vmem>> -> memref<1x80xi32, #tpu.memory_space<vmem>>
        %dma_wait3A_551 = tpu.memref_squeeze %dma_wait3A_550 : memref<1x80xi32, #tpu.memory_space<vmem>> -> memref<80xi32, #tpu.memory_space<vmem>>
        %dma_wait3A_552 = arith.constant 0 : i32
        %dma_wait3A_553 = tpu.memref_slice %arg3[%dma_wait3A_552] : memref<320000xi32, #tpu.memory_space<hbm>> -> memref<80xi32, #tpu.memory_space<hbm>>
        %dma_wait3A_554 = arith.constant 0 : i32
        %dma_wait3A_555 = tpu.memref_slice %arg6[%rem3A_516, %dma_wait3A_554] : memref<8x80xi32, #tpu.memory_space<vmem>> -> memref<1x80xi32, #tpu.memory_space<vmem>>
        %dma_wait3A_556 = tpu.memref_squeeze %dma_wait3A_555 : memref<1x80xi32, #tpu.memory_space<vmem>> -> memref<80xi32, #tpu.memory_space<vmem>>
        %dma_wait3A_557 = arith.constant 0 : i32
        %dma_wait3A_558 = tpu.memref_slice %arg3[%dma_wait3A_557] : memref<320000xi32, #tpu.memory_space<hbm>> -> memref<80xi32, #tpu.memory_space<hbm>>
        tpu.wait_dma2 semaphore(%arg22 : memref<!tpu.dma_semaphore, #tpu.memory_space<semaphore_mem>>) src(%dma_wait3A_558 : memref<80xi32, #tpu.memory_space<hbm>>) dst(%dma_wait3A_556 : memref<80xi32, #tpu.memory_space<vmem>>)
        %dma_wait3A_559 = arith.constant 0 : i32
        %dma_wait3A_560 = tpu.memref_slice %arg7[%rem3A_516, %dma_wait3A_559] : memref<8x80xi32, #tpu.memory_space<vmem>> -> memref<1x80xi32, #tpu.memory_space<vmem>>
        %dma_wait3A_561 = tpu.memref_squeeze %dma_wait3A_560 : memref<1x80xi32, #tpu.memory_space<vmem>> -> memref<80xi32, #tpu.memory_space<vmem>>
        %dma_wait3A_562 = arith.constant 0 : i32
        %dma_wait3A_563 = tpu.memref_slice %arg4[%dma_wait3A_562] : memref<320000xi32, #tpu.memory_space<hbm>> -> memref<80xi32, #tpu.memory_space<hbm>>
        %dma_wait3A_564 = arith.constant 0 : i32
        %dma_wait3A_565 = tpu.memref_slice %arg7[%rem3A_516, %dma_wait3A_564] : memref<8x80xi32, #tpu.memory_space<vmem>> -> memref<1x80xi32, #tpu.memory_space<vmem>>
        %dma_wait3A_566 = tpu.memref_squeeze %dma_wait3A_565 : memref<1x80xi32, #tpu.memory_space<vmem>> -> memref<80xi32, #tpu.memory_space<vmem>>
        %dma_wait3A_567 = arith.constant 0 : i32
        %dma_wait3A_568 = tpu.memref_slice %arg4[%dma_wait3A_567] : memref<320000xi32, #tpu.memory_space<hbm>> -> memref<80xi32, #tpu.memory_space<hbm>>
        tpu.wait_dma2 semaphore(%arg22 : memref<!tpu.dma_semaphore, #tpu.memory_space<semaphore_mem>>) src(%dma_wait3A_568 : memref<80xi32, #tpu.memory_space<hbm>>) dst(%dma_wait3A_566 : memref<80xi32, #tpu.memory_space<vmem>>)
        %dma_start3A_569 = arith.constant 0 : i32
        %dma_start3A_570 = tpu.memref_slice %arg6[%rem3A_516, %dma_start3A_569] : memref<8x80xi32, #tpu.memory_space<vmem>> -> memref<1x80xi32, #tpu.memory_space<vmem>>
        %dma_start3A_571 = tpu.memref_squeeze %dma_start3A_570 : memref<1x80xi32, #tpu.memory_space<vmem>> -> memref<80xi32, #tpu.memory_space<vmem>>
        %dma_start3A_572 = arith.constant 0 : i32
        %dma_start3A_573 = arith.constant 0 : i32
        %dma_start3A_574 = tpu.memref_slice %arg2[%dma_start3A_572, %dma_start3A_573] : memref<10000x128xf32, #tpu.memory_space<hbm>> -> memref<10000x128xf32, #tpu.memory_space<hbm>>
        tpu.enqueue_indirect_dma source(%dma_start3A_574 : memref<10000x128xf32, #tpu.memory_space<hbm>>) target(%arg11 : memref<80x128xf32, #tpu.memory_space<vmem>>) offsets(%dma_start3A_571 : memref<80xi32, #tpu.memory_space<vmem>>) semaphore(%arg16 : memref<!tpu.dma_semaphore, #tpu.memory_space<semaphore_mem>>)
      } else {
      }
      %add3A_542 = arith.constant 8 : i32
      %add3A_543 = arith.addi %add3A_510, %add3A_542 : i32
      %lt3A_544 = arith.constant 125 : i32
      %lt3A_545 = arith.cmpi slt, %add3A_543, %lt3A_544 : i32
      %convert_element_type3A_546 = arith.extui %lt3A_545 : i1 to i32
      %cond3A_547 = arith.constant 0 : i32
      %cond3A_548 = arith.cmpi ne, %convert_element_type3A_546, %cond3A_547 : i32
      scf.if %cond3A_548 {
        %add3A_549 = arith.constant 8 : i32
        %add3A_550 = arith.addi %add3A_510, %add3A_549 : i32
        %add3A_551 = arith.addi %mul3A_39, %add3A_550 : i32
        %mul3A_552 = arith.constant 80 : i32
        %mul3A_553 = arith.muli %add3A_551, %mul3A_552 : i32
        %dma_start3A_554 = arith.constant 0 : i32
        %dma_start3A_555 = tpu.memref_slice %arg6[%rem3A_512, %dma_start3A_554] : memref<8x80xi32, #tpu.memory_space<vmem>> -> memref<1x80xi32, #tpu.memory_space<vmem>>
        %dma_start3A_556 = tpu.memref_squeeze %dma_start3A_555 : memref<1x80xi32, #tpu.memory_space<vmem>> -> memref<80xi32, #tpu.memory_space<vmem>>
        %dma_start3A_557 = tpu.memref_slice %arg3[%mul3A_553] : memref<320000xi32, #tpu.memory_space<hbm>> -> memref<80xi32, #tpu.memory_space<hbm>>
        %dma_start3A_558 = arith.constant 0 : i32
        %dma_start3A_559 = tpu.memref_slice %arg6[%rem3A_512, %dma_start3A_558] : memref<8x80xi32, #tpu.memory_space<vmem>> -> memref<1x80xi32, #tpu.memory_space<vmem>>
        %dma_start3A_560 = tpu.memref_squeeze %dma_start3A_559 : memref<1x80xi32, #tpu.memory_space<vmem>> -> memref<80xi32, #tpu.memory_space<vmem>>
        %dma_start3A_561 = tpu.memref_slice %arg3[%mul3A_553] : memref<320000xi32, #tpu.memory_space<hbm>> -> memref<80xi32, #tpu.memory_space<hbm>>
        tpu.enqueue_dma source(%dma_start3A_561 : memref<80xi32, #tpu.memory_space<hbm>>) target(%dma_start3A_560 : memref<80xi32, #tpu.memory_space<vmem>>) target_semaphore(%arg22 : memref<!tpu.dma_semaphore, #tpu.memory_space<semaphore_mem>>)
        %dma_start3A_562 = arith.constant 0 : i32
        %dma_start3A_563 = tpu.memref_slice %arg7[%rem3A_512, %dma_start3A_562] : memref<8x80xi32, #tpu.memory_space<vmem>> -> memref<1x80xi32, #tpu.memory_space<vmem>>
        %dma_start3A_564 = tpu.memref_squeeze %dma_start3A_563 : memref<1x80xi32, #tpu.memory_space<vmem>> -> memref<80xi32, #tpu.memory_space<vmem>>
        %dma_start3A_565 = tpu.memref_slice %arg4[%mul3A_553] : memref<320000xi32, #tpu.memory_space<hbm>> -> memref<80xi32, #tpu.memory_space<hbm>>
        %dma_start3A_566 = arith.constant 0 : i32
        %dma_start3A_567 = tpu.memref_slice %arg7[%rem3A_512, %dma_start3A_566] : memref<8x80xi32, #tpu.memory_space<vmem>> -> memref<1x80xi32, #tpu.memory_space<vmem>>
        %dma_start3A_568 = tpu.memref_squeeze %dma_start3A_567 : memref<1x80xi32, #tpu.memory_space<vmem>> -> memref<80xi32, #tpu.memory_space<vmem>>
        %dma_start3A_569 = tpu.memref_slice %arg4[%mul3A_553] : memref<320000xi32, #tpu.memory_space<hbm>> -> memref<80xi32, #tpu.memory_space<hbm>>
        tpu.enqueue_dma source(%dma_start3A_569 : memref<80xi32, #tpu.memory_space<hbm>>) target(%dma_start3A_568 : memref<80xi32, #tpu.memory_space<vmem>>) target_semaphore(%arg22 : memref<!tpu.dma_semaphore, #tpu.memory_space<semaphore_mem>>)
      } else {
      }
    }
    %scan3A_335 = arith.constant 31 : i32
    %rem3A = arith.constant 124 : i32
    %rem3A_336 = arith.constant 8 : i32
    %rem3A_337 = arith.remsi %rem3A, %rem3A_336 : i32
    %dma_wait3A_338 = arith.constant 0 : i32
    %dma_wait3A_339 = tpu.memref_slice %arg6[%rem3A_337, %dma_wait3A_338] : memref<8x80xi32, #tpu.memory_space<vmem>> -> memref<1x80xi32, #tpu.memory_space<vmem>>
    %dma_wait3A_340 = tpu.memref_squeeze %dma_wait3A_339 : memref<1x80xi32, #tpu.memory_space<vmem>> -> memref<80xi32, #tpu.memory_space<vmem>>
    %dma_wait3A_341 = arith.constant 0 : i32
    %dma_wait3A_342 = arith.constant 0 : i32
    %dma_wait3A_343 = tpu.memref_slice %arg2[%dma_wait3A_341, %dma_wait3A_342] : memref<10000x128xf32, #tpu.memory_space<hbm>> -> memref<10000x128xf32, #tpu.memory_space<hbm>>
    tpu.wait_indirect_dma semaphore(%arg13 : memref<!tpu.dma_semaphore, #tpu.memory_space<semaphore_mem>>) src(%dma_wait3A_343 : memref<10000x128xf32, #tpu.memory_space<hbm>>) dst(%arg8 : memref<80x128xf32, #tpu.memory_space<vmem>>)
    %dma_start3A_344 = arith.constant 0 : i32
    %dma_start3A_345 = tpu.memref_slice %arg7[%rem3A_337, %dma_start3A_344] : memref<8x80xi32, #tpu.memory_space<vmem>> -> memref<1x80xi32, #tpu.memory_space<vmem>>
    %dma_start3A_346 = tpu.memref_squeeze %dma_start3A_345 : memref<1x80xi32, #tpu.memory_space<vmem>> -> memref<80xi32, #tpu.memory_space<vmem>>
    %dma_start3A_347 = arith.constant 0 : i32
    %dma_start3A_348 = arith.constant 0 : i32
    %dma_start3A_349 = tpu.memref_slice %arg12[%dma_start3A_347, %dma_start3A_348] : memref<10240x128xf32, #tpu.memory_space<vmem_shared>> -> memref<10240x128xf32, #tpu.memory_space<vmem_shared>>
    tpu.enqueue_indirect_dma source(%arg8 : memref<80x128xf32, #tpu.memory_space<vmem>>) target(%dma_start3A_349 : memref<10240x128xf32, #tpu.memory_space<vmem_shared>>) offsets(%dma_start3A_346 : memref<80xi32, #tpu.memory_space<vmem>>) semaphore(%arg17 : memref<!tpu.dma_semaphore, #tpu.memory_space<semaphore_mem>>) {add = true}
    %dma_wait3A_350 = arith.constant 0 : i32
    %dma_wait3A_351 = tpu.memref_slice %arg7[%rem3A_337, %dma_wait3A_350] : memref<8x80xi32, #tpu.memory_space<vmem>> -> memref<1x80xi32, #tpu.memory_space<vmem>>
    %dma_wait3A_352 = tpu.memref_squeeze %dma_wait3A_351 : memref<1x80xi32, #tpu.memory_space<vmem>> -> memref<80xi32, #tpu.memory_space<vmem>>
    %dma_wait3A_353 = arith.constant 0 : i32
    %dma_wait3A_354 = arith.constant 0 : i32
    %dma_wait3A_355 = tpu.memref_slice %arg12[%dma_wait3A_353, %dma_wait3A_354] : memref<10240x128xf32, #tpu.memory_space<vmem_shared>> -> memref<10240x128xf32, #tpu.memory_space<vmem_shared>>
    tpu.wait_indirect_dma semaphore(%arg17 : memref<!tpu.dma_semaphore, #tpu.memory_space<semaphore_mem>>) src(%arg8 : memref<80x128xf32, #tpu.memory_space<vmem>>) dst(%dma_wait3A_355 : memref<10240x128xf32, #tpu.memory_space<vmem_shared>>)
    %barrier3A_356 = arith.constant 0 : index
    tpu.barrier barrier_id(%barrier3A_356)
    %mul3A_357 = arith.constant 640 : i32
    %mul3A_358 = arith.muli %arg1, %mul3A_357 : i32
    %add3A_359 = arith.constant 0 : i32
    %add3A_360 = arith.addi %mul3A_358, %add3A_359 : i32
    "tpu.region"() ({
      %run_scoped3A = tpu.sem_alloc : memref<!tpu.dma_semaphore, #tpu.memory_space<semaphore_mem>>
      %dma_start3A_389 = arith.constant 0 : i32
      %dma_start3A_390 = tpu.memref_slice %arg5[%arg0, %add3A_360, %dma_start3A_389] : memref<2x10240x128xf32, #tpu.memory_space<hbm>> -> memref<1x80x128xf32, #tpu.memory_space<hbm>>
      %dma_start3A_391 = tpu.memref_squeeze %dma_start3A_390 : memref<1x80x128xf32, #tpu.memory_space<hbm>> -> memref<80x128xf32, #tpu.memory_space<hbm>>
      %dma_start3A_392 = arith.constant 0 : i32
      %dma_start3A_393 = tpu.memref_slice %arg12[%add3A_360, %dma_start3A_392] : memref<10240x128xf32, #tpu.memory_space<vmem_shared>> -> memref<80x128xf32, #tpu.memory_space<vmem_shared>>
      tpu.enqueue_dma source(%dma_start3A_393 : memref<80x128xf32, #tpu.memory_space<vmem_shared>>) target(%dma_start3A_391 : memref<80x128xf32, #tpu.memory_space<hbm>>) target_semaphore(%run_scoped3A : memref<!tpu.dma_semaphore, #tpu.memory_space<semaphore_mem>>)
      %dma_wait3A_394 = arith.constant 0 : i32
      %dma_wait3A_395 = tpu.memref_slice %arg5[%arg0, %add3A_360, %dma_wait3A_394] : memref<2x10240x128xf32, #tpu.memory_space<hbm>> -> memref<1x80x128xf32, #tpu.memory_space<hbm>>
      %dma_wait3A_396 = tpu.memref_squeeze %dma_wait3A_395 : memref<1x80x128xf32, #tpu.memory_space<hbm>> -> memref<80x128xf32, #tpu.memory_space<hbm>>
      %dma_wait3A_397 = arith.constant 0 : i32
      %dma_wait3A_398 = tpu.memref_slice %arg12[%add3A_360, %dma_wait3A_397] : memref<10240x128xf32, #tpu.memory_space<vmem_shared>> -> memref<80x128xf32, #tpu.memory_space<vmem_shared>>
      tpu.wait_dma2 semaphore(%run_scoped3A : memref<!tpu.dma_semaphore, #tpu.memory_space<semaphore_mem>>) src(%dma_wait3A_398 : memref<80x128xf32, #tpu.memory_space<vmem_shared>>) dst(%dma_wait3A_396 : memref<80x128xf32, #tpu.memory_space<hbm>>)
      tpu.yield
    }) : () -> ()
    %mul3A_361 = arith.constant 640 : i32
    %mul3A_362 = arith.muli %arg1, %mul3A_361 : i32
    %add3A_363 = arith.constant 80 : i32
    %add3A_364 = arith.addi %mul3A_362, %add3A_363 : i32
    "tpu.region"() ({
      %run_scoped3A = tpu.sem_alloc : memref<!tpu.dma_semaphore, #tpu.memory_space<semaphore_mem>>
      %dma_start3A_389 = arith.constant 0 : i32
      %dma_start3A_390 = tpu.memref_slice %arg5[%arg0, %add3A_364, %dma_start3A_389] : memref<2x10240x128xf32, #tpu.memory_space<hbm>> -> memref<1x80x128xf32, #tpu.memory_space<hbm>>
      %dma_start3A_391 = tpu.memref_squeeze %dma_start3A_390 : memref<1x80x128xf32, #tpu.memory_space<hbm>> -> memref<80x128xf32, #tpu.memory_space<hbm>>
      %dma_start3A_392 = arith.constant 0 : i32
      %dma_start3A_393 = tpu.memref_slice %arg12[%add3A_364, %dma_start3A_392] : memref<10240x128xf32, #tpu.memory_space<vmem_shared>> -> memref<80x128xf32, #tpu.memory_space<vmem_shared>>
      tpu.enqueue_dma source(%dma_start3A_393 : memref<80x128xf32, #tpu.memory_space<vmem_shared>>) target(%dma_start3A_391 : memref<80x128xf32, #tpu.memory_space<hbm>>) target_semaphore(%run_scoped3A : memref<!tpu.dma_semaphore, #tpu.memory_space<semaphore_mem>>)
      %dma_wait3A_394 = arith.constant 0 : i32
      %dma_wait3A_395 = tpu.memref_slice %arg5[%arg0, %add3A_364, %dma_wait3A_394] : memref<2x10240x128xf32, #tpu.memory_space<hbm>> -> memref<1x80x128xf32, #tpu.memory_space<hbm>>
      %dma_wait3A_396 = tpu.memref_squeeze %dma_wait3A_395 : memref<1x80x128xf32, #tpu.memory_space<hbm>> -> memref<80x128xf32, #tpu.memory_space<hbm>>
      %dma_wait3A_397 = arith.constant 0 : i32
      %dma_wait3A_398 = tpu.memref_slice %arg12[%add3A_364, %dma_wait3A_397] : memref<10240x128xf32, #tpu.memory_space<vmem_shared>> -> memref<80x128xf32, #tpu.memory_space<vmem_shared>>
      tpu.wait_dma2 semaphore(%run_scoped3A : memref<!tpu.dma_semaphore, #tpu.memory_space<semaphore_mem>>) src(%dma_wait3A_398 : memref<80x128xf32, #tpu.memory_space<vmem_shared>>) dst(%dma_wait3A_396 : memref<80x128xf32, #tpu.memory_space<hbm>>)
      tpu.yield
    }) : () -> ()
    %mul3A_365 = arith.constant 640 : i32
    %mul3A_366 = arith.muli %arg1, %mul3A_365 : i32
    %add3A_367 = arith.constant 160 : i32
    %add3A_368 = arith.addi %mul3A_366, %add3A_367 : i32
    "tpu.region"() ({
      %run_scoped3A = tpu.sem_alloc : memref<!tpu.dma_semaphore, #tpu.memory_space<semaphore_mem>>
      %dma_start3A_389 = arith.constant 0 : i32
      %dma_start3A_390 = tpu.memref_slice %arg5[%arg0, %add3A_368, %dma_start3A_389] : memref<2x10240x128xf32, #tpu.memory_space<hbm>> -> memref<1x80x128xf32, #tpu.memory_space<hbm>>
      %dma_start3A_391 = tpu.memref_squeeze %dma_start3A_390 : memref<1x80x128xf32, #tpu.memory_space<hbm>> -> memref<80x128xf32, #tpu.memory_space<hbm>>
      %dma_start3A_392 = arith.constant 0 : i32
      %dma_start3A_393 = tpu.memref_slice %arg12[%add3A_368, %dma_start3A_392] : memref<10240x128xf32, #tpu.memory_space<vmem_shared>> -> memref<80x128xf32, #tpu.memory_space<vmem_shared>>
      tpu.enqueue_dma source(%dma_start3A_393 : memref<80x128xf32, #tpu.memory_space<vmem_shared>>) target(%dma_start3A_391 : memref<80x128xf32, #tpu.memory_space<hbm>>) target_semaphore(%run_scoped3A : memref<!tpu.dma_semaphore, #tpu.memory_space<semaphore_mem>>)
      %dma_wait3A_394 = arith.constant 0 : i32
      %dma_wait3A_395 = tpu.memref_slice %arg5[%arg0, %add3A_368, %dma_wait3A_394] : memref<2x10240x128xf32, #tpu.memory_space<hbm>> -> memref<1x80x128xf32, #tpu.memory_space<hbm>>
      %dma_wait3A_396 = tpu.memref_squeeze %dma_wait3A_395 : memref<1x80x128xf32, #tpu.memory_space<hbm>> -> memref<80x128xf32, #tpu.memory_space<hbm>>
      %dma_wait3A_397 = arith.constant 0 : i32
      %dma_wait3A_398 = tpu.memref_slice %arg12[%add3A_368, %dma_wait3A_397] : memref<10240x128xf32, #tpu.memory_space<vmem_shared>> -> memref<80x128xf32, #tpu.memory_space<vmem_shared>>
      tpu.wait_dma2 semaphore(%run_scoped3A : memref<!tpu.dma_semaphore, #tpu.memory_space<semaphore_mem>>) src(%dma_wait3A_398 : memref<80x128xf32, #tpu.memory_space<vmem_shared>>) dst(%dma_wait3A_396 : memref<80x128xf32, #tpu.memory_space<hbm>>)
      tpu.yield
    }) : () -> ()
    %mul3A_369 = arith.constant 640 : i32
    %mul3A_370 = arith.muli %arg1, %mul3A_369 : i32
    %add3A_371 = arith.constant 240 : i32
    %add3A_372 = arith.addi %mul3A_370, %add3A_371 : i32
    "tpu.region"() ({
      %run_scoped3A = tpu.sem_alloc : memref<!tpu.dma_semaphore, #tpu.memory_space<semaphore_mem>>
      %dma_start3A_389 = arith.constant 0 : i32
      %dma_start3A_390 = tpu.memref_slice %arg5[%arg0, %add3A_372, %dma_start3A_389] : memref<2x10240x128xf32, #tpu.memory_space<hbm>> -> memref<1x80x128xf32, #tpu.memory_space<hbm>>
      %dma_start3A_391 = tpu.memref_squeeze %dma_start3A_390 : memref<1x80x128xf32, #tpu.memory_space<hbm>> -> memref<80x128xf32, #tpu.memory_space<hbm>>
      %dma_start3A_392 = arith.constant 0 : i32
      %dma_start3A_393 = tpu.memref_slice %arg12[%add3A_372, %dma_start3A_392] : memref<10240x128xf32, #tpu.memory_space<vmem_shared>> -> memref<80x128xf32, #tpu.memory_space<vmem_shared>>
      tpu.enqueue_dma source(%dma_start3A_393 : memref<80x128xf32, #tpu.memory_space<vmem_shared>>) target(%dma_start3A_391 : memref<80x128xf32, #tpu.memory_space<hbm>>) target_semaphore(%run_scoped3A : memref<!tpu.dma_semaphore, #tpu.memory_space<semaphore_mem>>)
      %dma_wait3A_394 = arith.constant 0 : i32
      %dma_wait3A_395 = tpu.memref_slice %arg5[%arg0, %add3A_372, %dma_wait3A_394] : memref<2x10240x128xf32, #tpu.memory_space<hbm>> -> memref<1x80x128xf32, #tpu.memory_space<hbm>>
      %dma_wait3A_396 = tpu.memref_squeeze %dma_wait3A_395 : memref<1x80x128xf32, #tpu.memory_space<hbm>> -> memref<80x128xf32, #tpu.memory_space<hbm>>
      %dma_wait3A_397 = arith.constant 0 : i32
      %dma_wait3A_398 = tpu.memref_slice %arg12[%add3A_372, %dma_wait3A_397] : memref<10240x128xf32, #tpu.memory_space<vmem_shared>> -> memref<80x128xf32, #tpu.memory_space<vmem_shared>>
      tpu.wait_dma2 semaphore(%run_scoped3A : memref<!tpu.dma_semaphore, #tpu.memory_space<semaphore_mem>>) src(%dma_wait3A_398 : memref<80x128xf32, #tpu.memory_space<vmem_shared>>) dst(%dma_wait3A_396 : memref<80x128xf32, #tpu.memory_space<hbm>>)
      tpu.yield
    }) : () -> ()
    %mul3A_373 = arith.constant 640 : i32
    %mul3A_374 = arith.muli %arg1, %mul3A_373 : i32
    %add3A_375 = arith.constant 320 : i32
    %add3A_376 = arith.addi %mul3A_374, %add3A_375 : i32
    "tpu.region"() ({
      %run_scoped3A = tpu.sem_alloc : memref<!tpu.dma_semaphore, #tpu.memory_space<semaphore_mem>>
      %dma_start3A_389 = arith.constant 0 : i32
      %dma_start3A_390 = tpu.memref_slice %arg5[%arg0, %add3A_376, %dma_start3A_389] : memref<2x10240x128xf32, #tpu.memory_space<hbm>> -> memref<1x80x128xf32, #tpu.memory_space<hbm>>
      %dma_start3A_391 = tpu.memref_squeeze %dma_start3A_390 : memref<1x80x128xf32, #tpu.memory_space<hbm>> -> memref<80x128xf32, #tpu.memory_space<hbm>>
      %dma_start3A_392 = arith.constant 0 : i32
      %dma_start3A_393 = tpu.memref_slice %arg12[%add3A_376, %dma_start3A_392] : memref<10240x128xf32, #tpu.memory_space<vmem_shared>> -> memref<80x128xf32, #tpu.memory_space<vmem_shared>>
      tpu.enqueue_dma source(%dma_start3A_393 : memref<80x128xf32, #tpu.memory_space<vmem_shared>>) target(%dma_start3A_391 : memref<80x128xf32, #tpu.memory_space<hbm>>) target_semaphore(%run_scoped3A : memref<!tpu.dma_semaphore, #tpu.memory_space<semaphore_mem>>)
      %dma_wait3A_394 = arith.constant 0 : i32
      %dma_wait3A_395 = tpu.memref_slice %arg5[%arg0, %add3A_376, %dma_wait3A_394] : memref<2x10240x128xf32, #tpu.memory_space<hbm>> -> memref<1x80x128xf32, #tpu.memory_space<hbm>>
      %dma_wait3A_396 = tpu.memref_squeeze %dma_wait3A_395 : memref<1x80x128xf32, #tpu.memory_space<hbm>> -> memref<80x128xf32, #tpu.memory_space<hbm>>
      %dma_wait3A_397 = arith.constant 0 : i32
      %dma_wait3A_398 = tpu.memref_slice %arg12[%add3A_376, %dma_wait3A_397] : memref<10240x128xf32, #tpu.memory_space<vmem_shared>> -> memref<80x128xf32, #tpu.memory_space<vmem_shared>>
      tpu.wait_dma2 semaphore(%run_scoped3A : memref<!tpu.dma_semaphore, #tpu.memory_space<semaphore_mem>>) src(%dma_wait3A_398 : memref<80x128xf32, #tpu.memory_space<vmem_shared>>) dst(%dma_wait3A_396 : memref<80x128xf32, #tpu.memory_space<hbm>>)
      tpu.yield
    }) : () -> ()
    %mul3A_377 = arith.constant 640 : i32
    %mul3A_378 = arith.muli %arg1, %mul3A_377 : i32
    %add3A_379 = arith.constant 400 : i32
    %add3A_380 = arith.addi %mul3A_378, %add3A_379 : i32
    "tpu.region"() ({
      %run_scoped3A = tpu.sem_alloc : memref<!tpu.dma_semaphore, #tpu.memory_space<semaphore_mem>>
      %dma_start3A_389 = arith.constant 0 : i32
      %dma_start3A_390 = tpu.memref_slice %arg5[%arg0, %add3A_380, %dma_start3A_389] : memref<2x10240x128xf32, #tpu.memory_space<hbm>> -> memref<1x80x128xf32, #tpu.memory_space<hbm>>
      %dma_start3A_391 = tpu.memref_squeeze %dma_start3A_390 : memref<1x80x128xf32, #tpu.memory_space<hbm>> -> memref<80x128xf32, #tpu.memory_space<hbm>>
      %dma_start3A_392 = arith.constant 0 : i32
      %dma_start3A_393 = tpu.memref_slice %arg12[%add3A_380, %dma_start3A_392] : memref<10240x128xf32, #tpu.memory_space<vmem_shared>> -> memref<80x128xf32, #tpu.memory_space<vmem_shared>>
      tpu.enqueue_dma source(%dma_start3A_393 : memref<80x128xf32, #tpu.memory_space<vmem_shared>>) target(%dma_start3A_391 : memref<80x128xf32, #tpu.memory_space<hbm>>) target_semaphore(%run_scoped3A : memref<!tpu.dma_semaphore, #tpu.memory_space<semaphore_mem>>)
      %dma_wait3A_394 = arith.constant 0 : i32
      %dma_wait3A_395 = tpu.memref_slice %arg5[%arg0, %add3A_380, %dma_wait3A_394] : memref<2x10240x128xf32, #tpu.memory_space<hbm>> -> memref<1x80x128xf32, #tpu.memory_space<hbm>>
      %dma_wait3A_396 = tpu.memref_squeeze %dma_wait3A_395 : memref<1x80x128xf32, #tpu.memory_space<hbm>> -> memref<80x128xf32, #tpu.memory_space<hbm>>
      %dma_wait3A_397 = arith.constant 0 : i32
      %dma_wait3A_398 = tpu.memref_slice %arg12[%add3A_380, %dma_wait3A_397] : memref<10240x128xf32, #tpu.memory_space<vmem_shared>> -> memref<80x128xf32, #tpu.memory_space<vmem_shared>>
      tpu.wait_dma2 semaphore(%run_scoped3A : memref<!tpu.dma_semaphore, #tpu.memory_space<semaphore_mem>>) src(%dma_wait3A_398 : memref<80x128xf32, #tpu.memory_space<vmem_shared>>) dst(%dma_wait3A_396 : memref<80x128xf32, #tpu.memory_space<hbm>>)
      tpu.yield
    }) : () -> ()
    %mul3A_381 = arith.constant 640 : i32
    %mul3A_382 = arith.muli %arg1, %mul3A_381 : i32
    %add3A_383 = arith.constant 480 : i32
    %add3A_384 = arith.addi %mul3A_382, %add3A_383 : i32
    "tpu.region"() ({
      %run_scoped3A = tpu.sem_alloc : memref<!tpu.dma_semaphore, #tpu.memory_space<semaphore_mem>>
      %dma_start3A_389 = arith.constant 0 : i32
      %dma_start3A_390 = tpu.memref_slice %arg5[%arg0, %add3A_384, %dma_start3A_389] : memref<2x10240x128xf32, #tpu.memory_space<hbm>> -> memref<1x80x128xf32, #tpu.memory_space<hbm>>
      %dma_start3A_391 = tpu.memref_squeeze %dma_start3A_390 : memref<1x80x128xf32, #tpu.memory_space<hbm>> -> memref<80x128xf32, #tpu.memory_space<hbm>>
      %dma_start3A_392 = arith.constant 0 : i32
      %dma_start3A_393 = tpu.memref_slice %arg12[%add3A_384, %dma_start3A_392] : memref<10240x128xf32, #tpu.memory_space<vmem_shared>> -> memref<80x128xf32, #tpu.memory_space<vmem_shared>>
      tpu.enqueue_dma source(%dma_start3A_393 : memref<80x128xf32, #tpu.memory_space<vmem_shared>>) target(%dma_start3A_391 : memref<80x128xf32, #tpu.memory_space<hbm>>) target_semaphore(%run_scoped3A : memref<!tpu.dma_semaphore, #tpu.memory_space<semaphore_mem>>)
      %dma_wait3A_394 = arith.constant 0 : i32
      %dma_wait3A_395 = tpu.memref_slice %arg5[%arg0, %add3A_384, %dma_wait3A_394] : memref<2x10240x128xf32, #tpu.memory_space<hbm>> -> memref<1x80x128xf32, #tpu.memory_space<hbm>>
      %dma_wait3A_396 = tpu.memref_squeeze %dma_wait3A_395 : memref<1x80x128xf32, #tpu.memory_space<hbm>> -> memref<80x128xf32, #tpu.memory_space<hbm>>
      %dma_wait3A_397 = arith.constant 0 : i32
      %dma_wait3A_398 = tpu.memref_slice %arg12[%add3A_384, %dma_wait3A_397] : memref<10240x128xf32, #tpu.memory_space<vmem_shared>> -> memref<80x128xf32, #tpu.memory_space<vmem_shared>>
      tpu.wait_dma2 semaphore(%run_scoped3A : memref<!tpu.dma_semaphore, #tpu.memory_space<semaphore_mem>>) src(%dma_wait3A_398 : memref<80x128xf32, #tpu.memory_space<vmem_shared>>) dst(%dma_wait3A_396 : memref<80x128xf32, #tpu.memory_space<hbm>>)
      tpu.yield
    }) : () -> ()
    %mul3A_385 = arith.constant 640 : i32
    %mul3A_386 = arith.muli %arg1, %mul3A_385 : i32
    %add3A_387 = arith.constant 560 : i32
    %add3A_388 = arith.addi %mul3A_386, %add3A_387 : i32
    "tpu.region"() ({
      %run_scoped3A = tpu.sem_alloc : memref<!tpu.dma_semaphore, #tpu.memory_space<semaphore_mem>>
      %dma_start3A_389 = arith.constant 0 : i32
      %dma_start3A_390 = tpu.memref_slice %arg5[%arg0, %add3A_388, %dma_start3A_389] : memref<2x10240x128xf32, #tpu.memory_space<hbm>> -> memref<1x80x128xf32, #tpu.memory_space<hbm>>
      %dma_start3A_391 = tpu.memref_squeeze %dma_start3A_390 : memref<1x80x128xf32, #tpu.memory_space<hbm>> -> memref<80x128xf32, #tpu.memory_space<hbm>>
      %dma_start3A_392 = arith.constant 0 : i32
      %dma_start3A_393 = tpu.memref_slice %arg12[%add3A_388, %dma_start3A_392] : memref<10240x128xf32, #tpu.memory_space<vmem_shared>> -> memref<80x128xf32, #tpu.memory_space<vmem_shared>>
      tpu.enqueue_dma source(%dma_start3A_393 : memref<80x128xf32, #tpu.memory_space<vmem_shared>>) target(%dma_start3A_391 : memref<80x128xf32, #tpu.memory_space<hbm>>) target_semaphore(%run_scoped3A : memref<!tpu.dma_semaphore, #tpu.memory_space<semaphore_mem>>)
      %dma_wait3A_394 = arith.constant 0 : i32
      %dma_wait3A_395 = tpu.memref_slice %arg5[%arg0, %add3A_388, %dma_wait3A_394] : memref<2x10240x128xf32, #tpu.memory_space<hbm>> -> memref<1x80x128xf32, #tpu.memory_space<hbm>>
      %dma_wait3A_396 = tpu.memref_squeeze %dma_wait3A_395 : memref<1x80x128xf32, #tpu.memory_space<hbm>> -> memref<80x128xf32, #tpu.memory_space<hbm>>
      %dma_wait3A_397 = arith.constant 0 : i32
      %dma_wait3A_398 = tpu.memref_slice %arg12[%add3A_388, %dma_wait3A_397] : memref<10240x128xf32, #tpu.memory_space<vmem_shared>> -> memref<80x128xf32, #tpu.memory_space<vmem_shared>>
      tpu.wait_dma2 semaphore(%run_scoped3A : memref<!tpu.dma_semaphore, #tpu.memory_space<semaphore_mem>>) src(%dma_wait3A_398 : memref<80x128xf32, #tpu.memory_space<vmem_shared>>) dst(%dma_wait3A_396 : memref<80x128xf32, #tpu.memory_space<hbm>>)
      tpu.yield
    }) : () -> ()
    return
  }
}

#map = affine_map<(d0, d1) -> (0)>
#map1 = affine_map<(d0, d1) -> (0, 0)>
module attributes {stable_mosaic.version = 14 : i64} {
  func.func @deg(%arg0: i32, %arg1: i32, %arg2: memref<320000xi32, #tpu.memory_space<hbm>>, %arg3: memref<2x10240xf32, #tpu.memory_space<hbm>>, %arg4: memref<8x80xi32, #tpu.memory_space<vmem>>, %arg5: memref<80xf32, #tpu.memory_space<vmem>>, %arg6: memref<640xf32, #tpu.memory_space<vmem>>, %arg7: memref<10240xf32, #tpu.memory_space<vmem_shared>>, %arg8: memref<!tpu.dma_semaphore, #tpu.memory_space<semaphore_mem>>) attributes {dimension_semantics = [#tpu.dimension_semantics<core_parallel>, #tpu.dimension_semantics<subcore_parallel>], iteration_bounds = array<i64: 2, 16>, scalar_prefetch = 0 : i64, scratch_operands = 5 : i64, tpu.core_type = #tpu.core_type<sc_vector_subcore>, window_params = [{transform_indices = #map}, {transform_indices = #map1}]} {
    %mul3A = arith.constant 2 : i32
    %mul3A_0 = arith.muli %arg1, %mul3A : i32
    %add3A = arith.addi %mul3A_0, %arg0 : i32
    %broadcast_in_dim3A = arith.constant 1.000000e+00 : f32
    %broadcast_in_dim3A_1 = vector.broadcast %broadcast_in_dim3A : f32 to vector<16xf32>
    %swap3A = arith.constant 0 : index
    %swap3A_2 = tpu.vector_load %arg5[%swap3A] {strides = array<i32>} : memref<80xf32, #tpu.memory_space<vmem>>, vector<16xf32>,
    %swap3A_3 = vector.shape_cast %swap3A_2 : vector<16xf32> to vector<16xf32>
    %swap3A_4 = vector.shape_cast %broadcast_in_dim3A_1 : vector<16xf32> to vector<16xf32>
    tpu.vector_store %arg5[%swap3A], %swap3A_4 {strides = array<i32>} : memref<80xf32, #tpu.memory_space<vmem>>, vector<16xf32>,
    %broadcast_in_dim3A_5 = arith.constant 1.000000e+00 : f32
    %broadcast_in_dim3A_6 = vector.broadcast %broadcast_in_dim3A_5 : f32 to vector<16xf32>
    %swap3A_7 = arith.constant 16 : index
    %swap3A_8 = tpu.vector_load %arg5[%swap3A_7] {strides = array<i32>} : memref<80xf32, #tpu.memory_space<vmem>>, vector<16xf32>,
    %swap3A_9 = vector.shape_cast %swap3A_8 : vector<16xf32> to vector<16xf32>
    %swap3A_10 = vector.shape_cast %broadcast_in_dim3A_6 : vector<16xf32> to vector<16xf32>
    tpu.vector_store %arg5[%swap3A_7], %swap3A_10 {strides = array<i32>} : memref<80xf32, #tpu.memory_space<vmem>>, vector<16xf32>,
    %broadcast_in_dim3A_11 = arith.constant 1.000000e+00 : f32
    %broadcast_in_dim3A_12 = vector.broadcast %broadcast_in_dim3A_11 : f32 to vector<16xf32>
    %swap3A_13 = arith.constant 32 : index
    %swap3A_14 = tpu.vector_load %arg5[%swap3A_13] {strides = array<i32>} : memref<80xf32, #tpu.memory_space<vmem>>, vector<16xf32>,
    %swap3A_15 = vector.shape_cast %swap3A_14 : vector<16xf32> to vector<16xf32>
    %swap3A_16 = vector.shape_cast %broadcast_in_dim3A_12 : vector<16xf32> to vector<16xf32>
    tpu.vector_store %arg5[%swap3A_13], %swap3A_16 {strides = array<i32>} : memref<80xf32, #tpu.memory_space<vmem>>, vector<16xf32>,
    %broadcast_in_dim3A_17 = arith.constant 1.000000e+00 : f32
    %broadcast_in_dim3A_18 = vector.broadcast %broadcast_in_dim3A_17 : f32 to vector<16xf32>
    %swap3A_19 = arith.constant 48 : index
    %swap3A_20 = tpu.vector_load %arg5[%swap3A_19] {strides = array<i32>} : memref<80xf32, #tpu.memory_space<vmem>>, vector<16xf32>,
    %swap3A_21 = vector.shape_cast %swap3A_20 : vector<16xf32> to vector<16xf32>
    %swap3A_22 = vector.shape_cast %broadcast_in_dim3A_18 : vector<16xf32> to vector<16xf32>
    tpu.vector_store %arg5[%swap3A_19], %swap3A_22 {strides = array<i32>} : memref<80xf32, #tpu.memory_space<vmem>>, vector<16xf32>,
    %broadcast_in_dim3A_23 = arith.constant 1.000000e+00 : f32
    %broadcast_in_dim3A_24 = vector.broadcast %broadcast_in_dim3A_23 : f32 to vector<16xf32>
    %swap3A_25 = arith.constant 64 : index
    %swap3A_26 = tpu.vector_load %arg5[%swap3A_25] {strides = array<i32>} : memref<80xf32, #tpu.memory_space<vmem>>, vector<16xf32>,
    %swap3A_27 = vector.shape_cast %swap3A_26 : vector<16xf32> to vector<16xf32>
    %swap3A_28 = vector.shape_cast %broadcast_in_dim3A_24 : vector<16xf32> to vector<16xf32>
    tpu.vector_store %arg5[%swap3A_25], %swap3A_28 {strides = array<i32>} : memref<80xf32, #tpu.memory_space<vmem>>, vector<16xf32>,
    %broadcast_in_dim3A_29 = arith.constant 0.000000e+00 : f32
    %broadcast_in_dim3A_30 = vector.broadcast %broadcast_in_dim3A_29 : f32 to vector<16xf32>
    %swap3A_31 = arith.constant 0 : index
    %swap3A_32 = tpu.vector_load %arg6[%swap3A_31] {strides = array<i32>} : memref<640xf32, #tpu.memory_space<vmem>>, vector<16xf32>,
    %swap3A_33 = vector.shape_cast %swap3A_32 : vector<16xf32> to vector<16xf32>
    %swap3A_34 = vector.shape_cast %broadcast_in_dim3A_30 : vector<16xf32> to vector<16xf32>
    tpu.vector_store %arg6[%swap3A_31], %swap3A_34 {strides = array<i32>} : memref<640xf32, #tpu.memory_space<vmem>>, vector<16xf32>,
    %broadcast_in_dim3A_35 = arith.constant 0.000000e+00 : f32
    %broadcast_in_dim3A_36 = vector.broadcast %broadcast_in_dim3A_35 : f32 to vector<16xf32>
    %swap3A_37 = arith.constant 16 : index
    %swap3A_38 = tpu.vector_load %arg6[%swap3A_37] {strides = array<i32>} : memref<640xf32, #tpu.memory_space<vmem>>, vector<16xf32>,
    %swap3A_39 = vector.shape_cast %swap3A_38 : vector<16xf32> to vector<16xf32>
    %swap3A_40 = vector.shape_cast %broadcast_in_dim3A_36 : vector<16xf32> to vector<16xf32>
    tpu.vector_store %arg6[%swap3A_37], %swap3A_40 {strides = array<i32>} : memref<640xf32, #tpu.memory_space<vmem>>, vector<16xf32>,
    %broadcast_in_dim3A_41 = arith.constant 0.000000e+00 : f32
    %broadcast_in_dim3A_42 = vector.broadcast %broadcast_in_dim3A_41 : f32 to vector<16xf32>
    %swap3A_43 = arith.constant 32 : index
    %swap3A_44 = tpu.vector_load %arg6[%swap3A_43] {strides = array<i32>} : memref<640xf32, #tpu.memory_space<vmem>>, vector<16xf32>,
    %swap3A_45 = vector.shape_cast %swap3A_44 : vector<16xf32> to vector<16xf32>
    %swap3A_46 = vector.shape_cast %broadcast_in_dim3A_42 : vector<16xf32> to vector<16xf32>
    tpu.vector_store %arg6[%swap3A_43], %swap3A_46 {strides = array<i32>} : memref<640xf32, #tpu.memory_space<vmem>>, vector<16xf32>,
    %broadcast_in_dim3A_47 = arith.constant 0.000000e+00 : f32
    %broadcast_in_dim3A_48 = vector.broadcast %broadcast_in_dim3A_47 : f32 to vector<16xf32>
    %swap3A_49 = arith.constant 48 : index
    %swap3A_50 = tpu.vector_load %arg6[%swap3A_49] {strides = array<i32>} : memref<640xf32, #tpu.memory_space<vmem>>, vector<16xf32>,
    %swap3A_51 = vector.shape_cast %swap3A_50 : vector<16xf32> to vector<16xf32>
    %swap3A_52 = vector.shape_cast %broadcast_in_dim3A_48 : vector<16xf32> to vector<16xf32>
    tpu.vector_store %arg6[%swap3A_49], %swap3A_52 {strides = array<i32>} : memref<640xf32, #tpu.memory_space<vmem>>, vector<16xf32>,
    %broadcast_in_dim3A_53 = arith.constant 0.000000e+00 : f32
    %broadcast_in_dim3A_54 = vector.broadcast %broadcast_in_dim3A_53 : f32 to vector<16xf32>
    %swap3A_55 = arith.constant 64 : index
    %swap3A_56 = tpu.vector_load %arg6[%swap3A_55] {strides = array<i32>} : memref<640xf32, #tpu.memory_space<vmem>>, vector<16xf32>,
    %swap3A_57 = vector.shape_cast %swap3A_56 : vector<16xf32> to vector<16xf32>
    %swap3A_58 = vector.shape_cast %broadcast_in_dim3A_54 : vector<16xf32> to vector<16xf32>
    tpu.vector_store %arg6[%swap3A_55], %swap3A_58 {strides = array<i32>} : memref<640xf32, #tpu.memory_space<vmem>>, vector<16xf32>,
    %broadcast_in_dim3A_59 = arith.constant 0.000000e+00 : f32
    %broadcast_in_dim3A_60 = vector.broadcast %broadcast_in_dim3A_59 : f32 to vector<16xf32>
    %swap3A_61 = arith.constant 80 : index
    %swap3A_62 = tpu.vector_load %arg6[%swap3A_61] {strides = array<i32>} : memref<640xf32, #tpu.memory_space<vmem>>, vector<16xf32>,
    %swap3A_63 = vector.shape_cast %swap3A_62 : vector<16xf32> to vector<16xf32>
    %swap3A_64 = vector.shape_cast %broadcast_in_dim3A_60 : vector<16xf32> to vector<16xf32>
    tpu.vector_store %arg6[%swap3A_61], %swap3A_64 {strides = array<i32>} : memref<640xf32, #tpu.memory_space<vmem>>, vector<16xf32>,
    %broadcast_in_dim3A_65 = arith.constant 0.000000e+00 : f32
    %broadcast_in_dim3A_66 = vector.broadcast %broadcast_in_dim3A_65 : f32 to vector<16xf32>
    %swap3A_67 = arith.constant 96 : index
    %swap3A_68 = tpu.vector_load %arg6[%swap3A_67] {strides = array<i32>} : memref<640xf32, #tpu.memory_space<vmem>>, vector<16xf32>,
    %swap3A_69 = vector.shape_cast %swap3A_68 : vector<16xf32> to vector<16xf32>
    %swap3A_70 = vector.shape_cast %broadcast_in_dim3A_66 : vector<16xf32> to vector<16xf32>
    tpu.vector_store %arg6[%swap3A_67], %swap3A_70 {strides = array<i32>} : memref<640xf32, #tpu.memory_space<vmem>>, vector<16xf32>,
    %broadcast_in_dim3A_71 = arith.constant 0.000000e+00 : f32
    %broadcast_in_dim3A_72 = vector.broadcast %broadcast_in_dim3A_71 : f32 to vector<16xf32>
    %swap3A_73 = arith.constant 112 : index
    %swap3A_74 = tpu.vector_load %arg6[%swap3A_73] {strides = array<i32>} : memref<640xf32, #tpu.memory_space<vmem>>, vector<16xf32>,
    %swap3A_75 = vector.shape_cast %swap3A_74 : vector<16xf32> to vector<16xf32>
    %swap3A_76 = vector.shape_cast %broadcast_in_dim3A_72 : vector<16xf32> to vector<16xf32>
    tpu.vector_store %arg6[%swap3A_73], %swap3A_76 {strides = array<i32>} : memref<640xf32, #tpu.memory_space<vmem>>, vector<16xf32>,
    %broadcast_in_dim3A_77 = arith.constant 0.000000e+00 : f32
    %broadcast_in_dim3A_78 = vector.broadcast %broadcast_in_dim3A_77 : f32 to vector<16xf32>
    %swap3A_79 = arith.constant 128 : index
    %swap3A_80 = tpu.vector_load %arg6[%swap3A_79] {strides = array<i32>} : memref<640xf32, #tpu.memory_space<vmem>>, vector<16xf32>,
    %swap3A_81 = vector.shape_cast %swap3A_80 : vector<16xf32> to vector<16xf32>
    %swap3A_82 = vector.shape_cast %broadcast_in_dim3A_78 : vector<16xf32> to vector<16xf32>
    tpu.vector_store %arg6[%swap3A_79], %swap3A_82 {strides = array<i32>} : memref<640xf32, #tpu.memory_space<vmem>>, vector<16xf32>,
    %broadcast_in_dim3A_83 = arith.constant 0.000000e+00 : f32
    %broadcast_in_dim3A_84 = vector.broadcast %broadcast_in_dim3A_83 : f32 to vector<16xf32>
    %swap3A_85 = arith.constant 144 : index
    %swap3A_86 = tpu.vector_load %arg6[%swap3A_85] {strides = array<i32>} : memref<640xf32, #tpu.memory_space<vmem>>, vector<16xf32>,
    %swap3A_87 = vector.shape_cast %swap3A_86 : vector<16xf32> to vector<16xf32>
    %swap3A_88 = vector.shape_cast %broadcast_in_dim3A_84 : vector<16xf32> to vector<16xf32>
    tpu.vector_store %arg6[%swap3A_85], %swap3A_88 {strides = array<i32>} : memref<640xf32, #tpu.memory_space<vmem>>, vector<16xf32>,
    %broadcast_in_dim3A_89 = arith.constant 0.000000e+00 : f32
    %broadcast_in_dim3A_90 = vector.broadcast %broadcast_in_dim3A_89 : f32 to vector<16xf32>
    %swap3A_91 = arith.constant 160 : index
    %swap3A_92 = tpu.vector_load %arg6[%swap3A_91] {strides = array<i32>} : memref<640xf32, #tpu.memory_space<vmem>>, vector<16xf32>,
    %swap3A_93 = vector.shape_cast %swap3A_92 : vector<16xf32> to vector<16xf32>
    %swap3A_94 = vector.shape_cast %broadcast_in_dim3A_90 : vector<16xf32> to vector<16xf32>
    tpu.vector_store %arg6[%swap3A_91], %swap3A_94 {strides = array<i32>} : memref<640xf32, #tpu.memory_space<vmem>>, vector<16xf32>,
    %broadcast_in_dim3A_95 = arith.constant 0.000000e+00 : f32
    %broadcast_in_dim3A_96 = vector.broadcast %broadcast_in_dim3A_95 : f32 to vector<16xf32>
    %swap3A_97 = arith.constant 176 : index
    %swap3A_98 = tpu.vector_load %arg6[%swap3A_97] {strides = array<i32>} : memref<640xf32, #tpu.memory_space<vmem>>, vector<16xf32>,
    %swap3A_99 = vector.shape_cast %swap3A_98 : vector<16xf32> to vector<16xf32>
    %swap3A_100 = vector.shape_cast %broadcast_in_dim3A_96 : vector<16xf32> to vector<16xf32>
    tpu.vector_store %arg6[%swap3A_97], %swap3A_100 {strides = array<i32>} : memref<640xf32, #tpu.memory_space<vmem>>, vector<16xf32>,
    %broadcast_in_dim3A_101 = arith.constant 0.000000e+00 : f32
    %broadcast_in_dim3A_102 = vector.broadcast %broadcast_in_dim3A_101 : f32 to vector<16xf32>
    %swap3A_103 = arith.constant 192 : index
    %swap3A_104 = tpu.vector_load %arg6[%swap3A_103] {strides = array<i32>} : memref<640xf32, #tpu.memory_space<vmem>>, vector<16xf32>,
    %swap3A_105 = vector.shape_cast %swap3A_104 : vector<16xf32> to vector<16xf32>
    %swap3A_106 = vector.shape_cast %broadcast_in_dim3A_102 : vector<16xf32> to vector<16xf32>
    tpu.vector_store %arg6[%swap3A_103], %swap3A_106 {strides = array<i32>} : memref<640xf32, #tpu.memory_space<vmem>>, vector<16xf32>,
    %broadcast_in_dim3A_107 = arith.constant 0.000000e+00 : f32
    %broadcast_in_dim3A_108 = vector.broadcast %broadcast_in_dim3A_107 : f32 to vector<16xf32>
    %swap3A_109 = arith.constant 208 : index
    %swap3A_110 = tpu.vector_load %arg6[%swap3A_109] {strides = array<i32>} : memref<640xf32, #tpu.memory_space<vmem>>, vector<16xf32>,
    %swap3A_111 = vector.shape_cast %swap3A_110 : vector<16xf32> to vector<16xf32>
    %swap3A_112 = vector.shape_cast %broadcast_in_dim3A_108 : vector<16xf32> to vector<16xf32>
    tpu.vector_store %arg6[%swap3A_109], %swap3A_112 {strides = array<i32>} : memref<640xf32, #tpu.memory_space<vmem>>, vector<16xf32>,
    %broadcast_in_dim3A_113 = arith.constant 0.000000e+00 : f32
    %broadcast_in_dim3A_114 = vector.broadcast %broadcast_in_dim3A_113 : f32 to vector<16xf32>
    %swap3A_115 = arith.constant 224 : index
    %swap3A_116 = tpu.vector_load %arg6[%swap3A_115] {strides = array<i32>} : memref<640xf32, #tpu.memory_space<vmem>>, vector<16xf32>,
    %swap3A_117 = vector.shape_cast %swap3A_116 : vector<16xf32> to vector<16xf32>
    %swap3A_118 = vector.shape_cast %broadcast_in_dim3A_114 : vector<16xf32> to vector<16xf32>
    tpu.vector_store %arg6[%swap3A_115], %swap3A_118 {strides = array<i32>} : memref<640xf32, #tpu.memory_space<vmem>>, vector<16xf32>,
    %broadcast_in_dim3A_119 = arith.constant 0.000000e+00 : f32
    %broadcast_in_dim3A_120 = vector.broadcast %broadcast_in_dim3A_119 : f32 to vector<16xf32>
    %swap3A_121 = arith.constant 240 : index
    %swap3A_122 = tpu.vector_load %arg6[%swap3A_121] {strides = array<i32>} : memref<640xf32, #tpu.memory_space<vmem>>, vector<16xf32>,
    %swap3A_123 = vector.shape_cast %swap3A_122 : vector<16xf32> to vector<16xf32>
    %swap3A_124 = vector.shape_cast %broadcast_in_dim3A_120 : vector<16xf32> to vector<16xf32>
    tpu.vector_store %arg6[%swap3A_121], %swap3A_124 {strides = array<i32>} : memref<640xf32, #tpu.memory_space<vmem>>, vector<16xf32>,
    %broadcast_in_dim3A_125 = arith.constant 0.000000e+00 : f32
    %broadcast_in_dim3A_126 = vector.broadcast %broadcast_in_dim3A_125 : f32 to vector<16xf32>
    %swap3A_127 = arith.constant 256 : index
    %swap3A_128 = tpu.vector_load %arg6[%swap3A_127] {strides = array<i32>} : memref<640xf32, #tpu.memory_space<vmem>>, vector<16xf32>,
    %swap3A_129 = vector.shape_cast %swap3A_128 : vector<16xf32> to vector<16xf32>
    %swap3A_130 = vector.shape_cast %broadcast_in_dim3A_126 : vector<16xf32> to vector<16xf32>
    tpu.vector_store %arg6[%swap3A_127], %swap3A_130 {strides = array<i32>} : memref<640xf32, #tpu.memory_space<vmem>>, vector<16xf32>,
    %broadcast_in_dim3A_131 = arith.constant 0.000000e+00 : f32
    %broadcast_in_dim3A_132 = vector.broadcast %broadcast_in_dim3A_131 : f32 to vector<16xf32>
    %swap3A_133 = arith.constant 272 : index
    %swap3A_134 = tpu.vector_load %arg6[%swap3A_133] {strides = array<i32>} : memref<640xf32, #tpu.memory_space<vmem>>, vector<16xf32>,
    %swap3A_135 = vector.shape_cast %swap3A_134 : vector<16xf32> to vector<16xf32>
    %swap3A_136 = vector.shape_cast %broadcast_in_dim3A_132 : vector<16xf32> to vector<16xf32>
    tpu.vector_store %arg6[%swap3A_133], %swap3A_136 {strides = array<i32>} : memref<640xf32, #tpu.memory_space<vmem>>, vector<16xf32>,
    %broadcast_in_dim3A_137 = arith.constant 0.000000e+00 : f32
    %broadcast_in_dim3A_138 = vector.broadcast %broadcast_in_dim3A_137 : f32 to vector<16xf32>
    %swap3A_139 = arith.constant 288 : index
    %swap3A_140 = tpu.vector_load %arg6[%swap3A_139] {strides = array<i32>} : memref<640xf32, #tpu.memory_space<vmem>>, vector<16xf32>,
    %swap3A_141 = vector.shape_cast %swap3A_140 : vector<16xf32> to vector<16xf32>
    %swap3A_142 = vector.shape_cast %broadcast_in_dim3A_138 : vector<16xf32> to vector<16xf32>
    tpu.vector_store %arg6[%swap3A_139], %swap3A_142 {strides = array<i32>} : memref<640xf32, #tpu.memory_space<vmem>>, vector<16xf32>,
    %broadcast_in_dim3A_143 = arith.constant 0.000000e+00 : f32
    %broadcast_in_dim3A_144 = vector.broadcast %broadcast_in_dim3A_143 : f32 to vector<16xf32>
    %swap3A_145 = arith.constant 304 : index
    %swap3A_146 = tpu.vector_load %arg6[%swap3A_145] {strides = array<i32>} : memref<640xf32, #tpu.memory_space<vmem>>, vector<16xf32>,
    %swap3A_147 = vector.shape_cast %swap3A_146 : vector<16xf32> to vector<16xf32>
    %swap3A_148 = vector.shape_cast %broadcast_in_dim3A_144 : vector<16xf32> to vector<16xf32>
    tpu.vector_store %arg6[%swap3A_145], %swap3A_148 {strides = array<i32>} : memref<640xf32, #tpu.memory_space<vmem>>, vector<16xf32>,
    %broadcast_in_dim3A_149 = arith.constant 0.000000e+00 : f32
    %broadcast_in_dim3A_150 = vector.broadcast %broadcast_in_dim3A_149 : f32 to vector<16xf32>
    %swap3A_151 = arith.constant 320 : index
    %swap3A_152 = tpu.vector_load %arg6[%swap3A_151] {strides = array<i32>} : memref<640xf32, #tpu.memory_space<vmem>>, vector<16xf32>,
    %swap3A_153 = vector.shape_cast %swap3A_152 : vector<16xf32> to vector<16xf32>
    %swap3A_154 = vector.shape_cast %broadcast_in_dim3A_150 : vector<16xf32> to vector<16xf32>
    tpu.vector_store %arg6[%swap3A_151], %swap3A_154 {strides = array<i32>} : memref<640xf32, #tpu.memory_space<vmem>>, vector<16xf32>,
    %broadcast_in_dim3A_155 = arith.constant 0.000000e+00 : f32
    %broadcast_in_dim3A_156 = vector.broadcast %broadcast_in_dim3A_155 : f32 to vector<16xf32>
    %swap3A_157 = arith.constant 336 : index
    %swap3A_158 = tpu.vector_load %arg6[%swap3A_157] {strides = array<i32>} : memref<640xf32, #tpu.memory_space<vmem>>, vector<16xf32>,
    %swap3A_159 = vector.shape_cast %swap3A_158 : vector<16xf32> to vector<16xf32>
    %swap3A_160 = vector.shape_cast %broadcast_in_dim3A_156 : vector<16xf32> to vector<16xf32>
    tpu.vector_store %arg6[%swap3A_157], %swap3A_160 {strides = array<i32>} : memref<640xf32, #tpu.memory_space<vmem>>, vector<16xf32>,
    %broadcast_in_dim3A_161 = arith.constant 0.000000e+00 : f32
    %broadcast_in_dim3A_162 = vector.broadcast %broadcast_in_dim3A_161 : f32 to vector<16xf32>
    %swap3A_163 = arith.constant 352 : index
    %swap3A_164 = tpu.vector_load %arg6[%swap3A_163] {strides = array<i32>} : memref<640xf32, #tpu.memory_space<vmem>>, vector<16xf32>,
    %swap3A_165 = vector.shape_cast %swap3A_164 : vector<16xf32> to vector<16xf32>
    %swap3A_166 = vector.shape_cast %broadcast_in_dim3A_162 : vector<16xf32> to vector<16xf32>
    tpu.vector_store %arg6[%swap3A_163], %swap3A_166 {strides = array<i32>} : memref<640xf32, #tpu.memory_space<vmem>>, vector<16xf32>,
    %broadcast_in_dim3A_167 = arith.constant 0.000000e+00 : f32
    %broadcast_in_dim3A_168 = vector.broadcast %broadcast_in_dim3A_167 : f32 to vector<16xf32>
    %swap3A_169 = arith.constant 368 : index
    %swap3A_170 = tpu.vector_load %arg6[%swap3A_169] {strides = array<i32>} : memref<640xf32, #tpu.memory_space<vmem>>, vector<16xf32>,
    %swap3A_171 = vector.shape_cast %swap3A_170 : vector<16xf32> to vector<16xf32>
    %swap3A_172 = vector.shape_cast %broadcast_in_dim3A_168 : vector<16xf32> to vector<16xf32>
    tpu.vector_store %arg6[%swap3A_169], %swap3A_172 {strides = array<i32>} : memref<640xf32, #tpu.memory_space<vmem>>, vector<16xf32>,
    %broadcast_in_dim3A_173 = arith.constant 0.000000e+00 : f32
    %broadcast_in_dim3A_174 = vector.broadcast %broadcast_in_dim3A_173 : f32 to vector<16xf32>
    %swap3A_175 = arith.constant 384 : index
    %swap3A_176 = tpu.vector_load %arg6[%swap3A_175] {strides = array<i32>} : memref<640xf32, #tpu.memory_space<vmem>>, vector<16xf32>,
    %swap3A_177 = vector.shape_cast %swap3A_176 : vector<16xf32> to vector<16xf32>
    %swap3A_178 = vector.shape_cast %broadcast_in_dim3A_174 : vector<16xf32> to vector<16xf32>
    tpu.vector_store %arg6[%swap3A_175], %swap3A_178 {strides = array<i32>} : memref<640xf32, #tpu.memory_space<vmem>>, vector<16xf32>,
    %broadcast_in_dim3A_179 = arith.constant 0.000000e+00 : f32
    %broadcast_in_dim3A_180 = vector.broadcast %broadcast_in_dim3A_179 : f32 to vector<16xf32>
    %swap3A_181 = arith.constant 400 : index
    %swap3A_182 = tpu.vector_load %arg6[%swap3A_181] {strides = array<i32>} : memref<640xf32, #tpu.memory_space<vmem>>, vector<16xf32>,
    %swap3A_183 = vector.shape_cast %swap3A_182 : vector<16xf32> to vector<16xf32>
    %swap3A_184 = vector.shape_cast %broadcast_in_dim3A_180 : vector<16xf32> to vector<16xf32>
    tpu.vector_store %arg6[%swap3A_181], %swap3A_184 {strides = array<i32>} : memref<640xf32, #tpu.memory_space<vmem>>, vector<16xf32>,
    %broadcast_in_dim3A_185 = arith.constant 0.000000e+00 : f32
    %broadcast_in_dim3A_186 = vector.broadcast %broadcast_in_dim3A_185 : f32 to vector<16xf32>
    %swap3A_187 = arith.constant 416 : index
    %swap3A_188 = tpu.vector_load %arg6[%swap3A_187] {strides = array<i32>} : memref<640xf32, #tpu.memory_space<vmem>>, vector<16xf32>,
    %swap3A_189 = vector.shape_cast %swap3A_188 : vector<16xf32> to vector<16xf32>
    %swap3A_190 = vector.shape_cast %broadcast_in_dim3A_186 : vector<16xf32> to vector<16xf32>
    tpu.vector_store %arg6[%swap3A_187], %swap3A_190 {strides = array<i32>} : memref<640xf32, #tpu.memory_space<vmem>>, vector<16xf32>,
    %broadcast_in_dim3A_191 = arith.constant 0.000000e+00 : f32
    %broadcast_in_dim3A_192 = vector.broadcast %broadcast_in_dim3A_191 : f32 to vector<16xf32>
    %swap3A_193 = arith.constant 432 : index
    %swap3A_194 = tpu.vector_load %arg6[%swap3A_193] {strides = array<i32>} : memref<640xf32, #tpu.memory_space<vmem>>, vector<16xf32>,
    %swap3A_195 = vector.shape_cast %swap3A_194 : vector<16xf32> to vector<16xf32>
    %swap3A_196 = vector.shape_cast %broadcast_in_dim3A_192 : vector<16xf32> to vector<16xf32>
    tpu.vector_store %arg6[%swap3A_193], %swap3A_196 {strides = array<i32>} : memref<640xf32, #tpu.memory_space<vmem>>, vector<16xf32>,
    %broadcast_in_dim3A_197 = arith.constant 0.000000e+00 : f32
    %broadcast_in_dim3A_198 = vector.broadcast %broadcast_in_dim3A_197 : f32 to vector<16xf32>
    %swap3A_199 = arith.constant 448 : index
    %swap3A_200 = tpu.vector_load %arg6[%swap3A_199] {strides = array<i32>} : memref<640xf32, #tpu.memory_space<vmem>>, vector<16xf32>,
    %swap3A_201 = vector.shape_cast %swap3A_200 : vector<16xf32> to vector<16xf32>
    %swap3A_202 = vector.shape_cast %broadcast_in_dim3A_198 : vector<16xf32> to vector<16xf32>
    tpu.vector_store %arg6[%swap3A_199], %swap3A_202 {strides = array<i32>} : memref<640xf32, #tpu.memory_space<vmem>>, vector<16xf32>,
    %broadcast_in_dim3A_203 = arith.constant 0.000000e+00 : f32
    %broadcast_in_dim3A_204 = vector.broadcast %broadcast_in_dim3A_203 : f32 to vector<16xf32>
    %swap3A_205 = arith.constant 464 : index
    %swap3A_206 = tpu.vector_load %arg6[%swap3A_205] {strides = array<i32>} : memref<640xf32, #tpu.memory_space<vmem>>, vector<16xf32>,
    %swap3A_207 = vector.shape_cast %swap3A_206 : vector<16xf32> to vector<16xf32>
    %swap3A_208 = vector.shape_cast %broadcast_in_dim3A_204 : vector<16xf32> to vector<16xf32>
    tpu.vector_store %arg6[%swap3A_205], %swap3A_208 {strides = array<i32>} : memref<640xf32, #tpu.memory_space<vmem>>, vector<16xf32>,
    %broadcast_in_dim3A_209 = arith.constant 0.000000e+00 : f32
    %broadcast_in_dim3A_210 = vector.broadcast %broadcast_in_dim3A_209 : f32 to vector<16xf32>
    %swap3A_211 = arith.constant 480 : index
    %swap3A_212 = tpu.vector_load %arg6[%swap3A_211] {strides = array<i32>} : memref<640xf32, #tpu.memory_space<vmem>>, vector<16xf32>,
    %swap3A_213 = vector.shape_cast %swap3A_212 : vector<16xf32> to vector<16xf32>
    %swap3A_214 = vector.shape_cast %broadcast_in_dim3A_210 : vector<16xf32> to vector<16xf32>
    tpu.vector_store %arg6[%swap3A_211], %swap3A_214 {strides = array<i32>} : memref<640xf32, #tpu.memory_space<vmem>>, vector<16xf32>,
    %broadcast_in_dim3A_215 = arith.constant 0.000000e+00 : f32
    %broadcast_in_dim3A_216 = vector.broadcast %broadcast_in_dim3A_215 : f32 to vector<16xf32>
    %swap3A_217 = arith.constant 496 : index
    %swap3A_218 = tpu.vector_load %arg6[%swap3A_217] {strides = array<i32>} : memref<640xf32, #tpu.memory_space<vmem>>, vector<16xf32>,
    %swap3A_219 = vector.shape_cast %swap3A_218 : vector<16xf32> to vector<16xf32>
    %swap3A_220 = vector.shape_cast %broadcast_in_dim3A_216 : vector<16xf32> to vector<16xf32>
    tpu.vector_store %arg6[%swap3A_217], %swap3A_220 {strides = array<i32>} : memref<640xf32, #tpu.memory_space<vmem>>, vector<16xf32>,
    %broadcast_in_dim3A_221 = arith.constant 0.000000e+00 : f32
    %broadcast_in_dim3A_222 = vector.broadcast %broadcast_in_dim3A_221 : f32 to vector<16xf32>
    %swap3A_223 = arith.constant 512 : index
    %swap3A_224 = tpu.vector_load %arg6[%swap3A_223] {strides = array<i32>} : memref<640xf32, #tpu.memory_space<vmem>>, vector<16xf32>,
    %swap3A_225 = vector.shape_cast %swap3A_224 : vector<16xf32> to vector<16xf32>
    %swap3A_226 = vector.shape_cast %broadcast_in_dim3A_222 : vector<16xf32> to vector<16xf32>
    tpu.vector_store %arg6[%swap3A_223], %swap3A_226 {strides = array<i32>} : memref<640xf32, #tpu.memory_space<vmem>>, vector<16xf32>,
    %broadcast_in_dim3A_227 = arith.constant 0.000000e+00 : f32
    %broadcast_in_dim3A_228 = vector.broadcast %broadcast_in_dim3A_227 : f32 to vector<16xf32>
    %swap3A_229 = arith.constant 528 : index
    %swap3A_230 = tpu.vector_load %arg6[%swap3A_229] {strides = array<i32>} : memref<640xf32, #tpu.memory_space<vmem>>, vector<16xf32>,
    %swap3A_231 = vector.shape_cast %swap3A_230 : vector<16xf32> to vector<16xf32>
    %swap3A_232 = vector.shape_cast %broadcast_in_dim3A_228 : vector<16xf32> to vector<16xf32>
    tpu.vector_store %arg6[%swap3A_229], %swap3A_232 {strides = array<i32>} : memref<640xf32, #tpu.memory_space<vmem>>, vector<16xf32>,
    %broadcast_in_dim3A_233 = arith.constant 0.000000e+00 : f32
    %broadcast_in_dim3A_234 = vector.broadcast %broadcast_in_dim3A_233 : f32 to vector<16xf32>
    %swap3A_235 = arith.constant 544 : index
    %swap3A_236 = tpu.vector_load %arg6[%swap3A_235] {strides = array<i32>} : memref<640xf32, #tpu.memory_space<vmem>>, vector<16xf32>,
    %swap3A_237 = vector.shape_cast %swap3A_236 : vector<16xf32> to vector<16xf32>
    %swap3A_238 = vector.shape_cast %broadcast_in_dim3A_234 : vector<16xf32> to vector<16xf32>
    tpu.vector_store %arg6[%swap3A_235], %swap3A_238 {strides = array<i32>} : memref<640xf32, #tpu.memory_space<vmem>>, vector<16xf32>,
    %broadcast_in_dim3A_239 = arith.constant 0.000000e+00 : f32
    %broadcast_in_dim3A_240 = vector.broadcast %broadcast_in_dim3A_239 : f32 to vector<16xf32>
    %swap3A_241 = arith.constant 560 : index
    %swap3A_242 = tpu.vector_load %arg6[%swap3A_241] {strides = array<i32>} : memref<640xf32, #tpu.memory_space<vmem>>, vector<16xf32>,
    %swap3A_243 = vector.shape_cast %swap3A_242 : vector<16xf32> to vector<16xf32>
    %swap3A_244 = vector.shape_cast %broadcast_in_dim3A_240 : vector<16xf32> to vector<16xf32>
    tpu.vector_store %arg6[%swap3A_241], %swap3A_244 {strides = array<i32>} : memref<640xf32, #tpu.memory_space<vmem>>, vector<16xf32>,
    %broadcast_in_dim3A_245 = arith.constant 0.000000e+00 : f32
    %broadcast_in_dim3A_246 = vector.broadcast %broadcast_in_dim3A_245 : f32 to vector<16xf32>
    %swap3A_247 = arith.constant 576 : index
    %swap3A_248 = tpu.vector_load %arg6[%swap3A_247] {strides = array<i32>} : memref<640xf32, #tpu.memory_space<vmem>>, vector<16xf32>,
    %swap3A_249 = vector.shape_cast %swap3A_248 : vector<16xf32> to vector<16xf32>
    %swap3A_250 = vector.shape_cast %broadcast_in_dim3A_246 : vector<16xf32> to vector<16xf32>
    tpu.vector_store %arg6[%swap3A_247], %swap3A_250 {strides = array<i32>} : memref<640xf32, #tpu.memory_space<vmem>>, vector<16xf32>,
    %broadcast_in_dim3A_251 = arith.constant 0.000000e+00 : f32
    %broadcast_in_dim3A_252 = vector.broadcast %broadcast_in_dim3A_251 : f32 to vector<16xf32>
    %swap3A_253 = arith.constant 592 : index
    %swap3A_254 = tpu.vector_load %arg6[%swap3A_253] {strides = array<i32>} : memref<640xf32, #tpu.memory_space<vmem>>, vector<16xf32>,
    %swap3A_255 = vector.shape_cast %swap3A_254 : vector<16xf32> to vector<16xf32>
    %swap3A_256 = vector.shape_cast %broadcast_in_dim3A_252 : vector<16xf32> to vector<16xf32>
    tpu.vector_store %arg6[%swap3A_253], %swap3A_256 {strides = array<i32>} : memref<640xf32, #tpu.memory_space<vmem>>, vector<16xf32>,
    %broadcast_in_dim3A_257 = arith.constant 0.000000e+00 : f32
    %broadcast_in_dim3A_258 = vector.broadcast %broadcast_in_dim3A_257 : f32 to vector<16xf32>
    %swap3A_259 = arith.constant 608 : index
    %swap3A_260 = tpu.vector_load %arg6[%swap3A_259] {strides = array<i32>} : memref<640xf32, #tpu.memory_space<vmem>>, vector<16xf32>,
    %swap3A_261 = vector.shape_cast %swap3A_260 : vector<16xf32> to vector<16xf32>
    %swap3A_262 = vector.shape_cast %broadcast_in_dim3A_258 : vector<16xf32> to vector<16xf32>
    tpu.vector_store %arg6[%swap3A_259], %swap3A_262 {strides = array<i32>} : memref<640xf32, #tpu.memory_space<vmem>>, vector<16xf32>,
    %broadcast_in_dim3A_263 = arith.constant 0.000000e+00 : f32
    %broadcast_in_dim3A_264 = vector.broadcast %broadcast_in_dim3A_263 : f32 to vector<16xf32>
    %swap3A_265 = arith.constant 624 : index
    %swap3A_266 = tpu.vector_load %arg6[%swap3A_265] {strides = array<i32>} : memref<640xf32, #tpu.memory_space<vmem>>, vector<16xf32>,
    %swap3A_267 = vector.shape_cast %swap3A_266 : vector<16xf32> to vector<16xf32>
    %swap3A_268 = vector.shape_cast %broadcast_in_dim3A_264 : vector<16xf32> to vector<16xf32>
    tpu.vector_store %arg6[%swap3A_265], %swap3A_268 {strides = array<i32>} : memref<640xf32, #tpu.memory_space<vmem>>, vector<16xf32>,
    %mul3A_269 = arith.constant 640 : i32
    %mul3A_270 = arith.muli %arg1, %mul3A_269 : i32
    "tpu.region"() ({
      %run_scoped3A = tpu.sem_alloc : memref<!tpu.dma_semaphore, #tpu.memory_space<semaphore_mem>>
      %dma_start3A_386 = tpu.memref_slice %arg7[%mul3A_270] : memref<10240xf32, #tpu.memory_space<vmem_shared>> -> memref<640xf32, #tpu.memory_space<vmem_shared>>
      %dma_start3A_387 = tpu.memref_slice %arg7[%mul3A_270] : memref<10240xf32, #tpu.memory_space<vmem_shared>> -> memref<640xf32, #tpu.memory_space<vmem_shared>>
      tpu.enqueue_dma source(%arg6 : memref<640xf32, #tpu.memory_space<vmem>>) target(%dma_start3A_387 : memref<640xf32, #tpu.memory_space<vmem_shared>>) target_semaphore(%run_scoped3A : memref<!tpu.dma_semaphore, #tpu.memory_space<semaphore_mem>>)
      %dma_wait3A = tpu.memref_slice %arg7[%mul3A_270] : memref<10240xf32, #tpu.memory_space<vmem_shared>> -> memref<640xf32, #tpu.memory_space<vmem_shared>>
      %dma_wait3A_388 = tpu.memref_slice %arg7[%mul3A_270] : memref<10240xf32, #tpu.memory_space<vmem_shared>> -> memref<640xf32, #tpu.memory_space<vmem_shared>>
      tpu.wait_dma2 semaphore(%run_scoped3A : memref<!tpu.dma_semaphore, #tpu.memory_space<semaphore_mem>>) src(%arg6 : memref<640xf32, #tpu.memory_space<vmem>>) dst(%dma_wait3A_388 : memref<640xf32, #tpu.memory_space<vmem_shared>>)
      tpu.yield
    }) : () -> ()
    %mul3A_271 = arith.constant 125 : i32
    %mul3A_272 = arith.muli %add3A, %mul3A_271 : i32
    %add3A_273 = arith.constant 0 : i32
    %add3A_274 = arith.addi %mul3A_272, %add3A_273 : i32
    %mul3A_275 = arith.constant 80 : i32
    %mul3A_276 = arith.muli %add3A_274, %mul3A_275 : i32
    %dma_start3A = arith.constant 0 : i32
    %dma_start3A_277 = arith.constant 0 : i32
    %dma_start3A_278 = tpu.memref_slice %arg4[%dma_start3A, %dma_start3A_277] : memref<8x80xi32, #tpu.memory_space<vmem>> -> memref<1x80xi32, #tpu.memory_space<vmem>>
    %dma_start3A_279 = tpu.memref_squeeze %dma_start3A_278 : memref<1x80xi32, #tpu.memory_space<vmem>> -> memref<80xi32, #tpu.memory_space<vmem>>
    %dma_start3A_280 = tpu.memref_slice %arg2[%mul3A_276] : memref<320000xi32, #tpu.memory_space<hbm>> -> memref<80xi32, #tpu.memory_space<hbm>>
    %dma_start3A_281 = arith.constant 0 : i32
    %dma_start3A_282 = tpu.memref_slice %arg4[%dma_start3A, %dma_start3A_281] : memref<8x80xi32, #tpu.memory_space<vmem>> -> memref<1x80xi32, #tpu.memory_space<vmem>>
    %dma_start3A_283 = tpu.memref_squeeze %dma_start3A_282 : memref<1x80xi32, #tpu.memory_space<vmem>> -> memref<80xi32, #tpu.memory_space<vmem>>
    %dma_start3A_284 = tpu.memref_slice %arg2[%mul3A_276] : memref<320000xi32, #tpu.memory_space<hbm>> -> memref<80xi32, #tpu.memory_space<hbm>>
    tpu.enqueue_dma source(%dma_start3A_284 : memref<80xi32, #tpu.memory_space<hbm>>) target(%dma_start3A_283 : memref<80xi32, #tpu.memory_space<vmem>>) target_semaphore(%arg8 : memref<!tpu.dma_semaphore, #tpu.memory_space<semaphore_mem>>)
    %add3A_285 = arith.constant 1 : i32
    %add3A_286 = arith.addi %mul3A_272, %add3A_285 : i32
    %mul3A_287 = arith.constant 80 : i32
    %mul3A_288 = arith.muli %add3A_286, %mul3A_287 : i32
    %dma_start3A_289 = arith.constant 1 : i32
    %dma_start3A_290 = arith.constant 0 : i32
    %dma_start3A_291 = tpu.memref_slice %arg4[%dma_start3A_289, %dma_start3A_290] : memref<8x80xi32, #tpu.memory_space<vmem>> -> memref<1x80xi32, #tpu.memory_space<vmem>>
    %dma_start3A_292 = tpu.memref_squeeze %dma_start3A_291 : memref<1x80xi32, #tpu.memory_space<vmem>> -> memref<80xi32, #tpu.memory_space<vmem>>
    %dma_start3A_293 = tpu.memref_slice %arg2[%mul3A_288] : memref<320000xi32, #tpu.memory_space<hbm>> -> memref<80xi32, #tpu.memory_space<hbm>>
    %dma_start3A_294 = arith.constant 0 : i32
    %dma_start3A_295 = tpu.memref_slice %arg4[%dma_start3A_289, %dma_start3A_294] : memref<8x80xi32, #tpu.memory_space<vmem>> -> memref<1x80xi32, #tpu.memory_space<vmem>>
    %dma_start3A_296 = tpu.memref_squeeze %dma_start3A_295 : memref<1x80xi32, #tpu.memory_space<vmem>> -> memref<80xi32, #tpu.memory_space<vmem>>
    %dma_start3A_297 = tpu.memref_slice %arg2[%mul3A_288] : memref<320000xi32, #tpu.memory_space<hbm>> -> memref<80xi32, #tpu.memory_space<hbm>>
    tpu.enqueue_dma source(%dma_start3A_297 : memref<80xi32, #tpu.memory_space<hbm>>) target(%dma_start3A_296 : memref<80xi32, #tpu.memory_space<vmem>>) target_semaphore(%arg8 : memref<!tpu.dma_semaphore, #tpu.memory_space<semaphore_mem>>)
    %add3A_298 = arith.constant 2 : i32
    %add3A_299 = arith.addi %mul3A_272, %add3A_298 : i32
    %mul3A_300 = arith.constant 80 : i32
    %mul3A_301 = arith.muli %add3A_299, %mul3A_300 : i32
    %dma_start3A_302 = arith.constant 2 : i32
    %dma_start3A_303 = arith.constant 0 : i32
    %dma_start3A_304 = tpu.memref_slice %arg4[%dma_start3A_302, %dma_start3A_303] : memref<8x80xi32, #tpu.memory_space<vmem>> -> memref<1x80xi32, #tpu.memory_space<vmem>>
    %dma_start3A_305 = tpu.memref_squeeze %dma_start3A_304 : memref<1x80xi32, #tpu.memory_space<vmem>> -> memref<80xi32, #tpu.memory_space<vmem>>
    %dma_start3A_306 = tpu.memref_slice %arg2[%mul3A_301] : memref<320000xi32, #tpu.memory_space<hbm>> -> memref<80xi32, #tpu.memory_space<hbm>>
    %dma_start3A_307 = arith.constant 0 : i32
    %dma_start3A_308 = tpu.memref_slice %arg4[%dma_start3A_302, %dma_start3A_307] : memref<8x80xi32, #tpu.memory_space<vmem>> -> memref<1x80xi32, #tpu.memory_space<vmem>>
    %dma_start3A_309 = tpu.memref_squeeze %dma_start3A_308 : memref<1x80xi32, #tpu.memory_space<vmem>> -> memref<80xi32, #tpu.memory_space<vmem>>
    %dma_start3A_310 = tpu.memref_slice %arg2[%mul3A_301] : memref<320000xi32, #tpu.memory_space<hbm>> -> memref<80xi32, #tpu.memory_space<hbm>>
    tpu.enqueue_dma source(%dma_start3A_310 : memref<80xi32, #tpu.memory_space<hbm>>) target(%dma_start3A_309 : memref<80xi32, #tpu.memory_space<vmem>>) target_semaphore(%arg8 : memref<!tpu.dma_semaphore, #tpu.memory_space<semaphore_mem>>)
    %add3A_311 = arith.constant 3 : i32
    %add3A_312 = arith.addi %mul3A_272, %add3A_311 : i32
    %mul3A_313 = arith.constant 80 : i32
    %mul3A_314 = arith.muli %add3A_312, %mul3A_313 : i32
    %dma_start3A_315 = arith.constant 3 : i32
    %dma_start3A_316 = arith.constant 0 : i32
    %dma_start3A_317 = tpu.memref_slice %arg4[%dma_start3A_315, %dma_start3A_316] : memref<8x80xi32, #tpu.memory_space<vmem>> -> memref<1x80xi32, #tpu.memory_space<vmem>>
    %dma_start3A_318 = tpu.memref_squeeze %dma_start3A_317 : memref<1x80xi32, #tpu.memory_space<vmem>> -> memref<80xi32, #tpu.memory_space<vmem>>
    %dma_start3A_319 = tpu.memref_slice %arg2[%mul3A_314] : memref<320000xi32, #tpu.memory_space<hbm>> -> memref<80xi32, #tpu.memory_space<hbm>>
    %dma_start3A_320 = arith.constant 0 : i32
    %dma_start3A_321 = tpu.memref_slice %arg4[%dma_start3A_315, %dma_start3A_320] : memref<8x80xi32, #tpu.memory_space<vmem>> -> memref<1x80xi32, #tpu.memory_space<vmem>>
    %dma_start3A_322 = tpu.memref_squeeze %dma_start3A_321 : memref<1x80xi32, #tpu.memory_space<vmem>> -> memref<80xi32, #tpu.memory_space<vmem>>
    %dma_start3A_323 = tpu.memref_slice %arg2[%mul3A_314] : memref<320000xi32, #tpu.memory_space<hbm>> -> memref<80xi32, #tpu.memory_space<hbm>>
    tpu.enqueue_dma source(%dma_start3A_323 : memref<80xi32, #tpu.memory_space<hbm>>) target(%dma_start3A_322 : memref<80xi32, #tpu.memory_space<vmem>>) target_semaphore(%arg8 : memref<!tpu.dma_semaphore, #tpu.memory_space<semaphore_mem>>)
    %add3A_324 = arith.constant 4 : i32
    %add3A_325 = arith.addi %mul3A_272, %add3A_324 : i32
    %mul3A_326 = arith.constant 80 : i32
    %mul3A_327 = arith.muli %add3A_325, %mul3A_326 : i32
    %dma_start3A_328 = arith.constant 4 : i32
    %dma_start3A_329 = arith.constant 0 : i32
    %dma_start3A_330 = tpu.memref_slice %arg4[%dma_start3A_328, %dma_start3A_329] : memref<8x80xi32, #tpu.memory_space<vmem>> -> memref<1x80xi32, #tpu.memory_space<vmem>>
    %dma_start3A_331 = tpu.memref_squeeze %dma_start3A_330 : memref<1x80xi32, #tpu.memory_space<vmem>> -> memref<80xi32, #tpu.memory_space<vmem>>
    %dma_start3A_332 = tpu.memref_slice %arg2[%mul3A_327] : memref<320000xi32, #tpu.memory_space<hbm>> -> memref<80xi32, #tpu.memory_space<hbm>>
    %dma_start3A_333 = arith.constant 0 : i32
    %dma_start3A_334 = tpu.memref_slice %arg4[%dma_start3A_328, %dma_start3A_333] : memref<8x80xi32, #tpu.memory_space<vmem>> -> memref<1x80xi32, #tpu.memory_space<vmem>>
    %dma_start3A_335 = tpu.memref_squeeze %dma_start3A_334 : memref<1x80xi32, #tpu.memory_space<vmem>> -> memref<80xi32, #tpu.memory_space<vmem>>
    %dma_start3A_336 = tpu.memref_slice %arg2[%mul3A_327] : memref<320000xi32, #tpu.memory_space<hbm>> -> memref<80xi32, #tpu.memory_space<hbm>>
    tpu.enqueue_dma source(%dma_start3A_336 : memref<80xi32, #tpu.memory_space<hbm>>) target(%dma_start3A_335 : memref<80xi32, #tpu.memory_space<vmem>>) target_semaphore(%arg8 : memref<!tpu.dma_semaphore, #tpu.memory_space<semaphore_mem>>)
    %add3A_337 = arith.constant 5 : i32
    %add3A_338 = arith.addi %mul3A_272, %add3A_337 : i32
    %mul3A_339 = arith.constant 80 : i32
    %mul3A_340 = arith.muli %add3A_338, %mul3A_339 : i32
    %dma_start3A_341 = arith.constant 5 : i32
    %dma_start3A_342 = arith.constant 0 : i32
    %dma_start3A_343 = tpu.memref_slice %arg4[%dma_start3A_341, %dma_start3A_342] : memref<8x80xi32, #tpu.memory_space<vmem>> -> memref<1x80xi32, #tpu.memory_space<vmem>>
    %dma_start3A_344 = tpu.memref_squeeze %dma_start3A_343 : memref<1x80xi32, #tpu.memory_space<vmem>> -> memref<80xi32, #tpu.memory_space<vmem>>
    %dma_start3A_345 = tpu.memref_slice %arg2[%mul3A_340] : memref<320000xi32, #tpu.memory_space<hbm>> -> memref<80xi32, #tpu.memory_space<hbm>>
    %dma_start3A_346 = arith.constant 0 : i32
    %dma_start3A_347 = tpu.memref_slice %arg4[%dma_start3A_341, %dma_start3A_346] : memref<8x80xi32, #tpu.memory_space<vmem>> -> memref<1x80xi32, #tpu.memory_space<vmem>>
    %dma_start3A_348 = tpu.memref_squeeze %dma_start3A_347 : memref<1x80xi32, #tpu.memory_space<vmem>> -> memref<80xi32, #tpu.memory_space<vmem>>
    %dma_start3A_349 = tpu.memref_slice %arg2[%mul3A_340] : memref<320000xi32, #tpu.memory_space<hbm>> -> memref<80xi32, #tpu.memory_space<hbm>>
    tpu.enqueue_dma source(%dma_start3A_349 : memref<80xi32, #tpu.memory_space<hbm>>) target(%dma_start3A_348 : memref<80xi32, #tpu.memory_space<vmem>>) target_semaphore(%arg8 : memref<!tpu.dma_semaphore, #tpu.memory_space<semaphore_mem>>)
    %add3A_350 = arith.constant 6 : i32
    %add3A_351 = arith.addi %mul3A_272, %add3A_350 : i32
    %mul3A_352 = arith.constant 80 : i32
    %mul3A_353 = arith.muli %add3A_351, %mul3A_352 : i32
    %dma_start3A_354 = arith.constant 6 : i32
    %dma_start3A_355 = arith.constant 0 : i32
    %dma_start3A_356 = tpu.memref_slice %arg4[%dma_start3A_354, %dma_start3A_355] : memref<8x80xi32, #tpu.memory_space<vmem>> -> memref<1x80xi32, #tpu.memory_space<vmem>>
    %dma_start3A_357 = tpu.memref_squeeze %dma_start3A_356 : memref<1x80xi32, #tpu.memory_space<vmem>> -> memref<80xi32, #tpu.memory_space<vmem>>
    %dma_start3A_358 = tpu.memref_slice %arg2[%mul3A_353] : memref<320000xi32, #tpu.memory_space<hbm>> -> memref<80xi32, #tpu.memory_space<hbm>>
    %dma_start3A_359 = arith.constant 0 : i32
    %dma_start3A_360 = tpu.memref_slice %arg4[%dma_start3A_354, %dma_start3A_359] : memref<8x80xi32, #tpu.memory_space<vmem>> -> memref<1x80xi32, #tpu.memory_space<vmem>>
    %dma_start3A_361 = tpu.memref_squeeze %dma_start3A_360 : memref<1x80xi32, #tpu.memory_space<vmem>> -> memref<80xi32, #tpu.memory_space<vmem>>
    %dma_start3A_362 = tpu.memref_slice %arg2[%mul3A_353] : memref<320000xi32, #tpu.memory_space<hbm>> -> memref<80xi32, #tpu.memory_space<hbm>>
    tpu.enqueue_dma source(%dma_start3A_362 : memref<80xi32, #tpu.memory_space<hbm>>) target(%dma_start3A_361 : memref<80xi32, #tpu.memory_space<vmem>>) target_semaphore(%arg8 : memref<!tpu.dma_semaphore, #tpu.memory_space<semaphore_mem>>)
    %add3A_363 = arith.constant 7 : i32
    %add3A_364 = arith.addi %mul3A_272, %add3A_363 : i32
    %mul3A_365 = arith.constant 80 : i32
    %mul3A_366 = arith.muli %add3A_364, %mul3A_365 : i32
    %dma_start3A_367 = arith.constant 7 : i32
    %dma_start3A_368 = arith.constant 0 : i32
    %dma_start3A_369 = tpu.memref_slice %arg4[%dma_start3A_367, %dma_start3A_368] : memref<8x80xi32, #tpu.memory_space<vmem>> -> memref<1x80xi32, #tpu.memory_space<vmem>>
    %dma_start3A_370 = tpu.memref_squeeze %dma_start3A_369 : memref<1x80xi32, #tpu.memory_space<vmem>> -> memref<80xi32, #tpu.memory_space<vmem>>
    %dma_start3A_371 = tpu.memref_slice %arg2[%mul3A_366] : memref<320000xi32, #tpu.memory_space<hbm>> -> memref<80xi32, #tpu.memory_space<hbm>>
    %dma_start3A_372 = arith.constant 0 : i32
    %dma_start3A_373 = tpu.memref_slice %arg4[%dma_start3A_367, %dma_start3A_372] : memref<8x80xi32, #tpu.memory_space<vmem>> -> memref<1x80xi32, #tpu.memory_space<vmem>>
    %dma_start3A_374 = tpu.memref_squeeze %dma_start3A_373 : memref<1x80xi32, #tpu.memory_space<vmem>> -> memref<80xi32, #tpu.memory_space<vmem>>
    %dma_start3A_375 = tpu.memref_slice %arg2[%mul3A_366] : memref<320000xi32, #tpu.memory_space<hbm>> -> memref<80xi32, #tpu.memory_space<hbm>>
    tpu.enqueue_dma source(%dma_start3A_375 : memref<80xi32, #tpu.memory_space<hbm>>) target(%dma_start3A_374 : memref<80xi32, #tpu.memory_space<vmem>>) target_semaphore(%arg8 : memref<!tpu.dma_semaphore, #tpu.memory_space<semaphore_mem>>)
    %barrier3A = arith.constant 0 : index
    tpu.barrier barrier_id(%barrier3A)
    %scan3A = arith.constant 0 : i32
    %scan3A_376 = arith.constant 0 : i32
    %scan3A_377 = arith.constant 125 : i32
    %scan3A_378 = arith.addi %scan3A_376, %scan3A_377 : i32
    %scan3A_379 = arith.constant 1 : i32
    scf.for %scan3A_386 = %scan3A_376 to %scan3A_378 step %scan3A_379  : i32 {
      %rem3A = arith.constant 8 : i32
      %rem3A_387 = arith.remsi %scan3A_386, %rem3A : i32
      %dma_wait3A = arith.constant 0 : i32
      %dma_wait3A_388 = tpu.memref_slice %arg4[%rem3A_387, %dma_wait3A] : memref<8x80xi32, #tpu.memory_space<vmem>> -> memref<1x80xi32, #tpu.memory_space<vmem>>
      %dma_wait3A_389 = tpu.memref_squeeze %dma_wait3A_388 : memref<1x80xi32, #tpu.memory_space<vmem>> -> memref<80xi32, #tpu.memory_space<vmem>>
      %dma_wait3A_390 = arith.constant 0 : i32
      %dma_wait3A_391 = tpu.memref_slice %arg2[%dma_wait3A_390] : memref<320000xi32, #tpu.memory_space<hbm>> -> memref<80xi32, #tpu.memory_space<hbm>>
      %dma_wait3A_392 = arith.constant 0 : i32
      %dma_wait3A_393 = tpu.memref_slice %arg4[%rem3A_387, %dma_wait3A_392] : memref<8x80xi32, #tpu.memory_space<vmem>> -> memref<1x80xi32, #tpu.memory_space<vmem>>
      %dma_wait3A_394 = tpu.memref_squeeze %dma_wait3A_393 : memref<1x80xi32, #tpu.memory_space<vmem>> -> memref<80xi32, #tpu.memory_space<vmem>>
      %dma_wait3A_395 = arith.constant 0 : i32
      %dma_wait3A_396 = tpu.memref_slice %arg2[%dma_wait3A_395] : memref<320000xi32, #tpu.memory_space<hbm>> -> memref<80xi32, #tpu.memory_space<hbm>>
      tpu.wait_dma2 semaphore(%arg8 : memref<!tpu.dma_semaphore, #tpu.memory_space<semaphore_mem>>) src(%dma_wait3A_396 : memref<80xi32, #tpu.memory_space<hbm>>) dst(%dma_wait3A_394 : memref<80xi32, #tpu.memory_space<vmem>>)
      "tpu.region"() ({
        %run_scoped3A = tpu.sem_alloc : memref<!tpu.dma_semaphore, #tpu.memory_space<semaphore_mem>>
        %dma_start3A_401 = arith.constant 0 : i32
        %dma_start3A_402 = tpu.memref_slice %arg4[%rem3A_387, %dma_start3A_401] : memref<8x80xi32, #tpu.memory_space<vmem>> -> memref<1x80xi32, #tpu.memory_space<vmem>>
        %dma_start3A_403 = tpu.memref_squeeze %dma_start3A_402 : memref<1x80xi32, #tpu.memory_space<vmem>> -> memref<80xi32, #tpu.memory_space<vmem>>
        %dma_start3A_404 = arith.constant 0 : i32
        %dma_start3A_405 = tpu.memref_slice %arg7[%dma_start3A_404] : memref<10240xf32, #tpu.memory_space<vmem_shared>> -> memref<10240xf32, #tpu.memory_space<vmem_shared>>
        tpu.enqueue_indirect_dma source(%arg5 : memref<80xf32, #tpu.memory_space<vmem>>) target(%dma_start3A_405 : memref<10240xf32, #tpu.memory_space<vmem_shared>>) offsets(%dma_start3A_403 : memref<80xi32, #tpu.memory_space<vmem>>) semaphore(%run_scoped3A : memref<!tpu.dma_semaphore, #tpu.memory_space<semaphore_mem>>) {add = true}
        %dma_wait3A_406 = arith.constant 0 : i32
        %dma_wait3A_407 = tpu.memref_slice %arg4[%rem3A_387, %dma_wait3A_406] : memref<8x80xi32, #tpu.memory_space<vmem>> -> memref<1x80xi32, #tpu.memory_space<vmem>>
        %dma_wait3A_408 = tpu.memref_squeeze %dma_wait3A_407 : memref<1x80xi32, #tpu.memory_space<vmem>> -> memref<80xi32, #tpu.memory_space<vmem>>
        %dma_wait3A_409 = arith.constant 0 : i32
        %dma_wait3A_410 = tpu.memref_slice %arg7[%dma_wait3A_409] : memref<10240xf32, #tpu.memory_space<vmem_shared>> -> memref<10240xf32, #tpu.memory_space<vmem_shared>>
        tpu.wait_indirect_dma semaphore(%run_scoped3A : memref<!tpu.dma_semaphore, #tpu.memory_space<semaphore_mem>>) src(%arg5 : memref<80xf32, #tpu.memory_space<vmem>>) dst(%dma_wait3A_410 : memref<10240xf32, #tpu.memory_space<vmem_shared>>)
        tpu.yield
      }) : () -> ()
      %add3A_397 = arith.constant 8 : i32
      %add3A_398 = arith.addi %scan3A_386, %add3A_397 : i32
      %lt3A = arith.constant 125 : i32
      %lt3A_399 = arith.cmpi slt, %add3A_398, %lt3A : i32
      %convert_element_type3A = arith.extui %lt3A_399 : i1 to i32
      %cond3A = arith.constant 0 : i32
      %cond3A_400 = arith.cmpi ne, %convert_element_type3A, %cond3A : i32
      scf.if %cond3A_400 {
        %add3A_401 = arith.addi %mul3A_272, %scan3A_386 : i32
        %add3A_402 = arith.constant 8 : i32
        %add3A_403 = arith.addi %add3A_401, %add3A_402 : i32
        %mul3A_404 = arith.constant 80 : i32
        %mul3A_405 = arith.muli %add3A_403, %mul3A_404 : i32
        %dma_start3A_406 = arith.constant 0 : i32
        %dma_start3A_407 = tpu.memref_slice %arg4[%rem3A_387, %dma_start3A_406] : memref<8x80xi32, #tpu.memory_space<vmem>> -> memref<1x80xi32, #tpu.memory_space<vmem>>
        %dma_start3A_408 = tpu.memref_squeeze %dma_start3A_407 : memref<1x80xi32, #tpu.memory_space<vmem>> -> memref<80xi32, #tpu.memory_space<vmem>>
        %dma_start3A_409 = tpu.memref_slice %arg2[%mul3A_405] : memref<320000xi32, #tpu.memory_space<hbm>> -> memref<80xi32, #tpu.memory_space<hbm>>
        %dma_start3A_410 = arith.constant 0 : i32
        %dma_start3A_411 = tpu.memref_slice %arg4[%rem3A_387, %dma_start3A_410] : memref<8x80xi32, #tpu.memory_space<vmem>> -> memref<1x80xi32, #tpu.memory_space<vmem>>
        %dma_start3A_412 = tpu.memref_squeeze %dma_start3A_411 : memref<1x80xi32, #tpu.memory_space<vmem>> -> memref<80xi32, #tpu.memory_space<vmem>>
        %dma_start3A_413 = tpu.memref_slice %arg2[%mul3A_405] : memref<320000xi32, #tpu.memory_space<hbm>> -> memref<80xi32, #tpu.memory_space<hbm>>
        tpu.enqueue_dma source(%dma_start3A_413 : memref<80xi32, #tpu.memory_space<hbm>>) target(%dma_start3A_412 : memref<80xi32, #tpu.memory_space<vmem>>) target_semaphore(%arg8 : memref<!tpu.dma_semaphore, #tpu.memory_space<semaphore_mem>>)
      } else {
      }
    }
    %scan3A_380 = arith.constant 125 : i32
    %barrier3A_381 = arith.constant 0 : index
    tpu.barrier barrier_id(%barrier3A_381)
    %mul3A_382 = arith.constant 640 : i32
    %mul3A_383 = arith.muli %arg1, %mul3A_382 : i32
    %mul3A_384 = arith.constant 640 : i32
    %mul3A_385 = arith.muli %arg1, %mul3A_384 : i32
    "tpu.region"() ({
      %run_scoped3A = tpu.sem_alloc : memref<!tpu.dma_semaphore, #tpu.memory_space<semaphore_mem>>
      %dma_start3A_386 = tpu.memref_slice %arg3[%arg0, %mul3A_385] : memref<2x10240xf32, #tpu.memory_space<hbm>> -> memref<1x640xf32, #tpu.memory_space<hbm>>
      %dma_start3A_387 = tpu.memref_squeeze %dma_start3A_386 : memref<1x640xf32, #tpu.memory_space<hbm>> -> memref<640xf32, #tpu.memory_space<hbm>>
      %dma_start3A_388 = tpu.memref_slice %arg7[%mul3A_383] : memref<10240xf32, #tpu.memory_space<vmem_shared>> -> memref<640xf32, #tpu.memory_space<vmem_shared>>
      tpu.enqueue_dma source(%dma_start3A_388 : memref<640xf32, #tpu.memory_space<vmem_shared>>) target(%dma_start3A_387 : memref<640xf32, #tpu.memory_space<hbm>>) target_semaphore(%run_scoped3A : memref<!tpu.dma_semaphore, #tpu.memory_space<semaphore_mem>>)
      %dma_wait3A = tpu.memref_slice %arg3[%arg0, %mul3A_385] : memref<2x10240xf32, #tpu.memory_space<hbm>> -> memref<1x640xf32, #tpu.memory_space<hbm>>
      %dma_wait3A_389 = tpu.memref_squeeze %dma_wait3A : memref<1x640xf32, #tpu.memory_space<hbm>> -> memref<640xf32, #tpu.memory_space<hbm>>
      %dma_wait3A_390 = tpu.memref_slice %arg7[%mul3A_383] : memref<10240xf32, #tpu.memory_space<vmem_shared>> -> memref<640xf32, #tpu.memory_space<vmem_shared>>
      tpu.wait_dma2 semaphore(%run_scoped3A : memref<!tpu.dma_semaphore, #tpu.memory_space<semaphore_mem>>) src(%dma_wait3A_390 : memref<640xf32, #tpu.memory_space<vmem_shared>>) dst(%dma_wait3A_389 : memref<640xf32, #tpu.memory_space<hbm>>)
      tpu.yield
    }) : () -> ()
    return
  }
}

module attributes {stable_mosaic.version = 14 : i64} {
  func.func @_s1_body(%arg0: i32, %arg1: memref<2560x128xf32, #tpu.memory_space<vmem>>, %arg2: memref<128x128xf32, #tpu.memory_space<vmem>>, %arg3: memref<2x1x20x128xf32, #tpu.memory_space<vmem>>, %arg4: memref<2560x128xf32, #tpu.memory_space<vmem>>) attributes {dimension_semantics = [#tpu.dimension_semantics<arbitrary>], iteration_bounds = array<i64: 4>, scalar_prefetch = 0 : i64, scratch_operands = 0 : i64, tpu.core_type = #tpu.core_type<tc>, window_params = [{transform_indices = @transform_0, window_bounds = array<i64: 2560, 128>}, {pipeline_mode = #tpu.pipeline_mode<synchronous>, transform_indices = @transform_1, window_bounds = array<i64: 128, 128>}, {transform_indices = @transform_2, window_bounds = array<i64: 2, 1, 20, 128>}, {transform_indices = @transform_3, window_bounds = array<i64: 2560, 128>}]} {
    %get3A = arith.constant 0 : index
    %get3A_0 = arith.constant 0 : index
    %get3A_1 = arith.constant 0 : index
    %get3A_2 = arith.constant 0 : index
    %get3A_3 = vector.load %arg3[%get3A, %get3A_0, %get3A_1, %get3A_2] : memref<2x1x20x128xf32, #tpu.memory_space<vmem>>, vector<2x1x20x128xf32>
    %squeeze3A = vector.shape_cast %get3A_3 : vector<2x1x20x128xf32> to vector<2x20x128xf32>
    %slice3A = vector.extract_strided_slice %squeeze3A {offsets = [0, 0, 0], sizes = [1, 20, 128], strides = [1, 1, 1]} : vector<2x20x128xf32> to vector<1x20x128xf32>
    %squeeze3A_4 = vector.shape_cast %slice3A : vector<1x20x128xf32> to vector<20x128xf32>
    %slice3A_5 = vector.extract_strided_slice %squeeze3A {offsets = [1, 0, 0], sizes = [1, 20, 128], strides = [1, 1, 1]} : vector<2x20x128xf32> to vector<1x20x128xf32>
    %squeeze3A_6 = vector.shape_cast %slice3A_5 : vector<1x20x128xf32> to vector<20x128xf32>
    %add3A = arith.addf %squeeze3A_4, %squeeze3A_6 : vector<20x128xf32>
    %add3A_7 = arith.constant 1.000000e+00 : f32
    %add3A_8 = vector.broadcast %add3A_7 : f32 to vector<20x128xf32>
    %add3A_9 = arith.addf %add3A, %add3A_8 : vector<20x128xf32>
    %rsqrt3A = math.rsqrt %add3A_9 : vector<20x128xf32>
    %iota3A = tpu.iota {dimensions = array<i32: 0>} : vector<128x128xi32>
    %iota3A_10 = tpu.iota {dimensions = array<i32: 1>} : vector<128x128xi32>
    %eq3A = arith.cmpi eq, %iota3A, %iota3A_10 : vector<128x128xi32>
    %convert_element_type3A = arith.extui %eq3A : vector<128x128xi1> to vector<128x128xi32>
    %convert_element_type3A_11 = arith.sitofp %convert_element_type3A : vector<128x128xi32> to vector<128x128xf32>
    %dot_general3A = arith.constant dense<0.000000e+00> : vector<128x20xf32>
    %dot_general3A_12 = tpu.matmul %convert_element_type3A_11, %rsqrt3A, %dot_general3A {dimension_numbers = #tpu.dot_dimension_numbers<[1], [1], [0], [0], [0, 0, 1, 0], [], []>, precision = #tpu.contract_precision<fp32>, transpose_lhs_hint = false} : vector<128x128xf32>, vector<20x128xf32>, vector<128x20xf32> -> vector<128x20xf32>
    %slice3A_13 = vector.extract_strided_slice %dot_general3A_12 {offsets = [0, 0], sizes = [128, 1], strides = [1, 1]} : vector<128x20xf32> to vector<128x1xf32>
    %slice3A_14 = vector.extract_strided_slice %dot_general3A_12 {offsets = [0, 1], sizes = [128, 1], strides = [1, 1]} : vector<128x20xf32> to vector<128x1xf32>
    %slice3A_15 = vector.extract_strided_slice %dot_general3A_12 {offsets = [0, 2], sizes = [128, 1], strides = [1, 1]} : vector<128x20xf32> to vector<128x1xf32>
    %slice3A_16 = vector.extract_strided_slice %dot_general3A_12 {offsets = [0, 3], sizes = [128, 1], strides = [1, 1]} : vector<128x20xf32> to vector<128x1xf32>
    %slice3A_17 = vector.extract_strided_slice %dot_general3A_12 {offsets = [0, 4], sizes = [128, 1], strides = [1, 1]} : vector<128x20xf32> to vector<128x1xf32>
    %slice3A_18 = vector.extract_strided_slice %dot_general3A_12 {offsets = [0, 5], sizes = [128, 1], strides = [1, 1]} : vector<128x20xf32> to vector<128x1xf32>
    %slice3A_19 = vector.extract_strided_slice %dot_general3A_12 {offsets = [0, 6], sizes = [128, 1], strides = [1, 1]} : vector<128x20xf32> to vector<128x1xf32>
    %slice3A_20 = vector.extract_strided_slice %dot_general3A_12 {offsets = [0, 7], sizes = [128, 1], strides = [1, 1]} : vector<128x20xf32> to vector<128x1xf32>
    %slice3A_21 = vector.extract_strided_slice %dot_general3A_12 {offsets = [0, 8], sizes = [128, 1], strides = [1, 1]} : vector<128x20xf32> to vector<128x1xf32>
    %slice3A_22 = vector.extract_strided_slice %dot_general3A_12 {offsets = [0, 9], sizes = [128, 1], strides = [1, 1]} : vector<128x20xf32> to vector<128x1xf32>
    %slice3A_23 = vector.extract_strided_slice %dot_general3A_12 {offsets = [0, 10], sizes = [128, 1], strides = [1, 1]} : vector<128x20xf32> to vector<128x1xf32>
    %slice3A_24 = vector.extract_strided_slice %dot_general3A_12 {offsets = [0, 11], sizes = [128, 1], strides = [1, 1]} : vector<128x20xf32> to vector<128x1xf32>
    %slice3A_25 = vector.extract_strided_slice %dot_general3A_12 {offsets = [0, 12], sizes = [128, 1], strides = [1, 1]} : vector<128x20xf32> to vector<128x1xf32>
    %slice3A_26 = vector.extract_strided_slice %dot_general3A_12 {offsets = [0, 13], sizes = [128, 1], strides = [1, 1]} : vector<128x20xf32> to vector<128x1xf32>
    %slice3A_27 = vector.extract_strided_slice %dot_general3A_12 {offsets = [0, 14], sizes = [128, 1], strides = [1, 1]} : vector<128x20xf32> to vector<128x1xf32>
    %slice3A_28 = vector.extract_strided_slice %dot_general3A_12 {offsets = [0, 15], sizes = [128, 1], strides = [1, 1]} : vector<128x20xf32> to vector<128x1xf32>
    %slice3A_29 = vector.extract_strided_slice %dot_general3A_12 {offsets = [0, 16], sizes = [128, 1], strides = [1, 1]} : vector<128x20xf32> to vector<128x1xf32>
    %slice3A_30 = vector.extract_strided_slice %dot_general3A_12 {offsets = [0, 17], sizes = [128, 1], strides = [1, 1]} : vector<128x20xf32> to vector<128x1xf32>
    %slice3A_31 = vector.extract_strided_slice %dot_general3A_12 {offsets = [0, 18], sizes = [128, 1], strides = [1, 1]} : vector<128x20xf32> to vector<128x1xf32>
    %slice3A_32 = vector.extract_strided_slice %dot_general3A_12 {offsets = [0, 19], sizes = [128, 1], strides = [1, 1]} : vector<128x20xf32> to vector<128x1xf32>
    %concatenate3A = tpu.concatenate %slice3A_13, %slice3A_14, %slice3A_15, %slice3A_16, %slice3A_17, %slice3A_18, %slice3A_19, %slice3A_20, %slice3A_21, %slice3A_22, %slice3A_23, %slice3A_24, %slice3A_25, %slice3A_26, %slice3A_27, %slice3A_28, %slice3A_29, %slice3A_30, %slice3A_31, %slice3A_32 in 0 : vector<128x1xf32>, vector<128x1xf32>, vector<128x1xf32>, vector<128x1xf32>, vector<128x1xf32>, vector<128x1xf32>, vector<128x1xf32>, vector<128x1xf32>, vector<128x1xf32>, vector<128x1xf32>, vector<128x1xf32>, vector<128x1xf32>, vector<128x1xf32>, vector<128x1xf32>, vector<128x1xf32>, vector<128x1xf32>, vector<128x1xf32>, vector<128x1xf32>, vector<128x1xf32>, vector<128x1xf32> -> vector<2560x1xf32>
    %get3A_33 = arith.constant 0 : index
    %get3A_34 = arith.constant 0 : index
    %get3A_35 = vector.load %arg1[%get3A_33, %get3A_34] : memref<2560x128xf32, #tpu.memory_space<vmem>>, vector<2560x128xf32>
    %get3A_36 = arith.constant 0 : index
    %get3A_37 = arith.constant 0 : index
    %get3A_38 = vector.load %arg2[%get3A_36, %get3A_37] : memref<128x128xf32, #tpu.memory_space<vmem>>, vector<128x128xf32>
    %dot_general3A_39 = arith.constant dense<0.000000e+00> : vector<2560x128xf32>
    %dot_general3A_40 = tpu.matmul %get3A_35, %get3A_38, %dot_general3A_39 {dimension_numbers = #tpu.dot_dimension_numbers<[1], [0], [0], [1], [0, 0, 1, 1], [], []>, transpose_lhs_hint = false} : vector<2560x128xf32>, vector<128x128xf32>, vector<2560x128xf32> -> vector<2560x128xf32>
    %mul3A = vector.broadcast %concatenate3A : vector<2560x1xf32> to vector<2560x128xf32>
    %mul3A_41 = arith.mulf %dot_general3A_40, %mul3A : vector<2560x128xf32>
    %swap3A = arith.constant 0 : index
    %swap3A_42 = arith.constant 0 : index
    %swap3A_43 = vector.load %arg4[%swap3A, %swap3A_42] : memref<2560x128xf32, #tpu.memory_space<vmem>>, vector<2560x128xf32>
    tpu.vector_store %arg4[%swap3A, %swap3A_42], %mul3A_41 {strides = array<i32>} : memref<2560x128xf32, #tpu.memory_space<vmem>>, vector<2560x128xf32>,
    return
  }
  func.func @transform_0(%arg0: i32) -> (i32, i32) {
    %c0_i32 = arith.constant 0 : i32
    %c0_i32_0 = arith.constant 0 : i32
    return %arg0, %c0_i32 : i32, i32
  }
  func.func @transform_1(%arg0: i32) -> (i32, i32) {
    %c0_i32 = arith.constant 0 : i32
    %c0_i32_0 = arith.constant 0 : i32
    %c0_i32_1 = arith.constant 0 : i32
    return %c0_i32, %c0_i32_0 : i32, i32
  }
  func.func @transform_2(%arg0: i32) -> (i32, i32, i32, i32) {
    %c0_i32 = arith.constant 0 : i32
    %c0_i32_0 = arith.constant 0 : i32
    %c0_i32_1 = arith.constant 0 : i32
    %c0_i32_2 = arith.constant 0 : i32
    return %c0_i32, %arg0, %c0_i32_0, %c0_i32_1 : i32, i32, i32, i32
  }
  func.func @transform_3(%arg0: i32) -> (i32, i32) {
    %c0_i32 = arith.constant 0 : i32
    %c0_i32_0 = arith.constant 0 : i32
    return %arg0, %c0_i32 : i32, i32
  }
}

module attributes {stable_mosaic.version = 14 : i64} {
  func.func @_l2_body(%arg0: i32, %arg1: memref<2x2560x128xf32, #tpu.memory_space<vmem>>, %arg2: memref<2560x128xf32, #tpu.memory_space<vmem>>, %arg3: memref<2x1x20x128xf32, #tpu.memory_space<vmem>>, %arg4: memref<128x80xf32, #tpu.memory_space<vmem>>, %arg5: memref<2560x80xf32, #tpu.memory_space<vmem>>) attributes {dimension_semantics = [#tpu.dimension_semantics<arbitrary>], iteration_bounds = array<i64: 4>, scalar_prefetch = 0 : i64, scratch_operands = 0 : i64, tpu.core_type = #tpu.core_type<tc>, window_params = [{transform_indices = @transform_0, window_bounds = array<i64: 2, 2560, 128>}, {transform_indices = @transform_1, window_bounds = array<i64: 2560, 128>}, {transform_indices = @transform_2, window_bounds = array<i64: 2, 1, 20, 128>}, {pipeline_mode = #tpu.pipeline_mode<synchronous>, transform_indices = @transform_3, window_bounds = array<i64: 128, 80>}, {transform_indices = @transform_4, window_bounds = array<i64: 2560, 80>}]} {
    %get3A = arith.constant 0 : index
    %get3A_0 = arith.constant 0 : index
    %get3A_1 = arith.constant 0 : index
    %get3A_2 = arith.constant 0 : index
    %get3A_3 = vector.load %arg3[%get3A, %get3A_0, %get3A_1, %get3A_2] : memref<2x1x20x128xf32, #tpu.memory_space<vmem>>, vector<2x1x20x128xf32>
    %squeeze3A = vector.shape_cast %get3A_3 : vector<2x1x20x128xf32> to vector<2x20x128xf32>
    %slice3A = vector.extract_strided_slice %squeeze3A {offsets = [0, 0, 0], sizes = [1, 20, 128], strides = [1, 1, 1]} : vector<2x20x128xf32> to vector<1x20x128xf32>
    %squeeze3A_4 = vector.shape_cast %slice3A : vector<1x20x128xf32> to vector<20x128xf32>
    %slice3A_5 = vector.extract_strided_slice %squeeze3A {offsets = [1, 0, 0], sizes = [1, 20, 128], strides = [1, 1, 1]} : vector<2x20x128xf32> to vector<1x20x128xf32>
    %squeeze3A_6 = vector.shape_cast %slice3A_5 : vector<1x20x128xf32> to vector<20x128xf32>
    %add3A = arith.addf %squeeze3A_4, %squeeze3A_6 : vector<20x128xf32>
    %add3A_7 = arith.constant 1.000000e+00 : f32
    %add3A_8 = vector.broadcast %add3A_7 : f32 to vector<20x128xf32>
    %add3A_9 = arith.addf %add3A, %add3A_8 : vector<20x128xf32>
    %rsqrt3A = math.rsqrt %add3A_9 : vector<20x128xf32>
    %iota3A = tpu.iota {dimensions = array<i32: 0>} : vector<128x128xi32>
    %iota3A_10 = tpu.iota {dimensions = array<i32: 1>} : vector<128x128xi32>
    %eq3A = arith.cmpi eq, %iota3A, %iota3A_10 : vector<128x128xi32>
    %convert_element_type3A = arith.extui %eq3A : vector<128x128xi1> to vector<128x128xi32>
    %convert_element_type3A_11 = arith.sitofp %convert_element_type3A : vector<128x128xi32> to vector<128x128xf32>
    %dot_general3A = arith.constant dense<0.000000e+00> : vector<128x20xf32>
    %dot_general3A_12 = tpu.matmul %convert_element_type3A_11, %rsqrt3A, %dot_general3A {dimension_numbers = #tpu.dot_dimension_numbers<[1], [1], [0], [0], [0, 0, 1, 0], [], []>, precision = #tpu.contract_precision<fp32>, transpose_lhs_hint = false} : vector<128x128xf32>, vector<20x128xf32>, vector<128x20xf32> -> vector<128x20xf32>
    %slice3A_13 = vector.extract_strided_slice %dot_general3A_12 {offsets = [0, 0], sizes = [128, 1], strides = [1, 1]} : vector<128x20xf32> to vector<128x1xf32>
    %slice3A_14 = vector.extract_strided_slice %dot_general3A_12 {offsets = [0, 1], sizes = [128, 1], strides = [1, 1]} : vector<128x20xf32> to vector<128x1xf32>
    %slice3A_15 = vector.extract_strided_slice %dot_general3A_12 {offsets = [0, 2], sizes = [128, 1], strides = [1, 1]} : vector<128x20xf32> to vector<128x1xf32>
    %slice3A_16 = vector.extract_strided_slice %dot_general3A_12 {offsets = [0, 3], sizes = [128, 1], strides = [1, 1]} : vector<128x20xf32> to vector<128x1xf32>
    %slice3A_17 = vector.extract_strided_slice %dot_general3A_12 {offsets = [0, 4], sizes = [128, 1], strides = [1, 1]} : vector<128x20xf32> to vector<128x1xf32>
    %slice3A_18 = vector.extract_strided_slice %dot_general3A_12 {offsets = [0, 5], sizes = [128, 1], strides = [1, 1]} : vector<128x20xf32> to vector<128x1xf32>
    %slice3A_19 = vector.extract_strided_slice %dot_general3A_12 {offsets = [0, 6], sizes = [128, 1], strides = [1, 1]} : vector<128x20xf32> to vector<128x1xf32>
    %slice3A_20 = vector.extract_strided_slice %dot_general3A_12 {offsets = [0, 7], sizes = [128, 1], strides = [1, 1]} : vector<128x20xf32> to vector<128x1xf32>
    %slice3A_21 = vector.extract_strided_slice %dot_general3A_12 {offsets = [0, 8], sizes = [128, 1], strides = [1, 1]} : vector<128x20xf32> to vector<128x1xf32>
    %slice3A_22 = vector.extract_strided_slice %dot_general3A_12 {offsets = [0, 9], sizes = [128, 1], strides = [1, 1]} : vector<128x20xf32> to vector<128x1xf32>
    %slice3A_23 = vector.extract_strided_slice %dot_general3A_12 {offsets = [0, 10], sizes = [128, 1], strides = [1, 1]} : vector<128x20xf32> to vector<128x1xf32>
    %slice3A_24 = vector.extract_strided_slice %dot_general3A_12 {offsets = [0, 11], sizes = [128, 1], strides = [1, 1]} : vector<128x20xf32> to vector<128x1xf32>
    %slice3A_25 = vector.extract_strided_slice %dot_general3A_12 {offsets = [0, 12], sizes = [128, 1], strides = [1, 1]} : vector<128x20xf32> to vector<128x1xf32>
    %slice3A_26 = vector.extract_strided_slice %dot_general3A_12 {offsets = [0, 13], sizes = [128, 1], strides = [1, 1]} : vector<128x20xf32> to vector<128x1xf32>
    %slice3A_27 = vector.extract_strided_slice %dot_general3A_12 {offsets = [0, 14], sizes = [128, 1], strides = [1, 1]} : vector<128x20xf32> to vector<128x1xf32>
    %slice3A_28 = vector.extract_strided_slice %dot_general3A_12 {offsets = [0, 15], sizes = [128, 1], strides = [1, 1]} : vector<128x20xf32> to vector<128x1xf32>
    %slice3A_29 = vector.extract_strided_slice %dot_general3A_12 {offsets = [0, 16], sizes = [128, 1], strides = [1, 1]} : vector<128x20xf32> to vector<128x1xf32>
    %slice3A_30 = vector.extract_strided_slice %dot_general3A_12 {offsets = [0, 17], sizes = [128, 1], strides = [1, 1]} : vector<128x20xf32> to vector<128x1xf32>
    %slice3A_31 = vector.extract_strided_slice %dot_general3A_12 {offsets = [0, 18], sizes = [128, 1], strides = [1, 1]} : vector<128x20xf32> to vector<128x1xf32>
    %slice3A_32 = vector.extract_strided_slice %dot_general3A_12 {offsets = [0, 19], sizes = [128, 1], strides = [1, 1]} : vector<128x20xf32> to vector<128x1xf32>
    %concatenate3A = tpu.concatenate %slice3A_13, %slice3A_14, %slice3A_15, %slice3A_16, %slice3A_17, %slice3A_18, %slice3A_19, %slice3A_20, %slice3A_21, %slice3A_22, %slice3A_23, %slice3A_24, %slice3A_25, %slice3A_26, %slice3A_27, %slice3A_28, %slice3A_29, %slice3A_30, %slice3A_31, %slice3A_32 in 0 : vector<128x1xf32>, vector<128x1xf32>, vector<128x1xf32>, vector<128x1xf32>, vector<128x1xf32>, vector<128x1xf32>, vector<128x1xf32>, vector<128x1xf32>, vector<128x1xf32>, vector<128x1xf32>, vector<128x1xf32>, vector<128x1xf32>, vector<128x1xf32>, vector<128x1xf32>, vector<128x1xf32>, vector<128x1xf32>, vector<128x1xf32>, vector<128x1xf32>, vector<128x1xf32>, vector<128x1xf32> -> vector<2560x1xf32>
    %get3A_33 = arith.constant 0 : index
    %get3A_34 = arith.constant 0 : index
    %get3A_35 = arith.constant 0 : index
    %get3A_36 = vector.load %arg1[%get3A_33, %get3A_34, %get3A_35] : memref<2x2560x128xf32, #tpu.memory_space<vmem>>, vector<2x2560x128xf32>
    %slice3A_37 = vector.extract_strided_slice %get3A_36 {offsets = [0, 0, 0], sizes = [1, 2560, 128], strides = [1, 1, 1]} : vector<2x2560x128xf32> to vector<1x2560x128xf32>
    %squeeze3A_38 = vector.shape_cast %slice3A_37 : vector<1x2560x128xf32> to vector<2560x128xf32>
    %slice3A_39 = vector.extract_strided_slice %get3A_36 {offsets = [1, 0, 0], sizes = [1, 2560, 128], strides = [1, 1, 1]} : vector<2x2560x128xf32> to vector<1x2560x128xf32>
    %squeeze3A_40 = vector.shape_cast %slice3A_39 : vector<1x2560x128xf32> to vector<2560x128xf32>
    %add3A_41 = arith.addf %squeeze3A_38, %squeeze3A_40 : vector<2560x128xf32>
    %get3A_42 = arith.constant 0 : index
    %get3A_43 = arith.constant 0 : index
    %get3A_44 = vector.load %arg2[%get3A_42, %get3A_43] : memref<2560x128xf32, #tpu.memory_space<vmem>>, vector<2560x128xf32>
    %add3A_45 = arith.addf %add3A_41, %get3A_44 : vector<2560x128xf32>
    %mul3A = vector.broadcast %concatenate3A : vector<2560x1xf32> to vector<2560x128xf32>
    %mul3A_46 = arith.mulf %add3A_45, %mul3A : vector<2560x128xf32>
    %max3A = arith.constant 0.000000e+00 : f32
    %max3A_47 = vector.broadcast %max3A : f32 to vector<2560x128xf32>
    %max3A_48 = arith.maximumf %mul3A_46, %max3A_47 : vector<2560x128xf32>
    %abs3A = math.absf %mul3A_46 : vector<2560x128xf32>
    %neg3A = arith.constant 0.000000e+00 : f32
    %neg3A_49 = vector.broadcast %neg3A : f32 to vector<2560x128xf32>
    %neg3A_50 = arith.subf %neg3A_49, %abs3A : vector<2560x128xf32>
    %exp3A = math.exp %neg3A_50 : vector<2560x128xf32>
    %log1p3A = math.log1p %exp3A : vector<2560x128xf32>
    %add3A_51 = arith.addf %max3A_48, %log1p3A : vector<2560x128xf32>
    %get3A_52 = arith.constant 0 : index
    %get3A_53 = arith.constant 0 : index
    %get3A_54 = vector.load %arg4[%get3A_52, %get3A_53] : memref<128x80xf32, #tpu.memory_space<vmem>>, vector<128x80xf32>
    %dot_general3A_55 = arith.constant dense<0.000000e+00> : vector<2560x80xf32>
    %dot_general3A_56 = tpu.matmul %add3A_51, %get3A_54, %dot_general3A_55 {dimension_numbers = #tpu.dot_dimension_numbers<[1], [0], [0], [1], [0, 0, 1, 1], [], []>, transpose_lhs_hint = false} : vector<2560x128xf32>, vector<128x80xf32>, vector<2560x80xf32> -> vector<2560x80xf32>
    %mul3A_57 = vector.broadcast %concatenate3A : vector<2560x1xf32> to vector<2560x80xf32>
    %mul3A_58 = arith.mulf %dot_general3A_56, %mul3A_57 : vector<2560x80xf32>
    %swap3A = arith.constant 0 : index
    %swap3A_59 = arith.constant 0 : index
    %swap3A_60 = vector.load %arg5[%swap3A, %swap3A_59] : memref<2560x80xf32, #tpu.memory_space<vmem>>, vector<2560x80xf32>
    tpu.vector_store %arg5[%swap3A, %swap3A_59], %mul3A_58 {strides = array<i32>} : memref<2560x80xf32, #tpu.memory_space<vmem>>, vector<2560x80xf32>,
    return
  }
  func.func @transform_0(%arg0: i32) -> (i32, i32, i32) {
    %c0_i32 = arith.constant 0 : i32
    %c0_i32_0 = arith.constant 0 : i32
    %c0_i32_1 = arith.constant 0 : i32
    return %c0_i32, %arg0, %c0_i32_0 : i32, i32, i32
  }
  func.func @transform_1(%arg0: i32) -> (i32, i32) {
    %c0_i32 = arith.constant 0 : i32
    %c0_i32_0 = arith.constant 0 : i32
    return %arg0, %c0_i32 : i32, i32
  }
  func.func @transform_2(%arg0: i32) -> (i32, i32, i32, i32) {
    %c0_i32 = arith.constant 0 : i32
    %c0_i32_0 = arith.constant 0 : i32
    %c0_i32_1 = arith.constant 0 : i32
    %c0_i32_2 = arith.constant 0 : i32
    return %c0_i32, %arg0, %c0_i32_0, %c0_i32_1 : i32, i32, i32, i32
  }
  func.func @transform_3(%arg0: i32) -> (i32, i32) {
    %c0_i32 = arith.constant 0 : i32
    %c0_i32_0 = arith.constant 0 : i32
    %c0_i32_1 = arith.constant 0 : i32
    return %c0_i32, %c0_i32_0 : i32, i32
  }
  func.func @transform_4(%arg0: i32) -> (i32, i32) {
    %c0_i32 = arith.constant 0 : i32
    %c0_i32_0 = arith.constant 0 : i32
    return %arg0, %c0_i32 : i32, i32
  }
}

module attributes {stable_mosaic.version = 14 : i64} {
  func.func @_fin_body(%arg0: i32, %arg1: memref<2x2560x80xf32, #tpu.memory_space<vmem>>, %arg2: memref<2560x80xf32, #tpu.memory_space<vmem>>, %arg3: memref<2x1x20x128xf32, #tpu.memory_space<vmem>>, %arg4: memref<2560x64xf32, #tpu.memory_space<vmem>>, %arg5: memref<2560x64xf32, #tpu.memory_space<vmem>>, %arg6: memref<2560x1xf32, #tpu.memory_space<vmem>>) attributes {dimension_semantics = [#tpu.dimension_semantics<arbitrary>], iteration_bounds = array<i64: 4>, scalar_prefetch = 0 : i64, scratch_operands = 0 : i64, tpu.core_type = #tpu.core_type<tc>, window_params = [{transform_indices = @transform_0, window_bounds = array<i64: 2, 2560, 80>}, {transform_indices = @transform_1, window_bounds = array<i64: 2560, 80>}, {transform_indices = @transform_2, window_bounds = array<i64: 2, 1, 20, 128>}, {transform_indices = @transform_3, window_bounds = array<i64: 2560, 64>}, {transform_indices = @transform_4, window_bounds = array<i64: 2560, 64>}, {transform_indices = @transform_5, window_bounds = array<i64: 2560, 1>}]} {
    %get3A = arith.constant 0 : index
    %get3A_0 = arith.constant 0 : index
    %get3A_1 = arith.constant 0 : index
    %get3A_2 = arith.constant 0 : index
    %get3A_3 = vector.load %arg3[%get3A, %get3A_0, %get3A_1, %get3A_2] : memref<2x1x20x128xf32, #tpu.memory_space<vmem>>, vector<2x1x20x128xf32>
    %squeeze3A = vector.shape_cast %get3A_3 : vector<2x1x20x128xf32> to vector<2x20x128xf32>
    %slice3A = vector.extract_strided_slice %squeeze3A {offsets = [0, 0, 0], sizes = [1, 20, 128], strides = [1, 1, 1]} : vector<2x20x128xf32> to vector<1x20x128xf32>
    %squeeze3A_4 = vector.shape_cast %slice3A : vector<1x20x128xf32> to vector<20x128xf32>
    %slice3A_5 = vector.extract_strided_slice %squeeze3A {offsets = [1, 0, 0], sizes = [1, 20, 128], strides = [1, 1, 1]} : vector<2x20x128xf32> to vector<1x20x128xf32>
    %squeeze3A_6 = vector.shape_cast %slice3A_5 : vector<1x20x128xf32> to vector<20x128xf32>
    %add3A = arith.addf %squeeze3A_4, %squeeze3A_6 : vector<20x128xf32>
    %add3A_7 = arith.constant 1.000000e+00 : f32
    %add3A_8 = vector.broadcast %add3A_7 : f32 to vector<20x128xf32>
    %add3A_9 = arith.addf %add3A, %add3A_8 : vector<20x128xf32>
    %rsqrt3A = math.rsqrt %add3A_9 : vector<20x128xf32>
    %iota3A = tpu.iota {dimensions = array<i32: 0>} : vector<128x128xi32>
    %iota3A_10 = tpu.iota {dimensions = array<i32: 1>} : vector<128x128xi32>
    %eq3A = arith.cmpi eq, %iota3A, %iota3A_10 : vector<128x128xi32>
    %convert_element_type3A = arith.extui %eq3A : vector<128x128xi1> to vector<128x128xi32>
    %convert_element_type3A_11 = arith.sitofp %convert_element_type3A : vector<128x128xi32> to vector<128x128xf32>
    %dot_general3A = arith.constant dense<0.000000e+00> : vector<128x20xf32>
    %dot_general3A_12 = tpu.matmul %convert_element_type3A_11, %rsqrt3A, %dot_general3A {dimension_numbers = #tpu.dot_dimension_numbers<[1], [1], [0], [0], [0, 0, 1, 0], [], []>, precision = #tpu.contract_precision<fp32>, transpose_lhs_hint = false} : vector<128x128xf32>, vector<20x128xf32>, vector<128x20xf32> -> vector<128x20xf32>
    %slice3A_13 = vector.extract_strided_slice %dot_general3A_12 {offsets = [0, 0], sizes = [128, 1], strides = [1, 1]} : vector<128x20xf32> to vector<128x1xf32>
    %slice3A_14 = vector.extract_strided_slice %dot_general3A_12 {offsets = [0, 1], sizes = [128, 1], strides = [1, 1]} : vector<128x20xf32> to vector<128x1xf32>
    %slice3A_15 = vector.extract_strided_slice %dot_general3A_12 {offsets = [0, 2], sizes = [128, 1], strides = [1, 1]} : vector<128x20xf32> to vector<128x1xf32>
    %slice3A_16 = vector.extract_strided_slice %dot_general3A_12 {offsets = [0, 3], sizes = [128, 1], strides = [1, 1]} : vector<128x20xf32> to vector<128x1xf32>
    %slice3A_17 = vector.extract_strided_slice %dot_general3A_12 {offsets = [0, 4], sizes = [128, 1], strides = [1, 1]} : vector<128x20xf32> to vector<128x1xf32>
    %slice3A_18 = vector.extract_strided_slice %dot_general3A_12 {offsets = [0, 5], sizes = [128, 1], strides = [1, 1]} : vector<128x20xf32> to vector<128x1xf32>
    %slice3A_19 = vector.extract_strided_slice %dot_general3A_12 {offsets = [0, 6], sizes = [128, 1], strides = [1, 1]} : vector<128x20xf32> to vector<128x1xf32>
    %slice3A_20 = vector.extract_strided_slice %dot_general3A_12 {offsets = [0, 7], sizes = [128, 1], strides = [1, 1]} : vector<128x20xf32> to vector<128x1xf32>
    %slice3A_21 = vector.extract_strided_slice %dot_general3A_12 {offsets = [0, 8], sizes = [128, 1], strides = [1, 1]} : vector<128x20xf32> to vector<128x1xf32>
    %slice3A_22 = vector.extract_strided_slice %dot_general3A_12 {offsets = [0, 9], sizes = [128, 1], strides = [1, 1]} : vector<128x20xf32> to vector<128x1xf32>
    %slice3A_23 = vector.extract_strided_slice %dot_general3A_12 {offsets = [0, 10], sizes = [128, 1], strides = [1, 1]} : vector<128x20xf32> to vector<128x1xf32>
    %slice3A_24 = vector.extract_strided_slice %dot_general3A_12 {offsets = [0, 11], sizes = [128, 1], strides = [1, 1]} : vector<128x20xf32> to vector<128x1xf32>
    %slice3A_25 = vector.extract_strided_slice %dot_general3A_12 {offsets = [0, 12], sizes = [128, 1], strides = [1, 1]} : vector<128x20xf32> to vector<128x1xf32>
    %slice3A_26 = vector.extract_strided_slice %dot_general3A_12 {offsets = [0, 13], sizes = [128, 1], strides = [1, 1]} : vector<128x20xf32> to vector<128x1xf32>
    %slice3A_27 = vector.extract_strided_slice %dot_general3A_12 {offsets = [0, 14], sizes = [128, 1], strides = [1, 1]} : vector<128x20xf32> to vector<128x1xf32>
    %slice3A_28 = vector.extract_strided_slice %dot_general3A_12 {offsets = [0, 15], sizes = [128, 1], strides = [1, 1]} : vector<128x20xf32> to vector<128x1xf32>
    %slice3A_29 = vector.extract_strided_slice %dot_general3A_12 {offsets = [0, 16], sizes = [128, 1], strides = [1, 1]} : vector<128x20xf32> to vector<128x1xf32>
    %slice3A_30 = vector.extract_strided_slice %dot_general3A_12 {offsets = [0, 17], sizes = [128, 1], strides = [1, 1]} : vector<128x20xf32> to vector<128x1xf32>
    %slice3A_31 = vector.extract_strided_slice %dot_general3A_12 {offsets = [0, 18], sizes = [128, 1], strides = [1, 1]} : vector<128x20xf32> to vector<128x1xf32>
    %slice3A_32 = vector.extract_strided_slice %dot_general3A_12 {offsets = [0, 19], sizes = [128, 1], strides = [1, 1]} : vector<128x20xf32> to vector<128x1xf32>
    %concatenate3A = tpu.concatenate %slice3A_13, %slice3A_14, %slice3A_15, %slice3A_16, %slice3A_17, %slice3A_18, %slice3A_19, %slice3A_20, %slice3A_21, %slice3A_22, %slice3A_23, %slice3A_24, %slice3A_25, %slice3A_26, %slice3A_27, %slice3A_28, %slice3A_29, %slice3A_30, %slice3A_31, %slice3A_32 in 0 : vector<128x1xf32>, vector<128x1xf32>, vector<128x1xf32>, vector<128x1xf32>, vector<128x1xf32>, vector<128x1xf32>, vector<128x1xf32>, vector<128x1xf32>, vector<128x1xf32>, vector<128x1xf32>, vector<128x1xf32>, vector<128x1xf32>, vector<128x1xf32>, vector<128x1xf32>, vector<128x1xf32>, vector<128x1xf32>, vector<128x1xf32>, vector<128x1xf32>, vector<128x1xf32>, vector<128x1xf32> -> vector<2560x1xf32>
    %get3A_33 = arith.constant 0 : index
    %get3A_34 = arith.constant 0 : index
    %get3A_35 = arith.constant 0 : index
    %get3A_36 = vector.load %arg1[%get3A_33, %get3A_34, %get3A_35] : memref<2x2560x80xf32, #tpu.memory_space<vmem>>, vector<2x2560x80xf32>
    %slice3A_37 = vector.extract_strided_slice %get3A_36 {offsets = [0, 0, 0], sizes = [1, 2560, 80], strides = [1, 1, 1]} : vector<2x2560x80xf32> to vector<1x2560x80xf32>
    %squeeze3A_38 = vector.shape_cast %slice3A_37 : vector<1x2560x80xf32> to vector<2560x80xf32>
    %slice3A_39 = vector.extract_strided_slice %get3A_36 {offsets = [1, 0, 0], sizes = [1, 2560, 80], strides = [1, 1, 1]} : vector<2x2560x80xf32> to vector<1x2560x80xf32>
    %squeeze3A_40 = vector.shape_cast %slice3A_39 : vector<1x2560x80xf32> to vector<2560x80xf32>
    %add3A_41 = arith.addf %squeeze3A_38, %squeeze3A_40 : vector<2560x80xf32>
    %get3A_42 = arith.constant 0 : index
    %get3A_43 = arith.constant 0 : index
    %get3A_44 = vector.load %arg2[%get3A_42, %get3A_43] : memref<2560x80xf32, #tpu.memory_space<vmem>>, vector<2560x80xf32>
    %add3A_45 = arith.addf %add3A_41, %get3A_44 : vector<2560x80xf32>
    %mul3A = vector.broadcast %concatenate3A : vector<2560x1xf32> to vector<2560x80xf32>
    %mul3A_46 = arith.mulf %add3A_45, %mul3A : vector<2560x80xf32>
    %max3A = arith.constant 0.000000e+00 : f32
    %max3A_47 = vector.broadcast %max3A : f32 to vector<2560x80xf32>
    %max3A_48 = arith.maximumf %mul3A_46, %max3A_47 : vector<2560x80xf32>
    %abs3A = math.absf %mul3A_46 : vector<2560x80xf32>
    %neg3A = arith.constant 0.000000e+00 : f32
    %neg3A_49 = vector.broadcast %neg3A : f32 to vector<2560x80xf32>
    %neg3A_50 = arith.subf %neg3A_49, %abs3A : vector<2560x80xf32>
    %exp3A = math.exp %neg3A_50 : vector<2560x80xf32>
    %log1p3A = math.log1p %exp3A : vector<2560x80xf32>
    %add3A_51 = arith.addf %max3A_48, %log1p3A : vector<2560x80xf32>
    %slice3A_52 = vector.extract_strided_slice %add3A_51 {offsets = [0, 0], sizes = [2560, 64], strides = [1, 1]} : vector<2560x80xf32> to vector<2560x64xf32>
    %slice3A_53 = vector.extract_strided_slice %add3A_51 {offsets = [0, 64], sizes = [2560, 1], strides = [1, 1]} : vector<2560x80xf32> to vector<2560x1xf32>
    %add3A_54 = arith.constant 1.000000e-01 : f32
    %add3A_55 = vector.broadcast %add3A_54 : f32 to vector<2560x1xf32>
    %add3A_56 = arith.addf %slice3A_53, %add3A_55 : vector<2560x1xf32>
    %swap3A = arith.constant 0 : index
    %swap3A_57 = arith.constant 0 : index
    %swap3A_58 = vector.load %arg5[%swap3A, %swap3A_57] : memref<2560x64xf32, #tpu.memory_space<vmem>>, vector<2560x64xf32>
    tpu.vector_store %arg5[%swap3A, %swap3A_57], %slice3A_52 {strides = array<i32>} : memref<2560x64xf32, #tpu.memory_space<vmem>>, vector<2560x64xf32>,
    %swap3A_59 = arith.constant 0 : index
    %swap3A_60 = arith.constant 0 : index
    %swap3A_61 = vector.load %arg6[%swap3A_59, %swap3A_60] : memref<2560x1xf32, #tpu.memory_space<vmem>>, vector<2560x1xf32>
    tpu.vector_store %arg6[%swap3A_59, %swap3A_60], %add3A_56 {strides = array<i32>} : memref<2560x1xf32, #tpu.memory_space<vmem>>, vector<2560x1xf32>,
    %div3A = arith.constant 1.000000e+00 : f32
    %div3A_62 = vector.broadcast %div3A : f32 to vector<2560x1xf32>
    %div3A_63 = arith.divf %div3A_62, %add3A_56 : vector<2560x1xf32>
    %add3A_64 = arith.constant 1.000000e+00 : f32
    %add3A_65 = vector.broadcast %add3A_64 : f32 to vector<2560x1xf32>
    %add3A_66 = arith.addf %add3A_65, %div3A_63 : vector<2560x1xf32>
    %add3A_67 = arith.constant 0.000000e+00 : f32
    %add3A_68 = vector.broadcast %add3A_67 : f32 to vector<2560x1xf32>
    %add3A_69 = arith.addf %add3A_66, %add3A_68 : vector<2560x1xf32>
    %div3A_70 = arith.constant 676.520386 : f32
    %div3A_71 = vector.broadcast %div3A_70 : f32 to vector<2560x1xf32>
    %div3A_72 = arith.divf %div3A_71, %add3A_69 : vector<2560x1xf32>
    %add3A_73 = arith.constant 1.000000e+00 : f32
    %add3A_74 = vector.broadcast %add3A_73 : f32 to vector<2560x1xf32>
    %add3A_75 = arith.addf %add3A_74, %div3A_72 : vector<2560x1xf32>
    %add3A_76 = arith.constant 1.000000e+00 : f32
    %add3A_77 = vector.broadcast %add3A_76 : f32 to vector<2560x1xf32>
    %add3A_78 = arith.addf %add3A_66, %add3A_77 : vector<2560x1xf32>
    %div3A_79 = arith.constant -1259.13916 : f32
    %div3A_80 = vector.broadcast %div3A_79 : f32 to vector<2560x1xf32>
    %div3A_81 = arith.divf %div3A_80, %add3A_78 : vector<2560x1xf32>
    %add3A_82 = arith.addf %add3A_75, %div3A_81 : vector<2560x1xf32>
    %add3A_83 = arith.constant 2.000000e+00 : f32
    %add3A_84 = vector.broadcast %add3A_83 : f32 to vector<2560x1xf32>
    %add3A_85 = arith.addf %add3A_66, %add3A_84 : vector<2560x1xf32>
    %div3A_86 = arith.constant 771.323425 : f32
    %div3A_87 = vector.broadcast %div3A_86 : f32 to vector<2560x1xf32>
    %div3A_88 = arith.divf %div3A_87, %add3A_85 : vector<2560x1xf32>
    %add3A_89 = arith.addf %add3A_82, %div3A_88 : vector<2560x1xf32>
    %add3A_90 = arith.constant 3.000000e+00 : f32
    %add3A_91 = vector.broadcast %add3A_90 : f32 to vector<2560x1xf32>
    %add3A_92 = arith.addf %add3A_66, %add3A_91 : vector<2560x1xf32>
    %div3A_93 = arith.constant -176.615036 : f32
    %div3A_94 = vector.broadcast %div3A_93 : f32 to vector<2560x1xf32>
    %div3A_95 = arith.divf %div3A_94, %add3A_92 : vector<2560x1xf32>
    %add3A_96 = arith.addf %add3A_89, %div3A_95 : vector<2560x1xf32>
    %add3A_97 = arith.constant 4.000000e+00 : f32
    %add3A_98 = vector.broadcast %add3A_97 : f32 to vector<2560x1xf32>
    %add3A_99 = arith.addf %add3A_66, %add3A_98 : vector<2560x1xf32>
    %div3A_100 = arith.constant 12.5073433 : f32
    %div3A_101 = vector.broadcast %div3A_100 : f32 to vector<2560x1xf32>
    %div3A_102 = arith.divf %div3A_101, %add3A_99 : vector<2560x1xf32>
    %add3A_103 = arith.addf %add3A_96, %div3A_102 : vector<2560x1xf32>
    %add3A_104 = arith.constant 5.000000e+00 : f32
    %add3A_105 = vector.broadcast %add3A_104 : f32 to vector<2560x1xf32>
    %add3A_106 = arith.addf %add3A_66, %add3A_105 : vector<2560x1xf32>
    %div3A_107 = arith.constant -0.138571098 : f32
    %div3A_108 = vector.broadcast %div3A_107 : f32 to vector<2560x1xf32>
    %div3A_109 = arith.divf %div3A_108, %add3A_106 : vector<2560x1xf32>
    %add3A_110 = arith.addf %add3A_103, %div3A_109 : vector<2560x1xf32>
    %add3A_111 = arith.constant 6.000000e+00 : f32
    %add3A_112 = vector.broadcast %add3A_111 : f32 to vector<2560x1xf32>
    %add3A_113 = arith.addf %add3A_66, %add3A_112 : vector<2560x1xf32>
    %div3A_114 = arith.constant 9.98436917E-6 : f32
    %div3A_115 = vector.broadcast %div3A_114 : f32 to vector<2560x1xf32>
    %div3A_116 = arith.divf %div3A_115, %add3A_113 : vector<2560x1xf32>
    %add3A_117 = arith.addf %add3A_110, %div3A_116 : vector<2560x1xf32>
    %add3A_118 = arith.constant 7.000000e+00 : f32
    %add3A_119 = vector.broadcast %add3A_118 : f32 to vector<2560x1xf32>
    %add3A_120 = arith.addf %add3A_66, %add3A_119 : vector<2560x1xf32>
    %div3A_121 = arith.constant 1.50563267E-7 : f32
    %div3A_122 = vector.broadcast %div3A_121 : f32 to vector<2560x1xf32>
    %div3A_123 = arith.divf %div3A_122, %add3A_120 : vector<2560x1xf32>
    %add3A_124 = arith.addf %add3A_117, %div3A_123 : vector<2560x1xf32>
    %add3A_125 = arith.constant 6.500000e+00 : f32
    %add3A_126 = vector.broadcast %add3A_125 : f32 to vector<2560x1xf32>
    %add3A_127 = arith.addf %add3A_66, %add3A_126 : vector<2560x1xf32>
    %sub3A = arith.constant 5.000000e-01 : f32
    %sub3A_128 = vector.broadcast %sub3A : f32 to vector<2560x1xf32>
    %sub3A_129 = arith.subf %add3A_66, %sub3A_128 : vector<2560x1xf32>
    %log3A = math.log %add3A_127 : vector<2560x1xf32>
    %mul3A_130 = arith.mulf %sub3A_129, %log3A : vector<2560x1xf32>
    %sub3A_131 = arith.subf %mul3A_130, %add3A_127 : vector<2560x1xf32>
    %exp3A_132 = math.exp %sub3A_131 : vector<2560x1xf32>
    %mul3A_133 = arith.constant 2.50662827 : f32
    %mul3A_134 = vector.broadcast %mul3A_133 : f32 to vector<2560x1xf32>
    %mul3A_135 = arith.mulf %mul3A_134, %exp3A_132 : vector<2560x1xf32>
    %mul3A_136 = arith.mulf %mul3A_135, %add3A_124 : vector<2560x1xf32>
    %mul3A_137 = vector.broadcast %mul3A_136 : vector<2560x1xf32> to vector<2560x64xf32>
    %mul3A_138 = arith.mulf %slice3A_52, %mul3A_137 : vector<2560x64xf32>
    %swap3A_139 = arith.constant 0 : index
    %swap3A_140 = arith.constant 0 : index
    %swap3A_141 = vector.load %arg4[%swap3A_139, %swap3A_140] : memref<2560x64xf32, #tpu.memory_space<vmem>>, vector<2560x64xf32>
    tpu.vector_store %arg4[%swap3A_139, %swap3A_140], %mul3A_138 {strides = array<i32>} : memref<2560x64xf32, #tpu.memory_space<vmem>>, vector<2560x64xf32>,
    return
  }
  func.func @transform_0(%arg0: i32) -> (i32, i32, i32) {
    %c0_i32 = arith.constant 0 : i32
    %c0_i32_0 = arith.constant 0 : i32
    %c0_i32_1 = arith.constant 0 : i32
    return %c0_i32, %arg0, %c0_i32_0 : i32, i32, i32
  }
  func.func @transform_1(%arg0: i32) -> (i32, i32) {
    %c0_i32 = arith.constant 0 : i32
    %c0_i32_0 = arith.constant 0 : i32
    return %arg0, %c0_i32 : i32, i32
  }
  func.func @transform_2(%arg0: i32) -> (i32, i32, i32, i32) {
    %c0_i32 = arith.constant 0 : i32
    %c0_i32_0 = arith.constant 0 : i32
    %c0_i32_1 = arith.constant 0 : i32
    %c0_i32_2 = arith.constant 0 : i32
    return %c0_i32, %arg0, %c0_i32_0, %c0_i32_1 : i32, i32, i32, i32
  }
  func.func @transform_3(%arg0: i32) -> (i32, i32) {
    %c0_i32 = arith.constant 0 : i32
    %c0_i32_0 = arith.constant 0 : i32
    return %arg0, %c0_i32 : i32, i32
  }
  func.func @transform_4(%arg0: i32) -> (i32, i32) {
    %c0_i32 = arith.constant 0 : i32
    %c0_i32_0 = arith.constant 0 : i32
    return %arg0, %c0_i32 : i32, i32
  }
  func.func @transform_5(%arg0: i32) -> (i32, i32) {
    %c0_i32 = arith.constant 0 : i32
    %c0_i32_0 = arith.constant 0 : i32
    return %arg0, %c0_i32 : i32, i32
  }
}

</mosaic_0001>

<sc_bundles>
// kernel: kernel.11.cloned.1.call-start
scs
__scs_entry_jumppad:
0x0: {  	(pc) =	sbr.rel $0x88, $3  }
0x1: {  	(tag) =	ssettag $0x0;
	lr =	simm.s32 $0x1  }
0x2: {  	[smem:$0x3F9D] =	sst lr;
	_ =	strace $0xD0000000  }
0x3: {  	_ = 	snop  }
0x4: {  	_ = 	snop  }
0x5: {  	_ = 	snop  }
0x6: {  	_ = 	snop  }
0x7: {  	_ = 	snop  }
__scs_overlays_trampoline_lowered:
0x8: {  	[smem:$0x3FAC] =	sst s0  }
0x9: {  	[smem:$0x3FAD] =	sst s1  }
0xa: {  	[smem:$0x3FAE] =	sst s2  }
0xb: {  	[smem:$0x3FAF] =	sst s3  }
0xc: {  	[smem:$0x3FB0] =	sst s4  }
0xd: {  	[smem:$0x3FB1] =	sst s5  }
0xe: {  	[smem:$0x3FB2] =	sst s6  }
0xf: {  	[smem:$0x3FB3] =	sst s7  }
0x10: {  	[smem:$0x3FB4] =	sst s8  }
0x11: {  	[smem:$0x3FB5] =	sst s9;
	s0 =	simm.s32 @!p0 $0x0  }
0x12: {  	s1 =	sld [smem:$0x3F9B];
	s0 =	simm.s32 @p0 $0x1  }
0x13: {  	[smem:$0x3FB6] =	sst s0;
	s0 =	simm.s32 @!p1 $0x0  }
0x14: {  	s2 =	sld [smem:$0x3F9A];
	s0 =	simm.s32 @p1 $0x1  }
0x15: {  	[smem:$0x3FB7] =	sst s0;
	s0 =	simm.s32 @!p2 $0x0  }
0x16: {  	s3 =	sld [smem:$0x3FDB];
	s0 =	simm.s32 @p2 $0x1  }
0x17: {  	s4 =	simm.s32 $0x1BF5;
	[smem:$0x3FB9] =	sst s0  }
0x18: {  	s0 =	sld [smem:$0x3F9C];
	_ =	swait.ge [sflag:s4], $0x0  }
0x19: {  	s7 =	sld [smem:$0x3F9D]  }
0x1a: {  	s8 =	sadd.s32 $0xFFFFE003, lr  }
0x1b: {  	s9 =	sadd.s32 $0xFFFFFEF7, lr;
	s5 =	simm.s32 $0xFFFFFFFF;
	p2 =	slt.u32 s8, $0xFFFFF086  }
0x1c: {  	p1 =	slt.u32 s9, $0xF7A;
	s5 =	simm.s32 @!p2 $0x0  }
0x1d: {  	s5 =	simm.s32 @p1 $0x1;
	p0 =	seq.s32 s7, s2  }
0x1e: {  	s7 =	smul.u32 @!p0 $0xF7A, s2;
	p2 =	seq.s32 @!p0 s5, $0x0  }
0x1f: {  	s9 =	smul.u32 $0xF7A, s1;
	s8 =	simm.s32 @!p0 $0x1BF5;
	p2 =	por !p2, p0  }
0x20: {  	[sflag:s8] =	ssyncset.s32 @!p0 $0xFFFFF086;
	s6 =	sadd.s32 @!p0 s3, s7;
	s7 =	simm.s32 @!p0 $0x108  }
0x21: {  	s3 =	sadd.s32 s3, s9;
	s6 =	sadd.s32 @!p0 $0x88, s6;
	s7 =	simm.s32 @p2 $0x1082  }
0x22: {  	[simem:s7], [sflag:s8] =	dma.local @!p0 [hbm:s6], $0xF7A  }
0x23: {  	s9 =	sor.u32 $0xD0000000, s2;
	s6 =	simm.s32 $0x108;
	_ =	swait.ge @!p0 [sflag:s8], $0x0  }
0x24: {  	s3 =	sadd.s32 $0x88, s3;
	s6 =	simm.s32 @!p1 $0x1082;
	[sflag:s4] =	ssyncset.s32 $0xFFFFF086  }
0x25: {  	[simem:s6], [sflag:s4] =	dma.local [hbm:s3], $0xF7A  }
0x26: {  	[smem:$0x3F9D] =	sst s1;
	(tag) =	ssettag s2;
	_ =	strace s9  }
0x27: {  	s1 =	sld [smem:$0x3FAD]  }
0x28: {  	s2 =	sld [smem:$0x3FAE]  }
0x29: {  	s4 =	sld [smem:$0x3FB0]  }
0x2a: {  	p0 =	seq.s32 s5, $0x0;
	s5 =	sld [smem:$0x3FB1]  }
0x2b: {  	s6 =	sld [smem:$0x3FB2]  }
0x2c: {  	s7 =	sld [smem:$0x3FB3]  }
0x2d: {  	s3 =	simm.s32 $0x108;
	s8 =	sld [smem:$0x3FB4]  }
0x2e: {  	s3 =	simm.s32 @!p0 $0x1082;
	s9 =	sld [smem:$0x3FB5]  }
0x2f: {  	lr =	sadd.s32 s0, s3;
	s0 =	sld [smem:$0x3FAC]  }
0x30: {  	s3 =	sld [smem:$0x3FAF]  }
0x31: {  	[smem:$0x3FB8] =	sst s10  }
0x32: {  	s10 =	sld [smem:$0x3FB6];
	_ =	sdelay $0x3  }
0x33: {  	p0 =	seq.s32 s10, $0x1;
	s10 =	sld [smem:$0x3FB8];
	_ =	sdelay $0x3  }
0x34: {  	[smem:$0x3FB8] =	sst s10  }
0x35: {  	s10 =	sld [smem:$0x3FB7];
	_ =	sdelay $0x3  }
0x36: {  	p1 =	seq.s32 s10, $0x1;
	s10 =	sld [smem:$0x3FB8];
	_ =	sdelay $0x3  }
0x37: {  	[smem:$0x3FB8] =	sst s10  }
0x38: {  	s10 =	sld [smem:$0x3FB9]  }
0x39: {  	_ = 	snop;
	(pc) =	sbr.ind lr, $3  }
0x3a: {  	_ = 	snop  }
0x3b: {  	_ = 	snop  }
0x3c: {  	p2 =	seq.s32 s10, $0x1;
	s10 =	sld [smem:$0x3FB8]  }
0x3d: {  	_ =	shalt  }
0x3e: {  	_ =	shalt  }
0x3f: {  	_ =	shalt  }
0x40: {  	_ =	shalt  }
0x41: {  	_ =	shalt  }
0x42: {  	_ =	shalt  }
0x43: {  	_ =	shalt  }
0x44: {  	_ =	shalt  }
0x45: {  	_ =	shalt  }
0x46: {  	_ =	shalt  }
0x47: {  	_ =	shalt  }
0x48: {  	_ =	shalt  }
0x49: {  	_ =	shalt  }
0x4a: {  	_ =	shalt  }
0x4b: {  	_ =	shalt  }
0x4c: {  	_ =	shalt  }
0x4d: {  	_ =	shalt  }
0x4e: {  	_ =	shalt  }
0x4f: {  	_ =	shalt  }
0x50: {  	_ =	shalt  }
0x51: {  	_ =	shalt  }
0x52: {  	_ =	shalt  }
0x53: {  	_ =	shalt  }
0x54: {  	_ =	shalt  }
0x55: {  	_ =	shalt  }
0x56: {  	_ =	shalt  }
0x57: {  	_ =	shalt  }
0x58: {  	_ =	shalt  }
0x59: {  	_ =	shalt  }
0x5a: {  	_ =	shalt  }
0x5b: {  	_ =	shalt  }
0x5c: {  	_ =	shalt  }
0x5d: {  	_ =	shalt  }
0x5e: {  	_ =	shalt  }
0x5f: {  	_ =	shalt  }
0x60: {  	_ =	shalt  }
0x61: {  	_ =	shalt  }
0x62: {  	_ =	shalt  }
0x63: {  	_ =	shalt  }
0x64: {  	_ =	shalt  }
0x65: {  	_ =	shalt  }
0x66: {  	_ =	shalt  }
0x67: {  	_ =	shalt  }
0x68: {  	_ =	shalt  }
0x69: {  	_ =	shalt  }
0x6a: {  	_ =	shalt  }
0x6b: {  	_ =	shalt  }
0x6c: {  	_ =	shalt  }
0x6d: {  	_ =	shalt  }
0x6e: {  	_ =	shalt  }
0x6f: {  	_ =	shalt  }
0x70: {  	_ =	shalt  }
0x71: {  	_ =	shalt  }
0x72: {  	_ =	shalt  }
0x73: {  	_ =	shalt  }
0x74: {  	_ =	shalt  }
0x75: {  	_ =	shalt  }
0x76: {  	_ =	shalt  }
0x77: {  	_ =	shalt  }
0x78: {  	_ =	shalt  }
0x79: {  	_ =	shalt  }
0x7a: {  	_ =	shalt  }
0x7b: {  	_ =	shalt  }
0x7c: {  	_ =	shalt  }
0x7d: {  	_ =	shalt  }
0x7e: {  	_ =	shalt  }
0x7f: {  	_ =	shalt  }
0x80: {  	_ =	shalt  }
0x81: {  	_ =	shalt  }
0x82: {  	_ =	shalt  }
0x83: {  	_ =	shalt  }
0x84: {  	_ =	shalt  }
0x85: {  	_ =	shalt  }
0x86: {  	_ =	shalt  }
0x87: {  	_ =	shalt  }
.Lfunc_end0:
.L_simem_size_0:
called_computation.1_lowered:
.L_overlay_start_0:
0x88: {  	s2 =	sld [smem:$0x3FD9]  }
0x89: {  	s3 =	sld [smem:$0x3FFE];
	_ =	sdelay $0x1  }
0x8a: {  	s1 =	srdreg.scid  }
0x8b: {  	s0 =	sand.u32 $0x1, s1  }
0x8c: {  	s14 =	sshll.u32 s0, $0xA;
	s2 =	sadd.s32 s3, s2  }
0x8d: {  	s2 =	sadd.s32 s2, s14  }
0x8e: {  	[smem:$0x3FC4] =	sst s2  }
0x8f: {  	_ = 	snop  }
0x90: {  	s2 =	sld [smem:$0x3FD0];
	_ =	sdelay $0x2  }
0x91: {  	s15 =	simm.s32 $0xA;
	s4 =	simm.s32 $0x10  }
0x92: {  	[smem:s4], [sflag:s15] =	dma.local [hbm:s2], $0x1  }
0x93: {  	_ =	swait.eq [sflag:s15], $0x1  }
0x94: {  	[sflag:s15] =	ssyncset.done $0x0  }
0x95: {  	s16 =	sld [smem:$0x10];
	[sflag:s15] =	ssyncadd.s32 $0xFFFFFFFF  }
0x96: {  	s17 =	sld [smem:$0x11];
	(tm) =	ssettm $0x1  }
0x97: {  	s18 =	sld [smem:$0x3FFB];
	_ =	sdelay $0x3  }
0x98: {  	_ =	strace s18  }
0x99: {  	s4 =	sld [smem:$0x3FFC];
	_ =	sdelay $0x3  }
0x9a: {  	_ =	strace s4  }
0x9b: {  	s4 =	sld [smem:$0x3FFD];
	_ =	sdelay $0x3  }
0x9c: {  	_ =	strace s4  }
0x9d: {  	_ =	strace $0x8FFFFFFF  }
0x9e: {  	s19 =	sld [smem:$0x3FDB];
	_ =	sdelay $0x1  }
0x9f: {  	s5 =	simm.s32 $_scs_section_size  }
0xa0: {  	s6 =	simm.s32 $_size__tile_overlayer_lowered;
	s7 =	simm.s32 $_tile_overlayer_lowered  }
0xa1: {  	s22 =	simm.s32 $0x1BFF;
	s21 =	sshll.u32 s7, $0x1;
	s4 =	sadd.s32 s5, s19  }
0xa2: {  	s8 =	simm.s32 $0x0;
	s20 =	sshll.u32 s6, $0x1;
	s6 =	sadd.s32 s21, s4  }
0xa3: {  	[timem:s8], [sflag:s22] =	dma.local [hbm:s6], s20  }
0xa4: {  	_ =	swait.ge [sflag:s22], s20  }
0xa5: {  	s5 =	ssub.s32 $0x0, s20;
	[sflag:s22] =	ssyncset.done $0x0  }
0xa6: {  	[sflag:s22] =	ssyncadd.s32 s5;
	_ =	sdelay $0x1  }
0xa7: {  	s23 =	simm.s32 $0x1B8B  }
0xa8: {  	_ =	swait.ge [sflag:s23], $0x1  }
0xa9: {  	[sflag:s23] =	ssyncset.done $0x0  }
0xaa: {  	s25 =	simm.s32 $0x1B8E;
	s24 =	sld [smem:$0x3FFE];
	[sflag:s23] =	ssyncadd.s32 $0xFFFFFFFF  }
0xab: {  	s26 =	simm.s32 $execute0_lowered;
	[smem:$0x3FD2] =	sst s25  }
0xac: {  	s6 =	sshll.u32 s26, $0x1;
	_ =	strace $0x80000049;
	[dreg:$0x1] =	wrdreg $0xFFFFFFFF  }
0xad: {  	s28 =	simm.s32 $_size_execute0_lowered;
	s4 =	sadd.s32 s4, s6;
	[dreg:$0x0] =	wrdreg $0x0  }
0xae: {  	s6 =	sshll.u32 s28, $0x1;
	[dreg:$0x2] =	wrdreg s4  }
0xaf: {  	[dreg:$0x3] =	wrdreg s6  }
0xb0: {  	[dreg:$0x4] =	wrdreg $0xC0  }
0xb1: {  	_ =	task [dreg:s8], $0x5FFFF  }
0xb2: {  	[dreg:$0x1] =	wrdreg $0xFFFFFFFF  }
0xb3: {  	[dreg:$0x0] =	wrdreg $0x60  }
0xb4: {  	[dreg:$0x2] =	wrdreg s24  }
0xb5: {  	[dreg:$0x3] =	wrdreg s17  }
0xb6: {  	[dreg:$0x4] =	wrdreg s16  }
0xb7: {  	[dreg:$0x5] =	wrdreg $0xA8000  }
0xb8: {  	[dreg:$0x6] =	wrdreg $0x9  }
0xb9: {  	_ =	task.clear_ibuf [dreg:s8], $0x7FFFF;
	_ =	strace $0x90000049  }
0xba: {  	s29 =	simm.s32 $0x9;
	_ =	strace $0x8000004B  }
0xbb: {  	_ =	swait.ge [sflag:s29], $0x1  }
0xbc: {  	[sflag:s29] =	ssyncadd.s32 $0xFFFFFFFF  }
0xbd: {  	_ =	strace $0x9000004B  }
0xbe: {  	_ =	sfence  }
0xbf: {  	s30 =	sld [smem:$0x0];
	_ =	sdelay $0x2  }
0xc0: {  	s31 =	sshll.u32 s1, $0xD;
	s1 =	sshrl.u32 s1, $0x2  }
0xc1: {  	s3 =	sand.u32 $0x4000, s31;
	s1 =	sadd.s32 s1, s30  }
0xc2: {  	s0 =	sor.u32 s3, s0;
	s1 =	sshll.u32 s1, $0x11  }
0xc3: {  	s0 =	sor.u32 s1, s0  }
0xc4: {  	s0 =	sadd.s32 $0x8F2B, s0  }
0xc5: {  	[sflag:s0] =	ssyncadd.remote.s32 $0x1  }
0xc6: {  	_ =	sfence.sel $0xFFFF  }
0xc7: {  	[dreg:$0x0] =	wrdreg $0xFFFFFFFF;
	(pc) =	sbr.abs _section_cstart, $3  }
0xc8: {  	[dreg:$0x1] =	wrdreg $0xFFFFFFFF  }
0xc9: {  	_ =	task.clear_ibuf [dreg:s8], $0x2FFFF;
	_ =	strace $0x9FFFFFFF  }
0xca: {  	(tm) =	ssettm $0x7FFFFFFF  }
0xcb: {  	_ =	shalt  }
tec
execute0_lowered:
.L_overlay_start_1:
0x0: {  	(tag) =	ssettag $0x1  }
0x1: {  	s0 =	rddreg [dreg:$0x0]  }
0x2: {  	s4 =	rddreg [dreg:$0x1]  }
0x3: {  	s2 =	srdreg.scid;
	s3 =	rddreg [dreg:$0x2]  }
0x4: {  	s19 =	simm.s32 $0x0;
	s1 =	stileid.u32;
	s28 =	rddreg [dreg:$0x3]  }
0x5: {  	s9 =	sand.u32 $0x1, s2;
	[smem:$0x7FF] =	sst s19;
	s6 =	sshll.u32 s1, $0x1  }
0x6: {  	s13 =	smul.u32 $0x14000, s1;
	s14 =	sadd.s32 $0x29000, s0;
	s31 =	sadd.s32 $0x1E00, s0  }
0x7: {  	s2 =	ssub.s32 $0x2, s9;
	s15 =	sor.u32 s9, s6;
	s17 =	smul.u32 $0x140000, s9  }
0x8: {  	s9 =	smul.u32 $0x4E2, s9;
	s5 =	sshrl.u32 s2, $0x1;
	s6 =	sadd.s32 $0x5000, s13  }
0x9: {  	s16 =	smul.u32 $0x4E2, s15;
	s7 =	sadd.s32 $0x7800, s13;
	s8 =	sadd.s32 $0xA000, s13  }
0xa: {  	s10 =	sadd.s32 $0xC800, s13;
	s11 =	sadd.s32 $0xF000, s13;
	s12 =	sadd.s32 $0x11800, s13  }
0xb: {  	s15 =	smul.u32 $0x2710, s15;
	s2 =	ssub.s32 s2, s5;
	s5 =	sor.u32 $0x2800, s13  }
0xc: {  	s13 =	sadd.s32 s13, s17;
	s20 =	sadd.s32 s17, s8;
	s23 =	sadd.s32 s17, s10  }
0xd: {  	s24 =	sadd.s32 s17, s11;
	s18 =	sadd.s32 s4, s16;
	s16 =	sadd.s32 s3, s16  }
0xe: {  	s13 =	sshrl.u32 s13, $0x3;
	s25 =	sadd.s32 s17, s5;
	[dreg:$0x6] =	wrdreg s18  }
0xf: {  	s15 =	sshrl.u32 s15, $0x3;
	s22 =	sshrl.u32 s20, $0x3;
	[dreg:$0x7] =	wrdreg s16  }
0x10: {  	s13 =	sadd.s32 s14, s13;
	s26 =	sshrl.u32 s25, $0x3;
	s16 =	sadd.s32 s17, s6  }
0x11: {  	s18 =	sadd.s32 s17, s7;
	s17 =	sadd.s32 s17, s12;
	[dreg:$0x8] =	wrdreg s13  }
0x12: {  	s13 =	sadd.s32 s14, s26;
	s26 =	sshrl.u32 s17, $0x3;
	s17 =	sadd.s32 $0x14, s15  }
0x13: {  	[dreg:$0x9] =	wrdreg s13;
	s13 =	sshrl.u32 s16, $0x3;
	s20 =	sadd.s32 s4, s17  }
0x14: {  	s16 =	sshrl.u32 s18, $0x3;
	s13 =	sadd.s32 s14, s13;
	[dreg:$0x12] =	wrdreg s20  }
0x15: {  	s21 =	sadd.s32 s14, s16;
	s16 =	sshrl.u32 s24, $0x3;
	[dreg:$0xa] =	wrdreg s13  }
0x16: {  	[dreg:$0xb] =	wrdreg s21;
	s13 =	sadd.s32 s14, s22;
	s25 =	sadd.s32 s14, s16  }
0x17: {  	s21 =	sadd.s32 s3, s17;
	s22 =	sadd.s32 $0x1E, s15;
	[dreg:$0xc] =	wrdreg s13  }
0x18: {  	s17 =	sadd.s32 $0x3C, s15;
	s13 =	sshrl.u32 s23, $0x3;
	[dreg:$0xe] =	wrdreg s25  }
0x19: {  	[dreg:$0x13] =	wrdreg s21;
	s23 =	sadd.s32 $0x28, s15;
	s24 =	sadd.s32 s4, s22  }
0x1a: {  	s20 =	sadd.s32 s4, s17;
	s21 =	sadd.s32 s3, s17;
	[dreg:$0x14] =	wrdreg s24  }
0x1b: {  	s17 =	simm.s32 $0x50;
	s13 =	sadd.s32 s14, s13;
	[dreg:$0x1a] =	wrdreg s20  }
0x1c: {  	s25 =	sadd.s32 s4, s23;
	[dreg:$0x1b] =	wrdreg s21;
	s24 =	smul.u32 $0x50000, s1  }
0x1d: {  	s20 =	simm.s32 $0x1;
	s21 =	simm.s32 $0x5;
	[dreg:$0xd] =	wrdreg s13  }
0x1e: {  	s13 =	sadd.s32 s14, s26;
	s14 =	sadd.s32 $0xA, s15;
	[dreg:$0x16] =	wrdreg s25  }
0x1f: {  	s26 =	sadd.s32 s3, s23;
	s23 =	smul.u32 $0x9C4, s1;
	[dreg:$0xf] =	wrdreg s13  }
0x20: {  	s18 =	sadd.s32 s4, s14;
	s13 =	sadd.s32 s3, s14;
	[dreg:$0x17] =	wrdreg s26  }
0x21: {  	s14 =	sadd.s32 $0x32, s15;
	s25 =	sshrl.u32 s24, $0x2;
	[dreg:$0x10] =	wrdreg s18  }
0x22: {  	s26 =	smax.u32 s2, $0x1;
	[dreg:$0x11] =	wrdreg s13;
	s13 =	sadd.s32 s3, s22  }
0x23: {  	s24 =	simm.s32 $0x4;
	s18 =	sadd.s32 s4, s14;
	[dreg:$0x15] =	wrdreg s13  }
0x24: {  	s22 =	sadd.s32 $0x46, s15;
	[dreg:$0x18] =	wrdreg s18;
	s13 =	sadd.s32 s3, s14  }
0x25: {  	s15 =	sadd.s32 s4, s22;
	s4 =	sadd.s32 s23, s4;
	[dreg:$0x19] =	wrdreg s13  }
0x26: {  	[dreg:$0x1c] =	wrdreg s15;
	s13 =	sadd.s32 s3, s22;
	s3 =	sadd.s32 s23, s3  }
0x27: {  	s14 =	simm.s32 $0x9;
	[dreg:$0x1d] =	wrdreg s13;
	s30 =	sadd.s32 s9, s3  }
0x28: {  	s3 =	sadd.s32 s25, s28;
	_ =	strace $0x8000004A;
	[smem:$0x7F7] =	sst s26  }
0x29: {  	s29 =	sadd.s32 s9, s4;
	s4 =	sadd.s32 s5, s28;
	[dreg:$0x1e] =	wrdreg s3  }
0x2a: {  	s18 =	simm.s32 $0x8000;
	s5 =	sadd.s32 s6, s28;
	[dreg:$0x1f] =	wrdreg s4  }
0x2b: {  	s6 =	sadd.s32 s7, s28;
	s7 =	sadd.s32 s8, s28;
	[smem:$0x7F8] =	sst s5  }
0x2c: {  	s8 =	sadd.s32 s10, s28;
	s10 =	sadd.s32 s11, s28;
	[smem:$0x7F9] =	sst s6  }
0x2d: {  	s11 =	sadd.s32 s12, s28;
	s15 =	simm.s32 $0x800;
	[smem:$0x7FA] =	sst s7  }
0x2e: {  	s12 =	simm.s32 $0xB;
	s22 =	simm.s32 $0x3;
	[smem:$0x7FB] =	sst s8  }
0x2f: {  	s23 =	simm.s32 $0x7;
	s13 =	simm.s32 $0x600;
	[smem:$0x7FC] =	sst s10  }
0x30: {  	v0 =	vimm.f32 $0.0e+00;
	s9 =	simm.s32 $0x5800;
	s25 =	simm.s32 $0x8;
	[smem:$0x7FD] =	sst s11  }
.LBB2_1:
0x31: {  	[dreg:$0x5] =	wrdreg s19;
	s0 =	simm.s32 $0x0;
	s2 =	simm.s32 $0x200  }
.LBB2_2:
0x32: {  	p0 =	sne.s32 s2, $0x9E00;
	[tilespmem:s0+$0x870] =	vst v0  }
0x33: {  	[tilespmem:s0+$0x800] =	vst v0  }
0x34: {  	[tilespmem:s0+$0x810] =	vst v0  }
.Ltmp0:
0x35: {  	[tilespmem:s0+$0x820] =	vst v0;
	(pc) =	sbr.rel @p0 .LBB2_2-.Ltmp0, $4  }
0x36: {  	[tilespmem:s0+$0x830] =	vst v0  }
0x37: {  	[tilespmem:s0+$0x840] =	vst v0  }
0x38: {  	[tilespmem:s0+$0x850] =	vst v0  }
0x39: {  	[tilespmem:s0+$0x860] =	vst v0;
	s0 =	sshra.s32 s2, $0x2;
	s2 =	sadd.s32 $0x200, s2  }
0x3a: {  	[tilespmem:s0+$0x870] =	vst v0  }
0x3b: {  	[tilespmem:s0+$0x800] =	vst v0  }
0x3c: {  	[tilespmem:s0+$0x810] =	vst v0  }
0x3d: {  	[tilespmem:s0+$0x820] =	vst v0  }
0x3e: {  	[tilespmem:s0+$0x830] =	vst v0  }
0x3f: {  	[tilespmem:s0+$0x840] =	vst v0  }
0x40: {  	[tilespmem:s0+$0x850] =	vst v0  }
0x41: {  	[tilespmem:s0+$0x860] =	vst v0  }
0x42: {  	[spmem:s3] =	stream.linear.scatter [tilespmem:s15], [sflag:$0xB], $0x2800, $0x38;
	[tilespmem:$0x1E800] =	vst v63  }
0x43: {  	_ =	swait.ge [sflag:s12], $0x2800  }
0x44: {  	[sflag:s12] =	ssyncset.done $0x0  }
0x45: {  	[sflag:s12] =	ssyncadd.s32 $0xFFFFD800  }
0x46: {  	[spmem:s4] =	stream.linear.scatter [tilespmem:s15], [sflag:$0xB], $0x2800, $0x38;
	[tilespmem:$0x1E800] =	vst v63  }
0x47: {  	_ =	swait.ge [sflag:s12], $0x2800  }
0x48: {  	[sflag:s12] =	ssyncset.done $0x0  }
0x49: {  	[sflag:s12] =	ssyncadd.s32 $0xFFFFD800  }
0x4a: {  	[spmem:s5] =	stream.linear.scatter [tilespmem:s15], [sflag:$0xB], $0x2800, $0x38;
	[tilespmem:$0x1E800] =	vst v63  }
0x4b: {  	_ =	swait.ge [sflag:s12], $0x2800  }
0x4c: {  	[sflag:s12] =	ssyncset.done $0x0  }
0x4d: {  	[sflag:s12] =	ssyncadd.s32 $0xFFFFD800  }
0x4e: {  	[spmem:s6] =	stream.linear.scatter [tilespmem:s15], [sflag:$0xB], $0x2800, $0x38;
	[tilespmem:$0x1E800] =	vst v63  }
0x4f: {  	_ =	swait.ge [sflag:s12], $0x2800  }
0x50: {  	[sflag:s12] =	ssyncset.done $0x0  }
0x51: {  	[sflag:s12] =	ssyncadd.s32 $0xFFFFD800  }
0x52: {  	[spmem:s7] =	stream.linear.scatter [tilespmem:s15], [sflag:$0xB], $0x2800, $0x38;
	[tilespmem:$0x1E800] =	vst v63  }
0x53: {  	_ =	swait.ge [sflag:s12], $0x2800  }
0x54: {  	[sflag:s12] =	ssyncset.done $0x0  }
0x55: {  	[sflag:s12] =	ssyncadd.s32 $0xFFFFD800  }
0x56: {  	[spmem:s8] =	stream.linear.scatter [tilespmem:s15], [sflag:$0xB], $0x2800, $0x38;
	[tilespmem:$0x1E800] =	vst v63  }
0x57: {  	_ =	swait.ge [sflag:s12], $0x2800  }
0x58: {  	[sflag:s12] =	ssyncset.done $0x0  }
0x59: {  	[sflag:s12] =	ssyncadd.s32 $0xFFFFD800  }
0x5a: {  	[spmem:s10] =	stream.linear.scatter [tilespmem:s15], [sflag:$0xB], $0x2800, $0x38;
	[tilespmem:$0x1E800] =	vst v63  }
0x5b: {  	_ =	swait.ge [sflag:s12], $0x2800  }
0x5c: {  	[sflag:s12] =	ssyncset.done $0x0  }
0x5d: {  	[sflag:s12] =	ssyncadd.s32 $0xFFFFD800  }
0x5e: {  	[spmem:s11] =	stream.linear.scatter [tilespmem:s15], [sflag:$0xB], $0x2800, $0x38;
	[tilespmem:$0x1E800] =	vst v63  }
0x5f: {  	_ =	swait.ge [sflag:s12], $0x2800  }
0x60: {  	[sflag:s12] =	ssyncset.done $0x0  }
0x61: {  	[sflag:s12] =	ssyncadd.s32 $0xFFFFD800  }
0x62: {  	[bflag:$0x0] =	sbarrier.arrive $0xFFFF  }
0x63: {  	s11 =	simm.s32 $0x0;
	s7 =	rddreg [dreg:$0x6]  }
0x64: {  	[tilespmem:s11], [sflag:$0x9] =	stream.linear.gather [hbm4b:s7+s11], $0x50, $0x38;
	[tilespmem:$0x1E800] =	vst v63  }
0x65: {  	s1 =	simm.s32 $0x400;
	s8 =	rddreg [dreg:$0x7]  }
0x66: {  	[tilespmem:s1], [sflag:$0x9] =	stream.linear.gather [hbm4b:s8+s11], $0x50, $0x38;
	[tilespmem:$0x1E800] =	vst v63  }
0x67: {  	s10 =	rddreg [dreg:$0x10];
	s1 =	simm.s32 $0x80  }
0x68: {  	[tilespmem:s1], [sflag:$0xA] =	stream.linear.gather [hbm4b:s10+s11], $0x50, $0x38;
	[tilespmem:$0x1E800] =	vst v63  }
0x69: {  	s2 =	simm.s32 $0x480;
	s12 =	rddreg [dreg:$0x11]  }
0x6a: {  	[tilespmem:s2], [sflag:$0xA] =	stream.linear.gather [hbm4b:s12+s11], $0x50, $0x38;
	[tilespmem:$0x1E800] =	vst v63  }
0x6b: {  	s16 =	rddreg [dreg:$0x12];
	s2 =	simm.s32 $0x100  }
0x6c: {  	[tilespmem:s2], [sflag:$0x9] =	stream.linear.gather [hbm4b:s16+s11], $0x50, $0x38;
	[tilespmem:$0x1E800] =	vst v63  }
0x6d: {  	s26 =	simm.s32 $0x500;
	s19 =	rddreg [dreg:$0x13]  }
0x6e: {  	[tilespmem:s26], [sflag:$0x9] =	stream.linear.gather [hbm4b:s19+s11], $0x50, $0x38;
	[tilespmem:$0x1E800] =	vst v63  }
0x6f: {  	s3 =	simm.s32 $0x180;
	s4 =	rddreg [dreg:$0x14]  }
0x70: {  	[tilespmem:s3], [sflag:$0xA] =	stream.linear.gather [hbm4b:s4+s11], $0x50, $0x38;
	[tilespmem:$0x1E800] =	vst v63  }
0x71: {  	s6 =	simm.s32 $0x580;
	s5 =	rddreg [dreg:$0x15]  }
0x72: {  	[tilespmem:s6], [sflag:$0xA] =	stream.linear.gather [hbm4b:s5+s11], $0x50, $0x38;
	[tilespmem:$0x1E800] =	vst v63  }
0x73: {  	_ =	swait.ge [sflag:s14], $0x50  }
0x74: {  	[sflag:s14] =	ssyncset.done $0x0  }
0x75: {  	[sflag:s14] =	ssyncadd.s32 $0xFFFFFFB0  }
0x76: {  	_ =	swait.ge [sflag:s14], $0x50  }
0x77: {  	[sflag:s14] =	ssyncset.done $0x0  }
0x78: {  	s7 =	simm.s32 $0xA;
	[sflag:s14] =	ssyncadd.s32 $0xFFFFFFB0  }
0x79: {  	_ =	swait.ge [sflag:s7], $0x50  }
0x7a: {  	[sflag:s7] =	ssyncset.done $0x0  }
0x7b: {  	[sflag:s7] =	ssyncadd.s32 $0xFFFFFFB0  }
0x7c: {  	_ =	swait.ge [sflag:s7], $0x50  }
0x7d: {  	[sflag:s7] =	ssyncset.done $0x0  }
0x7e: {  	[sflag:s7] =	ssyncadd.s32 $0xFFFFFFB0  }
0x7f: {  	_ =	swait.ge [sflag:s14], $0x50  }
0x80: {  	[sflag:s14] =	ssyncset.done $0x0  }
0x81: {  	[sflag:s14] =	ssyncadd.s32 $0xFFFFFFB0  }
0x82: {  	_ =	swait.ge [sflag:s14], $0x50  }
0x83: {  	[sflag:s14] =	ssyncset.done $0x0  }
0x84: {  	[sflag:s14] =	ssyncadd.s32 $0xFFFFFFB0  }
0x85: {  	_ =	swait.ge [sflag:s7], $0x50  }
0x86: {  	[sflag:s7] =	ssyncset.done $0x0  }
0x87: {  	[sflag:s7] =	ssyncadd.s32 $0xFFFFFFB0  }
0x88: {  	_ =	swait.ge [sflag:s7], $0x50  }
0x89: {  	[sflag:s7] =	ssyncset.done $0x0  }
0x8a: {  	s10 =	simm.s32 $0x200;
	s8 =	rddreg [dreg:$0x16];
	[sflag:s7] =	ssyncadd.s32 $0xFFFFFFB0  }
0x8b: {  	[tilespmem:s10], [sflag:$0x9] =	stream.linear.gather [hbm4b:s8+s11], $0x50, $0x38;
	[tilespmem:$0x1E800] =	vst v63  }
0x8c: {  	s12 =	rddreg [dreg:$0x17]  }
0x8d: {  	[tilespmem:s13], [sflag:$0x9] =	stream.linear.gather [hbm4b:s12+s11], $0x50, $0x38;
	[tilespmem:$0x1E800] =	vst v63  }
0x8e: {  	s16 =	simm.s32 $0x280;
	s13 =	rddreg [dreg:$0x18]  }
0x8f: {  	[tilespmem:s16], [sflag:$0xA] =	stream.linear.gather [hbm4b:s13+s11], $0x50, $0x38;
	[tilespmem:$0x1E800] =	vst v63  }
0x90: {  	s26 =	simm.s32 $0x680;
	s19 =	rddreg [dreg:$0x19]  }
0x91: {  	[tilespmem:s26], [sflag:$0xA] =	stream.linear.gather [hbm4b:s19+s11], $0x50, $0x38;
	[tilespmem:$0x1E800] =	vst v63  }
0x92: {  	s6 =	simm.s32 $0x300;
	s5 =	rddreg [dreg:$0x1a]  }
0x93: {  	[tilespmem:s6], [sflag:$0x9] =	stream.linear.gather [hbm4b:s5+s11], $0x50, $0x38;
	[tilespmem:$0x1E800] =	vst v63  }
0x94: {  	s7 =	rddreg [dreg:$0x1b];
	s8 =	simm.s32 $0x700  }
0x95: {  	[tilespmem:s8], [sflag:$0x9] =	stream.linear.gather [hbm4b:s7+s11], $0x50, $0x38;
	[tilespmem:$0x1E800] =	vst v63  }
0x96: {  	s10 =	rddreg [dreg:$0x1c];
	s12 =	simm.s32 $0x380  }
0x97: {  	[tilespmem:s12], [sflag:$0xA] =	stream.linear.gather [hbm4b:s10+s11], $0x50, $0x38;
	[tilespmem:$0x1E800] =	vst v63  }
0x98: {  	s13 =	rddreg [dreg:$0x1d];
	s16 =	simm.s32 $0x780  }
0x99: {  	[tilespmem:s16], [sflag:$0xA] =	stream.linear.gather [hbm4b:s13+s11], $0x50, $0x38;
	[tilespmem:$0x1E800] =	vst v63  }
0x9a: {  	_ = 	snop  }
0x9b: {  	[tilespmem:s15], [sflag:$0x1] =	stream.indirect.gather [hbm4b:s31+s17], $0x80, s11, s17, $0xb8;
	[tilespmem:$0x1E800] =	vst v63  }
0x9c: {  	s19 =	simm.s32 $0x3000  }
0x9d: {  	[tilespmem:s19], [sflag:$0x2] =	stream.indirect.gather [hbm4b:s31+s17], $0x80, s1, s17, $0xb8;
	[tilespmem:$0x1E800] =	vst v63  }
0x9e: {  	_ = 	snop  }
0x9f: {  	[tilespmem:s9], [sflag:$0x3] =	stream.indirect.gather [hbm4b:s31+s17], $0x80, s2, s17, $0xb8;
	[tilespmem:$0x1E800] =	vst v63  }
0xa0: {  	_ = 	snop  }
0xa1: {  	[tilespmem:s18], [sflag:$0x4] =	stream.indirect.gather [hbm4b:s31+s17], $0x80, s3, s17, $0xb8;
	[tilespmem:$0x1E800] =	vst v63  }
0xa2: {  	_ =	swait.ge [sflag:s20], $0x2800  }
0xa3: {  	s8 =	sand.u32 $0x200, s11;
	[sflag:s20] =	ssyncset.done $0x0  }
0xa4: {  	s0 =	sor.u32 $0x400, s8;
	[sflag:s20] =	ssyncadd.s32 $0xFFFFD800  }
0xa5: {  	[spmem:s28] =	stream.indirect.scatter.add.f32 [tilespmem:s15], [sflag:$0x5], $0x80, s0, s17, $0xb8;
	[tilespmem:$0x1E800] =	vst v63  }
0xa6: {  	_ =	swait.ge [sflag:s21], $0x2800  }
0xa7: {  	[sflag:s21] =	ssyncset.done $0x0  }
0xa8: {  	[sflag:s21] =	ssyncadd.s32 $0xFFFFD800  }
0xa9: {  	_ =	swait.ge [sflag:s14], $0x50  }
0xaa: {  	[sflag:s14] =	ssyncset.done $0x0  }
0xab: {  	[sflag:s14] =	ssyncadd.s32 $0xFFFFFFB0  }
0xac: {  	s26 =	sxor.u32 $0xFFFFFFFF, s11;
	_ =	swait.ge [sflag:s14], $0x50  }
0xad: {  	p0 =	por $0x0, $0x0;
	s2 =	sand.u32 $0x800, s26;
	[sflag:s14] =	ssyncset.done $0x0  }
0xae: {  	s2 =	sshrl.u32 s2, $0x2;
	s3 =	simm.s32 @p0 $0x2;
	[sflag:s14] =	ssyncadd.s32 $0xFFFFFFB0  }
0xaf: {  	[tilespmem:s15], [sflag:$0x1] =	stream.indirect.gather [hbm4b:s31+s17], $0x80, s2, s17, $0xb8;
	[tilespmem:$0x1E800] =	vst v63  }
0xb0: {  	_ =	swait.ge @p0 [sflag:s3], $0x2800  }
0xb1: {  	s4 =	simm.s32 @p0 $0x3000;
	s5 =	simm.s32 @p0 $0x480;
	[sflag:s3] =	ssyncset.done @p0 $0x0  }
0xb2: {  	s2 =	simm.s32 @p0 $0x6;
	[sflag:s3] =	ssyncadd.s32 @p0 $0xFFFFD800;
	s3 =	simm.s32 @p0 $0x50  }
0xb3: {  	[spmem:s28] =	stream.indirect.scatter.add.f32 @p0 [tilespmem:s4], [sflag:$0x6], $0x80, s5, s3, $0xb8;
	[tilespmem:$0x1E800] =	vst v63  }
0xb4: {  	_ =	swait.ge @p0 [sflag:s2], $0x2800  }
0xb5: {  	s3 =	sadd.s32 @!p0 $0x0, s29;
	s4 =	sadd.s32 @!p0 $0x0, s30;
	[sflag:s2] =	ssyncset.done @p0 $0x0  }
0xb6: {  	s3 =	sadd.s32 @!p0 $0x50, s3;
	[sflag:s2] =	ssyncadd.s32 @p0 $0xFFFFD800;
	s2 =	simm.s32 @!p0 $0x0  }
0xb7: {  	[tilespmem:s8], [sflag:$0x9] =	stream.linear.gather @!p0 [hbm4b:s3+s2], $0x50, $0x38;
	[tilespmem:$0x1E800] =	vst v63  }
0xb8: {  	s3 =	sadd.s32 @!p0 $0x50, s4;
	s4 =	simm.s32 @!p0 $0x2  }
0xb9: {  	[tilespmem:s0], [sflag:$0x9] =	stream.linear.gather @!p0 [hbm4b:s3+s2], $0x50, $0x38;
	[tilespmem:$0x1E800] =	vst v63  }
0xba: {  	_ =	swait.ge @!p0 [sflag:s4], $0x2800  }
0xbb: {  	s2 =	simm.s32 @!p0 $0x6;
	s3 =	simm.s32 @!p0 $0x3000;
	[sflag:s4] =	ssyncset.done @!p0 $0x0  }
0xbc: {  	s0 =	simm.s32 @!p0 $0x50;
	[sflag:s4] =	ssyncadd.s32 @!p0 $0xFFFFD800;
	s4 =	sor.u32 @!p0 $0x480, s8  }
0xbd: {  	[spmem:s28] =	stream.indirect.scatter.add.f32 @!p0 [tilespmem:s3], [sflag:$0x6], $0x80, s4, s0, $0xb8;
	[tilespmem:$0x1E800] =	vst v63  }
0xbe: {  	_ =	swait.ge @!p0 [sflag:s2], $0x2800  }
0xbf: {  	[sflag:s2] =	ssyncset.done @!p0 $0x0  }
0xc0: {  	[sflag:s2] =	ssyncadd.s32 @!p0 $0xFFFFD800;
	s2 =	simm.s32 @!p0 $0xA  }
0xc1: {  	_ =	swait.ge @!p0 [sflag:s2], $0x50  }
0xc2: {  	[sflag:s2] =	ssyncset.done @!p0 $0x0  }
0xc3: {  	p2 =	por @!p0 $0x0, $0x0;
	[sflag:s2] =	ssyncadd.s32 @!p0 $0xFFFFFFB0  }
0xc4: {  	p1 =	por p2, p0;
	s5 =	simm.s32 @!p0 $0xA00;
	_ =	swait.ge @!p0 [sflag:s2], $0x50  }
0xc5: {  	s7 =	sadd.s32 @!p1 $0x0, s29;
	s5 =	sand.u32 @!p0 $0xA00, s5;
	[sflag:s2] =	ssyncset.done @!p0 $0x0  }
0xc6: {  	s6 =	sor.u32 @!p0 $0x80, s8;
	s5 =	sshrl.u32 @!p0 s5, $0x2;
	[sflag:s2] =	ssyncadd.s32 @!p0 $0xFFFFFFB0  }
0xc7: {  	[tilespmem:s3], [sflag:$0x2] =	stream.indirect.gather @!p0 [hbm4b:s31+s0], $0x80, s5, s0, $0xb8;
	[tilespmem:$0x1E800] =	vst v63  }
0xc8: {  	s3 =	simm.s32 @!p1 $0x0;
	s5 =	sadd.s32 @!p1 $0x5A, s7;
	s7 =	sadd.s32 @!p1 $0x0, s30  }
0xc9: {  	[tilespmem:s6], [sflag:$0xA] =	stream.linear.gather @!p1 [hbm4b:s5+s3], $0x50, $0x38;
	[tilespmem:$0x1E800] =	vst v63  }
0xca: {  	s5 =	sadd.s32 @!p1 $0x5A, s7  }
0xcb: {  	[tilespmem:s4], [sflag:$0xA] =	stream.linear.gather @!p1 [hbm4b:s5+s3], $0x50, $0x38;
	[tilespmem:$0x1E800] =	vst v63  }
0xcc: {  	_ =	swait.ge [sflag:s22], $0x2800  }
0xcd: {  	[sflag:s22] =	ssyncset.done $0x0  }
0xce: {  	s3 =	sor.u32 $0x500, s8;
	[sflag:s22] =	ssyncadd.s32 $0xFFFFD800  }
0xcf: {  	[spmem:s28] =	stream.indirect.scatter.add.f32 [tilespmem:s9], [sflag:$0x7], $0x80, s3, s17, $0xb8;
	[tilespmem:$0x1E800] =	vst v63  }
0xd0: {  	_ =	swait.ge [sflag:s23], $0x2800  }
0xd1: {  	[sflag:s23] =	ssyncset.done $0x0  }
0xd2: {  	s4 =	simm.s32 @!p0 $0x9;
	[sflag:s23] =	ssyncadd.s32 $0xFFFFD800  }
0xd3: {  	p4 =	por @!p0 $0x0, $0x0;
	_ =	swait.ge @!p0 [sflag:s4], $0x50  }
0xd4: {  	p3 =	por !p2, p0;
	p2 =	por @p0 $0x0, $0x0;
	[sflag:s4] =	ssyncset.done @!p0 $0x0  }
0xd5: {  	s6 =	simm.s32 @!p0 $0x5800;
	p1 =	por @!p1 $0x1, $0x1;
	[sflag:s4] =	ssyncadd.s32 @!p0 $0xFFFFFFB0  }
0xd6: {  	s5 =	simm.s32 @!p0 $0xC00;
	p1 =	por @!p3 p4, p4;
	_ =	swait.ge @!p0 [sflag:s4], $0x50  }
0xd7: {  	s5 =	sand.u32 @!p0 $0xC00, s5;
	p2 =	por @!p0 p1, p1;
	[sflag:s4] =	ssyncset.done @!p0 $0x0  }
0xd8: {  	s5 =	sshrl.u32 @!p0 s5, $0x2;
	s7 =	sadd.s32 @p2 $0x0, s29;
	[sflag:s4] =	ssyncadd.s32 @!p0 $0xFFFFFFB0  }
0xd9: {  	[tilespmem:s6], [sflag:$0x3] =	stream.indirect.gather @!p0 [hbm4b:s31+s0], $0x80, s5, s0, $0xb8;
	[tilespmem:$0x1E800] =	vst v63  }
0xda: {  	s4 =	simm.s32 @p2 $0x0;
	s5 =	sadd.s32 @p2 $0x64, s7;
	s6 =	sor.u32 $0x100, s8  }
0xdb: {  	[tilespmem:s6], [sflag:$0x9] =	stream.linear.gather @p2 [hbm4b:s5+s4], $0x50, $0x38;
	[tilespmem:$0x1E800] =	vst v63  }
0xdc: {  	s6 =	sadd.s32 @p2 $0x0, s30  }
0xdd: {  	s5 =	sadd.s32 @p2 $0x64, s6  }
0xde: {  	[tilespmem:s3], [sflag:$0x9] =	stream.linear.gather @p2 [hbm4b:s5+s4], $0x50, $0x38;
	[tilespmem:$0x1E800] =	vst v63  }
0xdf: {  	_ =	swait.ge [sflag:s24], $0x2800  }
0xe0: {  	[sflag:s24] =	ssyncset.done $0x0  }
0xe1: {  	s5 =	sor.u32 $0x580, s8;
	[sflag:s24] =	ssyncadd.s32 $0xFFFFD800  }
0xe2: {  	[spmem:s28] =	stream.indirect.scatter.add.f32 [tilespmem:s18], [sflag:$0x8], $0x80, s5, s17, $0xb8;
	[tilespmem:$0x1E800] =	vst v63  }
0xe3: {  	_ =	swait.ge [sflag:s25], $0x2800  }
0xe4: {  	[sflag:s25] =	ssyncset.done $0x0  }
0xe5: {  	[sflag:s25] =	ssyncadd.s32 $0xFFFFD800  }
0xe6: {  	s12 =	simm.s32 $0x28;
	_ =	swait.ge @!p0 [sflag:s2], $0x50  }
0xe7: {  	s16 =	sor.u32 $0x180, s8;
	s13 =	simm.s32 $0x800;
	[sflag:s2] =	ssyncset.done @!p0 $0x0  }
0xe8: {  	s9 =	simm.s32 $0x5800;
	s7 =	sadd.s32 @p2 $0x6E, s7;
	[sflag:s2] =	ssyncadd.s32 @!p0 $0xFFFFFFB0  }
0xe9: {  	s6 =	sadd.s32 @p2 $0x6E, s6;
	s3 =	simm.s32 @!p0 $0xE00;
	_ =	swait.ge @!p0 [sflag:s2], $0x50  }
0xea: {  	s8 =	simm.s32 $0x0;
	s3 =	sand.u32 @!p0 $0xE00, s3;
	[sflag:s2] =	ssyncset.done @!p0 $0x0  }
0xeb: {  	s3 =	sshrl.u32 @!p0 s3, $0x2;
	[sflag:s2] =	ssyncadd.s32 @!p0 $0xFFFFFFB0;
	s2 =	simm.s32 @!p0 $0x8000  }
0xec: {  	[tilespmem:s2], [sflag:$0x4] =	stream.indirect.gather @!p0 [hbm4b:s31+s0], $0x80, s3, s0, $0xb8;
	[tilespmem:$0x1E800] =	vst v63  }
.LBB2_4:
0xed: {  	s11 =	sadd.s32 $0x1, s11  }
0xee: {  	s8 =	sadd.s32 $0x200, s8;
	s26 =	smov.u32 s12;
	s12 =	sadd.s32 $0x28, s12  }
0xef: {  	[tilespmem:s16], [sflag:$0xA] =	stream.linear.gather @p2 [hbm4b:s7+s4], $0x50, $0x38;
	[tilespmem:$0x1E800] =	vst v63  }
0xf0: {  	s16 =	sand.u32 $0x200, s8;
	p0 =	sne.s32 s12, $0x4D8  }
0xf1: {  	[tilespmem:s5], [sflag:$0xA] =	stream.linear.gather @p2 [hbm4b:s6+s4], $0x50, $0x38;
	[tilespmem:$0x1E800] =	vst v63  }
0xf2: {  	_ =	swait.ge [sflag:s20], $0x2800  }
0xf3: {  	[sflag:s20] =	ssyncset.done $0x0  }
0xf4: {  	s0 =	sor.u32 $0x400, s16;
	[sflag:s20] =	ssyncadd.s32 $0xFFFFD800  }
0xf5: {  	[spmem:s28] =	stream.indirect.scatter.add.f32 [tilespmem:s15], [sflag:$0x5], $0x80, s0, s17, $0xb8;
	[tilespmem:$0x1E800] =	vst v63  }
0xf6: {  	_ =	swait.ge [sflag:s21], $0x2800  }
0xf7: {  	[sflag:s21] =	ssyncset.done $0x0  }
0xf8: {  	[sflag:s21] =	ssyncadd.s32 $0xFFFFD800  }
0xf9: {  	s2 =	sxor.u32 $0xFFFFFFFF, s13;
	_ =	swait.ge [sflag:s14], $0x50  }
0xfa: {  	s2 =	sand.u32 $0x800, s2;
	[sflag:s14] =	ssyncset.done $0x0  }
0xfb: {  	p1 =	seq.s32 s26, $0x4B0;
	s2 =	sshrl.u32 s2, $0x2;
	[sflag:s14] =	ssyncadd.s32 $0xFFFFFFB0  }
0xfc: {  	s3 =	simm.s32 @p1 $0x2;
	s4 =	sadd.s32 @!p1 s26, s29;
	_ =	swait.ge [sflag:s14], $0x50  }
0xfd: {  	s6 =	sadd.s32 @!p1 $0xA00, s13;
	s5 =	sadd.s32 @!p1 $0x50, s4;
	[sflag:s14] =	ssyncset.done $0x0  }
0xfe: {  	s4 =	sor.u32 @!p1 $0x80, s16;
	s6 =	sand.u32 @!p1 $0xA00, s6;
	[sflag:s14] =	ssyncadd.s32 $0xFFFFFFB0  }
0xff: {  	[tilespmem:s15], [sflag:$0x1] =	stream.indirect.gather [hbm4b:s31+s17], $0x80, s2, s17, $0xb8;
	[tilespmem:$0x1E800] =	vst v63  }
0x100: {  	s7 =	sadd.s32 @!p1 s26, s30;
	s2 =	simm.s32 @p1 $0x6;
	_ =	swait.ge @p1 [sflag:s3], $0x2800  }
0x101: {  	s1 =	simm.s32 @p1 $0x3000;
	s7 =	sadd.s32 @!p1 $0x50, s7;
	[sflag:s3] =	ssyncset.done @p1 $0x0  }
0x102: {  	s15 =	simm.s32 @p1 $0x480;
	[sflag:s3] =	ssyncadd.s32 @p1 $0xFFFFD800;
	s3 =	simm.s32 @p1 $0x50  }
0x103: {  	[spmem:s28] =	stream.indirect.scatter.add.f32 @p1 [tilespmem:s1], [sflag:$0x6], $0x80, s15, s3, $0xb8;
	[tilespmem:$0x1E800] =	vst v63  }
0x104: {  	p4 =	sgt.u32 @!p1 s11, $0x1C;
	s1 =	sshrl.u32 @!p1 s6, $0x2;
	_ =	swait.ge @p1 [sflag:s2], $0x2800  }
0x105: {  	p3 =	por !p4, p1;
	s3 =	sadd.s32 @!p1 $0xC00, s13;
	[sflag:s2] =	ssyncset.done @p1 $0x0  }
0x106: {  	s3 =	sand.u32 @!p1 $0xC00, s3;
	[sflag:s2] =	ssyncadd.s32 @p1 $0xFFFFD800;
	s2 =	simm.s32 @!p1 $0x0  }
0x107: {  	[tilespmem:s16], [sflag:$0x9] =	stream.linear.gather @!p1 [hbm4b:s5+s2], $0x50, $0x38;
	[tilespmem:$0x1E800] =	vst v63  }
0x108: {  	s6 =	simm.s32 @!p1 $0x2;
	s5 =	sshrl.u32 @!p1 s3, $0x2;
	s3 =	sadd.s32 @!p1 $0xE00, s13  }
0x109: {  	[tilespmem:s0], [sflag:$0x9] =	stream.linear.gather @!p1 [hbm4b:s7+s2], $0x50, $0x38;
	[tilespmem:$0x1E800] =	vst v63  }
0x10a: {  	s7 =	simm.s32 @!p1 $0x6;
	s0 =	sand.u32 @!p1 $0xE00, s3;
	_ =	swait.ge @!p1 [sflag:s6], $0x2800  }
0x10b: {  	s15 =	simm.s32 @!p1 $0x3000;
	s0 =	sshrl.u32 @!p1 s0, $0x2;
	[sflag:s6] =	ssyncset.done @!p1 $0x0  }
0x10c: {  	s2 =	simm.s32 @!p1 $0x50;
	[sflag:s6] =	ssyncadd.s32 @!p1 $0xFFFFD800;
	s6 =	sor.u32 @!p1 $0x480, s16  }
0x10d: {  	[spmem:s28] =	stream.indirect.scatter.add.f32 @!p1 [tilespmem:s15], [sflag:$0x6], $0x80, s6, s2, $0xb8;
	[tilespmem:$0x1E800] =	vst v63  }
0x10e: {  	_ =	swait.ge @!p1 [sflag:s7], $0x2800  }
0x10f: {  	[sflag:s7] =	ssyncset.done @!p1 $0x0  }
0x110: {  	s3 =	simm.s32 @!p1 $0xA;
	[sflag:s7] =	ssyncadd.s32 @!p1 $0xFFFFD800  }
0x111: {  	_ =	swait.ge @!p1 [sflag:s3], $0x50  }
0x112: {  	p2 =	por @p1 $0x0, $0x0;
	[sflag:s3] =	ssyncset.done @!p1 $0x0  }
0x113: {  	p5 =	por @!p1 $0x0, $0x0;
	p4 =	por p4, p1;
	[sflag:s3] =	ssyncadd.s32 @!p1 $0xFFFFFFB0  }
0x114: {  	s10 =	simm.s32 @!p4 $0x0;
	s7 =	sadd.s32 @!p4 s26, s29;
	_ =	swait.ge @!p1 [sflag:s3], $0x50  }
0x115: {  	p6 =	por @!p4 $0x1, $0x1;
	s7 =	sadd.s32 @!p4 $0x5A, s7;
	[sflag:s3] =	ssyncset.done @!p1 $0x0  }
0x116: {  	s18 =	sadd.s32 @!p4 s26, s30;
	p6 =	por @!p3 p5, p5;
	[sflag:s3] =	ssyncadd.s32 @!p1 $0xFFFFFFB0  }
0x117: {  	[tilespmem:s15], [sflag:$0x2] =	stream.indirect.gather @!p1 [hbm4b:s31+s2], $0x80, s1, s2, $0xb8;
	[tilespmem:$0x1E800] =	vst v63  }
0x118: {  	p2 =	por @!p1 p6, p6;
	s1 =	sadd.s32 @!p4 $0x5A, s18  }
0x119: {  	[tilespmem:s4], [sflag:$0xA] =	stream.linear.gather @!p4 [hbm4b:s7+s10], $0x50, $0x38;
	[tilespmem:$0x1E800] =	vst v63  }
0x11a: {  	s4 =	sadd.s32 @p2 s26, s30  }
0x11b: {  	[tilespmem:s6], [sflag:$0xA] =	stream.linear.gather @!p4 [hbm4b:s1+s10], $0x50, $0x38;
	[tilespmem:$0x1E800] =	vst v63  }
0x11c: {  	s1 =	sadd.s32 @p2 $0x64, s4;
	s6 =	sadd.s32 @p2 $0x6E, s4;
	_ =	swait.ge [sflag:s22], $0x2800  }
0x11d: {  	s10 =	sor.u32 $0x500, s16;
	[sflag:s22] =	ssyncset.done $0x0  }
0x11e: {  	[sflag:s22] =	ssyncadd.s32 $0xFFFFD800  }
0x11f: {  	[spmem:s28] =	stream.indirect.scatter.add.f32 [tilespmem:s9], [sflag:$0x7], $0x80, s10, s17, $0xb8;
	[tilespmem:$0x1E800] =	vst v63  }
0x120: {  	_ =	swait.ge [sflag:s23], $0x2800  }
0x121: {  	s15 =	simm.s32 @!p1 $0x9;
	[sflag:s23] =	ssyncset.done $0x0  }
0x122: {  	[sflag:s23] =	ssyncadd.s32 $0xFFFFD800  }
0x123: {  	_ =	swait.ge @!p1 [sflag:s15], $0x50  }
0x124: {  	[sflag:s15] =	ssyncset.done @!p1 $0x0  }
0x125: {  	s7 =	sadd.s32 @p2 s26, s29;
	[sflag:s15] =	ssyncadd.s32 @!p1 $0xFFFFFFB0  }
0x126: {  	s18 =	sadd.s32 @p2 $0x64, s7;
	s4 =	simm.s32 @p2 $0x0;
	_ =	swait.ge @!p1 [sflag:s15], $0x50  }
0x127: {  	s26 =	simm.s32 @!p1 $0x5800;
	s7 =	sadd.s32 @p2 $0x6E, s7;
	[sflag:s15] =	ssyncset.done @!p1 $0x0  }
0x128: {  	s19 =	sor.u32 $0x100, s16;
	[sflag:s15] =	ssyncadd.s32 @!p1 $0xFFFFFFB0;
	s15 =	simm.s32 $0x800  }
0x129: {  	[tilespmem:s26], [sflag:$0x3] =	stream.indirect.gather @!p1 [hbm4b:s31+s2], $0x80, s5, s2, $0xb8;
	[tilespmem:$0x1E800] =	vst v63  }
0x12a: {  	_ = 	snop  }
0x12b: {  	[tilespmem:s19], [sflag:$0x9] =	stream.linear.gather @p2 [hbm4b:s18+s4], $0x50, $0x38;
	[tilespmem:$0x1E800] =	vst v63  }
0x12c: {  	s18 =	simm.s32 $0x8000;
	_ =	sdelay $0x1  }
0x12d: {  	[tilespmem:s10], [sflag:$0x9] =	stream.linear.gather @p2 [hbm4b:s1+s4], $0x50, $0x38;
	[tilespmem:$0x1E800] =	vst v63  }
0x12e: {  	_ =	swait.ge [sflag:s24], $0x2800  }
0x12f: {  	s5 =	sor.u32 $0x580, s16;
	[sflag:s24] =	ssyncset.done $0x0  }
0x130: {  	[sflag:s24] =	ssyncadd.s32 $0xFFFFD800  }
0x131: {  	[spmem:s28] =	stream.indirect.scatter.add.f32 [tilespmem:s18], [sflag:$0x8], $0x80, s5, s17, $0xb8;
	[tilespmem:$0x1E800] =	vst v63  }
0x132: {  	_ =	swait.ge [sflag:s25], $0x2800  }
0x133: {  	[sflag:s25] =	ssyncset.done $0x0  }
0x134: {  	[sflag:s25] =	ssyncadd.s32 $0xFFFFD800  }
0x135: {  	_ =	swait.ge @!p1 [sflag:s3], $0x50  }
0x136: {  	[sflag:s3] =	ssyncset.done @!p1 $0x0  }
.Ltmp1:
0x137: {  	[sflag:s3] =	ssyncadd.s32 @!p1 $0xFFFFFFB0;
	(pc) =	sbr.rel @p0 .LBB2_4-.Ltmp1, $4  }
0x138: {  	s1 =	simm.s32 @!p1 $0x8000;
	_ =	swait.ge @!p1 [sflag:s3], $0x50  }
0x139: {  	[sflag:s3] =	ssyncset.done @!p1 $0x0  }
0x13a: {  	s13 =	sadd.s32 $0x800, s13;
	s16 =	sor.u32 $0x180, s16;
	[sflag:s3] =	ssyncadd.s32 @!p1 $0xFFFFFFB0  }
0x13b: {  	[tilespmem:s1], [sflag:$0x4] =	stream.indirect.gather @!p1 [hbm4b:s31+s2], $0x80, s0, s2, $0xb8;
	[tilespmem:$0x1E800] =	vst v63  }
0x13c: {  	[tilespmem:s16], [sflag:$0xA] =	stream.linear.gather @p2 [hbm4b:s7+s4], $0x50, $0x38;
	[tilespmem:$0x1E800] =	vst v63  }
0x13d: {  	_ = 	snop  }
0x13e: {  	[tilespmem:s5], [sflag:$0xA] =	stream.linear.gather @p2 [hbm4b:s6+s4], $0x50, $0x38;
	[tilespmem:$0x1E800] =	vst v63  }
0x13f: {  	_ =	swait.ge [sflag:s20], $0x2800  }
0x140: {  	[sflag:s20] =	ssyncset.done $0x0  }
0x141: {  	s13 =	simm.s32 $0x600;
	[sflag:s20] =	ssyncadd.s32 $0xFFFFD800  }
0x142: {  	[spmem:s28] =	stream.indirect.scatter.add.f32 [tilespmem:s15], [sflag:$0x5], $0x80, s13, s17, $0xb8;
	[tilespmem:$0x1E800] =	vst v63  }
0x143: {  	_ =	swait.ge [sflag:s21], $0x2800  }
0x144: {  	[sflag:s21] =	ssyncset.done $0x0  }
0x145: {  	[sflag:s21] =	ssyncadd.s32 $0xFFFFD800  }
0x146: {  	s0 =	stileid.u32;
	[bflag:$0x0] =	sbarrier.arrive $0xFFFF  }
0x147: {  	s12 =	simm.s32 $0xB;
	s0 =	sshll.u32 s0, $0x6;
	s3 =	rddreg [dreg:$0x1e]  }
0x148: {  	s0 =	sor.u32 $0x1C0B, s0;
	s2 =	rddreg [dreg:$0x8];
	s1 =	sshrl.u32 s3, $0x3  }
0x149: {  	[hbm:s2], [sflag:s0] =	dma.local [spmem:s1], $0x500  }
0x14a: {  	_ =	swait.ge [sflag:s12], $0x500  }
0x14b: {  	[sflag:s12] =	ssyncset.done $0x0;
	s4 =	rddreg [dreg:$0x1f]  }
0x14c: {  	s6 =	rddreg [dreg:$0x9];
	[sflag:s12] =	ssyncadd.s32 $0xFFFFFB00;
	s5 =	sshrl.u32 s4, $0x3  }
0x14d: {  	[hbm:s6], [sflag:s0] =	dma.local [spmem:s5], $0x500  }
0x14e: {  	_ =	swait.ge [sflag:s12], $0x500  }
0x14f: {  	s5 =	sld [smem:$0x7F8];
	_ =	sdelay $0x1  }
0x150: {  	[sflag:s12] =	ssyncset.done $0x0  }
0x151: {  	s8 =	rddreg [dreg:$0xa];
	[sflag:s12] =	ssyncadd.s32 $0xFFFFFB00;
	s7 =	sshrl.u32 s5, $0x3  }
0x152: {  	[hbm:s8], [sflag:s0] =	dma.local [spmem:s7], $0x500  }
0x153: {  	_ =	swait.ge [sflag:s12], $0x500  }
0x154: {  	s6 =	sld [smem:$0x7F9];
	_ =	sdelay $0x1  }
0x155: {  	[sflag:s12] =	ssyncset.done $0x0  }
0x156: {  	s10 =	rddreg [dreg:$0xb];
	[sflag:s12] =	ssyncadd.s32 $0xFFFFFB00;
	s9 =	sshrl.u32 s6, $0x3  }
0x157: {  	[hbm:s10], [sflag:s0] =	dma.local [spmem:s9], $0x500  }
0x158: {  	_ =	swait.ge [sflag:s12], $0x500  }
0x159: {  	s7 =	sld [smem:$0x7FA];
	_ =	sdelay $0x1  }
0x15a: {  	[sflag:s12] =	ssyncset.done $0x0  }
0x15b: {  	s16 =	rddreg [dreg:$0xc];
	[sflag:s12] =	ssyncadd.s32 $0xFFFFFB00;
	s11 =	sshrl.u32 s7, $0x3  }
0x15c: {  	[hbm:s16], [sflag:s0] =	dma.local [spmem:s11], $0x500  }
0x15d: {  	_ =	swait.ge [sflag:s12], $0x500  }
0x15e: {  	s8 =	sld [smem:$0x7FB];
	_ =	sdelay $0x1  }
0x15f: {  	[sflag:s12] =	ssyncset.done $0x0  }
0x160: {  	s26 =	rddreg [dreg:$0xd];
	[sflag:s12] =	ssyncadd.s32 $0xFFFFFB00;
	s19 =	sshrl.u32 s8, $0x3  }
0x161: {  	[hbm:s26], [sflag:s0] =	dma.local [spmem:s19], $0x500  }
0x162: {  	_ =	swait.ge [sflag:s12], $0x500  }
0x163: {  	s10 =	sld [smem:$0x7FC];
	_ =	sdelay $0x1  }
0x164: {  	[sflag:s12] =	ssyncset.done $0x0  }
0x165: {  	s11 =	rddreg [dreg:$0xe];
	[sflag:s12] =	ssyncadd.s32 $0xFFFFFB00;
	s9 =	sshrl.u32 s10, $0x3  }
0x166: {  	[hbm:s11], [sflag:s0] =	dma.local [spmem:s9], $0x500  }
0x167: {  	_ =	swait.ge [sflag:s12], $0x500  }
0x168: {  	s11 =	sld [smem:$0x7FD];
	_ =	sdelay $0x1  }
0x169: {  	[sflag:s12] =	ssyncset.done $0x0  }
0x16a: {  	s19 =	rddreg [dreg:$0xf];
	[sflag:s12] =	ssyncadd.s32 $0xFFFFFB00;
	s16 =	sshrl.u32 s11, $0x3  }
0x16b: {  	[hbm:s19], [sflag:s0] =	dma.local [spmem:s16], $0x500  }
0x16c: {  	_ =	swait.ge [sflag:s12], $0x500  }
0x16d: {  	s26 =	sld [smem:$0x7F7]  }
0x16e: {  	s19 =	rddreg [dreg:$0x5]  }
0x16f: {  	s19 =	sadd.s32 $0x1, s19  }
0x170: {  	p0 =	sne.s32 s19, s26  }
.Ltmp2:
0x171: {  	_ = 	snop;
	(pc) =	sbr.rel @p0 .LBB2_1-.Ltmp2, $3  }
0x172: {  	_ =	sdelay $0x1  }
0x173: {  	[sflag:s12] =	ssyncset.done $0x0  }
0x174: {  	s9 =	simm.s32 $0x5800;
	[sflag:s12] =	ssyncadd.s32 $0xFFFFFB00  }
0x175: {  	_ =	sfence.sel $0x180000  }
0x176: {  	[bflag:$0x0] =	sbarrier.arrive $0xFFFF  }
0x177: {  	_ =	strace $0x9000004A  }
0x178: {  	s0 =	stileid.u32;
	[bflag:$0x2] =	sbarrier.arrive $0xFFFF  }
0x179: {  	p0 =	sne.s32 s0, $0x0;
	s0 =	rddreg [dreg:$0x4]  }
0x17a: {  	s0 =	sadd.s32 @!p0 $0x100000, s0  }
0x17b: {  	[sflag:s0] =	ssyncadd.tile.s32 @!p0 $0x1;
	_ =	shalt  }
.Lfunc_end2:
_tile_overlayer_lowered:
.L_overlay_start_2:
0x17c: {  	(tag) =	ssettag $0x2  }
0x17d: {  	s0 =	rddreg [dreg:$0x0];
	s2 =	stileid.u32  }
0x17e: {  	s1 =	rddreg [dreg:$0x1];
	p0 =	sne.s32 s2, $0x0  }
0x17f: {  	s3 =	rddreg [dreg:$0x2];
	[bflag:$0x3] =	sbarrier.arrive $0xFFFF;
	s2 =	simm.s32 @!p0 $0x1C0B  }
0x180: {  	[timem:s3], [sflag:s2] =	dma.local @!p0 [hbm:s0], s1  }
0x181: {  	s0 =	simm.s32 @!p0 $0xB  }
0x182: {  	_ =	swait.ge @!p0 [sflag:s0], s1  }
0x183: {  	s1 =	ssub.s32 @!p0 $0x0, s1;
	[sflag:s0] =	ssyncset.done @!p0 $0x0  }
0x184: {  	[sflag:s0] =	ssyncadd.s32 @!p0 s1  }
0x185: {  	[bflag:$0x3] =	sbarrier.arrive $0xFFFF  }
0x186: {  	_ =	shalt  }

// kernel: kernel.14.cloned.1.call-start
scs
__scs_entry_jumppad:
0x0: {  	(pc) =	sbr.rel $0x88, $3  }
0x1: {  	(tag) =	ssettag $0x0;
	lr =	simm.s32 $0x1  }
0x2: {  	[smem:$0x3F9D] =	sst lr;
	_ =	strace $0xD0000000  }
0x3: {  	_ = 	snop  }
0x4: {  	_ = 	snop  }
0x5: {  	_ = 	snop  }
0x6: {  	_ = 	snop  }
0x7: {  	_ = 	snop  }
__scs_overlays_trampoline_lowered:
0x8: {  	[smem:$0x3FAC] =	sst s0  }
0x9: {  	[smem:$0x3FAD] =	sst s1  }
0xa: {  	[smem:$0x3FAE] =	sst s2  }
0xb: {  	[smem:$0x3FAF] =	sst s3  }
0xc: {  	[smem:$0x3FB0] =	sst s4  }
0xd: {  	[smem:$0x3FB1] =	sst s5  }
0xe: {  	[smem:$0x3FB2] =	sst s6  }
0xf: {  	[smem:$0x3FB3] =	sst s7  }
0x10: {  	[smem:$0x3FB4] =	sst s8  }
0x11: {  	[smem:$0x3FB5] =	sst s9;
	s0 =	simm.s32 @!p0 $0x0  }
0x12: {  	s1 =	sld [smem:$0x3F9B];
	s0 =	simm.s32 @p0 $0x1  }
0x13: {  	[smem:$0x3FB6] =	sst s0;
	s0 =	simm.s32 @!p1 $0x0  }
0x14: {  	s2 =	sld [smem:$0x3F9A];
	s0 =	simm.s32 @p1 $0x1  }
0x15: {  	[smem:$0x3FB7] =	sst s0;
	s0 =	simm.s32 @!p2 $0x0  }
0x16: {  	s3 =	sld [smem:$0x3FDB];
	s0 =	simm.s32 @p2 $0x1  }
0x17: {  	s4 =	simm.s32 $0x1BF5;
	[smem:$0x3FB9] =	sst s0  }
0x18: {  	s0 =	sld [smem:$0x3F9C];
	_ =	swait.ge [sflag:s4], $0x0  }
0x19: {  	s7 =	sld [smem:$0x3F9D]  }
0x1a: {  	s8 =	sadd.s32 $0xFFFFE003, lr  }
0x1b: {  	s9 =	sadd.s32 $0xFFFFFEF7, lr;
	s5 =	simm.s32 $0xFFFFFFFF;
	p2 =	slt.u32 s8, $0xFFFFF086  }
0x1c: {  	p1 =	slt.u32 s9, $0xF7A;
	s5 =	simm.s32 @!p2 $0x0  }
0x1d: {  	s5 =	simm.s32 @p1 $0x1;
	p0 =	seq.s32 s7, s2  }
0x1e: {  	s7 =	smul.u32 @!p0 $0xF7A, s2;
	p2 =	seq.s32 @!p0 s5, $0x0  }
0x1f: {  	s9 =	smul.u32 $0xF7A, s1;
	s8 =	simm.s32 @!p0 $0x1BF5;
	p2 =	por !p2, p0  }
0x20: {  	[sflag:s8] =	ssyncset.s32 @!p0 $0xFFFFF086;
	s6 =	sadd.s32 @!p0 s3, s7;
	s7 =	simm.s32 @!p0 $0x108  }
0x21: {  	s3 =	sadd.s32 s3, s9;
	s6 =	sadd.s32 @!p0 $0x88, s6;
	s7 =	simm.s32 @p2 $0x1082  }
0x22: {  	[simem:s7], [sflag:s8] =	dma.local @!p0 [hbm:s6], $0xF7A  }
0x23: {  	s9 =	sor.u32 $0xD0000000, s2;
	s6 =	simm.s32 $0x108;
	_ =	swait.ge @!p0 [sflag:s8], $0x0  }
0x24: {  	s3 =	sadd.s32 $0x88, s3;
	s6 =	simm.s32 @!p1 $0x1082;
	[sflag:s4] =	ssyncset.s32 $0xFFFFF086  }
0x25: {  	[simem:s6], [sflag:s4] =	dma.local [hbm:s3], $0xF7A  }
0x26: {  	[smem:$0x3F9D] =	sst s1;
	(tag) =	ssettag s2;
	_ =	strace s9  }
0x27: {  	s1 =	sld [smem:$0x3FAD]  }
0x28: {  	s2 =	sld [smem:$0x3FAE]  }
0x29: {  	s4 =	sld [smem:$0x3FB0]  }
0x2a: {  	p0 =	seq.s32 s5, $0x0;
	s5 =	sld [smem:$0x3FB1]  }
0x2b: {  	s6 =	sld [smem:$0x3FB2]  }
0x2c: {  	s7 =	sld [smem:$0x3FB3]  }
0x2d: {  	s3 =	simm.s32 $0x108;
	s8 =	sld [smem:$0x3FB4]  }
0x2e: {  	s3 =	simm.s32 @!p0 $0x1082;
	s9 =	sld [smem:$0x3FB5]  }
0x2f: {  	lr =	sadd.s32 s0, s3;
	s0 =	sld [smem:$0x3FAC]  }
0x30: {  	s3 =	sld [smem:$0x3FAF]  }
0x31: {  	[smem:$0x3FB8] =	sst s10  }
0x32: {  	s10 =	sld [smem:$0x3FB6];
	_ =	sdelay $0x3  }
0x33: {  	p0 =	seq.s32 s10, $0x1;
	s10 =	sld [smem:$0x3FB8];
	_ =	sdelay $0x3  }
0x34: {  	[smem:$0x3FB8] =	sst s10  }
0x35: {  	s10 =	sld [smem:$0x3FB7];
	_ =	sdelay $0x3  }
0x36: {  	p1 =	seq.s32 s10, $0x1;
	s10 =	sld [smem:$0x3FB8];
	_ =	sdelay $0x3  }
0x37: {  	[smem:$0x3FB8] =	sst s10  }
0x38: {  	s10 =	sld [smem:$0x3FB9]  }
0x39: {  	_ = 	snop;
	(pc) =	sbr.ind lr, $3  }
0x3a: {  	_ = 	snop  }
0x3b: {  	_ = 	snop  }
0x3c: {  	p2 =	seq.s32 s10, $0x1;
	s10 =	sld [smem:$0x3FB8]  }
0x3d: {  	_ =	shalt  }
0x3e: {  	_ =	shalt  }
0x3f: {  	_ =	shalt  }
0x40: {  	_ =	shalt  }
0x41: {  	_ =	shalt  }
0x42: {  	_ =	shalt  }
0x43: {  	_ =	shalt  }
0x44: {  	_ =	shalt  }
0x45: {  	_ =	shalt  }
0x46: {  	_ =	shalt  }
0x47: {  	_ =	shalt  }
0x48: {  	_ =	shalt  }
0x49: {  	_ =	shalt  }
0x4a: {  	_ =	shalt  }
0x4b: {  	_ =	shalt  }
0x4c: {  	_ =	shalt  }
0x4d: {  	_ =	shalt  }
0x4e: {  	_ =	shalt  }
0x4f: {  	_ =	shalt  }
0x50: {  	_ =	shalt  }
0x51: {  	_ =	shalt  }
0x52: {  	_ =	shalt  }
0x53: {  	_ =	shalt  }
0x54: {  	_ =	shalt  }
0x55: {  	_ =	shalt  }
0x56: {  	_ =	shalt  }
0x57: {  	_ =	shalt  }
0x58: {  	_ =	shalt  }
0x59: {  	_ =	shalt  }
0x5a: {  	_ =	shalt  }
0x5b: {  	_ =	shalt  }
0x5c: {  	_ =	shalt  }
0x5d: {  	_ =	shalt  }
0x5e: {  	_ =	shalt  }
0x5f: {  	_ =	shalt  }
0x60: {  	_ =	shalt  }
0x61: {  	_ =	shalt  }
0x62: {  	_ =	shalt  }
0x63: {  	_ =	shalt  }
0x64: {  	_ =	shalt  }
0x65: {  	_ =	shalt  }
0x66: {  	_ =	shalt  }
0x67: {  	_ =	shalt  }
0x68: {  	_ =	shalt  }
0x69: {  	_ =	shalt  }
0x6a: {  	_ =	shalt  }
0x6b: {  	_ =	shalt  }
0x6c: {  	_ =	shalt  }
0x6d: {  	_ =	shalt  }
0x6e: {  	_ =	shalt  }
0x6f: {  	_ =	shalt  }
0x70: {  	_ =	shalt  }
0x71: {  	_ =	shalt  }
0x72: {  	_ =	shalt  }
0x73: {  	_ =	shalt  }
0x74: {  	_ =	shalt  }
0x75: {  	_ =	shalt  }
0x76: {  	_ =	shalt  }
0x77: {  	_ =	shalt  }
0x78: {  	_ =	shalt  }
0x79: {  	_ =	shalt  }
0x7a: {  	_ =	shalt  }
0x7b: {  	_ =	shalt  }
0x7c: {  	_ =	shalt  }
0x7d: {  	_ =	shalt  }
0x7e: {  	_ =	shalt  }
0x7f: {  	_ =	shalt  }
0x80: {  	_ =	shalt  }
0x81: {  	_ =	shalt  }
0x82: {  	_ =	shalt  }
0x83: {  	_ =	shalt  }
0x84: {  	_ =	shalt  }
0x85: {  	_ =	shalt  }
0x86: {  	_ =	shalt  }
0x87: {  	_ =	shalt  }
.Lfunc_end0:
.L_simem_size_0:
called_computation.2_lowered:
.L_overlay_start_0:
0x88: {  	s2 =	sld [smem:$0x3FD9]  }
0x89: {  	s3 =	sld [smem:$0x3FFE];
	_ =	sdelay $0x1  }
0x8a: {  	s1 =	srdreg.scid  }
0x8b: {  	s0 =	sand.u32 $0x1, s1  }
0x8c: {  	s14 =	sshll.u32 s0, $0xA;
	s2 =	sadd.s32 s3, s2  }
0x8d: {  	s2 =	sadd.s32 s2, s14  }
0x8e: {  	[smem:$0x3FC4] =	sst s2  }
0x8f: {  	_ = 	snop  }
0x90: {  	s2 =	sld [smem:$0x3FD0];
	_ =	sdelay $0x2  }
0x91: {  	s15 =	simm.s32 $0xA;
	s4 =	simm.s32 $0x10  }
0x92: {  	[smem:s4], [sflag:s15] =	dma.local [hbm:s2], $0x1  }
0x93: {  	_ =	swait.eq [sflag:s15], $0x1  }
0x94: {  	[sflag:s15] =	ssyncset.done $0x0  }
0x95: {  	s16 =	sld [smem:$0x10];
	[sflag:s15] =	ssyncadd.s32 $0xFFFFFFFF  }
0x96: {  	s17 =	sld [smem:$0x11];
	(tm) =	ssettm $0x1  }
0x97: {  	s18 =	sld [smem:$0x3FFB];
	_ =	sdelay $0x3  }
0x98: {  	_ =	strace s18  }
0x99: {  	s4 =	sld [smem:$0x3FFC];
	_ =	sdelay $0x3  }
0x9a: {  	_ =	strace s4  }
0x9b: {  	s4 =	sld [smem:$0x3FFD];
	_ =	sdelay $0x3  }
0x9c: {  	_ =	strace s4  }
0x9d: {  	_ =	strace $0x8FFFFFFF  }
0x9e: {  	s19 =	sld [smem:$0x3FDB];
	_ =	sdelay $0x1  }
0x9f: {  	s5 =	simm.s32 $_scs_section_size  }
0xa0: {  	s6 =	simm.s32 $_size__tile_overlayer_lowered;
	s7 =	simm.s32 $_tile_overlayer_lowered  }
0xa1: {  	s22 =	simm.s32 $0x1BFF;
	s21 =	sshll.u32 s7, $0x1;
	s4 =	sadd.s32 s5, s19  }
0xa2: {  	s8 =	simm.s32 $0x0;
	s20 =	sshll.u32 s6, $0x1;
	s6 =	sadd.s32 s21, s4  }
0xa3: {  	[timem:s8], [sflag:s22] =	dma.local [hbm:s6], s20  }
0xa4: {  	_ =	swait.ge [sflag:s22], s20  }
0xa5: {  	s5 =	ssub.s32 $0x0, s20;
	[sflag:s22] =	ssyncset.done $0x0  }
0xa6: {  	[sflag:s22] =	ssyncadd.s32 s5;
	_ =	sdelay $0x1  }
0xa7: {  	s23 =	simm.s32 $0x1B8B  }
0xa8: {  	_ =	swait.ge [sflag:s23], $0x1  }
0xa9: {  	[sflag:s23] =	ssyncset.done $0x0  }
0xaa: {  	s25 =	simm.s32 $0x1B8E;
	s24 =	sld [smem:$0x3FFE];
	[sflag:s23] =	ssyncadd.s32 $0xFFFFFFFF  }
0xab: {  	s26 =	simm.s32 $execute0_lowered;
	[smem:$0x3FD2] =	sst s25  }
0xac: {  	s6 =	sshll.u32 s26, $0x1;
	_ =	strace $0x8000004C;
	[dreg:$0x1] =	wrdreg $0xFFFFFFFF  }
0xad: {  	s28 =	simm.s32 $_size_execute0_lowered;
	s4 =	sadd.s32 s4, s6;
	[dreg:$0x0] =	wrdreg $0x0  }
0xae: {  	s6 =	sshll.u32 s28, $0x1;
	[dreg:$0x2] =	wrdreg s4  }
0xaf: {  	[dreg:$0x3] =	wrdreg s6  }
0xb0: {  	[dreg:$0x4] =	wrdreg $0xC0  }
0xb1: {  	_ =	task [dreg:s8], $0x5FFFF  }
0xb2: {  	[dreg:$0x1] =	wrdreg $0xFFFFFFFF  }
0xb3: {  	[dreg:$0x0] =	wrdreg $0x60  }
0xb4: {  	[dreg:$0x2] =	wrdreg s24  }
0xb5: {  	[dreg:$0x3] =	wrdreg s17  }
0xb6: {  	[dreg:$0x4] =	wrdreg s16  }
0xb7: {  	[dreg:$0x5] =	wrdreg $0x69000  }
0xb8: {  	[dreg:$0x6] =	wrdreg $0x9  }
0xb9: {  	_ =	task.clear_ibuf [dreg:s8], $0x7FFFF;
	_ =	strace $0x9000004C  }
0xba: {  	s29 =	simm.s32 $0x9;
	_ =	strace $0x8000004E  }
0xbb: {  	_ =	swait.ge [sflag:s29], $0x1  }
0xbc: {  	[sflag:s29] =	ssyncadd.s32 $0xFFFFFFFF  }
0xbd: {  	_ =	strace $0x9000004E  }
0xbe: {  	_ =	sfence  }
0xbf: {  	s30 =	sld [smem:$0x0];
	_ =	sdelay $0x2  }
0xc0: {  	s31 =	sshll.u32 s1, $0xD;
	s1 =	sshrl.u32 s1, $0x2  }
0xc1: {  	s3 =	sand.u32 $0x4000, s31;
	s1 =	sadd.s32 s1, s30  }
0xc2: {  	s0 =	sor.u32 s3, s0;
	s1 =	sshll.u32 s1, $0x11  }
0xc3: {  	s0 =	sor.u32 s1, s0  }
0xc4: {  	s0 =	sadd.s32 $0x8F2B, s0  }
0xc5: {  	[sflag:s0] =	ssyncadd.remote.s32 $0x1  }
0xc6: {  	_ =	sfence.sel $0xFFFF  }
0xc7: {  	[dreg:$0x0] =	wrdreg $0xFFFFFFFF;
	(pc) =	sbr.abs _section_cstart, $3  }
0xc8: {  	[dreg:$0x1] =	wrdreg $0xFFFFFFFF  }
0xc9: {  	_ =	task.clear_ibuf [dreg:s8], $0x2FFFF;
	_ =	strace $0x9FFFFFFF  }
0xca: {  	(tm) =	ssettm $0x7FFFFFFF  }
0xcb: {  	_ =	shalt  }
tec
execute0_lowered:
.L_overlay_start_1:
0x0: {  	(tag) =	ssettag $0x1  }
0x1: {  	s0 =	rddreg [dreg:$0x0]  }
0x2: {  	s1 =	rddreg [dreg:$0x1]  }
0x3: {  	s2 =	srdreg.scid;
	s3 =	rddreg [dreg:$0x2]  }
0x4: {  	s25 =	simm.s32 $0x0;
	s20 =	stileid.u32;
	s5 =	sand.u32 $0x1, s2  }
0x5: {  	[smem:$0x7FF] =	sst s25;
	s7 =	sshll.u32 s20, $0x1;
	s4 =	smul.u32 $0xC800, s20  }
0x6: {  	s13 =	sadd.s32 $0x1A600, s0;
	s2 =	ssub.s32 $0x2, s5;
	s14 =	sor.u32 s5, s7  }
0x7: {  	s15 =	smul.u32 $0xC8000, s5;
	s6 =	sshrl.u32 s2, $0x1;
	s7 =	sadd.s32 $0x3200, s4  }
0x8: {  	s8 =	sadd.s32 $0x4B00, s4;
	s9 =	sadd.s32 $0x6400, s4;
	s10 =	sadd.s32 $0x7D00, s4  }
0x9: {  	s11 =	sadd.s32 $0x9600, s4;
	s12 =	sadd.s32 $0xAF00, s4;
	s17 =	smul.u32 $0x4E2, s14  }
0xa: {  	s14 =	smul.u32 $0x2710, s14;
	s2 =	ssub.s32 s2, s6;
	s6 =	sadd.s32 $0x1900, s4  }
0xb: {  	s16 =	sadd.s32 s4, s15;
	s24 =	sadd.s32 s15, s7;
	s26 =	sadd.s32 s15, s8  }
0xc: {  	s19 =	sadd.s32 s15, s9;
	s21 =	sadd.s32 s15, s10;
	s22 =	sadd.s32 s15, s11  }
0xd: {  	s16 =	sshrl.u32 s16, $0x3;
	s18 =	sadd.s32 s15, s6;
	s19 =	sshrl.u32 s19, $0x3  }
0xe: {  	s15 =	sadd.s32 s15, s12;
	s16 =	sadd.s32 s13, s16;
	s23 =	sshrl.u32 s18, $0x3  }
0xf: {  	s18 =	sshrl.u32 s26, $0x3;
	s26 =	sadd.s32 s3, s17;
	[dreg:$0x6] =	wrdreg s16  }
0x10: {  	s15 =	sshrl.u32 s15, $0x3;
	s16 =	sadd.s32 s13, s23;
	[dreg:$0xf] =	wrdreg s26  }
0x11: {  	s18 =	sadd.s32 s13, s18;
	[dreg:$0x7] =	wrdreg s16;
	s16 =	sshrl.u32 s24, $0x3  }
0x12: {  	[dreg:$0x9] =	wrdreg s18;
	s18 =	sshrl.u32 s22, $0x3;
	s16 =	sadd.s32 s13, s16  }
0x13: {  	s24 =	sadd.s32 s1, s17;
	[dreg:$0x8] =	wrdreg s16;
	s16 =	sadd.s32 s13, s19  }
0x14: {  	s23 =	sadd.s32 s13, s18;
	[dreg:$0xa] =	wrdreg s16;
	s16 =	sshrl.u32 s21, $0x3  }
0x15: {  	[dreg:$0xe] =	wrdreg s24;
	s16 =	sadd.s32 s13, s16;
	s13 =	sadd.s32 s13, s15  }
0x16: {  	[dreg:$0xd] =	wrdreg s13;
	s13 =	sshrl.u32 s14, $0x3  }
0x17: {  	s28 =	simm.s32 $0x50;
	[dreg:$0xc] =	wrdreg s23;
	s15 =	sadd.s32 $0xA, s13  }
0x18: {  	s31 =	sadd.s32 $0x1E00, s0;
	[dreg:$0xb] =	wrdreg s16;
	s18 =	sadd.s32 s1, s15  }
0x19: {  	s17 =	sadd.s32 $0x14, s13;
	s14 =	sadd.s32 s3, s15;
	[dreg:$0x10] =	wrdreg s18  }
0x1a: {  	s5 =	smul.u32 $0x4E2, s5;
	s19 =	sadd.s32 s1, s17;
	[dreg:$0x11] =	wrdreg s14  }
0x1b: {  	s22 =	sadd.s32 $0x1E, s13;
	s21 =	sadd.s32 s3, s17;
	[dreg:$0x12] =	wrdreg s19  }
0x1c: {  	s23 =	sadd.s32 $0x28, s13;
	s24 =	sadd.s32 s1, s22;
	[dreg:$0x13] =	wrdreg s21  }
0x1d: {  	s26 =	sadd.s32 s1, s23;
	s16 =	sadd.s32 s3, s23;
	[dreg:$0x14] =	wrdreg s24  }
0x1e: {  	s17 =	sadd.s32 $0x32, s13;
	s23 =	smul.u32 $0x9C4, s20;
	[dreg:$0x16] =	wrdreg s26  }
0x1f: {  	s15 =	simm.s32 $0x1;
	s14 =	sadd.s32 s3, s22;
	[dreg:$0x17] =	wrdreg s16  }
0x20: {  	s20 =	simm.s32 $0x3;
	s19 =	sadd.s32 s1, s17;
	[dreg:$0x15] =	wrdreg s14  }
0x21: {  	s18 =	sadd.s32 $0x3C, s13;
	[dreg:$0x18] =	wrdreg s19;
	s14 =	sadd.s32 s3, s17  }
0x22: {  	s13 =	sadd.s32 $0x46, s13;
	s21 =	sadd.s32 s1, s18;
	[dreg:$0x19] =	wrdreg s14  }
0x23: {  	s26 =	smax.u32 s2, $0x1;
	s22 =	sadd.s32 s3, s18;
	[dreg:$0x1a] =	wrdreg s21  }
0x24: {  	s16 =	simm.s32 $0x5;
	s24 =	sadd.s32 s1, s13;
	[dreg:$0x1b] =	wrdreg s22  }
0x25: {  	s13 =	sadd.s32 s3, s13;
	s1 =	sadd.s32 s23, s1;
	[dreg:$0x1c] =	wrdreg s24  }
0x26: {  	s3 =	sadd.s32 s23, s3;
	s17 =	simm.s32 $0x500;
	[dreg:$0x1d] =	wrdreg s13  }
0x27: {  	s23 =	simm.s32 $0x50;
	s21 =	rddreg [dreg:$0x3];
	s30 =	sadd.s32 s5, s3  }
0x28: {  	_ =	strace $0x8000004D;
	s3 =	sadd.s32 s4, s21;
	[smem:$0x7F7] =	sst s26  }
0x29: {  	s19 =	simm.s32 $0x3700;
	s4 =	sadd.s32 s6, s21;
	[dreg:$0x1e] =	wrdreg s3  }
0x2a: {  	s29 =	sadd.s32 s5, s1;
	s5 =	sadd.s32 s7, s21;
	[dreg:$0x1f] =	wrdreg s4  }
0x2b: {  	s18 =	simm.s32 $0x5000;
	s6 =	sadd.s32 s8, s21;
	[smem:$0x7F8] =	sst s5  }
0x2c: {  	s14 =	simm.s32 $0x9;
	s7 =	sadd.s32 s9, s21;
	[smem:$0x7F9] =	sst s6  }
0x2d: {  	s13 =	simm.s32 $0x3C0;
	s8 =	sadd.s32 s10, s21;
	[smem:$0x7FA] =	sst s7  }
0x2e: {  	s24 =	simm.s32 $0x7;
	s9 =	sadd.s32 s11, s21;
	[smem:$0x7FB] =	sst s8  }
0x2f: {  	s22 =	simm.s32 $0x4;
	s10 =	sadd.s32 s12, s21;
	[smem:$0x7FC] =	sst s9  }
0x30: {  	v0 =	vimm.f32 $0.0e+00;
	s12 =	simm.s32 $0xB;
	s11 =	simm.s32 $0x8;
	[smem:$0x7FD] =	sst s10  }
.LBB2_1:
0x31: {  	[dreg:$0x5] =	wrdreg s25;
	s1 =	simm.s32 $0x140;
	s0 =	simm.s32 $0x0  }
.LBB2_2:
0x32: {  	p0 =	sne.s32 s1, $0x62C0;
	[tilespmem:s0+$0x540] =	vst v0;
	s2 =	smov.u32 s1;
	s1 =	sadd.s32 $0x140, s1  }
.Ltmp0:
0x33: {  	[tilespmem:s0+$0x530] =	vst v0;
	(pc) =	sbr.rel @p0 .LBB2_2-.Ltmp0, $4  }
0x34: {  	[tilespmem:s0+$0x520] =	vst v0  }
0x35: {  	[tilespmem:s0+$0x500] =	vst v0  }
0x36: {  	[tilespmem:s0+$0x510] =	vst v0  }
0x37: {  	s0 =	sshra.s32 s2, $0x2  }
0x38: {  	[tilespmem:s0+$0x540] =	vst v0  }
0x39: {  	[tilespmem:s0+$0x530] =	vst v0  }
0x3a: {  	[tilespmem:s0+$0x520] =	vst v0  }
0x3b: {  	[tilespmem:s0+$0x500] =	vst v0  }
0x3c: {  	[tilespmem:s0+$0x510] =	vst v0  }
0x3d: {  	[spmem:s3] =	stream.linear.scatter [tilespmem:s17], [sflag:$0xB], $0x1900, $0x38;
	[tilespmem:$0x13100] =	vst v63  }
0x3e: {  	_ =	swait.ge [sflag:s12], $0x1900  }
0x3f: {  	[sflag:s12] =	ssyncset.done $0x0  }
0x40: {  	[sflag:s12] =	ssyncadd.s32 $0xFFFFE700  }
0x41: {  	[spmem:s4] =	stream.linear.scatter [tilespmem:s17], [sflag:$0xB], $0x1900, $0x38;
	[tilespmem:$0x13100] =	vst v63  }
0x42: {  	_ =	swait.ge [sflag:s12], $0x1900  }
0x43: {  	[sflag:s12] =	ssyncset.done $0x0  }
0x44: {  	[sflag:s12] =	ssyncadd.s32 $0xFFFFE700  }
0x45: {  	[spmem:s5] =	stream.linear.scatter [tilespmem:s17], [sflag:$0xB], $0x1900, $0x38;
	[tilespmem:$0x13100] =	vst v63  }
0x46: {  	_ =	swait.ge [sflag:s12], $0x1900  }
0x47: {  	[sflag:s12] =	ssyncset.done $0x0  }
0x48: {  	[sflag:s12] =	ssyncadd.s32 $0xFFFFE700  }
0x49: {  	[spmem:s6] =	stream.linear.scatter [tilespmem:s17], [sflag:$0xB], $0x1900, $0x38;
	[tilespmem:$0x13100] =	vst v63  }
0x4a: {  	_ =	swait.ge [sflag:s12], $0x1900  }
0x4b: {  	[sflag:s12] =	ssyncset.done $0x0  }
0x4c: {  	[sflag:s12] =	ssyncadd.s32 $0xFFFFE700  }
0x4d: {  	[spmem:s7] =	stream.linear.scatter [tilespmem:s17], [sflag:$0xB], $0x1900, $0x38;
	[tilespmem:$0x13100] =	vst v63  }
0x4e: {  	_ =	swait.ge [sflag:s12], $0x1900  }
0x4f: {  	[sflag:s12] =	ssyncset.done $0x0  }
0x50: {  	[sflag:s12] =	ssyncadd.s32 $0xFFFFE700  }
0x51: {  	[spmem:s8] =	stream.linear.scatter [tilespmem:s17], [sflag:$0xB], $0x1900, $0x38;
	[tilespmem:$0x13100] =	vst v63  }
0x52: {  	_ =	swait.ge [sflag:s12], $0x1900  }
0x53: {  	[sflag:s12] =	ssyncset.done $0x0  }
0x54: {  	[sflag:s12] =	ssyncadd.s32 $0xFFFFE700  }
0x55: {  	[spmem:s9] =	stream.linear.scatter [tilespmem:s17], [sflag:$0xB], $0x1900, $0x38;
	[tilespmem:$0x13100] =	vst v63  }
0x56: {  	_ =	swait.ge [sflag:s12], $0x1900  }
0x57: {  	[sflag:s12] =	ssyncset.done $0x0  }
0x58: {  	[sflag:s12] =	ssyncadd.s32 $0xFFFFE700  }
0x59: {  	[spmem:s10] =	stream.linear.scatter [tilespmem:s17], [sflag:$0xB], $0x1900, $0x38;
	[tilespmem:$0x13100] =	vst v63  }
0x5a: {  	_ =	swait.ge [sflag:s12], $0x1900  }
0x5b: {  	[sflag:s12] =	ssyncset.done $0x0  }
0x5c: {  	[sflag:s12] =	ssyncadd.s32 $0xFFFFE700  }
0x5d: {  	[bflag:$0x0] =	sbarrier.arrive $0xFFFF  }
0x5e: {  	s0 =	simm.s32 $0x0;
	s1 =	rddreg [dreg:$0xe]  }
0x5f: {  	[tilespmem:s0], [sflag:$0x9] =	stream.linear.gather [hbm4b:s1+s0], $0x50, $0x38;
	[tilespmem:$0x13100] =	vst v63  }
0x60: {  	s2 =	simm.s32 $0x280;
	s9 =	rddreg [dreg:$0xf]  }
0x61: {  	[tilespmem:s2], [sflag:$0x9] =	stream.linear.gather [hbm4b:s9+s0], $0x50, $0x38;
	[tilespmem:$0x13100] =	vst v63  }
0x62: {  	s10 =	rddreg [dreg:$0x10]  }
0x63: {  	[tilespmem:s23], [sflag:$0xA] =	stream.linear.gather [hbm4b:s10+s0], $0x50, $0x38;
	[tilespmem:$0x13100] =	vst v63  }
0x64: {  	s25 =	simm.s32 $0x2D0;
	s12 =	rddreg [dreg:$0x11]  }
0x65: {  	[tilespmem:s25], [sflag:$0xA] =	stream.linear.gather [hbm4b:s12+s0], $0x50, $0x38;
	[tilespmem:$0x13100] =	vst v63  }
0x66: {  	s26 =	rddreg [dreg:$0x12];
	s2 =	simm.s32 $0xA0  }
0x67: {  	[tilespmem:s2], [sflag:$0x9] =	stream.linear.gather [hbm4b:s26+s0], $0x50, $0x38;
	[tilespmem:$0x13100] =	vst v63  }
0x68: {  	s4 =	simm.s32 $0x320;
	s3 =	rddreg [dreg:$0x13]  }
0x69: {  	[tilespmem:s4], [sflag:$0x9] =	stream.linear.gather [hbm4b:s3+s0], $0x50, $0x38;
	[tilespmem:$0x13100] =	vst v63  }
0x6a: {  	s5 =	rddreg [dreg:$0x14];
	s3 =	simm.s32 $0xF0  }
0x6b: {  	[tilespmem:s3], [sflag:$0xA] =	stream.linear.gather [hbm4b:s5+s0], $0x50, $0x38;
	[tilespmem:$0x13100] =	vst v63  }
0x6c: {  	s7 =	simm.s32 $0x370;
	s6 =	rddreg [dreg:$0x15]  }
0x6d: {  	[tilespmem:s7], [sflag:$0xA] =	stream.linear.gather [hbm4b:s6+s0], $0x50, $0x38;
	[tilespmem:$0x13100] =	vst v63  }
0x6e: {  	_ =	swait.ge [sflag:s14], $0x50  }
0x6f: {  	[sflag:s14] =	ssyncset.done $0x0  }
0x70: {  	[sflag:s14] =	ssyncadd.s32 $0xFFFFFFB0  }
0x71: {  	_ =	swait.ge [sflag:s14], $0x50  }
0x72: {  	[sflag:s14] =	ssyncset.done $0x0  }
0x73: {  	s8 =	simm.s32 $0xA;
	[sflag:s14] =	ssyncadd.s32 $0xFFFFFFB0  }
0x74: {  	_ =	swait.ge [sflag:s8], $0x50  }
0x75: {  	[sflag:s8] =	ssyncset.done $0x0  }
0x76: {  	[sflag:s8] =	ssyncadd.s32 $0xFFFFFFB0  }
0x77: {  	_ =	swait.ge [sflag:s8], $0x50  }
0x78: {  	[sflag:s8] =	ssyncset.done $0x0  }
0x79: {  	[sflag:s8] =	ssyncadd.s32 $0xFFFFFFB0  }
0x7a: {  	_ =	swait.ge [sflag:s14], $0x50  }
0x7b: {  	[sflag:s14] =	ssyncset.done $0x0  }
0x7c: {  	[sflag:s14] =	ssyncadd.s32 $0xFFFFFFB0  }
0x7d: {  	_ =	swait.ge [sflag:s14], $0x50  }
0x7e: {  	[sflag:s14] =	ssyncset.done $0x0  }
0x7f: {  	[sflag:s14] =	ssyncadd.s32 $0xFFFFFFB0  }
0x80: {  	_ =	swait.ge [sflag:s8], $0x50  }
0x81: {  	[sflag:s8] =	ssyncset.done $0x0  }
0x82: {  	[sflag:s8] =	ssyncadd.s32 $0xFFFFFFB0  }
0x83: {  	_ =	swait.ge [sflag:s8], $0x50  }
0x84: {  	[sflag:s8] =	ssyncset.done $0x0  }
0x85: {  	s10 =	simm.s32 $0x140;
	s9 =	rddreg [dreg:$0x16];
	[sflag:s8] =	ssyncadd.s32 $0xFFFFFFB0  }
0x86: {  	[tilespmem:s10], [sflag:$0x9] =	stream.linear.gather [hbm4b:s9+s0], $0x50, $0x38;
	[tilespmem:$0x13100] =	vst v63  }
0x87: {  	s12 =	rddreg [dreg:$0x17]  }
0x88: {  	[tilespmem:s13], [sflag:$0x9] =	stream.linear.gather [hbm4b:s12+s0], $0x50, $0x38;
	[tilespmem:$0x13100] =	vst v63  }
0x89: {  	s26 =	simm.s32 $0x190;
	s25 =	rddreg [dreg:$0x18]  }
0x8a: {  	[tilespmem:s26], [sflag:$0xA] =	stream.linear.gather [hbm4b:s25+s0], $0x50, $0x38;
	[tilespmem:$0x13100] =	vst v63  }
0x8b: {  	s5 =	simm.s32 $0x410;
	s4 =	rddreg [dreg:$0x19]  }
0x8c: {  	[tilespmem:s5], [sflag:$0xA] =	stream.linear.gather [hbm4b:s4+s0], $0x50, $0x38;
	[tilespmem:$0x13100] =	vst v63  }
0x8d: {  	s7 =	simm.s32 $0x1E0;
	s6 =	rddreg [dreg:$0x1a]  }
0x8e: {  	[tilespmem:s7], [sflag:$0x9] =	stream.linear.gather [hbm4b:s6+s0], $0x50, $0x38;
	[tilespmem:$0x13100] =	vst v63  }
0x8f: {  	s8 =	rddreg [dreg:$0x1b];
	s9 =	simm.s32 $0x460  }
0x90: {  	[tilespmem:s9], [sflag:$0x9] =	stream.linear.gather [hbm4b:s8+s0], $0x50, $0x38;
	[tilespmem:$0x13100] =	vst v63  }
0x91: {  	s10 =	rddreg [dreg:$0x1c];
	s12 =	simm.s32 $0x230  }
0x92: {  	[tilespmem:s12], [sflag:$0xA] =	stream.linear.gather [hbm4b:s10+s0], $0x50, $0x38;
	[tilespmem:$0x13100] =	vst v63  }
0x93: {  	s13 =	rddreg [dreg:$0x1d];
	s25 =	simm.s32 $0x4B0  }
0x94: {  	[tilespmem:s25], [sflag:$0xA] =	stream.linear.gather [hbm4b:s13+s0], $0x50, $0x38;
	[tilespmem:$0x13100] =	vst v63  }
0x95: {  	_ = 	snop  }
0x96: {  	[tilespmem:s17], [sflag:$0x1] =	stream.indirect.gather [hbm4b:s31+s23], $0x50, s0, s23, $0xb8;
	[tilespmem:$0x13100] =	vst v63  }
0x97: {  	s26 =	simm.s32 $0x1E00  }
0x98: {  	[tilespmem:s26], [sflag:$0x2] =	stream.indirect.gather [hbm4b:s31+s23], $0x50, s23, s23, $0xb8;
	[tilespmem:$0x13100] =	vst v63  }
0x99: {  	_ = 	snop  }
0x9a: {  	[tilespmem:s19], [sflag:$0x3] =	stream.indirect.gather [hbm4b:s31+s23], $0x50, s2, s23, $0xb8;
	[tilespmem:$0x13100] =	vst v63  }
0x9b: {  	s0 =	sand.u32 $0x4, s0  }
0x9c: {  	[tilespmem:s18], [sflag:$0x4] =	stream.indirect.gather [hbm4b:s31+s23], $0x50, s3, s23, $0xb8;
	[tilespmem:$0x13100] =	vst v63  }
0x9d: {  	s2 =	smul.u32 $0x50, s0;
	_ =	swait.ge [sflag:s15], $0x1900  }
0x9e: {  	[sflag:s15] =	ssyncset.done $0x0  }
0x9f: {  	s1 =	sadd.s32 $0x280, s2;
	[sflag:s15] =	ssyncadd.s32 $0xFFFFE700  }
0xa0: {  	[spmem:s21] =	stream.indirect.scatter.add.f32 [tilespmem:s17], [sflag:$0x5], $0x50, s1, s23, $0xb8;
	[tilespmem:$0x13100] =	vst v63  }
0xa1: {  	_ =	swait.ge [sflag:s16], $0x1900  }
0xa2: {  	[sflag:s16] =	ssyncset.done $0x0  }
0xa3: {  	[sflag:s16] =	ssyncadd.s32 $0xFFFFE700  }
0xa4: {  	_ =	swait.ge [sflag:s14], $0x50  }
0xa5: {  	[sflag:s14] =	ssyncset.done $0x0  }
0xa6: {  	s0 =	sxor.u32 $0x4, s0;
	[sflag:s14] =	ssyncadd.s32 $0xFFFFFFB0  }
0xa7: {  	s0 =	smul.u32 $0x140, s0;
	_ =	swait.ge [sflag:s14], $0x50  }
0xa8: {  	p0 =	por $0x0, $0x0;
	[sflag:s14] =	ssyncset.done $0x0  }
0xa9: {  	s3 =	simm.s32 @p0 $0x2;
	s0 =	sshrl.u32 s0, $0x2;
	[sflag:s14] =	ssyncadd.s32 $0xFFFFFFB0  }
0xaa: {  	[tilespmem:s17], [sflag:$0x1] =	stream.indirect.gather [hbm4b:s31+s23], $0x50, s0, s23, $0xb8;
	[tilespmem:$0x13100] =	vst v63  }
0xab: {  	_ =	swait.ge @p0 [sflag:s3], $0x1900  }
0xac: {  	s4 =	simm.s32 @p0 $0x2D0;
	s5 =	simm.s32 @p0 $0x6;
	[sflag:s3] =	ssyncset.done @p0 $0x0  }
0xad: {  	s0 =	simm.s32 @p0 $0x50;
	[sflag:s3] =	ssyncadd.s32 @p0 $0xFFFFE700;
	s3 =	simm.s32 @p0 $0x1E00  }
0xae: {  	[spmem:s21] =	stream.indirect.scatter.add.f32 @p0 [tilespmem:s3], [sflag:$0x6], $0x50, s4, s0, $0xb8;
	[tilespmem:$0x13100] =	vst v63  }
0xaf: {  	_ =	swait.ge @p0 [sflag:s5], $0x1900  }
0xb0: {  	s0 =	sadd.s32 @!p0 $0x0, s29;
	s3 =	sadd.s32 @!p0 $0x0, s30;
	[sflag:s5] =	ssyncset.done @p0 $0x0  }
0xb1: {  	s4 =	simm.s32 @!p0 $0x0;
	s0 =	sadd.s32 @!p0 $0x50, s0;
	[sflag:s5] =	ssyncadd.s32 @p0 $0xFFFFE700  }
0xb2: {  	[tilespmem:s2], [sflag:$0x9] =	stream.linear.gather @!p0 [hbm4b:s0+s4], $0x50, $0x38;
	[tilespmem:$0x13100] =	vst v63  }
0xb3: {  	s0 =	sadd.s32 @!p0 $0x50, s3;
	s3 =	simm.s32 @!p0 $0x2  }
0xb4: {  	[tilespmem:s1], [sflag:$0x9] =	stream.linear.gather @!p0 [hbm4b:s0+s4], $0x50, $0x38;
	[tilespmem:$0x13100] =	vst v63  }
0xb5: {  	_ =	swait.ge @!p0 [sflag:s3], $0x1900  }
0xb6: {  	s5 =	simm.s32 @!p0 $0x1E00;
	s1 =	sadd.s32 @!p0 $0x2D0, s2;
	[sflag:s3] =	ssyncset.done @!p0 $0x0  }
0xb7: {  	s0 =	simm.s32 @!p0 $0x50;
	s4 =	simm.s32 @!p0 $0x6;
	[sflag:s3] =	ssyncadd.s32 @!p0 $0xFFFFE700  }
0xb8: {  	[spmem:s21] =	stream.indirect.scatter.add.f32 @!p0 [tilespmem:s5], [sflag:$0x6], $0x50, s1, s0, $0xb8;
	[tilespmem:$0x13100] =	vst v63  }
0xb9: {  	_ =	swait.ge @!p0 [sflag:s4], $0x1900  }
0xba: {  	[sflag:s4] =	ssyncset.done @!p0 $0x0  }
0xbb: {  	s3 =	simm.s32 @!p0 $0xA;
	[sflag:s4] =	ssyncadd.s32 @!p0 $0xFFFFE700  }
0xbc: {  	_ =	swait.ge @!p0 [sflag:s3], $0x50  }
0xbd: {  	s4 =	simm.s32 @!p0 $0x5;
	[sflag:s3] =	ssyncset.done @!p0 $0x0  }
0xbe: {  	p1 =	por @!p0 $0x0, $0x0;
	s4 =	sand.u32 @!p0 $0x5, s4;
	[sflag:s3] =	ssyncadd.s32 @!p0 $0xFFFFFFB0  }
0xbf: {  	p2 =	por p1, p0;
	s4 =	smul.u32 @!p0 $0x140, s4;
	_ =	swait.ge @!p0 [sflag:s3], $0x50  }
0xc0: {  	s7 =	sadd.s32 @!p2 $0x0, s29;
	[sflag:s3] =	ssyncset.done @!p0 $0x0  }
0xc1: {  	s6 =	sadd.s32 @!p0 $0x50, s2;
	s4 =	sshrl.u32 @!p0 s4, $0x2;
	[sflag:s3] =	ssyncadd.s32 @!p0 $0xFFFFFFB0  }
0xc2: {  	[tilespmem:s5], [sflag:$0x2] =	stream.indirect.gather @!p0 [hbm4b:s31+s0], $0x50, s4, s0, $0xb8;
	[tilespmem:$0x13100] =	vst v63  }
0xc3: {  	s4 =	sadd.s32 @!p2 $0x0, s30;
	s5 =	sadd.s32 @!p2 $0x5A, s7;
	s7 =	simm.s32 @!p2 $0x0  }
0xc4: {  	[tilespmem:s6], [sflag:$0xA] =	stream.linear.gather @!p2 [hbm4b:s5+s7], $0x50, $0x38;
	[tilespmem:$0x13100] =	vst v63  }
0xc5: {  	s4 =	sadd.s32 @!p2 $0x5A, s4  }
0xc6: {  	[tilespmem:s1], [sflag:$0xA] =	stream.linear.gather @!p2 [hbm4b:s4+s7], $0x50, $0x38;
	[tilespmem:$0x13100] =	vst v63  }
0xc7: {  	_ =	swait.ge [sflag:s20], $0x1900  }
0xc8: {  	[sflag:s20] =	ssyncset.done $0x0  }
0xc9: {  	s1 =	sadd.s32 $0x320, s2;
	[sflag:s20] =	ssyncadd.s32 $0xFFFFE700  }
0xca: {  	[spmem:s21] =	stream.indirect.scatter.add.f32 [tilespmem:s19], [sflag:$0x7], $0x50, s1, s23, $0xb8;
	[tilespmem:$0x13100] =	vst v63  }
0xcb: {  	_ =	swait.ge [sflag:s24], $0x1900  }
0xcc: {  	[sflag:s24] =	ssyncset.done $0x0  }
0xcd: {  	p3 =	por @!p0 $0x0, $0x0;
	s5 =	simm.s32 @!p0 $0x9;
	[sflag:s24] =	ssyncadd.s32 $0xFFFFE700  }
0xce: {  	p1 =	por !p1, p0;
	p4 =	por @!p2 $0x1, $0x1;
	_ =	swait.ge @!p0 [sflag:s5], $0x50  }
0xcf: {  	p4 =	por @!p1 p3, p3;
	s4 =	simm.s32 @!p0 $0x6;
	[sflag:s5] =	ssyncset.done @!p0 $0x0  }
0xd0: {  	p2 =	por @p0 $0x0, $0x0;
	s4 =	sand.u32 @!p0 $0x6, s4;
	[sflag:s5] =	ssyncadd.s32 @!p0 $0xFFFFFFB0  }
0xd1: {  	p2 =	por @!p0 p4, p4;
	s4 =	smul.u32 @!p0 $0x140, s4;
	_ =	swait.ge @!p0 [sflag:s5], $0x50  }
0xd2: {  	s6 =	sadd.s32 @p2 $0x0, s29;
	s13 =	sadd.s32 @p2 $0x0, s30;
	[sflag:s5] =	ssyncset.done @!p0 $0x0  }
0xd3: {  	s4 =	sshrl.u32 @!p0 s4, $0x2;
	[sflag:s5] =	ssyncadd.s32 @!p0 $0xFFFFFFB0;
	s5 =	simm.s32 @!p0 $0x3700  }
0xd4: {  	[tilespmem:s5], [sflag:$0x3] =	stream.indirect.gather @!p0 [hbm4b:s31+s0], $0x50, s4, s0, $0xb8;
	[tilespmem:$0x13100] =	vst v63  }
0xd5: {  	s7 =	simm.s32 @p2 $0x0;
	s4 =	sadd.s32 @p2 $0x64, s6;
	s5 =	sadd.s32 $0xA0, s2  }
0xd6: {  	[tilespmem:s5], [sflag:$0x9] =	stream.linear.gather @p2 [hbm4b:s4+s7], $0x50, $0x38;
	[tilespmem:$0x13100] =	vst v63  }
0xd7: {  	s4 =	sadd.s32 @p2 $0x64, s13  }
0xd8: {  	[tilespmem:s1], [sflag:$0x9] =	stream.linear.gather @p2 [hbm4b:s4+s7], $0x50, $0x38;
	[tilespmem:$0x13100] =	vst v63  }
0xd9: {  	_ =	swait.ge [sflag:s22], $0x1900  }
0xda: {  	[sflag:s22] =	ssyncset.done $0x0  }
0xdb: {  	s10 =	sadd.s32 $0x370, s2;
	[sflag:s22] =	ssyncadd.s32 $0xFFFFE700  }
0xdc: {  	[spmem:s21] =	stream.indirect.scatter.add.f32 [tilespmem:s18], [sflag:$0x8], $0x50, s10, s23, $0xb8;
	[tilespmem:$0x13100] =	vst v63  }
0xdd: {  	s12 =	simm.s32 $0x4;
	_ =	swait.ge [sflag:s11], $0x1900  }
0xde: {  	s25 =	simm.s32 $0x28;
	s16 =	sand.u32 $0x4, s12;
	[sflag:s11] =	ssyncset.done $0x0  }
0xdf: {  	s26 =	simm.s32 $0x50;
	s8 =	sxor.u32 $0x4, s16;
	[sflag:s11] =	ssyncadd.s32 $0xFFFFE700  }
0xe0: {  	s20 =	simm.s32 $0x1;
	s15 =	sadd.s32 @p2 $0x6E, s13;
	_ =	swait.ge @!p0 [sflag:s3], $0x50  }
0xe1: {  	s24 =	simm.s32 $0x4;
	s1 =	simm.s32 @!p0 $0xFFFFFFFF;
	[sflag:s3] =	ssyncset.done @!p0 $0x0  }
0xe2: {  	s2 =	sadd.s32 $0xF0, s2;
	s1 =	sand.u32 @!p0 $0x7, s1;
	[sflag:s3] =	ssyncadd.s32 @!p0 $0xFFFFFFB0  }
0xe3: {  	s13 =	simm.s32 $0x1;
	s1 =	smul.u32 @!p0 $0x140, s1;
	_ =	swait.ge @!p0 [sflag:s3], $0x50  }
0xe4: {  	s22 =	simm.s32 $0x3;
	s23 =	simm.s32 $0x7;
	[sflag:s3] =	ssyncset.done @!p0 $0x0  }
0xe5: {  	s1 =	sshrl.u32 @!p0 s1, $0x2;
	[sflag:s3] =	ssyncadd.s32 @!p0 $0xFFFFFFB0;
	s3 =	simm.s32 @!p0 $0x5000  }
0xe6: {  	[tilespmem:s3], [sflag:$0x4] =	stream.indirect.gather @!p0 [hbm4b:s31+s0], $0x50, s1, s0, $0xb8;
	[tilespmem:$0x13100] =	vst v63  }
0xe7: {  	s11 =	simm.s32 $0x8;
	s1 =	sadd.s32 @p2 $0x6E, s6;
	s0 =	simm.s32 $0x8  }
.LBB2_4:
0xe8: {  	[tilespmem:s2], [sflag:$0xA] =	stream.linear.gather @p2 [hbm4b:s1+s7], $0x50, $0x38;
	[tilespmem:$0x13100] =	vst v63  }
0xe9: {  	s3 =	smov.u32 s26  }
0xea: {  	s26 =	sadd.s32 $0x28, s26;
	s2 =	smul.u32 $0x50, s16;
	s16 =	sand.u32 $0x4, s0  }
0xeb: {  	[tilespmem:s10], [sflag:$0xA] =	stream.linear.gather @p2 [hbm4b:s15+s7], $0x50, $0x38;
	[tilespmem:$0x13100] =	vst v63  }
0xec: {  	s4 =	sxor.u32 $0x4, s16;
	s1 =	sadd.s32 $0x280, s2;
	_ =	swait.ge [sflag:s20], $0x1900  }
0xed: {  	p0 =	sne.s32 s26, $0x4D8;
	[sflag:s20] =	ssyncset.done $0x0  }
0xee: {  	s5 =	simm.s32 $0x5;
	[sflag:s20] =	ssyncadd.s32 $0xFFFFE700  }
0xef: {  	[spmem:s21] =	stream.indirect.scatter.add.f32 [tilespmem:s17], [sflag:$0x5], $0x50, s1, s28, $0xb8;
	[tilespmem:$0x13100] =	vst v63  }
0xf0: {  	_ =	swait.ge [sflag:s5], $0x1900  }
0xf1: {  	[sflag:s5] =	ssyncset.done $0x0  }
0xf2: {  	[sflag:s5] =	ssyncadd.s32 $0xFFFFE700  }
0xf3: {  	_ =	swait.ge [sflag:s14], $0x50  }
0xf4: {  	s5 =	smul.u32 $0x140, s8;
	s8 =	smov.u32 s4;
	[sflag:s14] =	ssyncset.done $0x0  }
0xf5: {  	[sflag:s14] =	ssyncadd.s32 $0xFFFFFFB0  }
0xf6: {  	p1 =	seq.s32 s25, $0x4B0;
	s4 =	sshrl.u32 s5, $0x2;
	_ =	swait.ge [sflag:s14], $0x50  }
0xf7: {  	s6 =	sadd.s32 @!p1 s25, s29;
	s5 =	simm.s32 @p1 $0x2;
	[sflag:s14] =	ssyncset.done $0x0  }
0xf8: {  	s6 =	sadd.s32 @!p1 $0x50, s6;
	s7 =	sadd.s32 @!p1 $0x6, s12;
	[sflag:s14] =	ssyncadd.s32 $0xFFFFFFB0  }
0xf9: {  	[tilespmem:s17], [sflag:$0x1] =	stream.indirect.gather [hbm4b:s31+s28], $0x50, s4, s28, $0xb8;
	[tilespmem:$0x13100] =	vst v63  }
0xfa: {  	s10 =	simm.s32 @p1 $0x2D0;
	s4 =	simm.s32 @p1 $0x50;
	_ =	swait.ge @p1 [sflag:s5], $0x1900  }
0xfb: {  	s15 =	simm.s32 @p1 $0x6;
	s17 =	sadd.s32 @!p1 s25, s30;
	[sflag:s5] =	ssyncset.done @p1 $0x0  }
0xfc: {  	s18 =	sadd.s32 @!p1 $0x5, s12;
	[sflag:s5] =	ssyncadd.s32 @p1 $0xFFFFE700;
	s5 =	simm.s32 @p1 $0x1E00  }
0xfd: {  	[spmem:s21] =	stream.indirect.scatter.add.f32 @p1 [tilespmem:s5], [sflag:$0x6], $0x50, s10, s4, $0xb8;
	[tilespmem:$0x13100] =	vst v63  }
0xfe: {  	s4 =	simm.s32 @!p1 $0x0;
	s5 =	sand.u32 @!p1 $0x5, s18;
	_ =	swait.ge @p1 [sflag:s15], $0x1900  }
0xff: {  	p2 =	sgt.u32 @!p1 s13, $0x1C;
	s10 =	sadd.s32 @!p1 $0x50, s17;
	[sflag:s15] =	ssyncset.done @p1 $0x0  }
0x100: {  	p3 =	por !p2, p1;
	[sflag:s15] =	ssyncadd.s32 @p1 $0xFFFFE700;
	s15 =	smul.u32 @!p1 $0x140, s5  }
0x101: {  	[tilespmem:s2], [sflag:$0x9] =	stream.linear.gather @!p1 [hbm4b:s6+s4], $0x50, $0x38;
	[tilespmem:$0x13100] =	vst v63  }
0x102: {  	s5 =	simm.s32 @!p1 $0x2;
	s6 =	sand.u32 @!p1 $0x6, s7;
	s7 =	sadd.s32 @!p1 $0xFFFFFFFF, s12  }
0x103: {  	[tilespmem:s1], [sflag:$0x9] =	stream.linear.gather @!p1 [hbm4b:s10+s4], $0x50, $0x38;
	[tilespmem:$0x13100] =	vst v63  }
0x104: {  	s1 =	sadd.s32 @!p1 $0x2D0, s2;
	s4 =	simm.s32 @!p1 $0x50;
	_ =	swait.ge @!p1 [sflag:s5], $0x1900  }
0x105: {  	s12 =	sand.u32 @!p1 $0x7, s7;
	s10 =	simm.s32 @!p1 $0x6;
	[sflag:s5] =	ssyncset.done @!p1 $0x0  }
0x106: {  	s17 =	simm.s32 @!p1 $0x1E00;
	s7 =	smul.u32 @!p1 $0x140, s6;
	[sflag:s5] =	ssyncadd.s32 @!p1 $0xFFFFE700  }
0x107: {  	[spmem:s21] =	stream.indirect.scatter.add.f32 @!p1 [tilespmem:s17], [sflag:$0x6], $0x50, s1, s4, $0xb8;
	[tilespmem:$0x13100] =	vst v63  }
0x108: {  	s6 =	smul.u32 @!p1 $0x140, s12;
	s5 =	simm.s32 @!p1 $0xA;
	_ =	swait.ge @!p1 [sflag:s10], $0x1900  }
0x109: {  	s12 =	smov.u32 s0;
	[sflag:s10] =	ssyncset.done @!p1 $0x0  }
0x10a: {  	[sflag:s10] =	ssyncadd.s32 @!p1 $0xFFFFE700  }
0x10b: {  	_ =	swait.ge @!p1 [sflag:s5], $0x50  }
0x10c: {  	[sflag:s5] =	ssyncset.done @!p1 $0x0  }
0x10d: {  	s10 =	sadd.s32 @!p1 $0x50, s2;
	[sflag:s5] =	ssyncadd.s32 @!p1 $0xFFFFFFB0  }
0x10e: {  	p4 =	por p2, p1;
	s15 =	sshrl.u32 @!p1 s15, $0x2;
	_ =	swait.ge @!p1 [sflag:s5], $0x50  }
0x10f: {  	s9 =	sadd.s32 @!p4 s25, s30;
	s18 =	sadd.s32 @!p4 s25, s29;
	[sflag:s5] =	ssyncset.done @!p1 $0x0  }
0x110: {  	s19 =	simm.s32 @!p4 $0x0;
	s18 =	sadd.s32 @!p4 $0x5A, s18;
	[sflag:s5] =	ssyncadd.s32 @!p1 $0xFFFFFFB0  }
0x111: {  	[tilespmem:s17], [sflag:$0x2] =	stream.indirect.gather @!p1 [hbm4b:s31+s4], $0x50, s15, s4, $0xb8;
	[tilespmem:$0x13100] =	vst v63  }
0x112: {  	p5 =	por @!p1 $0x0, $0x0;
	p6 =	por @!p4 $0x1, $0x1;
	s9 =	sadd.s32 @!p4 $0x5A, s9  }
0x113: {  	[tilespmem:s10], [sflag:$0xA] =	stream.linear.gather @!p4 [hbm4b:s18+s19], $0x50, $0x38;
	[tilespmem:$0x13100] =	vst v63  }
0x114: {  	p2 =	por @p1 $0x0, $0x0;
	p6 =	por @!p3 p5, p5  }
0x115: {  	[tilespmem:s1], [sflag:$0xA] =	stream.linear.gather @!p4 [hbm4b:s9+s19], $0x50, $0x38;
	[tilespmem:$0x13100] =	vst v63  }
0x116: {  	s19 =	simm.s32 $0x3700  }
0x117: {  	p2 =	por @!p1 p6, p6;
	s9 =	sadd.s32 $0x320, s2;
	_ =	swait.ge [sflag:s22], $0x1900  }
0x118: {  	s10 =	sadd.s32 @p2 s25, s30;
	s1 =	sadd.s32 @p2 s25, s29;
	[sflag:s22] =	ssyncset.done $0x0  }
0x119: {  	s18 =	sadd.s32 @p2 $0x64, s10;
	s17 =	sadd.s32 @p2 $0x64, s1;
	[sflag:s22] =	ssyncadd.s32 $0xFFFFE700  }
0x11a: {  	[spmem:s21] =	stream.indirect.scatter.add.f32 [tilespmem:s19], [sflag:$0x7], $0x50, s9, s28, $0xb8;
	[tilespmem:$0x13100] =	vst v63  }
0x11b: {  	s15 =	sadd.s32 @p2 $0x6E, s10;
	s1 =	sadd.s32 @p2 $0x6E, s1;
	_ =	swait.ge [sflag:s23], $0x1900  }
0x11c: {  	s25 =	smov.u32 s3;
	[sflag:s23] =	ssyncset.done $0x0  }
0x11d: {  	s3 =	simm.s32 @!p1 $0x9;
	[sflag:s23] =	ssyncadd.s32 $0xFFFFE700  }
0x11e: {  	_ =	swait.ge @!p1 [sflag:s3], $0x50  }
0x11f: {  	[sflag:s3] =	ssyncset.done @!p1 $0x0  }
0x120: {  	[sflag:s3] =	ssyncadd.s32 @!p1 $0xFFFFFFB0  }
0x121: {  	_ =	swait.ge @!p1 [sflag:s3], $0x50  }
0x122: {  	[sflag:s3] =	ssyncset.done @!p1 $0x0  }
0x123: {  	s7 =	sshrl.u32 @!p1 s7, $0x2;
	[sflag:s3] =	ssyncadd.s32 @!p1 $0xFFFFFFB0;
	s3 =	simm.s32 @!p1 $0x3700  }
0x124: {  	[tilespmem:s3], [sflag:$0x3] =	stream.indirect.gather @!p1 [hbm4b:s31+s4], $0x50, s7, s4, $0xb8;
	[tilespmem:$0x13100] =	vst v63  }
0x125: {  	s3 =	sadd.s32 $0xA0, s2;
	s7 =	simm.s32 @p2 $0x0  }
0x126: {  	[tilespmem:s3], [sflag:$0x9] =	stream.linear.gather @p2 [hbm4b:s17+s7], $0x50, $0x38;
	[tilespmem:$0x13100] =	vst v63  }
0x127: {  	s17 =	simm.s32 $0x500;
	_ =	sdelay $0x1  }
0x128: {  	[tilespmem:s9], [sflag:$0x9] =	stream.linear.gather @p2 [hbm4b:s18+s7], $0x50, $0x38;
	[tilespmem:$0x13100] =	vst v63  }
0x129: {  	s18 =	simm.s32 $0x5000  }
0x12a: {  	s10 =	sadd.s32 $0x370, s2;
	_ =	swait.ge [sflag:s24], $0x1900  }
0x12b: {  	[sflag:s24] =	ssyncset.done $0x0  }
0x12c: {  	[sflag:s24] =	ssyncadd.s32 $0xFFFFE700  }
0x12d: {  	[spmem:s21] =	stream.indirect.scatter.add.f32 [tilespmem:s18], [sflag:$0x8], $0x50, s10, s28, $0xb8;
	[tilespmem:$0x13100] =	vst v63  }
0x12e: {  	_ =	swait.ge [sflag:s11], $0x1900  }
0x12f: {  	[sflag:s11] =	ssyncset.done $0x0  }
0x130: {  	[sflag:s11] =	ssyncadd.s32 $0xFFFFE700  }
0x131: {  	_ =	swait.ge @!p1 [sflag:s5], $0x50  }
0x132: {  	[sflag:s5] =	ssyncset.done @!p1 $0x0  }
0x133: {  	[sflag:s5] =	ssyncadd.s32 @!p1 $0xFFFFFFB0  }
.Ltmp1:
0x134: {  	_ =	swait.ge @!p1 [sflag:s5], $0x50;
	(pc) =	sbr.rel @p0 .LBB2_4-.Ltmp1, $4  }
0x135: {  	[sflag:s5] =	ssyncset.done @!p1 $0x0  }
0x136: {  	s3 =	sshrl.u32 @!p1 s6, $0x2;
	[sflag:s5] =	ssyncadd.s32 @!p1 $0xFFFFFFB0;
	s5 =	simm.s32 @!p1 $0x5000  }
0x137: {  	[tilespmem:s5], [sflag:$0x4] =	stream.indirect.gather @!p1 [hbm4b:s31+s4], $0x50, s3, s4, $0xb8;
	[tilespmem:$0x13100] =	vst v63  }
0x138: {  	s13 =	sadd.s32 $0x1, s13;
	s0 =	sadd.s32 $0x4, s0;
	s2 =	sadd.s32 $0xF0, s2  }
0x139: {  	[tilespmem:s2], [sflag:$0xA] =	stream.linear.gather @p2 [hbm4b:s1+s7], $0x50, $0x38;
	[tilespmem:$0x13100] =	vst v63  }
0x13a: {  	_ = 	snop  }
0x13b: {  	[tilespmem:s10], [sflag:$0xA] =	stream.linear.gather @p2 [hbm4b:s15+s7], $0x50, $0x38;
	[tilespmem:$0x13100] =	vst v63  }
0x13c: {  	s0 =	smul.u32 $0x50, s16;
	_ =	swait.ge [sflag:s20], $0x1900  }
0x13d: {  	[sflag:s20] =	ssyncset.done $0x0  }
0x13e: {  	s9 =	simm.s32 $0x5;
	s1 =	sadd.s32 $0x280, s0;
	[sflag:s20] =	ssyncadd.s32 $0xFFFFE700  }
0x13f: {  	[spmem:s21] =	stream.indirect.scatter.add.f32 [tilespmem:s17], [sflag:$0x5], $0x50, s1, s28, $0xb8;
	[tilespmem:$0x13100] =	vst v63  }
0x140: {  	_ =	swait.ge [sflag:s9], $0x1900  }
0x141: {  	[sflag:s9] =	ssyncset.done $0x0  }
0x142: {  	[sflag:s9] =	ssyncadd.s32 $0xFFFFE700  }
0x143: {  	_ =	swait.ge [sflag:s14], $0x50  }
0x144: {  	[sflag:s14] =	ssyncset.done $0x0  }
0x145: {  	[sflag:s14] =	ssyncadd.s32 $0xFFFFFFB0  }
0x146: {  	s16 =	smul.u32 $0x140, s8;
	_ =	swait.ge [sflag:s14], $0x50  }
0x147: {  	p0 =	seq.s32 s25, $0x4B0;
	[sflag:s14] =	ssyncset.done $0x0  }
0x148: {  	s3 =	simm.s32 @p0 $0x2;
	s2 =	sshrl.u32 s16, $0x2;
	[sflag:s14] =	ssyncadd.s32 $0xFFFFFFB0  }
0x149: {  	[tilespmem:s17], [sflag:$0x1] =	stream.indirect.gather [hbm4b:s31+s28], $0x50, s2, s28, $0xb8;
	[tilespmem:$0x13100] =	vst v63  }
0x14a: {  	_ =	swait.ge @p0 [sflag:s3], $0x1900  }
0x14b: {  	s4 =	simm.s32 @p0 $0x2D0;
	s5 =	simm.s32 @p0 $0x6;
	[sflag:s3] =	ssyncset.done @p0 $0x0  }
0x14c: {  	s2 =	simm.s32 @p0 $0x50;
	[sflag:s3] =	ssyncadd.s32 @p0 $0xFFFFE700;
	s3 =	simm.s32 @p0 $0x1E00  }
0x14d: {  	[spmem:s21] =	stream.indirect.scatter.add.f32 @p0 [tilespmem:s3], [sflag:$0x6], $0x50, s4, s2, $0xb8;
	[tilespmem:$0x13100] =	vst v63  }
0x14e: {  	_ =	swait.ge @p0 [sflag:s5], $0x1900  }
0x14f: {  	s2 =	sadd.s32 @!p0 s25, s29;
	s3 =	sadd.s32 @!p0 s25, s30;
	[sflag:s5] =	ssyncset.done @p0 $0x0  }
0x150: {  	s4 =	simm.s32 @!p0 $0x0;
	s2 =	sadd.s32 @!p0 $0x50, s2;
	[sflag:s5] =	ssyncadd.s32 @p0 $0xFFFFE700  }
0x151: {  	[tilespmem:s0], [sflag:$0x9] =	stream.linear.gather @!p0 [hbm4b:s2+s4], $0x50, $0x38;
	[tilespmem:$0x13100] =	vst v63  }
0x152: {  	s2 =	sadd.s32 @!p0 $0x50, s3;
	s3 =	simm.s32 @!p0 $0x2  }
0x153: {  	[tilespmem:s1], [sflag:$0x9] =	stream.linear.gather @!p0 [hbm4b:s2+s4], $0x50, $0x38;
	[tilespmem:$0x13100] =	vst v63  }
0x154: {  	_ =	swait.ge @!p0 [sflag:s3], $0x1900  }
0x155: {  	s5 =	simm.s32 @!p0 $0x6;
	s4 =	sadd.s32 @!p0 $0x2D0, s0;
	[sflag:s3] =	ssyncset.done @!p0 $0x0  }
0x156: {  	s2 =	simm.s32 @!p0 $0x50;
	[sflag:s3] =	ssyncadd.s32 @!p0 $0xFFFFE700;
	s3 =	simm.s32 @!p0 $0x1E00  }
0x157: {  	[spmem:s21] =	stream.indirect.scatter.add.f32 @!p0 [tilespmem:s3], [sflag:$0x6], $0x50, s4, s2, $0xb8;
	[tilespmem:$0x13100] =	vst v63  }
0x158: {  	_ =	swait.ge @!p0 [sflag:s5], $0x1900  }
0x159: {  	[sflag:s5] =	ssyncset.done @!p0 $0x0  }
0x15a: {  	s1 =	simm.s32 @!p0 $0xA;
	[sflag:s5] =	ssyncadd.s32 @!p0 $0xFFFFE700  }
0x15b: {  	_ =	swait.ge @!p0 [sflag:s1], $0x50  }
0x15c: {  	s5 =	sadd.s32 @!p0 $0x5, s12;
	[sflag:s1] =	ssyncset.done @!p0 $0x0  }
0x15d: {  	s5 =	sand.u32 @!p0 $0x5, s5;
	[sflag:s1] =	ssyncadd.s32 @!p0 $0xFFFFFFB0  }
0x15e: {  	p1 =	sgt.u32 @!p0 s13, $0x1C;
	s5 =	smul.u32 @!p0 $0x140, s5;
	_ =	swait.ge @!p0 [sflag:s1], $0x50  }
0x15f: {  	s6 =	sadd.s32 @!p0 $0x50, s0;
	p2 =	por p1, p0;
	[sflag:s1] =	ssyncset.done @!p0 $0x0  }
0x160: {  	s7 =	sadd.s32 @!p2 s25, s29;
	s5 =	sshrl.u32 @!p0 s5, $0x2;
	[sflag:s1] =	ssyncadd.s32 @!p0 $0xFFFFFFB0  }
0x161: {  	[tilespmem:s3], [sflag:$0x2] =	stream.indirect.gather @!p0 [hbm4b:s31+s2], $0x50, s5, s2, $0xb8;
	[tilespmem:$0x13100] =	vst v63  }
0x162: {  	s3 =	sadd.s32 @!p2 s25, s30;
	s5 =	sadd.s32 @!p2 $0x5A, s7;
	s7 =	simm.s32 @!p2 $0x0  }
0x163: {  	[tilespmem:s6], [sflag:$0xA] =	stream.linear.gather @!p2 [hbm4b:s5+s7], $0x50, $0x38;
	[tilespmem:$0x13100] =	vst v63  }
0x164: {  	s3 =	sadd.s32 @!p2 $0x5A, s3  }
0x165: {  	[tilespmem:s4], [sflag:$0xA] =	stream.linear.gather @!p2 [hbm4b:s3+s7], $0x50, $0x38;
	[tilespmem:$0x13100] =	vst v63  }
0x166: {  	_ =	swait.ge [sflag:s22], $0x1900  }
0x167: {  	[sflag:s22] =	ssyncset.done $0x0  }
0x168: {  	s3 =	sadd.s32 $0x320, s0;
	[sflag:s22] =	ssyncadd.s32 $0xFFFFE700  }
0x169: {  	[spmem:s21] =	stream.indirect.scatter.add.f32 [tilespmem:s19], [sflag:$0x7], $0x50, s3, s28, $0xb8;
	[tilespmem:$0x13100] =	vst v63  }
0x16a: {  	_ =	swait.ge [sflag:s23], $0x1900  }
0x16b: {  	[sflag:s23] =	ssyncset.done $0x0  }
0x16c: {  	p4 =	por @!p0 $0x0, $0x0;
	s5 =	simm.s32 @!p0 $0x9;
	[sflag:s23] =	ssyncadd.s32 $0xFFFFE700  }
0x16d: {  	p3 =	por !p1, p0;
	p1 =	por @p0 $0x0, $0x0;
	_ =	swait.ge @!p0 [sflag:s5], $0x50  }
0x16e: {  	s4 =	sadd.s32 @!p0 $0x6, s12;
	p2 =	por @!p2 $0x1, $0x1;
	[sflag:s5] =	ssyncset.done @!p0 $0x0  }
0x16f: {  	s4 =	sand.u32 @!p0 $0x6, s4;
	p2 =	por @!p3 p4, p4;
	[sflag:s5] =	ssyncadd.s32 @!p0 $0xFFFFFFB0  }
0x170: {  	s4 =	smul.u32 @!p0 $0x140, s4;
	p1 =	por @!p0 p2, p2;
	_ =	swait.ge @!p0 [sflag:s5], $0x50  }
0x171: {  	s6 =	sadd.s32 @p1 s25, s29;
	[sflag:s5] =	ssyncset.done @!p0 $0x0  }
0x172: {  	s4 =	sshrl.u32 @!p0 s4, $0x2;
	[sflag:s5] =	ssyncadd.s32 @!p0 $0xFFFFFFB0;
	s5 =	simm.s32 @!p0 $0x3700  }
0x173: {  	[tilespmem:s5], [sflag:$0x3] =	stream.indirect.gather @!p0 [hbm4b:s31+s2], $0x50, s4, s2, $0xb8;
	[tilespmem:$0x13100] =	vst v63  }
0x174: {  	s7 =	simm.s32 @p1 $0x0;
	s4 =	sadd.s32 @p1 $0x64, s6;
	s5 =	sadd.s32 $0xA0, s0  }
0x175: {  	[tilespmem:s5], [sflag:$0x9] =	stream.linear.gather @p1 [hbm4b:s4+s7], $0x50, $0x38;
	[tilespmem:$0x13100] =	vst v63  }
0x176: {  	s4 =	sadd.s32 @p1 s25, s30  }
0x177: {  	s5 =	sadd.s32 @p1 $0x64, s4  }
0x178: {  	[tilespmem:s3], [sflag:$0x9] =	stream.linear.gather @p1 [hbm4b:s5+s7], $0x50, $0x38;
	[tilespmem:$0x13100] =	vst v63  }
0x179: {  	_ =	swait.ge [sflag:s24], $0x1900  }
0x17a: {  	[sflag:s24] =	ssyncset.done $0x0  }
0x17b: {  	s3 =	sadd.s32 $0x370, s0;
	[sflag:s24] =	ssyncadd.s32 $0xFFFFE700  }
0x17c: {  	[spmem:s21] =	stream.indirect.scatter.add.f32 [tilespmem:s18], [sflag:$0x8], $0x50, s3, s28, $0xb8;
	[tilespmem:$0x13100] =	vst v63  }
0x17d: {  	_ =	swait.ge [sflag:s11], $0x1900  }
0x17e: {  	[sflag:s11] =	ssyncset.done $0x0  }
0x17f: {  	[sflag:s11] =	ssyncadd.s32 $0xFFFFE700  }
0x180: {  	_ =	swait.ge @!p0 [sflag:s1], $0x50  }
0x181: {  	s5 =	sadd.s32 @!p0 $0xFFFFFFFF, s12;
	[sflag:s1] =	ssyncset.done @!p0 $0x0  }
0x182: {  	s5 =	sand.u32 @!p0 $0x7, s5;
	[sflag:s1] =	ssyncadd.s32 @!p0 $0xFFFFFFB0  }
0x183: {  	s5 =	smul.u32 @!p0 $0x140, s5;
	_ =	swait.ge @!p0 [sflag:s1], $0x50  }
0x184: {  	[sflag:s1] =	ssyncset.done @!p0 $0x0  }
0x185: {  	s5 =	sshrl.u32 @!p0 s5, $0x2;
	[sflag:s1] =	ssyncadd.s32 @!p0 $0xFFFFFFB0;
	s1 =	simm.s32 @!p0 $0x5000  }
0x186: {  	[tilespmem:s1], [sflag:$0x4] =	stream.indirect.gather @!p0 [hbm4b:s31+s2], $0x50, s5, s2, $0xb8;
	[tilespmem:$0x13100] =	vst v63  }
0x187: {  	s0 =	sadd.s32 $0xF0, s0;
	s1 =	sadd.s32 @p1 $0x6E, s6  }
0x188: {  	[tilespmem:s0], [sflag:$0xA] =	stream.linear.gather @p1 [hbm4b:s1+s7], $0x50, $0x38;
	[tilespmem:$0x13100] =	vst v63  }
0x189: {  	s0 =	sadd.s32 @p1 $0x6E, s4  }
0x18a: {  	[tilespmem:s3], [sflag:$0xA] =	stream.linear.gather @p1 [hbm4b:s0+s7], $0x50, $0x38;
	[tilespmem:$0x13100] =	vst v63  }
0x18b: {  	_ =	swait.ge [sflag:s20], $0x1900  }
0x18c: {  	[sflag:s20] =	ssyncset.done $0x0  }
0x18d: {  	s13 =	simm.s32 $0x3C0;
	[sflag:s20] =	ssyncadd.s32 $0xFFFFE700  }
0x18e: {  	[spmem:s21] =	stream.indirect.scatter.add.f32 [tilespmem:s17], [sflag:$0x5], $0x50, s13, s28, $0xb8;
	[tilespmem:$0x13100] =	vst v63  }
0x18f: {  	_ =	swait.ge [sflag:s9], $0x1900  }
0x190: {  	[sflag:s9] =	ssyncset.done $0x0  }
0x191: {  	[sflag:s9] =	ssyncadd.s32 $0xFFFFE700  }
0x192: {  	s22 =	stileid.u32;
	[bflag:$0x0] =	sbarrier.arrive $0xFFFF  }
0x193: {  	s12 =	simm.s32 $0xB;
	s0 =	sshll.u32 s22, $0x6;
	s3 =	rddreg [dreg:$0x1e]  }
0x194: {  	s0 =	sor.u32 $0x1C0B, s0;
	s24 =	rddreg [dreg:$0x6];
	s23 =	sshrl.u32 s3, $0x3  }
0x195: {  	[hbm:s24], [sflag:s0] =	dma.local [spmem:s23], $0x320  }
0x196: {  	_ =	swait.ge [sflag:s12], $0x320  }
0x197: {  	[sflag:s12] =	ssyncset.done $0x0;
	s4 =	rddreg [dreg:$0x1f]  }
0x198: {  	s26 =	rddreg [dreg:$0x7];
	[sflag:s12] =	ssyncadd.s32 $0xFFFFFCE0;
	s25 =	sshrl.u32 s4, $0x3  }
0x199: {  	[hbm:s26], [sflag:s0] =	dma.local [spmem:s25], $0x320  }
0x19a: {  	_ =	swait.ge [sflag:s12], $0x320  }
0x19b: {  	s5 =	sld [smem:$0x7F8];
	_ =	sdelay $0x1  }
0x19c: {  	[sflag:s12] =	ssyncset.done $0x0  }
0x19d: {  	s6 =	rddreg [dreg:$0x8];
	[sflag:s12] =	ssyncadd.s32 $0xFFFFFCE0;
	s2 =	sshrl.u32 s5, $0x3  }
0x19e: {  	[hbm:s6], [sflag:s0] =	dma.local [spmem:s2], $0x320  }
0x19f: {  	_ =	swait.ge [sflag:s12], $0x320  }
0x1a0: {  	s6 =	sld [smem:$0x7F9];
	_ =	sdelay $0x1  }
0x1a1: {  	[sflag:s12] =	ssyncset.done $0x0  }
0x1a2: {  	s8 =	rddreg [dreg:$0x9];
	[sflag:s12] =	ssyncadd.s32 $0xFFFFFCE0;
	s7 =	sshrl.u32 s6, $0x3  }
0x1a3: {  	[hbm:s8], [sflag:s0] =	dma.local [spmem:s7], $0x320  }
0x1a4: {  	_ =	swait.ge [sflag:s12], $0x320  }
0x1a5: {  	s7 =	sld [smem:$0x7FA];
	_ =	sdelay $0x1  }
0x1a6: {  	[sflag:s12] =	ssyncset.done $0x0  }
0x1a7: {  	s10 =	rddreg [dreg:$0xa];
	[sflag:s12] =	ssyncadd.s32 $0xFFFFFCE0;
	s9 =	sshrl.u32 s7, $0x3  }
0x1a8: {  	[hbm:s10], [sflag:s0] =	dma.local [spmem:s9], $0x320  }
0x1a9: {  	_ =	swait.ge [sflag:s12], $0x320  }
0x1aa: {  	s8 =	sld [smem:$0x7FB];
	_ =	sdelay $0x1  }
0x1ab: {  	[sflag:s12] =	ssyncset.done $0x0  }
0x1ac: {  	s15 =	rddreg [dreg:$0xb];
	[sflag:s12] =	ssyncadd.s32 $0xFFFFFCE0;
	s11 =	sshrl.u32 s8, $0x3  }
0x1ad: {  	[hbm:s15], [sflag:s0] =	dma.local [spmem:s11], $0x320  }
0x1ae: {  	_ =	swait.ge [sflag:s12], $0x320  }
0x1af: {  	s9 =	sld [smem:$0x7FC];
	_ =	sdelay $0x1  }
0x1b0: {  	[sflag:s12] =	ssyncset.done $0x0  }
0x1b1: {  	s20 =	rddreg [dreg:$0xc];
	[sflag:s12] =	ssyncadd.s32 $0xFFFFFCE0;
	s16 =	sshrl.u32 s9, $0x3  }
0x1b2: {  	[hbm:s20], [sflag:s0] =	dma.local [spmem:s16], $0x320  }
0x1b3: {  	_ =	swait.ge [sflag:s12], $0x320  }
0x1b4: {  	s10 =	sld [smem:$0x7FD];
	_ =	sdelay $0x1  }
0x1b5: {  	[sflag:s12] =	ssyncset.done $0x0  }
0x1b6: {  	s23 =	rddreg [dreg:$0xd];
	[sflag:s12] =	ssyncadd.s32 $0xFFFFFCE0;
	s22 =	sshrl.u32 s10, $0x3  }
0x1b7: {  	[hbm:s23], [sflag:s0] =	dma.local [spmem:s22], $0x320  }
0x1b8: {  	_ =	swait.ge [sflag:s12], $0x320  }
0x1b9: {  	s26 =	sld [smem:$0x7F7]  }
0x1ba: {  	s24 =	rddreg [dreg:$0x5]  }
0x1bb: {  	s25 =	sadd.s32 $0x1, s24  }
0x1bc: {  	p0 =	sne.s32 s25, s26  }
.Ltmp2:
0x1bd: {  	_ = 	snop;
	(pc) =	sbr.rel @p0 .LBB2_1-.Ltmp2, $4  }
0x1be: {  	_ = 	snop  }
0x1bf: {  	s15 =	simm.s32 $0x1;
	s11 =	simm.s32 $0x8;
	s16 =	simm.s32 $0x5  }
0x1c0: {  	s20 =	simm.s32 $0x3;
	s22 =	simm.s32 $0x4;
	[sflag:s12] =	ssyncset.done $0x0  }
0x1c1: {  	s23 =	simm.s32 $0x50;
	[sflag:s12] =	ssyncadd.s32 $0xFFFFFCE0;
	s24 =	simm.s32 $0x7  }
0x1c2: {  	_ =	sfence.sel $0x180000  }
0x1c3: {  	[bflag:$0x0] =	sbarrier.arrive $0xFFFF  }
0x1c4: {  	_ =	strace $0x9000004D  }
0x1c5: {  	s0 =	stileid.u32;
	[bflag:$0x2] =	sbarrier.arrive $0xFFFF  }
0x1c6: {  	p0 =	sne.s32 s0, $0x0;
	s0 =	rddreg [dreg:$0x4]  }
0x1c7: {  	s0 =	sadd.s32 @!p0 $0x100000, s0  }
0x1c8: {  	[sflag:s0] =	ssyncadd.tile.s32 @!p0 $0x1;
	_ =	shalt  }
.Lfunc_end2:
_tile_overlayer_lowered:
.L_overlay_start_2:
0x1c9: {  	(tag) =	ssettag $0x2  }
0x1ca: {  	s0 =	rddreg [dreg:$0x0];
	s2 =	stileid.u32  }
0x1cb: {  	s1 =	rddreg [dreg:$0x1];
	p0 =	sne.s32 s2, $0x0  }
0x1cc: {  	s3 =	rddreg [dreg:$0x2];
	[bflag:$0x3] =	sbarrier.arrive $0xFFFF;
	s2 =	simm.s32 @!p0 $0x1C0B  }
0x1cd: {  	[timem:s3], [sflag:s2] =	dma.local @!p0 [hbm:s0], s1  }
0x1ce: {  	s0 =	simm.s32 @!p0 $0xB  }
0x1cf: {  	_ =	swait.ge @!p0 [sflag:s0], s1  }
0x1d0: {  	s1 =	ssub.s32 @!p0 $0x0, s1;
	[sflag:s0] =	ssyncset.done @!p0 $0x0  }
0x1d1: {  	[sflag:s0] =	ssyncadd.s32 @!p0 s1  }
0x1d2: {  	[bflag:$0x3] =	sbarrier.arrive $0xFFFF  }
0x1d3: {  	_ =	shalt  }

// kernel: kernel.8.cloned.1.call-start
scs
__scs_entry_jumppad:
0x0: {  	(pc) =	sbr.rel $0x88, $3  }
0x1: {  	(tag) =	ssettag $0x0;
	lr =	simm.s32 $0x1  }
0x2: {  	[smem:$0x3F9D] =	sst lr;
	_ =	strace $0xD0000000  }
0x3: {  	_ = 	snop  }
0x4: {  	_ = 	snop  }
0x5: {  	_ = 	snop  }
0x6: {  	_ = 	snop  }
0x7: {  	_ = 	snop  }
__scs_overlays_trampoline_lowered:
0x8: {  	[smem:$0x3FAC] =	sst s0  }
0x9: {  	[smem:$0x3FAD] =	sst s1  }
0xa: {  	[smem:$0x3FAE] =	sst s2  }
0xb: {  	[smem:$0x3FAF] =	sst s3  }
0xc: {  	[smem:$0x3FB0] =	sst s4  }
0xd: {  	[smem:$0x3FB1] =	sst s5  }
0xe: {  	[smem:$0x3FB2] =	sst s6  }
0xf: {  	[smem:$0x3FB3] =	sst s7  }
0x10: {  	[smem:$0x3FB4] =	sst s8  }
0x11: {  	[smem:$0x3FB5] =	sst s9;
	s0 =	simm.s32 @!p0 $0x0  }
0x12: {  	s1 =	sld [smem:$0x3F9B];
	s0 =	simm.s32 @p0 $0x1  }
0x13: {  	[smem:$0x3FB6] =	sst s0;
	s0 =	simm.s32 @!p1 $0x0  }
0x14: {  	s2 =	sld [smem:$0x3F9A];
	s0 =	simm.s32 @p1 $0x1  }
0x15: {  	[smem:$0x3FB7] =	sst s0;
	s0 =	simm.s32 @!p2 $0x0  }
0x16: {  	s3 =	sld [smem:$0x3FDB];
	s0 =	simm.s32 @p2 $0x1  }
0x17: {  	s4 =	simm.s32 $0x1BF5;
	[smem:$0x3FB9] =	sst s0  }
0x18: {  	s0 =	sld [smem:$0x3F9C];
	_ =	swait.ge [sflag:s4], $0x0  }
0x19: {  	s7 =	sld [smem:$0x3F9D]  }
0x1a: {  	s8 =	sadd.s32 $0xFFFFE003, lr  }
0x1b: {  	s9 =	sadd.s32 $0xFFFFFEF7, lr;
	s5 =	simm.s32 $0xFFFFFFFF;
	p2 =	slt.u32 s8, $0xFFFFF086  }
0x1c: {  	p1 =	slt.u32 s9, $0xF7A;
	s5 =	simm.s32 @!p2 $0x0  }
0x1d: {  	s5 =	simm.s32 @p1 $0x1;
	p0 =	seq.s32 s7, s2  }
0x1e: {  	s7 =	smul.u32 @!p0 $0xF7A, s2;
	p2 =	seq.s32 @!p0 s5, $0x0  }
0x1f: {  	s9 =	smul.u32 $0xF7A, s1;
	s8 =	simm.s32 @!p0 $0x1BF5;
	p2 =	por !p2, p0  }
0x20: {  	[sflag:s8] =	ssyncset.s32 @!p0 $0xFFFFF086;
	s6 =	sadd.s32 @!p0 s3, s7;
	s7 =	simm.s32 @!p0 $0x108  }
0x21: {  	s3 =	sadd.s32 s3, s9;
	s6 =	sadd.s32 @!p0 $0x88, s6;
	s7 =	simm.s32 @p2 $0x1082  }
0x22: {  	[simem:s7], [sflag:s8] =	dma.local @!p0 [hbm:s6], $0xF7A  }
0x23: {  	s9 =	sor.u32 $0xD0000000, s2;
	s6 =	simm.s32 $0x108;
	_ =	swait.ge @!p0 [sflag:s8], $0x0  }
0x24: {  	s3 =	sadd.s32 $0x88, s3;
	s6 =	simm.s32 @!p1 $0x1082;
	[sflag:s4] =	ssyncset.s32 $0xFFFFF086  }
0x25: {  	[simem:s6], [sflag:s4] =	dma.local [hbm:s3], $0xF7A  }
0x26: {  	[smem:$0x3F9D] =	sst s1;
	(tag) =	ssettag s2;
	_ =	strace s9  }
0x27: {  	s1 =	sld [smem:$0x3FAD]  }
0x28: {  	s2 =	sld [smem:$0x3FAE]  }
0x29: {  	s4 =	sld [smem:$0x3FB0]  }
0x2a: {  	p0 =	seq.s32 s5, $0x0;
	s5 =	sld [smem:$0x3FB1]  }
0x2b: {  	s6 =	sld [smem:$0x3FB2]  }
0x2c: {  	s7 =	sld [smem:$0x3FB3]  }
0x2d: {  	s3 =	simm.s32 $0x108;
	s8 =	sld [smem:$0x3FB4]  }
0x2e: {  	s3 =	simm.s32 @!p0 $0x1082;
	s9 =	sld [smem:$0x3FB5]  }
0x2f: {  	lr =	sadd.s32 s0, s3;
	s0 =	sld [smem:$0x3FAC]  }
0x30: {  	s3 =	sld [smem:$0x3FAF]  }
0x31: {  	[smem:$0x3FB8] =	sst s10  }
0x32: {  	s10 =	sld [smem:$0x3FB6];
	_ =	sdelay $0x3  }
0x33: {  	p0 =	seq.s32 s10, $0x1;
	s10 =	sld [smem:$0x3FB8];
	_ =	sdelay $0x3  }
0x34: {  	[smem:$0x3FB8] =	sst s10  }
0x35: {  	s10 =	sld [smem:$0x3FB7];
	_ =	sdelay $0x3  }
0x36: {  	p1 =	seq.s32 s10, $0x1;
	s10 =	sld [smem:$0x3FB8];
	_ =	sdelay $0x3  }
0x37: {  	[smem:$0x3FB8] =	sst s10  }
0x38: {  	s10 =	sld [smem:$0x3FB9]  }
0x39: {  	_ = 	snop;
	(pc) =	sbr.ind lr, $3  }
0x3a: {  	_ = 	snop  }
0x3b: {  	_ = 	snop  }
0x3c: {  	p2 =	seq.s32 s10, $0x1;
	s10 =	sld [smem:$0x3FB8]  }
0x3d: {  	_ =	shalt  }
0x3e: {  	_ =	shalt  }
0x3f: {  	_ =	shalt  }
0x40: {  	_ =	shalt  }
0x41: {  	_ =	shalt  }
0x42: {  	_ =	shalt  }
0x43: {  	_ =	shalt  }
0x44: {  	_ =	shalt  }
0x45: {  	_ =	shalt  }
0x46: {  	_ =	shalt  }
0x47: {  	_ =	shalt  }
0x48: {  	_ =	shalt  }
0x49: {  	_ =	shalt  }
0x4a: {  	_ =	shalt  }
0x4b: {  	_ =	shalt  }
0x4c: {  	_ =	shalt  }
0x4d: {  	_ =	shalt  }
0x4e: {  	_ =	shalt  }
0x4f: {  	_ =	shalt  }
0x50: {  	_ =	shalt  }
0x51: {  	_ =	shalt  }
0x52: {  	_ =	shalt  }
0x53: {  	_ =	shalt  }
0x54: {  	_ =	shalt  }
0x55: {  	_ =	shalt  }
0x56: {  	_ =	shalt  }
0x57: {  	_ =	shalt  }
0x58: {  	_ =	shalt  }
0x59: {  	_ =	shalt  }
0x5a: {  	_ =	shalt  }
0x5b: {  	_ =	shalt  }
0x5c: {  	_ =	shalt  }
0x5d: {  	_ =	shalt  }
0x5e: {  	_ =	shalt  }
0x5f: {  	_ =	shalt  }
0x60: {  	_ =	shalt  }
0x61: {  	_ =	shalt  }
0x62: {  	_ =	shalt  }
0x63: {  	_ =	shalt  }
0x64: {  	_ =	shalt  }
0x65: {  	_ =	shalt  }
0x66: {  	_ =	shalt  }
0x67: {  	_ =	shalt  }
0x68: {  	_ =	shalt  }
0x69: {  	_ =	shalt  }
0x6a: {  	_ =	shalt  }
0x6b: {  	_ =	shalt  }
0x6c: {  	_ =	shalt  }
0x6d: {  	_ =	shalt  }
0x6e: {  	_ =	shalt  }
0x6f: {  	_ =	shalt  }
0x70: {  	_ =	shalt  }
0x71: {  	_ =	shalt  }
0x72: {  	_ =	shalt  }
0x73: {  	_ =	shalt  }
0x74: {  	_ =	shalt  }
0x75: {  	_ =	shalt  }
0x76: {  	_ =	shalt  }
0x77: {  	_ =	shalt  }
0x78: {  	_ =	shalt  }
0x79: {  	_ =	shalt  }
0x7a: {  	_ =	shalt  }
0x7b: {  	_ =	shalt  }
0x7c: {  	_ =	shalt  }
0x7d: {  	_ =	shalt  }
0x7e: {  	_ =	shalt  }
0x7f: {  	_ =	shalt  }
0x80: {  	_ =	shalt  }
0x81: {  	_ =	shalt  }
0x82: {  	_ =	shalt  }
0x83: {  	_ =	shalt  }
0x84: {  	_ =	shalt  }
0x85: {  	_ =	shalt  }
0x86: {  	_ =	shalt  }
0x87: {  	_ =	shalt  }
.Lfunc_end0:
.L_simem_size_0:
called_computation_lowered:
.L_overlay_start_0:
0x88: {  	s2 =	sld [smem:$0x3FD9]  }
0x89: {  	s3 =	sld [smem:$0x3FFE];
	_ =	sdelay $0x1  }
0x8a: {  	s1 =	srdreg.scid  }
0x8b: {  	s0 =	sand.u32 $0x1, s1  }
0x8c: {  	s14 =	sshll.u32 s0, $0xA;
	s2 =	sadd.s32 s3, s2  }
0x8d: {  	s2 =	sadd.s32 s2, s14  }
0x8e: {  	[smem:$0x3FC4] =	sst s2  }
0x8f: {  	_ = 	snop  }
0x90: {  	s2 =	sld [smem:$0x3FD0];
	_ =	sdelay $0x2  }
0x91: {  	s15 =	simm.s32 $0xA;
	s4 =	simm.s32 $0x10  }
0x92: {  	[smem:s4], [sflag:s15] =	dma.local [hbm:s2], $0x1  }
0x93: {  	_ =	swait.eq [sflag:s15], $0x1  }
0x94: {  	[sflag:s15] =	ssyncset.done $0x0  }
0x95: {  	[sflag:s15] =	ssyncadd.s32 $0xFFFFFFFF  }
0x96: {  	s16 =	sld [smem:$0x10];
	(tm) =	ssettm $0x1  }
0x97: {  	s17 =	sld [smem:$0x3FFB];
	_ =	sdelay $0x3  }
0x98: {  	_ =	strace s17  }
0x99: {  	s3 =	sld [smem:$0x3FFC];
	_ =	sdelay $0x3  }
0x9a: {  	_ =	strace s3  }
0x9b: {  	s3 =	sld [smem:$0x3FFD];
	_ =	sdelay $0x3  }
0x9c: {  	_ =	strace s3  }
0x9d: {  	_ =	strace $0x8FFFFFFF  }
0x9e: {  	s18 =	sld [smem:$0x3FDB];
	_ =	sdelay $0x1  }
0x9f: {  	s19 =	simm.s32 $_scs_section_size  }
0xa0: {  	s5 =	simm.s32 $_size__tile_overlayer_lowered;
	s6 =	simm.s32 $_tile_overlayer_lowered  }
0xa1: {  	s22 =	simm.s32 $0x1BFF;
	s21 =	sshll.u32 s6, $0x1;
	s3 =	sadd.s32 s19, s18  }
0xa2: {  	s7 =	simm.s32 $0x0;
	s20 =	sshll.u32 s5, $0x1;
	s5 =	sadd.s32 s21, s3  }
0xa3: {  	[timem:s7], [sflag:s22] =	dma.local [hbm:s5], s20  }
0xa4: {  	_ =	swait.ge [sflag:s22], s20  }
0xa5: {  	s4 =	ssub.s32 $0x0, s20;
	[sflag:s22] =	ssyncset.done $0x0  }
0xa6: {  	[sflag:s22] =	ssyncadd.s32 s4;
	_ =	sdelay $0x1  }
0xa7: {  	s23 =	simm.s32 $0x1B8B  }
0xa8: {  	_ =	swait.ge [sflag:s23], $0x1  }
0xa9: {  	[sflag:s23] =	ssyncset.done $0x0  }
0xaa: {  	s25 =	simm.s32 $0x1B8E;
	s24 =	sld [smem:$0x3FFE];
	[sflag:s23] =	ssyncadd.s32 $0xFFFFFFFF  }
0xab: {  	s26 =	simm.s32 $execute0_lowered;
	[smem:$0x3FD2] =	sst s25  }
0xac: {  	s5 =	sshll.u32 s26, $0x1;
	_ =	strace $0x80000046;
	[dreg:$0x1] =	wrdreg $0xFFFFFFFF  }
0xad: {  	s28 =	simm.s32 $_size_execute0_lowered;
	s3 =	sadd.s32 s3, s5;
	[dreg:$0x0] =	wrdreg $0x0  }
0xae: {  	s5 =	sshll.u32 s28, $0x1;
	[dreg:$0x2] =	wrdreg s3  }
0xaf: {  	[dreg:$0x3] =	wrdreg s5  }
0xb0: {  	[dreg:$0x4] =	wrdreg $0xC0  }
0xb1: {  	_ =	task [dreg:s7], $0x5FFFF  }
0xb2: {  	[dreg:$0x1] =	wrdreg $0xFFFFFFFF  }
0xb3: {  	[dreg:$0x0] =	wrdreg $0x60  }
0xb4: {  	[dreg:$0x2] =	wrdreg s16  }
0xb5: {  	[dreg:$0x3] =	wrdreg s24  }
0xb6: {  	[dreg:$0x4] =	wrdreg $0x7000  }
0xb7: {  	[dreg:$0x5] =	wrdreg $0x9  }
0xb8: {  	_ =	task.clear_ibuf [dreg:s7], $0x6FFFF;
	_ =	strace $0x90000046  }
0xb9: {  	s29 =	simm.s32 $0x9;
	_ =	strace $0x80000048  }
0xba: {  	_ =	swait.ge [sflag:s29], $0x1  }
0xbb: {  	[sflag:s29] =	ssyncadd.s32 $0xFFFFFFFF  }
0xbc: {  	_ =	strace $0x90000048  }
0xbd: {  	_ =	sfence  }
0xbe: {  	s30 =	sld [smem:$0x0];
	_ =	sdelay $0x2  }
0xbf: {  	s31 =	sshll.u32 s1, $0xD;
	s1 =	sshrl.u32 s1, $0x2  }
0xc0: {  	s3 =	sand.u32 $0x4000, s31;
	s1 =	sadd.s32 s1, s30  }
0xc1: {  	s0 =	sor.u32 s3, s0;
	s1 =	sshll.u32 s1, $0x11  }
0xc2: {  	s0 =	sor.u32 s1, s0  }
0xc3: {  	s0 =	sadd.s32 $0x8F2B, s0  }
0xc4: {  	[sflag:s0] =	ssyncadd.remote.s32 $0x1  }
0xc5: {  	_ =	sfence.sel $0xFFFF  }
0xc6: {  	[dreg:$0x0] =	wrdreg $0xFFFFFFFF;
	(pc) =	sbr.abs _section_cstart, $3  }
0xc7: {  	[dreg:$0x1] =	wrdreg $0xFFFFFFFF  }
0xc8: {  	_ =	task.clear_ibuf [dreg:s7], $0x2FFFF;
	_ =	strace $0x9FFFFFFF  }
0xc9: {  	(tm) =	ssettm $0x7FFFFFFF  }
tec
execute0_lowered:
.L_overlay_start_1:
0x0: {  	(tag) =	ssettag $0x1  }
0x1: {  	s0 =	rddreg [dreg:$0x0]  }
0x2: {  	s1 =	rddreg [dreg:$0x1]  }
0x3: {  	s2 =	rddreg [dreg:$0x2];
	s3 =	simm.s32 $0x0;
	s4 =	srdreg.scid  }
0x4: {  	s10 =	stileid.u32;
	s17 =	simm.s32 $0x2;
	s28 =	simm.s32 $0x400  }
0x5: {  	s29 =	simm.s32 $0x20;
	s30 =	simm.s32 $0x10;
	s5 =	smul.u32 $0x500, s10  }
0x6: {  	s31 =	simm.s32 $0x0;
	[smem:$0x7FF] =	sst s3;
	s22 =	smul.u32 $0xA00, s10  }
0x7: {  	s4 =	sand.u32 $0x1, s4;
	s7 =	sshll.u32 s10, $0x1;
	s25 =	smul.u32 $0x4E20, s10  }
0x8: {  	_ =	strace $0x80000047;
	s21 =	sor.u32 s4, s7;
	s26 =	smul.u32 $0x2710, s4  }
0x9: {  	s6 =	sshll.u32 s4, $0x7;
	s8 =	ssub.s32 $0x2, s4;
	s9 =	smul.u32 $0x2710, s21  }
0xa: {  	s5 =	sor.u32 s6, s5;
	s23 =	sshrl.u32 s8, $0x1;
	s6 =	smul.u32 $0x4E2, s21  }
0xb: {  	s7 =	sshrl.u32 s22, $0x2;
	s21 =	simm.s32 $0x200;
	s22 =	simm.s32 $0x280  }
0xc: {  	s5 =	sshrl.u32 s5, $0x3;
	s14 =	ssub.s32 s8, s23;
	s4 =	sadd.s32 s7, s2  }
0xd: {  	s11 =	sadd.s32 s26, s25;
	s23 =	simm.s32 $0x300;
	s25 =	simm.s32 $0x1  }
0xe: {  	s26 =	simm.s32 $0x50;
	s1 =	sadd.s32 s5, s1;
	s24 =	sshrl.u32 s9, $0x3  }
0xf: {  	s5 =	sadd.s32 s0, s6;
	s13 =	sadd.s32 $0x280, s11;
	s14 =	smax.u32 s14, $0x1  }
0x10: {  	s12 =	sadd.s32 s0, s24;
	s15 =	sshrl.u32 s13, $0x3;
	s13 =	sadd.s32 $0x1E00, s1  }
0x11: {  	s24 =	simm.s32 $0x380;
	s6 =	sadd.s32 $0xA, s12;
	s7 =	sadd.s32 $0x14, s12  }
0x12: {  	s8 =	sadd.s32 $0x1E, s12;
	s9 =	sadd.s32 $0x28, s12;
	s10 =	sadd.s32 $0x32, s12  }
0x13: {  	v0 =	vimm.f32 $1.000000000e+00;
	v1 =	vimm.f32 $0.0e+00;
	s11 =	sadd.s32 $0x3C, s12;
	s12 =	sadd.s32 $0x46, s12;
	s19 =	sadd.s32 s15, s0  }
.LBB2_1:
0x14: {  	[tilespmem:$0x400] =	vst v0  }
0x15: {  	[tilespmem:$0x410] =	vst v0  }
0x16: {  	[tilespmem:$0x420] =	vst v0  }
0x17: {  	[tilespmem:$0x430] =	vst v0  }
0x18: {  	[tilespmem:$0x440] =	vst v0  }
0x19: {  	[tilespmem:$0x480] =	vst v1  }
0x1a: {  	[tilespmem:$0x490] =	vst v1  }
0x1b: {  	[tilespmem:$0x4A0] =	vst v1  }
0x1c: {  	[tilespmem:$0x4B0] =	vst v1  }
0x1d: {  	[tilespmem:$0x4C0] =	vst v1  }
0x1e: {  	[tilespmem:$0x4D0] =	vst v1  }
0x1f: {  	[tilespmem:$0x4E0] =	vst v1  }
0x20: {  	[tilespmem:$0x4F0] =	vst v1  }
0x21: {  	[tilespmem:$0x500] =	vst v1  }
0x22: {  	[tilespmem:$0x510] =	vst v1  }
0x23: {  	[tilespmem:$0x520] =	vst v1  }
0x24: {  	[tilespmem:$0x530] =	vst v1  }
0x25: {  	[tilespmem:$0x540] =	vst v1  }
0x26: {  	[tilespmem:$0x550] =	vst v1  }
0x27: {  	[tilespmem:$0x560] =	vst v1  }
0x28: {  	[tilespmem:$0x570] =	vst v1  }
0x29: {  	[tilespmem:$0x580] =	vst v1  }
0x2a: {  	[tilespmem:$0x590] =	vst v1  }
0x2b: {  	[tilespmem:$0x5A0] =	vst v1  }
0x2c: {  	[tilespmem:$0x5B0] =	vst v1  }
0x2d: {  	[tilespmem:$0x5C0] =	vst v1  }
0x2e: {  	[tilespmem:$0x5D0] =	vst v1  }
0x2f: {  	[tilespmem:$0x5E0] =	vst v1  }
0x30: {  	[tilespmem:$0x5F0] =	vst v1  }
0x31: {  	[tilespmem:$0x600] =	vst v1  }
0x32: {  	[tilespmem:$0x610] =	vst v1  }
0x33: {  	[tilespmem:$0x620] =	vst v1  }
0x34: {  	[tilespmem:$0x630] =	vst v1  }
0x35: {  	[tilespmem:$0x640] =	vst v1  }
0x36: {  	[tilespmem:$0x650] =	vst v1  }
0x37: {  	[tilespmem:$0x660] =	vst v1  }
0x38: {  	[tilespmem:$0x670] =	vst v1  }
0x39: {  	[tilespmem:$0x680] =	vst v1  }
0x3a: {  	[tilespmem:$0x690] =	vst v1  }
0x3b: {  	[tilespmem:$0x6A0] =	vst v1  }
0x3c: {  	[tilespmem:$0x6B0] =	vst v1  }
0x3d: {  	[tilespmem:$0x6C0] =	vst v1  }
0x3e: {  	[tilespmem:$0x6D0] =	vst v1  }
0x3f: {  	[tilespmem:$0x6E0] =	vst v1  }
0x40: {  	[tilespmem:$0x6F0] =	vst v1;
	s0 =	simm.s32 $0x480  }
0x41: {  	[spmem:s4] =	stream.linear.scatter [tilespmem:s0], [sflag:$0x2], $0x280, $0x38;
	[tilespmem:$0x980] =	vst v63  }
0x42: {  	_ =	swait.ge [sflag:s17], $0x280  }
0x43: {  	[sflag:s17] =	ssyncset.done $0x0  }
0x44: {  	[sflag:s17] =	ssyncadd.s32 $0xFFFFFD80  }
0x45: {  	[tilespmem:s3], [sflag:$0x1] =	stream.linear.gather [hbm4b:s5+s3], $0x50, $0x38;
	[tilespmem:$0x980] =	vst v63  }
0x46: {  	s15 =	simm.s32 $0x80  }
0x47: {  	[tilespmem:s15], [sflag:$0x1] =	stream.linear.gather [hbm4b:s6+s3], $0x50, $0x38;
	[tilespmem:$0x980] =	vst v63  }
0x48: {  	s16 =	simm.s32 $0x100  }
0x49: {  	[tilespmem:s16], [sflag:$0x1] =	stream.linear.gather [hbm4b:s7+s3], $0x50, $0x38;
	[tilespmem:$0x980] =	vst v63  }
0x4a: {  	s18 =	simm.s32 $0x180  }
0x4b: {  	[tilespmem:s18], [sflag:$0x1] =	stream.linear.gather [hbm4b:s8+s3], $0x50, $0x38;
	[tilespmem:$0x980] =	vst v63  }
0x4c: {  	_ = 	snop  }
0x4d: {  	[tilespmem:s21], [sflag:$0x1] =	stream.linear.gather [hbm4b:s9+s3], $0x50, $0x38;
	[tilespmem:$0x980] =	vst v63  }
0x4e: {  	_ = 	snop  }
0x4f: {  	[tilespmem:s22], [sflag:$0x1] =	stream.linear.gather [hbm4b:s10+s3], $0x50, $0x38;
	[tilespmem:$0x980] =	vst v63  }
0x50: {  	_ = 	snop  }
0x51: {  	[tilespmem:s23], [sflag:$0x1] =	stream.linear.gather [hbm4b:s11+s3], $0x50, $0x38;
	[tilespmem:$0x980] =	vst v63  }
0x52: {  	_ = 	snop  }
0x53: {  	[tilespmem:s24], [sflag:$0x1] =	stream.linear.gather [hbm4b:s12+s3], $0x50, $0x38;
	[tilespmem:$0x980] =	vst v63  }
0x54: {  	[bflag:$0x0] =	sbarrier.arrive $0xFFFF  }
0x55: {  	_ =	swait.ge [sflag:s25], $0x50  }
0x56: {  	s20 =	simm.s32 $0x0;
	[sflag:s25] =	ssyncset.done $0x0  }
0x57: {  	s16 =	sand.u32 $0x380, s20;
	[sflag:s25] =	ssyncadd.s32 $0xFFFFFFB0  }
0x58: {  	[spmem:s2] =	stream.indirect.scatter.add.f32 [tilespmem:s28], [sflag:$0x2], $0x1, s16, s26, $0xb8;
	[tilespmem:$0x980] =	vst v63  }
0x59: {  	p1 =	por $0x0, $0x0;
	s1 =	simm.s32 $0x200;
	_ =	swait.ge [sflag:s17], $0x50  }
0x5a: {  	s0 =	simm.s32 $0x1;
	s15 =	smov.u32 s19;
	[sflag:s17] =	ssyncset.done $0x0  }
0x5b: {  	s20 =	simm.s32 @!p1 $0x0;
	s18 =	sadd.s32 $0xA, s19;
	[sflag:s17] =	ssyncadd.s32 $0xFFFFFFB0  }
.LBB2_2:
0x5c: {  	[tilespmem:s16], [sflag:$0x1] =	stream.linear.gather @!p1 [hbm4b:s15+s20], $0x50, $0x38;
	[tilespmem:$0x980] =	vst v63  }
0x5d: {  	s20 =	smov.u32 s0;
	s0 =	sadd.s32 $0x1, s0;
	_ =	swait.ge [sflag:s25], $0x50  }
0x5e: {  	s15 =	sshrl.u32 s1, $0x2;
	p0 =	sne.s32 s0, $0x7D;
	[sflag:s25] =	ssyncset.done $0x0  }
.Ltmp0:
0x5f: {  	s16 =	sand.u32 $0x380, s15;
	[sflag:s25] =	ssyncadd.s32 $0xFFFFFFB0;
	(pc) =	sbr.rel @p0 .LBB2_2-.Ltmp0, $4  }
0x60: {  	[spmem:s2] =	stream.indirect.scatter.add.f32 [tilespmem:s28], [sflag:$0x2], $0x1, s16, s26, $0xb8;
	[tilespmem:$0x980] =	vst v63  }
0x61: {  	s15 =	smov.u32 s18;
	_ =	swait.ge [sflag:s17], $0x50  }
0x62: {  	s1 =	sadd.s32 $0x200, s1;
	p1 =	sgt.u32 s20, $0x74;
	[sflag:s17] =	ssyncset.done $0x0  }
0x63: {  	s18 =	sadd.s32 $0xA, s18;
	s20 =	simm.s32 @!p1 $0x0;
	[sflag:s17] =	ssyncadd.s32 $0xFFFFFFB0  }
0x64: {  	[tilespmem:s16], [sflag:$0x1] =	stream.linear.gather @!p1 [hbm4b:s15+s20], $0x50, $0x38;
	[tilespmem:$0x980] =	vst v63  }
0x65: {  	s0 =	stileid.u32;
	s31 =	sadd.s32 $0x1, s31  }
0x66: {  	s1 =	sshrl.u32 s4, $0x3;
	s0 =	sshll.u32 s0, $0x6;
	p0 =	sne.s32 s31, s14  }
.Ltmp1:
0x67: {  	[bflag:$0x0] =	sbarrier.arrive $0xFFFF;
	s0 =	sor.u32 $0x1C02, s0;
	(pc) =	sbr.rel @p0 .LBB2_1-.Ltmp1, $4  }
0x68: {  	[hbm:s13@s29], [sflag:s0] =	dma.strided [spmem:s1@s30], $0x50, s25, $0x10   }
0x69: {  	_ =	swait.ge [sflag:s17], $0x50  }
0x6a: {  	[sflag:s17] =	ssyncset.done $0x0  }
0x6b: {  	[sflag:s17] =	ssyncadd.s32 $0xFFFFFFB0  }
0x6c: {  	_ =	sfence.sel $0x180000  }
0x6d: {  	[bflag:$0x0] =	sbarrier.arrive $0xFFFF  }
0x6e: {  	_ =	strace $0x90000047  }
0x6f: {  	s0 =	stileid.u32;
	[bflag:$0x2] =	sbarrier.arrive $0xFFFF  }
0x70: {  	p0 =	sne.s32 s0, $0x0;
	s0 =	rddreg [dreg:$0x3]  }
0x71: {  	s0 =	sadd.s32 @!p0 $0x100000, s0  }
0x72: {  	[sflag:s0] =	ssyncadd.tile.s32 @!p0 $0x1;
	_ =	shalt  }
.Lfunc_end2:
_tile_overlayer_lowered:
.L_overlay_start_2:
0x73: {  	(tag) =	ssettag $0x2  }
0x74: {  	s0 =	rddreg [dreg:$0x0];
	s2 =	stileid.u32  }
0x75: {  	s1 =	rddreg [dreg:$0x1];
	p0 =	sne.s32 s2, $0x0  }
0x76: {  	s3 =	rddreg [dreg:$0x2];
	[bflag:$0x3] =	sbarrier.arrive $0xFFFF;
	s2 =	simm.s32 @!p0 $0x1C02  }
0x77: {  	[timem:s3], [sflag:s2] =	dma.local @!p0 [hbm:s0], s1  }
0x78: {  	s0 =	simm.s32 @!p0 $0x2  }
0x79: {  	_ =	swait.ge @!p0 [sflag:s0], s1  }
0x7a: {  	s1 =	ssub.s32 @!p0 $0x0, s1;
	[sflag:s0] =	ssyncset.done @!p0 $0x0  }
0x7b: {  	[sflag:s0] =	ssyncadd.s32 @!p0 s1  }
0x7c: {  	[bflag:$0x3] =	sbarrier.arrive $0xFFFF  }
0x7d: {  	_ =	shalt  }

</sc_bundles>
